<compile_context>
chip_gen: v7x
topology: tpu7x:2x2x1
jax: 0.10.2.dev20260603
libtpu: 0.0.44.dev20260713+nightly
codegen_flags: <defaults>
</compile_context>

<pallas_src>
import functools

import jax
import jax.numpy as jnp
from jax import lax
from jax.experimental import pallas as pl
from jax.experimental.pallas import tpu as pltpu
from jax.experimental.pallas import tpu_sc as plsc

S, B, W = 16, 128, 16384
L = 16
NC, NS = 2, 16
NW = NC * NS
B_PER_W = B // NW
C = 4096
NCHUNK = W // C
U = 4

S_SC = 6
S_TC = S - S_SC
WB = 2048
NJ = W // WB

RTOL = 1e-5
ATOL = 1e-8


def _make_sc_call():
    mesh = plsc.VectorSubcoreMesh(core_axis_name="c", subcore_axis_name="s")

    scratch = [
        pltpu.VMEM((L,), jnp.float32),
        pltpu.VMEM((C,), jnp.int32),
        pltpu.VMEM((C,), jnp.int32),
        pltpu.VMEM((C,), jnp.float32),
        pltpu.VMEM((C,), jnp.float32),
        pltpu.VMEM((S_SC, C), jnp.float32),
        pltpu.VMEM((S_SC, C), jnp.float32),
        pltpu.VMEM((B_PER_W, L), jnp.int32),
        pltpu.SemaphoreType.DMA,
        pltpu.SemaphoreType.DMA,
    ]

    @functools.partial(
        pl.kernel,
        out_type=jax.ShapeDtypeStruct((B, L), jnp.int32),
        mesh=mesh,
        scratch_types=scratch,
    )
    def body(y_sby_hbm, y_by_hbm, w_hbm, costs_hbm, out_hbm,
             costs_v, w0, w1, yb0, yb1, ys0, ys1, res, sem0, sem1):
        wid = lax.axis_index("s") * NC + lax.axis_index("c")
        b_lo = wid * B_PER_W
        bufs = [(w0, yb0, ys0, sem0), (w1, yb1, ys1, sem1)]

        pltpu.sync_copy(costs_hbm, costs_v)
        cost_tbl = costs_v[...]

        def gatherv(v, idx):
            return lax.gather(
                v, idx[:, None],
                dimension_numbers=lax.GatherDimensionNumbers(
                    offset_dims=(), collapsed_slice_dims=(0,),
                    start_index_map=(0,)),
                slice_sizes=(1,),
                mode=lax.GatherScatterMode.PROMISE_IN_BOUNDS)

        lane = lax.iota(jnp.int32, L)
        masks = {d: (lane & d) == 0 for d in (1, 2, 4, 8)}
        xors = {d: lane ^ d for d in (1, 2, 4, 8)}

        def combine(x, y, d):
            p = jnp.where(masks[d], x, y)
            q = gatherv(jnp.where(masks[d], y, x), xors[d])
            return p + q

        def hsum_splat(v):
            for d in (1, 2, 4, 8):
                v = v + gatherv(v, xors[d])
            return v

        def start_chunk(slot, b, c):
            w_ref, yb_ref, ys_ref, sem = slot
            off = c * C
            pltpu.async_copy(w_hbm.at[b, pl.ds(off, C)], w_ref, sem)
            pltpu.async_copy(y_by_hbm.at[b, pl.ds(off, C)], yb_ref, sem)
            pltpu.async_copy(y_sby_hbm.at[pl.ds(S_TC, S_SC), b, pl.ds(off, C)],
                             ys_ref, sem)

        def wait_chunk(slot):
            w_ref, yb_ref, ys_ref, sem = slot
            pltpu.make_async_copy(w_hbm.at[0, pl.ds(0, C)], w_ref, sem).wait()
            pltpu.make_async_copy(y_by_hbm.at[0, pl.ds(0, C)], yb_ref, sem).wait()
            pltpu.make_async_copy(y_sby_hbm.at[pl.ds(S_TC, S_SC), 0, pl.ds(0, C)],
                                  ys_ref, sem).wait()

        def accum_chunk(slot, accs):
            w_ref, yb_ref, ys_ref, _ = slot

            def step(jj, carry):
                gt = carry[0]
                hats = list(carry[1:])
                for u in range(U):
                    base = (jj * U + u) * L
                    wv = w_ref[pl.ds(base, L)]
                    cost = gatherv(cost_tbl, wv)
                    gt = gt + cost * yb_ref[pl.ds(base, L)]
                    for s in range(S_SC):
                        hats[s] = hats[s] + cost * ys_ref[s, pl.ds(base, L)]
                return (gt, *hats)

            return lax.fori_loop(0, C // (L * U), step, accs)

        zero = jnp.zeros((L,), jnp.float32)

        def finish_batch(bi, accs):
            gt_sum = hsum_splat(accs[0])
            vs = list(accs[1:]) + [zero] * (8 - S_SC)
            for d in (1, 2, 4):
                vs = [combine(vs[2 * i], vs[2 * i + 1], d)
                      for i in range(len(vs) // 2)]
            hat = vs[0]
            ok = jnp.abs(gt_sum - hat) <= ATOL + RTOL * jnp.abs(hat)
            res[bi, :] = jnp.where(ok, 1, 0).astype(jnp.int32)

        zeros = (zero,) * (S_SC + 1)

        start_chunk(bufs[0], b_lo, 0)

        for bi in range(B_PER_W):
            b = b_lo + bi
            last_batch = bi == B_PER_W - 1

            def pair_body(p, accs, b=b, last_batch=last_batch):
                start_chunk(bufs[1], b, 2 * p + 1)
                wait_chunk(bufs[0])
                accs = accum_chunk(bufs[0], accs)
                nxt = 2 * p + 2
                if last_batch:
                    @pl.when(p < NCHUNK // 2 - 1)
                    def _():
                        start_chunk(bufs[0], b, nxt)
                else:
                    start_chunk(bufs[0], b + nxt // NCHUNK, nxt % NCHUNK)
                wait_chunk(bufs[1])
                return accum_chunk(bufs[1], accs)

            accs = lax.fori_loop(0, NCHUNK // 2, pair_body, zeros)
            finish_batch(bi, accs)

        pltpu.sync_copy(res, out_hbm.at[pl.ds(b_lo, B_PER_W), :])

    return body


def _tc_body(ysby_ref, yby_ref, w_ref, costs_ref,
             gt_ref, dec_ref, cost_scr, hat_scr):
    j = pl.program_id(0)

    wv = w_ref[...]
    cost = jnp.where(
        wv == 0, costs_ref[0],
        jnp.where(wv == 1, costs_ref[1],
                  jnp.where(wv == 2, costs_ref[2], costs_ref[3])))
    cost_scr[...] = cost
    gtp = jnp.sum(cost * yby_ref[...], axis=-1)
    gt_ref[...] = jnp.where(j == 0, gtp, gt_ref[...] + gtp)

    for s in range(S_TC):
        hp = jnp.sum(cost_scr[...] * ysby_ref[s], axis=-1)
        hat_scr[s, :] = jnp.where(j == 0, hp, hat_scr[s, :] + hp)

    @pl.when(j == NJ - 1)
    def _():
        hat = hat_scr[...]
        gt = gt_ref[...][None, :]
        ok = jnp.abs(gt - hat) <= ATOL + RTOL * jnp.abs(hat)
        dec_ref[...] = jnp.where(ok, 1, 0).astype(jnp.int32)


def _make_tc_call(interpret=False):
    return pl.pallas_call(
        _tc_body,
        grid=(NJ,),
        in_specs=[
            pl.BlockSpec((S_TC, B, WB), lambda j: (0, 0, j)),
            pl.BlockSpec((B, WB), lambda j: (0, j)),
            pl.BlockSpec((B, WB), lambda j: (0, j)),
            pl.BlockSpec(memory_space=pltpu.SMEM),
        ],
        out_specs=[
            pl.BlockSpec((B,), lambda j: (0,)),
            pl.BlockSpec((S_TC, B), lambda j: (0, 0)),
        ],
        out_shape=[
            jax.ShapeDtypeStruct((B,), jnp.float32),
            jax.ShapeDtypeStruct((S_TC, B), jnp.int32),
        ],
        scratch_shapes=[pltpu.VMEM((B, WB), jnp.float32),
                        pltpu.VMEM((S_TC, B), jnp.float32)],
        compiler_params=pltpu.CompilerParams(
            dimension_semantics=("arbitrary",)),
        interpret=interpret,
    )


_make_sc_call = functools.cache(_make_sc_call)
_tc_call = _make_tc_call()


@jax.jit
def kernel(y_0_SBY, y_0_BY, w_0_BW, costs_t):
    costs16 = jnp.concatenate(
        [costs_t.astype(jnp.float32), jnp.zeros((L - 4,), jnp.float32)])
    sc_dec = _make_sc_call()(y_0_SBY, y_0_BY, w_0_BW, costs16)
    _, tc_dec = _tc_call(y_0_SBY, y_0_BY, w_0_BW,
                         costs_t.astype(jnp.float32))
    return jnp.concatenate(
        [tc_dec, sc_dec.T[:S_SC]], axis=0).astype(bool)

# --- scband reference (transcript-rebuilt; emitter-appended) ---
"""Pipeline reference for scband-path-absorbing-80418967650384 (READ-ONLY COPY).

The authoritative reference and input builder live on the scoring server;
editing this copy changes nothing except your own understanding.
"""

import jax, jax.numpy as jnp
import numpy as np

S, B, G = 16, 128, 128
W = G * G  # 16384 grid cells
N_COSTS = 4


def setup_inputs(seed: int = 0) -> dict:
    key = jax.random.key(seed)
    k1, k2, k3 = jax.random.split(key, 3)
    # buffer: costs_t sized per init_kwargs costs=[1.0, 2.0, 4.0, 8.0]
    costs_t = jnp.array([1.0, 2.0, 4.0, 8.0], dtype=jnp.float32)
    y_0_SBY = jax.random.uniform(k1, (S, B, W), dtype=jnp.float32)
    y_0_BY = jax.random.uniform(k2, (B, W), dtype=jnp.float32)
    w_0_BW = jax.random.randint(k3, (B, W), 0, N_COSTS, dtype=jnp.int32)
    return {"y_0_SBY": y_0_SBY, "y_0_BY": y_0_BY, "w_0_BW": w_0_BW, "costs_t": costs_t}


def reference(y_0_SBY, y_0_BY, w_0_BW, costs_t):
    # eval_y: gather per-cell terrain costs, weight by path-cell indicators, compare totals
    cost_grid = jnp.take(costs_t, w_0_BW, axis=0)          # [B, W]
    cost_gt = (cost_grid * y_0_BY).sum(axis=-1)            # [B]
    cost_hat = (cost_grid * y_0_SBY).sum(axis=-1)          # [S, B]
    return jnp.isclose(cost_gt, cost_hat)                  # bool [S, B]

if __name__ == "__main__":
    import jax
    _d = setup_inputs()
    print(jax.jit(kernel)(*tuple(_d.values())))

</pallas_src>

<mosaic_0001>
#map = affine_map<(d0, d1) -> (0, 0, 0)>
#map1 = affine_map<(d0, d1) -> (0, 0)>
#map2 = affine_map<(d0, d1) -> (0)>
module attributes {stable_mosaic.version = 14 : i64} {
  func.func @body(%arg0: i32, %arg1: i32, %arg2: memref<16x128x16384xf32, #tpu.memory_space<hbm>>, %arg3: memref<128x16384xf32, #tpu.memory_space<hbm>>, %arg4: memref<128x16384xi32, #tpu.memory_space<hbm>>, %arg5: memref<16xf32, #tpu.memory_space<hbm>>, %arg6: memref<128x16xi32, #tpu.memory_space<hbm>>, %arg7: memref<16xf32, #tpu.memory_space<vmem>>, %arg8: memref<4096xi32, #tpu.memory_space<vmem>>, %arg9: memref<4096xi32, #tpu.memory_space<vmem>>, %arg10: memref<4096xf32, #tpu.memory_space<vmem>>, %arg11: memref<4096xf32, #tpu.memory_space<vmem>>, %arg12: memref<6x4096xf32, #tpu.memory_space<vmem>>, %arg13: memref<6x4096xf32, #tpu.memory_space<vmem>>, %arg14: memref<4x16xi32, #tpu.memory_space<vmem>>, %arg15: memref<!tpu.dma_semaphore, #tpu.memory_space<semaphore_mem>>, %arg16: memref<!tpu.dma_semaphore, #tpu.memory_space<semaphore_mem>>) attributes {dimension_semantics = [#tpu.dimension_semantics<core_parallel>, #tpu.dimension_semantics<subcore_parallel>], iteration_bounds = array<i64: 2, 16>, scalar_prefetch = 0 : i64, scratch_operands = 10 : i64, tpu.core_type = #tpu.core_type<sc_vector_subcore>, window_params = [{transform_indices = #map}, {transform_indices = #map1}, {transform_indices = #map1}, {transform_indices = #map2}, {transform_indices = #map1}]} {
    %mul3A = arith.constant 2 : i32
    %mul3A_0 = arith.muli %arg1, %mul3A : i32
    %add3A = arith.addi %mul3A_0, %arg0 : i32
    %mul3A_1 = arith.constant 4 : i32
    %mul3A_2 = arith.muli %add3A, %mul3A_1 : i32
    "tpu.region"() ({
      %run_scoped3A = tpu.sem_alloc : memref<!tpu.dma_semaphore, #tpu.memory_space<semaphore_mem>>
      tpu.enqueue_dma source(%arg5 : memref<16xf32, #tpu.memory_space<hbm>>) target(%arg7 : memref<16xf32, #tpu.memory_space<vmem>>) target_semaphore(%run_scoped3A : memref<!tpu.dma_semaphore, #tpu.memory_space<semaphore_mem>>)
      tpu.wait_dma2 semaphore(%run_scoped3A : memref<!tpu.dma_semaphore, #tpu.memory_space<semaphore_mem>>) src(%arg5 : memref<16xf32, #tpu.memory_space<hbm>>) dst(%arg7 : memref<16xf32, #tpu.memory_space<vmem>>)
      tpu.yield
    }) : () -> ()
    %get3A = arith.constant 0 : index
    %get3A_3 = tpu.vector_load %arg7[%get3A] {strides = array<i32>} : memref<16xf32, #tpu.memory_space<vmem>>, vector<16xf32>,
    %get3A_4 = vector.shape_cast %get3A_3 : vector<16xf32> to vector<16xf32>
    %iota3A = tpu.iota {dimensions = array<i32: 0>} : vector<16xi32>
    %and3A = arith.constant 1 : i32
    %and3A_5 = vector.broadcast %and3A : i32 to vector<16xi32>
    %and3A_6 = arith.andi %iota3A, %and3A_5 : vector<16xi32>
    %eq3A = arith.constant 0 : i32
    %eq3A_7 = vector.broadcast %eq3A : i32 to vector<16xi32>
    %eq3A_8 = arith.cmpi eq, %and3A_6, %eq3A_7 : vector<16xi32>
    %and3A_9 = arith.constant 2 : i32
    %and3A_10 = vector.broadcast %and3A_9 : i32 to vector<16xi32>
    %and3A_11 = arith.andi %iota3A, %and3A_10 : vector<16xi32>
    %eq3A_12 = arith.constant 0 : i32
    %eq3A_13 = vector.broadcast %eq3A_12 : i32 to vector<16xi32>
    %eq3A_14 = arith.cmpi eq, %and3A_11, %eq3A_13 : vector<16xi32>
    %and3A_15 = arith.constant 4 : i32
    %and3A_16 = vector.broadcast %and3A_15 : i32 to vector<16xi32>
    %and3A_17 = arith.andi %iota3A, %and3A_16 : vector<16xi32>
    %eq3A_18 = arith.constant 0 : i32
    %eq3A_19 = vector.broadcast %eq3A_18 : i32 to vector<16xi32>
    %eq3A_20 = arith.cmpi eq, %and3A_17, %eq3A_19 : vector<16xi32>
    %and3A_21 = arith.constant 8 : i32
    %and3A_22 = vector.broadcast %and3A_21 : i32 to vector<16xi32>
    %and3A_23 = arith.andi %iota3A, %and3A_22 : vector<16xi32>
    %eq3A_24 = arith.constant 0 : i32
    %eq3A_25 = vector.broadcast %eq3A_24 : i32 to vector<16xi32>
    %eq3A_26 = arith.cmpi eq, %and3A_23, %eq3A_25 : vector<16xi32>
    %xor3A = arith.constant 1 : i32
    %xor3A_27 = vector.broadcast %xor3A : i32 to vector<16xi32>
    %xor3A_28 = arith.xori %iota3A, %xor3A_27 : vector<16xi32>
    %xor3A_29 = arith.constant 2 : i32
    %xor3A_30 = vector.broadcast %xor3A_29 : i32 to vector<16xi32>
    %xor3A_31 = arith.xori %iota3A, %xor3A_30 : vector<16xi32>
    %xor3A_32 = arith.constant 4 : i32
    %xor3A_33 = vector.broadcast %xor3A_32 : i32 to vector<16xi32>
    %xor3A_34 = arith.xori %iota3A, %xor3A_33 : vector<16xi32>
    %xor3A_35 = arith.constant 8 : i32
    %xor3A_36 = vector.broadcast %xor3A_35 : i32 to vector<16xi32>
    %xor3A_37 = arith.xori %iota3A, %xor3A_36 : vector<16xi32>
    %broadcast_in_dim3A = arith.constant 0.000000e+00 : f32
    %broadcast_in_dim3A_38 = vector.broadcast %broadcast_in_dim3A : f32 to vector<16xf32>
    %dma_start3A = arith.constant 0 : i32
    %dma_start3A_39 = tpu.memref_slice %arg4[%mul3A_2, %dma_start3A] : memref<128x16384xi32, #tpu.memory_space<hbm>> -> memref<1x4096xi32, #tpu.memory_space<hbm>>
    %dma_start3A_40 = tpu.memref_squeeze %dma_start3A_39 : memref<1x4096xi32, #tpu.memory_space<hbm>> -> memref<4096xi32, #tpu.memory_space<hbm>>
    %dma_start3A_41 = arith.constant 0 : i32
    %dma_start3A_42 = tpu.memref_slice %arg4[%mul3A_2, %dma_start3A_41] : memref<128x16384xi32, #tpu.memory_space<hbm>> -> memref<1x4096xi32, #tpu.memory_space<hbm>>
    %dma_start3A_43 = tpu.memref_squeeze %dma_start3A_42 : memref<1x4096xi32, #tpu.memory_space<hbm>> -> memref<4096xi32, #tpu.memory_space<hbm>>
    tpu.enqueue_dma source(%dma_start3A_43 : memref<4096xi32, #tpu.memory_space<hbm>>) target(%arg8 : memref<4096xi32, #tpu.memory_space<vmem>>) target_semaphore(%arg15 : memref<!tpu.dma_semaphore, #tpu.memory_space<semaphore_mem>>)
    %dma_start3A_44 = arith.constant 0 : i32
    %dma_start3A_45 = tpu.memref_slice %arg3[%mul3A_2, %dma_start3A_44] : memref<128x16384xf32, #tpu.memory_space<hbm>> -> memref<1x4096xf32, #tpu.memory_space<hbm>>
    %dma_start3A_46 = tpu.memref_squeeze %dma_start3A_45 : memref<1x4096xf32, #tpu.memory_space<hbm>> -> memref<4096xf32, #tpu.memory_space<hbm>>
    %dma_start3A_47 = arith.constant 0 : i32
    %dma_start3A_48 = tpu.memref_slice %arg3[%mul3A_2, %dma_start3A_47] : memref<128x16384xf32, #tpu.memory_space<hbm>> -> memref<1x4096xf32, #tpu.memory_space<hbm>>
    %dma_start3A_49 = tpu.memref_squeeze %dma_start3A_48 : memref<1x4096xf32, #tpu.memory_space<hbm>> -> memref<4096xf32, #tpu.memory_space<hbm>>
    tpu.enqueue_dma source(%dma_start3A_49 : memref<4096xf32, #tpu.memory_space<hbm>>) target(%arg10 : memref<4096xf32, #tpu.memory_space<vmem>>) target_semaphore(%arg15 : memref<!tpu.dma_semaphore, #tpu.memory_space<semaphore_mem>>)
    %dma_start3A_50 = arith.constant 10 : i32
    %dma_start3A_51 = arith.constant 0 : i32
    %dma_start3A_52 = tpu.memref_slice %arg2[%dma_start3A_50, %mul3A_2, %dma_start3A_51] : memref<16x128x16384xf32, #tpu.memory_space<hbm>> -> memref<6x1x4096xf32, #tpu.memory_space<hbm>>
    %dma_start3A_53 = tpu.memref_squeeze %dma_start3A_52 : memref<6x1x4096xf32, #tpu.memory_space<hbm>> -> memref<6x4096xf32, #tpu.memory_space<hbm>>
    %dma_start3A_54 = arith.constant 10 : i32
    %dma_start3A_55 = arith.constant 0 : i32
    %dma_start3A_56 = tpu.memref_slice %arg2[%dma_start3A_54, %mul3A_2, %dma_start3A_55] : memref<16x128x16384xf32, #tpu.memory_space<hbm>> -> memref<6x1x4096xf32, #tpu.memory_space<hbm>>
    %dma_start3A_57 = tpu.memref_squeeze %dma_start3A_56 : memref<6x1x4096xf32, #tpu.memory_space<hbm>> -> memref<6x4096xf32, #tpu.memory_space<hbm>>
    tpu.enqueue_dma source(%dma_start3A_57 : memref<6x4096xf32, #tpu.memory_space<hbm>>) target(%arg12 : memref<6x4096xf32, #tpu.memory_space<vmem>>) target_semaphore(%arg15 : memref<!tpu.dma_semaphore, #tpu.memory_space<semaphore_mem>>)
    %add3A_58 = arith.constant 0 : i32
    %add3A_59 = arith.addi %mul3A_2, %add3A_58 : i32
    %scan3A = arith.constant 0 : i32
    %scan3A_60 = arith.constant 2 : i32
    %scan3A_61 = arith.addi %scan3A, %scan3A_60 : i32
    %scan3A_62 = arith.constant 1 : i32
    %scan3A_63:7 = scf.for %scan3A_398 = %scan3A to %scan3A_61 step %scan3A_62 iter_args(%scan3A_399 = %broadcast_in_dim3A_38, %scan3A_400 = %broadcast_in_dim3A_38, %scan3A_401 = %broadcast_in_dim3A_38, %scan3A_402 = %broadcast_in_dim3A_38, %scan3A_403 = %broadcast_in_dim3A_38, %scan3A_404 = %broadcast_in_dim3A_38, %scan3A_405 = %broadcast_in_dim3A_38) -> (vector<16xf32>, vector<16xf32>, vector<16xf32>, vector<16xf32>, vector<16xf32>, vector<16xf32>, vector<16xf32>)  : i32 {
      %mul3A_406 = arith.constant 2 : i32
      %mul3A_407 = arith.muli %mul3A_406, %scan3A_398 : i32
      %add3A_408 = arith.constant 1 : i32
      %add3A_409 = arith.addi %mul3A_407, %add3A_408 : i32
      %mul3A_410 = arith.constant 4096 : i32
      %mul3A_411 = arith.muli %add3A_409, %mul3A_410 : i32
      %dma_start3A_412 = tpu.memref_slice %arg4[%add3A_59, %mul3A_411] : memref<128x16384xi32, #tpu.memory_space<hbm>> -> memref<1x4096xi32, #tpu.memory_space<hbm>>
      %dma_start3A_413 = tpu.memref_squeeze %dma_start3A_412 : memref<1x4096xi32, #tpu.memory_space<hbm>> -> memref<4096xi32, #tpu.memory_space<hbm>>
      %dma_start3A_414 = tpu.memref_slice %arg4[%add3A_59, %mul3A_411] : memref<128x16384xi32, #tpu.memory_space<hbm>> -> memref<1x4096xi32, #tpu.memory_space<hbm>>
      %dma_start3A_415 = tpu.memref_squeeze %dma_start3A_414 : memref<1x4096xi32, #tpu.memory_space<hbm>> -> memref<4096xi32, #tpu.memory_space<hbm>>
      tpu.enqueue_dma source(%dma_start3A_415 : memref<4096xi32, #tpu.memory_space<hbm>>) target(%arg9 : memref<4096xi32, #tpu.memory_space<vmem>>) target_semaphore(%arg16 : memref<!tpu.dma_semaphore, #tpu.memory_space<semaphore_mem>>)
      %dma_start3A_416 = tpu.memref_slice %arg3[%add3A_59, %mul3A_411] : memref<128x16384xf32, #tpu.memory_space<hbm>> -> memref<1x4096xf32, #tpu.memory_space<hbm>>
      %dma_start3A_417 = tpu.memref_squeeze %dma_start3A_416 : memref<1x4096xf32, #tpu.memory_space<hbm>> -> memref<4096xf32, #tpu.memory_space<hbm>>
      %dma_start3A_418 = tpu.memref_slice %arg3[%add3A_59, %mul3A_411] : memref<128x16384xf32, #tpu.memory_space<hbm>> -> memref<1x4096xf32, #tpu.memory_space<hbm>>
      %dma_start3A_419 = tpu.memref_squeeze %dma_start3A_418 : memref<1x4096xf32, #tpu.memory_space<hbm>> -> memref<4096xf32, #tpu.memory_space<hbm>>
      tpu.enqueue_dma source(%dma_start3A_419 : memref<4096xf32, #tpu.memory_space<hbm>>) target(%arg11 : memref<4096xf32, #tpu.memory_space<vmem>>) target_semaphore(%arg16 : memref<!tpu.dma_semaphore, #tpu.memory_space<semaphore_mem>>)
      %dma_start3A_420 = arith.constant 10 : i32
      %dma_start3A_421 = tpu.memref_slice %arg2[%dma_start3A_420, %add3A_59, %mul3A_411] : memref<16x128x16384xf32, #tpu.memory_space<hbm>> -> memref<6x1x4096xf32, #tpu.memory_space<hbm>>
      %dma_start3A_422 = tpu.memref_squeeze %dma_start3A_421 : memref<6x1x4096xf32, #tpu.memory_space<hbm>> -> memref<6x4096xf32, #tpu.memory_space<hbm>>
      %dma_start3A_423 = arith.constant 10 : i32
      %dma_start3A_424 = tpu.memref_slice %arg2[%dma_start3A_423, %add3A_59, %mul3A_411] : memref<16x128x16384xf32, #tpu.memory_space<hbm>> -> memref<6x1x4096xf32, #tpu.memory_space<hbm>>
      %dma_start3A_425 = tpu.memref_squeeze %dma_start3A_424 : memref<6x1x4096xf32, #tpu.memory_space<hbm>> -> memref<6x4096xf32, #tpu.memory_space<hbm>>
      tpu.enqueue_dma source(%dma_start3A_425 : memref<6x4096xf32, #tpu.memory_space<hbm>>) target(%arg13 : memref<6x4096xf32, #tpu.memory_space<vmem>>) target_semaphore(%arg16 : memref<!tpu.dma_semaphore, #tpu.memory_space<semaphore_mem>>)
      %dma_wait3A = arith.constant 0 : i32
      %dma_wait3A_426 = arith.constant 0 : i32
      %dma_wait3A_427 = tpu.memref_slice %arg4[%dma_wait3A, %dma_wait3A_426] : memref<128x16384xi32, #tpu.memory_space<hbm>> -> memref<1x4096xi32, #tpu.memory_space<hbm>>
      %dma_wait3A_428 = tpu.memref_squeeze %dma_wait3A_427 : memref<1x4096xi32, #tpu.memory_space<hbm>> -> memref<4096xi32, #tpu.memory_space<hbm>>
      %dma_wait3A_429 = arith.constant 0 : i32
      %dma_wait3A_430 = tpu.memref_slice %arg4[%dma_wait3A, %dma_wait3A_429] : memref<128x16384xi32, #tpu.memory_space<hbm>> -> memref<1x4096xi32, #tpu.memory_space<hbm>>
      %dma_wait3A_431 = tpu.memref_squeeze %dma_wait3A_430 : memref<1x4096xi32, #tpu.memory_space<hbm>> -> memref<4096xi32, #tpu.memory_space<hbm>>
      tpu.wait_dma2 semaphore(%arg15 : memref<!tpu.dma_semaphore, #tpu.memory_space<semaphore_mem>>) src(%dma_wait3A_431 : memref<4096xi32, #tpu.memory_space<hbm>>) dst(%arg8 : memref<4096xi32, #tpu.memory_space<vmem>>)
      %dma_wait3A_432 = arith.constant 0 : i32
      %dma_wait3A_433 = arith.constant 0 : i32
      %dma_wait3A_434 = tpu.memref_slice %arg3[%dma_wait3A_432, %dma_wait3A_433] : memref<128x16384xf32, #tpu.memory_space<hbm>> -> memref<1x4096xf32, #tpu.memory_space<hbm>>
      %dma_wait3A_435 = tpu.memref_squeeze %dma_wait3A_434 : memref<1x4096xf32, #tpu.memory_space<hbm>> -> memref<4096xf32, #tpu.memory_space<hbm>>
      %dma_wait3A_436 = arith.constant 0 : i32
      %dma_wait3A_437 = tpu.memref_slice %arg3[%dma_wait3A_432, %dma_wait3A_436] : memref<128x16384xf32, #tpu.memory_space<hbm>> -> memref<1x4096xf32, #tpu.memory_space<hbm>>
      %dma_wait3A_438 = tpu.memref_squeeze %dma_wait3A_437 : memref<1x4096xf32, #tpu.memory_space<hbm>> -> memref<4096xf32, #tpu.memory_space<hbm>>
      tpu.wait_dma2 semaphore(%arg15 : memref<!tpu.dma_semaphore, #tpu.memory_space<semaphore_mem>>) src(%dma_wait3A_438 : memref<4096xf32, #tpu.memory_space<hbm>>) dst(%arg10 : memref<4096xf32, #tpu.memory_space<vmem>>)
      %dma_wait3A_439 = arith.constant 0 : i32
      %dma_wait3A_440 = arith.constant 10 : i32
      %dma_wait3A_441 = arith.constant 0 : i32
      %dma_wait3A_442 = tpu.memref_slice %arg2[%dma_wait3A_440, %dma_wait3A_439, %dma_wait3A_441] : memref<16x128x16384xf32, #tpu.memory_space<hbm>> -> memref<6x1x4096xf32, #tpu.memory_space<hbm>>
      %dma_wait3A_443 = tpu.memref_squeeze %dma_wait3A_442 : memref<6x1x4096xf32, #tpu.memory_space<hbm>> -> memref<6x4096xf32, #tpu.memory_space<hbm>>
      %dma_wait3A_444 = arith.constant 10 : i32
      %dma_wait3A_445 = arith.constant 0 : i32
      %dma_wait3A_446 = tpu.memref_slice %arg2[%dma_wait3A_444, %dma_wait3A_439, %dma_wait3A_445] : memref<16x128x16384xf32, #tpu.memory_space<hbm>> -> memref<6x1x4096xf32, #tpu.memory_space<hbm>>
      %dma_wait3A_447 = tpu.memref_squeeze %dma_wait3A_446 : memref<6x1x4096xf32, #tpu.memory_space<hbm>> -> memref<6x4096xf32, #tpu.memory_space<hbm>>
      tpu.wait_dma2 semaphore(%arg15 : memref<!tpu.dma_semaphore, #tpu.memory_space<semaphore_mem>>) src(%dma_wait3A_447 : memref<6x4096xf32, #tpu.memory_space<hbm>>) dst(%arg12 : memref<6x4096xf32, #tpu.memory_space<vmem>>)
      %scan3A_448 = arith.constant 0 : i32
      %scan3A_449 = arith.constant 64 : i32
      %scan3A_450 = arith.addi %scan3A_448, %scan3A_449 : i32
      %scan3A_451 = arith.constant 1 : i32
      %scan3A_452:7 = scf.for %scan3A_539 = %scan3A_448 to %scan3A_450 step %scan3A_451 iter_args(%scan3A_540 = %scan3A_399, %scan3A_541 = %scan3A_400, %scan3A_542 = %scan3A_401, %scan3A_543 = %scan3A_402, %scan3A_544 = %scan3A_403, %scan3A_545 = %scan3A_404, %scan3A_546 = %scan3A_405) -> (vector<16xf32>, vector<16xf32>, vector<16xf32>, vector<16xf32>, vector<16xf32>, vector<16xf32>, vector<16xf32>)  : i32 {
        %mul3A_547 = arith.constant 4 : i32
        %mul3A_548 = arith.muli %scan3A_539, %mul3A_547 : i32
        %add3A_549 = arith.constant 0 : i32
        %add3A_550 = arith.addi %mul3A_548, %add3A_549 : i32
        %mul3A_551 = arith.constant 16 : i32
        %mul3A_552 = arith.muli %add3A_550, %mul3A_551 : i32
        %get3A_553 = arith.index_cast %mul3A_552 : i32 to index
        %get3A_554 = tpu.vector_load %arg8[%get3A_553] {strides = array<i32>} : memref<4096xi32, #tpu.memory_space<vmem>>, vector<16xi32>,
        %get3A_555 = vector.shape_cast %get3A_554 : vector<16xi32> to vector<16xi32>
        %broadcast_in_dim3A_556 = vector.shape_cast %get3A_555 : vector<16xi32> to vector<16x1xi32>
        %gather3A_557 = vector.shape_cast %broadcast_in_dim3A_556 : vector<16x1xi32> to vector<16xi32>
        %gather3A_558 = tpu.dynamic_gather %get3A_4[%gather3A_557] in [0] : vector<16xf32>, vector<16xi32> -> vector<16xf32>
        %get3A_559 = arith.index_cast %mul3A_552 : i32 to index
        %get3A_560 = tpu.vector_load %arg10[%get3A_559] {strides = array<i32>} : memref<4096xf32, #tpu.memory_space<vmem>>, vector<16xf32>,
        %get3A_561 = vector.shape_cast %get3A_560 : vector<16xf32> to vector<16xf32>
        %mul3A_562 = arith.mulf %gather3A_558, %get3A_561 : vector<16xf32>
        %add3A_563 = arith.addf %scan3A_540, %mul3A_562 : vector<16xf32>
        %get3A_564 = arith.constant 0 : i32
        %get3A_565 = arith.index_cast %get3A_564 : i32 to index
        %get3A_566 = arith.index_cast %mul3A_552 : i32 to index
        %get3A_567 = tpu.vector_load %arg12[%get3A_565, %get3A_566] {strides = array<i32>} : memref<6x4096xf32, #tpu.memory_space<vmem>>, vector<1x16xf32>,
        %get3A_568 = vector.shape_cast %get3A_567 : vector<1x16xf32> to vector<16xf32>
        %mul3A_569 = arith.mulf %gather3A_558, %get3A_568 : vector<16xf32>
        %add3A_570 = arith.addf %scan3A_541, %mul3A_569 : vector<16xf32>
        %get3A_571 = arith.constant 1 : i32
        %get3A_572 = arith.index_cast %get3A_571 : i32 to index
        %get3A_573 = arith.index_cast %mul3A_552 : i32 to index
        %get3A_574 = tpu.vector_load %arg12[%get3A_572, %get3A_573] {strides = array<i32>} : memref<6x4096xf32, #tpu.memory_space<vmem>>, vector<1x16xf32>,
        %get3A_575 = vector.shape_cast %get3A_574 : vector<1x16xf32> to vector<16xf32>
        %mul3A_576 = arith.mulf %gather3A_558, %get3A_575 : vector<16xf32>
        %add3A_577 = arith.addf %scan3A_542, %mul3A_576 : vector<16xf32>
        %get3A_578 = arith.constant 2 : i32
        %get3A_579 = arith.index_cast %get3A_578 : i32 to index
        %get3A_580 = arith.index_cast %mul3A_552 : i32 to index
        %get3A_581 = tpu.vector_load %arg12[%get3A_579, %get3A_580] {strides = array<i32>} : memref<6x4096xf32, #tpu.memory_space<vmem>>, vector<1x16xf32>,
        %get3A_582 = vector.shape_cast %get3A_581 : vector<1x16xf32> to vector<16xf32>
        %mul3A_583 = arith.mulf %gather3A_558, %get3A_582 : vector<16xf32>
        %add3A_584 = arith.addf %scan3A_543, %mul3A_583 : vector<16xf32>
        %get3A_585 = arith.constant 3 : i32
        %get3A_586 = arith.index_cast %get3A_585 : i32 to index
        %get3A_587 = arith.index_cast %mul3A_552 : i32 to index
        %get3A_588 = tpu.vector_load %arg12[%get3A_586, %get3A_587] {strides = array<i32>} : memref<6x4096xf32, #tpu.memory_space<vmem>>, vector<1x16xf32>,
        %get3A_589 = vector.shape_cast %get3A_588 : vector<1x16xf32> to vector<16xf32>
        %mul3A_590 = arith.mulf %gather3A_558, %get3A_589 : vector<16xf32>
        %add3A_591 = arith.addf %scan3A_544, %mul3A_590 : vector<16xf32>
        %get3A_592 = arith.constant 4 : i32
        %get3A_593 = arith.index_cast %get3A_592 : i32 to index
        %get3A_594 = arith.index_cast %mul3A_552 : i32 to index
        %get3A_595 = tpu.vector_load %arg12[%get3A_593, %get3A_594] {strides = array<i32>} : memref<6x4096xf32, #tpu.memory_space<vmem>>, vector<1x16xf32>,
        %get3A_596 = vector.shape_cast %get3A_595 : vector<1x16xf32> to vector<16xf32>
        %mul3A_597 = arith.mulf %gather3A_558, %get3A_596 : vector<16xf32>
        %add3A_598 = arith.addf %scan3A_545, %mul3A_597 : vector<16xf32>
        %get3A_599 = arith.constant 5 : i32
        %get3A_600 = arith.index_cast %get3A_599 : i32 to index
        %get3A_601 = arith.index_cast %mul3A_552 : i32 to index
        %get3A_602 = tpu.vector_load %arg12[%get3A_600, %get3A_601] {strides = array<i32>} : memref<6x4096xf32, #tpu.memory_space<vmem>>, vector<1x16xf32>,
        %get3A_603 = vector.shape_cast %get3A_602 : vector<1x16xf32> to vector<16xf32>
        %mul3A_604 = arith.mulf %gather3A_558, %get3A_603 : vector<16xf32>
        %add3A_605 = arith.addf %scan3A_546, %mul3A_604 : vector<16xf32>
        %mul3A_606 = arith.constant 4 : i32
        %mul3A_607 = arith.muli %scan3A_539, %mul3A_606 : i32
        %add3A_608 = arith.constant 1 : i32
        %add3A_609 = arith.addi %mul3A_607, %add3A_608 : i32
        %mul3A_610 = arith.constant 16 : i32
        %mul3A_611 = arith.muli %add3A_609, %mul3A_610 : i32
        %get3A_612 = arith.index_cast %mul3A_611 : i32 to index
        %get3A_613 = tpu.vector_load %arg8[%get3A_612] {strides = array<i32>} : memref<4096xi32, #tpu.memory_space<vmem>>, vector<16xi32>,
        %get3A_614 = vector.shape_cast %get3A_613 : vector<16xi32> to vector<16xi32>
        %broadcast_in_dim3A_615 = vector.shape_cast %get3A_614 : vector<16xi32> to vector<16x1xi32>
        %gather3A_616 = vector.shape_cast %broadcast_in_dim3A_615 : vector<16x1xi32> to vector<16xi32>
        %gather3A_617 = tpu.dynamic_gather %get3A_4[%gather3A_616] in [0] : vector<16xf32>, vector<16xi32> -> vector<16xf32>
        %get3A_618 = arith.index_cast %mul3A_611 : i32 to index
        %get3A_619 = tpu.vector_load %arg10[%get3A_618] {strides = array<i32>} : memref<4096xf32, #tpu.memory_space<vmem>>, vector<16xf32>,
        %get3A_620 = vector.shape_cast %get3A_619 : vector<16xf32> to vector<16xf32>
        %mul3A_621 = arith.mulf %gather3A_617, %get3A_620 : vector<16xf32>
        %add3A_622 = arith.addf %add3A_563, %mul3A_621 : vector<16xf32>
        %get3A_623 = arith.constant 0 : i32
        %get3A_624 = arith.index_cast %get3A_623 : i32 to index
        %get3A_625 = arith.index_cast %mul3A_611 : i32 to index
        %get3A_626 = tpu.vector_load %arg12[%get3A_624, %get3A_625] {strides = array<i32>} : memref<6x4096xf32, #tpu.memory_space<vmem>>, vector<1x16xf32>,
        %get3A_627 = vector.shape_cast %get3A_626 : vector<1x16xf32> to vector<16xf32>
        %mul3A_628 = arith.mulf %gather3A_617, %get3A_627 : vector<16xf32>
        %add3A_629 = arith.addf %add3A_570, %mul3A_628 : vector<16xf32>
        %get3A_630 = arith.constant 1 : i32
        %get3A_631 = arith.index_cast %get3A_630 : i32 to index
        %get3A_632 = arith.index_cast %mul3A_611 : i32 to index
        %get3A_633 = tpu.vector_load %arg12[%get3A_631, %get3A_632] {strides = array<i32>} : memref<6x4096xf32, #tpu.memory_space<vmem>>, vector<1x16xf32>,
        %get3A_634 = vector.shape_cast %get3A_633 : vector<1x16xf32> to vector<16xf32>
        %mul3A_635 = arith.mulf %gather3A_617, %get3A_634 : vector<16xf32>
        %add3A_636 = arith.addf %add3A_577, %mul3A_635 : vector<16xf32>
        %get3A_637 = arith.constant 2 : i32
        %get3A_638 = arith.index_cast %get3A_637 : i32 to index
        %get3A_639 = arith.index_cast %mul3A_611 : i32 to index
        %get3A_640 = tpu.vector_load %arg12[%get3A_638, %get3A_639] {strides = array<i32>} : memref<6x4096xf32, #tpu.memory_space<vmem>>, vector<1x16xf32>,
        %get3A_641 = vector.shape_cast %get3A_640 : vector<1x16xf32> to vector<16xf32>
        %mul3A_642 = arith.mulf %gather3A_617, %get3A_641 : vector<16xf32>
        %add3A_643 = arith.addf %add3A_584, %mul3A_642 : vector<16xf32>
        %get3A_644 = arith.constant 3 : i32
        %get3A_645 = arith.index_cast %get3A_644 : i32 to index
        %get3A_646 = arith.index_cast %mul3A_611 : i32 to index
        %get3A_647 = tpu.vector_load %arg12[%get3A_645, %get3A_646] {strides = array<i32>} : memref<6x4096xf32, #tpu.memory_space<vmem>>, vector<1x16xf32>,
        %get3A_648 = vector.shape_cast %get3A_647 : vector<1x16xf32> to vector<16xf32>
        %mul3A_649 = arith.mulf %gather3A_617, %get3A_648 : vector<16xf32>
        %add3A_650 = arith.addf %add3A_591, %mul3A_649 : vector<16xf32>
        %get3A_651 = arith.constant 4 : i32
        %get3A_652 = arith.index_cast %get3A_651 : i32 to index
        %get3A_653 = arith.index_cast %mul3A_611 : i32 to index
        %get3A_654 = tpu.vector_load %arg12[%get3A_652, %get3A_653] {strides = array<i32>} : memref<6x4096xf32, #tpu.memory_space<vmem>>, vector<1x16xf32>,
        %get3A_655 = vector.shape_cast %get3A_654 : vector<1x16xf32> to vector<16xf32>
        %mul3A_656 = arith.mulf %gather3A_617, %get3A_655 : vector<16xf32>
        %add3A_657 = arith.addf %add3A_598, %mul3A_656 : vector<16xf32>
        %get3A_658 = arith.constant 5 : i32
        %get3A_659 = arith.index_cast %get3A_658 : i32 to index
        %get3A_660 = arith.index_cast %mul3A_611 : i32 to index
        %get3A_661 = tpu.vector_load %arg12[%get3A_659, %get3A_660] {strides = array<i32>} : memref<6x4096xf32, #tpu.memory_space<vmem>>, vector<1x16xf32>,
        %get3A_662 = vector.shape_cast %get3A_661 : vector<1x16xf32> to vector<16xf32>
        %mul3A_663 = arith.mulf %gather3A_617, %get3A_662 : vector<16xf32>
        %add3A_664 = arith.addf %add3A_605, %mul3A_663 : vector<16xf32>
        %mul3A_665 = arith.constant 4 : i32
        %mul3A_666 = arith.muli %scan3A_539, %mul3A_665 : i32
        %add3A_667 = arith.constant 2 : i32
        %add3A_668 = arith.addi %mul3A_666, %add3A_667 : i32
        %mul3A_669 = arith.constant 16 : i32
        %mul3A_670 = arith.muli %add3A_668, %mul3A_669 : i32
        %get3A_671 = arith.index_cast %mul3A_670 : i32 to index
        %get3A_672 = tpu.vector_load %arg8[%get3A_671] {strides = array<i32>} : memref<4096xi32, #tpu.memory_space<vmem>>, vector<16xi32>,
        %get3A_673 = vector.shape_cast %get3A_672 : vector<16xi32> to vector<16xi32>
        %broadcast_in_dim3A_674 = vector.shape_cast %get3A_673 : vector<16xi32> to vector<16x1xi32>
        %gather3A_675 = vector.shape_cast %broadcast_in_dim3A_674 : vector<16x1xi32> to vector<16xi32>
        %gather3A_676 = tpu.dynamic_gather %get3A_4[%gather3A_675] in [0] : vector<16xf32>, vector<16xi32> -> vector<16xf32>
        %get3A_677 = arith.index_cast %mul3A_670 : i32 to index
        %get3A_678 = tpu.vector_load %arg10[%get3A_677] {strides = array<i32>} : memref<4096xf32, #tpu.memory_space<vmem>>, vector<16xf32>,
        %get3A_679 = vector.shape_cast %get3A_678 : vector<16xf32> to vector<16xf32>
        %mul3A_680 = arith.mulf %gather3A_676, %get3A_679 : vector<16xf32>
        %add3A_681 = arith.addf %add3A_622, %mul3A_680 : vector<16xf32>
        %get3A_682 = arith.constant 0 : i32
        %get3A_683 = arith.index_cast %get3A_682 : i32 to index
        %get3A_684 = arith.index_cast %mul3A_670 : i32 to index
        %get3A_685 = tpu.vector_load %arg12[%get3A_683, %get3A_684] {strides = array<i32>} : memref<6x4096xf32, #tpu.memory_space<vmem>>, vector<1x16xf32>,
        %get3A_686 = vector.shape_cast %get3A_685 : vector<1x16xf32> to vector<16xf32>
        %mul3A_687 = arith.mulf %gather3A_676, %get3A_686 : vector<16xf32>
        %add3A_688 = arith.addf %add3A_629, %mul3A_687 : vector<16xf32>
        %get3A_689 = arith.constant 1 : i32
        %get3A_690 = arith.index_cast %get3A_689 : i32 to index
        %get3A_691 = arith.index_cast %mul3A_670 : i32 to index
        %get3A_692 = tpu.vector_load %arg12[%get3A_690, %get3A_691] {strides = array<i32>} : memref<6x4096xf32, #tpu.memory_space<vmem>>, vector<1x16xf32>,
        %get3A_693 = vector.shape_cast %get3A_692 : vector<1x16xf32> to vector<16xf32>
        %mul3A_694 = arith.mulf %gather3A_676, %get3A_693 : vector<16xf32>
        %add3A_695 = arith.addf %add3A_636, %mul3A_694 : vector<16xf32>
        %get3A_696 = arith.constant 2 : i32
        %get3A_697 = arith.index_cast %get3A_696 : i32 to index
        %get3A_698 = arith.index_cast %mul3A_670 : i32 to index
        %get3A_699 = tpu.vector_load %arg12[%get3A_697, %get3A_698] {strides = array<i32>} : memref<6x4096xf32, #tpu.memory_space<vmem>>, vector<1x16xf32>,
        %get3A_700 = vector.shape_cast %get3A_699 : vector<1x16xf32> to vector<16xf32>
        %mul3A_701 = arith.mulf %gather3A_676, %get3A_700 : vector<16xf32>
        %add3A_702 = arith.addf %add3A_643, %mul3A_701 : vector<16xf32>
        %get3A_703 = arith.constant 3 : i32
        %get3A_704 = arith.index_cast %get3A_703 : i32 to index
        %get3A_705 = arith.index_cast %mul3A_670 : i32 to index
        %get3A_706 = tpu.vector_load %arg12[%get3A_704, %get3A_705] {strides = array<i32>} : memref<6x4096xf32, #tpu.memory_space<vmem>>, vector<1x16xf32>,
        %get3A_707 = vector.shape_cast %get3A_706 : vector<1x16xf32> to vector<16xf32>
        %mul3A_708 = arith.mulf %gather3A_676, %get3A_707 : vector<16xf32>
        %add3A_709 = arith.addf %add3A_650, %mul3A_708 : vector<16xf32>
        %get3A_710 = arith.constant 4 : i32
        %get3A_711 = arith.index_cast %get3A_710 : i32 to index
        %get3A_712 = arith.index_cast %mul3A_670 : i32 to index
        %get3A_713 = tpu.vector_load %arg12[%get3A_711, %get3A_712] {strides = array<i32>} : memref<6x4096xf32, #tpu.memory_space<vmem>>, vector<1x16xf32>,
        %get3A_714 = vector.shape_cast %get3A_713 : vector<1x16xf32> to vector<16xf32>
        %mul3A_715 = arith.mulf %gather3A_676, %get3A_714 : vector<16xf32>
        %add3A_716 = arith.addf %add3A_657, %mul3A_715 : vector<16xf32>
        %get3A_717 = arith.constant 5 : i32
        %get3A_718 = arith.index_cast %get3A_717 : i32 to index
        %get3A_719 = arith.index_cast %mul3A_670 : i32 to index
        %get3A_720 = tpu.vector_load %arg12[%get3A_718, %get3A_719] {strides = array<i32>} : memref<6x4096xf32, #tpu.memory_space<vmem>>, vector<1x16xf32>,
        %get3A_721 = vector.shape_cast %get3A_720 : vector<1x16xf32> to vector<16xf32>
        %mul3A_722 = arith.mulf %gather3A_676, %get3A_721 : vector<16xf32>
        %add3A_723 = arith.addf %add3A_664, %mul3A_722 : vector<16xf32>
        %mul3A_724 = arith.constant 4 : i32
        %mul3A_725 = arith.muli %scan3A_539, %mul3A_724 : i32
        %add3A_726 = arith.constant 3 : i32
        %add3A_727 = arith.addi %mul3A_725, %add3A_726 : i32
        %mul3A_728 = arith.constant 16 : i32
        %mul3A_729 = arith.muli %add3A_727, %mul3A_728 : i32
        %get3A_730 = arith.index_cast %mul3A_729 : i32 to index
        %get3A_731 = tpu.vector_load %arg8[%get3A_730] {strides = array<i32>} : memref<4096xi32, #tpu.memory_space<vmem>>, vector<16xi32>,
        %get3A_732 = vector.shape_cast %get3A_731 : vector<16xi32> to vector<16xi32>
        %broadcast_in_dim3A_733 = vector.shape_cast %get3A_732 : vector<16xi32> to vector<16x1xi32>
        %gather3A_734 = vector.shape_cast %broadcast_in_dim3A_733 : vector<16x1xi32> to vector<16xi32>
        %gather3A_735 = tpu.dynamic_gather %get3A_4[%gather3A_734] in [0] : vector<16xf32>, vector<16xi32> -> vector<16xf32>
        %get3A_736 = arith.index_cast %mul3A_729 : i32 to index
        %get3A_737 = tpu.vector_load %arg10[%get3A_736] {strides = array<i32>} : memref<4096xf32, #tpu.memory_space<vmem>>, vector<16xf32>,
        %get3A_738 = vector.shape_cast %get3A_737 : vector<16xf32> to vector<16xf32>
        %mul3A_739 = arith.mulf %gather3A_735, %get3A_738 : vector<16xf32>
        %add3A_740 = arith.addf %add3A_681, %mul3A_739 : vector<16xf32>
        %get3A_741 = arith.constant 0 : i32
        %get3A_742 = arith.index_cast %get3A_741 : i32 to index
        %get3A_743 = arith.index_cast %mul3A_729 : i32 to index
        %get3A_744 = tpu.vector_load %arg12[%get3A_742, %get3A_743] {strides = array<i32>} : memref<6x4096xf32, #tpu.memory_space<vmem>>, vector<1x16xf32>,
        %get3A_745 = vector.shape_cast %get3A_744 : vector<1x16xf32> to vector<16xf32>
        %mul3A_746 = arith.mulf %gather3A_735, %get3A_745 : vector<16xf32>
        %add3A_747 = arith.addf %add3A_688, %mul3A_746 : vector<16xf32>
        %get3A_748 = arith.constant 1 : i32
        %get3A_749 = arith.index_cast %get3A_748 : i32 to index
        %get3A_750 = arith.index_cast %mul3A_729 : i32 to index
        %get3A_751 = tpu.vector_load %arg12[%get3A_749, %get3A_750] {strides = array<i32>} : memref<6x4096xf32, #tpu.memory_space<vmem>>, vector<1x16xf32>,
        %get3A_752 = vector.shape_cast %get3A_751 : vector<1x16xf32> to vector<16xf32>
        %mul3A_753 = arith.mulf %gather3A_735, %get3A_752 : vector<16xf32>
        %add3A_754 = arith.addf %add3A_695, %mul3A_753 : vector<16xf32>
        %get3A_755 = arith.constant 2 : i32
        %get3A_756 = arith.index_cast %get3A_755 : i32 to index
        %get3A_757 = arith.index_cast %mul3A_729 : i32 to index
        %get3A_758 = tpu.vector_load %arg12[%get3A_756, %get3A_757] {strides = array<i32>} : memref<6x4096xf32, #tpu.memory_space<vmem>>, vector<1x16xf32>,
        %get3A_759 = vector.shape_cast %get3A_758 : vector<1x16xf32> to vector<16xf32>
        %mul3A_760 = arith.mulf %gather3A_735, %get3A_759 : vector<16xf32>
        %add3A_761 = arith.addf %add3A_702, %mul3A_760 : vector<16xf32>
        %get3A_762 = arith.constant 3 : i32
        %get3A_763 = arith.index_cast %get3A_762 : i32 to index
        %get3A_764 = arith.index_cast %mul3A_729 : i32 to index
        %get3A_765 = tpu.vector_load %arg12[%get3A_763, %get3A_764] {strides = array<i32>} : memref<6x4096xf32, #tpu.memory_space<vmem>>, vector<1x16xf32>,
        %get3A_766 = vector.shape_cast %get3A_765 : vector<1x16xf32> to vector<16xf32>
        %mul3A_767 = arith.mulf %gather3A_735, %get3A_766 : vector<16xf32>
        %add3A_768 = arith.addf %add3A_709, %mul3A_767 : vector<16xf32>
        %get3A_769 = arith.constant 4 : i32
        %get3A_770 = arith.index_cast %get3A_769 : i32 to index
        %get3A_771 = arith.index_cast %mul3A_729 : i32 to index
        %get3A_772 = tpu.vector_load %arg12[%get3A_770, %get3A_771] {strides = array<i32>} : memref<6x4096xf32, #tpu.memory_space<vmem>>, vector<1x16xf32>,
        %get3A_773 = vector.shape_cast %get3A_772 : vector<1x16xf32> to vector<16xf32>
        %mul3A_774 = arith.mulf %gather3A_735, %get3A_773 : vector<16xf32>
        %add3A_775 = arith.addf %add3A_716, %mul3A_774 : vector<16xf32>
        %get3A_776 = arith.constant 5 : i32
        %get3A_777 = arith.index_cast %get3A_776 : i32 to index
        %get3A_778 = arith.index_cast %mul3A_729 : i32 to index
        %get3A_779 = tpu.vector_load %arg12[%get3A_777, %get3A_778] {strides = array<i32>} : memref<6x4096xf32, #tpu.memory_space<vmem>>, vector<1x16xf32>,
        %get3A_780 = vector.shape_cast %get3A_779 : vector<1x16xf32> to vector<16xf32>
        %mul3A_781 = arith.mulf %gather3A_735, %get3A_780 : vector<16xf32>
        %add3A_782 = arith.addf %add3A_723, %mul3A_781 : vector<16xf32>
        scf.yield %add3A_740, %add3A_747, %add3A_754, %add3A_761, %add3A_768, %add3A_775, %add3A_782 : vector<16xf32>, vector<16xf32>, vector<16xf32>, vector<16xf32>, vector<16xf32>, vector<16xf32>, vector<16xf32>
      }
      %scan3A_453 = arith.constant 64 : i32
      %mul3A_454 = arith.constant 2 : i32
      %mul3A_455 = arith.muli %mul3A_454, %scan3A_398 : i32
      %add3A_456 = arith.constant 2 : i32
      %add3A_457 = arith.addi %mul3A_455, %add3A_456 : i32
      %jit3A_458 = arith.constant 4 : i32
      %div3A = arith.divsi %add3A_457, %jit3A_458 : i32
      %sign3A = arith.constant 0 : i32
      %sign3A_459 = arith.cmpi sgt, %add3A_457, %sign3A : i32
      %sign3A_460 = arith.extui %sign3A_459 : i1 to i32
      %sign3A_461 = arith.constant 0 : i32
      %sign3A_462 = arith.cmpi slt, %add3A_457, %sign3A_461 : i32
      %sign3A_463 = arith.extui %sign3A_462 : i1 to i32
      %sign3A_464 = arith.subi %sign3A_460, %sign3A_463 : i32
      %sign3A_465 = arith.constant 0 : i32
      %sign3A_466 = arith.cmpi sgt, %jit3A_458, %sign3A_465 : i32
      %sign3A_467 = arith.extui %sign3A_466 : i1 to i32
      %sign3A_468 = arith.constant 0 : i32
      %sign3A_469 = arith.cmpi slt, %jit3A_458, %sign3A_468 : i32
      %sign3A_470 = arith.extui %sign3A_469 : i1 to i32
      %sign3A_471 = arith.subi %sign3A_467, %sign3A_470 : i32
      %ne3A = arith.cmpi ne, %sign3A_464, %sign3A_471 : i32
      %rem3A = arith.remsi %add3A_457, %jit3A_458 : i32
      %ne3A_472 = arith.constant 0 : i32
      %ne3A_473 = arith.cmpi ne, %rem3A, %ne3A_472 : i32
      %and3A_474 = arith.andi %ne3A, %ne3A_473 : i1
      %sub3A_475 = arith.constant 1 : i32
      %sub3A_476 = arith.subi %div3A, %sub3A_475 : i32
      %select_n3A_477 = arith.select %and3A_474, %sub3A_476, %div3A : i32
      %add3A_478 = arith.addi %add3A_59, %select_n3A_477 : i32
      %jit3A_479 = arith.constant 4 : i32
      %eq3A_480 = arith.constant 0 : i32
      %eq3A_481 = arith.cmpi eq, %jit3A_479, %eq3A_480 : i32
      %jit3A_482 = arith.constant 1 : i32
      %select_n3A_483 = arith.select %eq3A_481, %jit3A_482, %jit3A_479 : i32
      %rem3A_484 = arith.remsi %add3A_457, %select_n3A_483 : i32
      %ne3A_485 = arith.constant 0 : i32
      %ne3A_486 = arith.cmpi ne, %rem3A_484, %ne3A_485 : i32
      %lt3A = arith.constant 0 : i32
      %lt3A_487 = arith.cmpi slt, %rem3A_484, %lt3A : i32
      %lt3A_488 = arith.constant 0 : i32
      %lt3A_489 = arith.cmpi slt, %select_n3A_483, %lt3A_488 : i32
      %ne3A_490 = arith.xori %lt3A_487, %lt3A_489 : i1
      %and3A_491 = arith.andi %ne3A_490, %ne3A_486 : i1
      %add3A_492 = arith.addi %rem3A_484, %select_n3A_483 : i32
      %select_n3A_493 = arith.select %and3A_491, %add3A_492, %rem3A_484 : i32
      %mul3A_494 = arith.constant 4096 : i32
      %mul3A_495 = arith.muli %select_n3A_493, %mul3A_494 : i32
      %dma_start3A_496 = tpu.memref_slice %arg4[%add3A_478, %mul3A_495] : memref<128x16384xi32, #tpu.memory_space<hbm>> -> memref<1x4096xi32, #tpu.memory_space<hbm>>
      %dma_start3A_497 = tpu.memref_squeeze %dma_start3A_496 : memref<1x4096xi32, #tpu.memory_space<hbm>> -> memref<4096xi32, #tpu.memory_space<hbm>>
      %dma_start3A_498 = tpu.memref_slice %arg4[%add3A_478, %mul3A_495] : memref<128x16384xi32, #tpu.memory_space<hbm>> -> memref<1x4096xi32, #tpu.memory_space<hbm>>
      %dma_start3A_499 = tpu.memref_squeeze %dma_start3A_498 : memref<1x4096xi32, #tpu.memory_space<hbm>> -> memref<4096xi32, #tpu.memory_space<hbm>>
      tpu.enqueue_dma source(%dma_start3A_499 : memref<4096xi32, #tpu.memory_space<hbm>>) target(%arg8 : memref<4096xi32, #tpu.memory_space<vmem>>) target_semaphore(%arg15 : memref<!tpu.dma_semaphore, #tpu.memory_space<semaphore_mem>>)
      %dma_start3A_500 = tpu.memref_slice %arg3[%add3A_478, %mul3A_495] : memref<128x16384xf32, #tpu.memory_space<hbm>> -> memref<1x4096xf32, #tpu.memory_space<hbm>>
      %dma_start3A_501 = tpu.memref_squeeze %dma_start3A_500 : memref<1x4096xf32, #tpu.memory_space<hbm>> -> memref<4096xf32, #tpu.memory_space<hbm>>
      %dma_start3A_502 = tpu.memref_slice %arg3[%add3A_478, %mul3A_495] : memref<128x16384xf32, #tpu.memory_space<hbm>> -> memref<1x4096xf32, #tpu.memory_space<hbm>>
      %dma_start3A_503 = tpu.memref_squeeze %dma_start3A_502 : memref<1x4096xf32, #tpu.memory_space<hbm>> -> memref<4096xf32, #tpu.memory_space<hbm>>
      tpu.enqueue_dma source(%dma_start3A_503 : memref<4096xf32, #tpu.memory_space<hbm>>) target(%arg10 : memref<4096xf32, #tpu.memory_space<vmem>>) target_semaphore(%arg15 : memref<!tpu.dma_semaphore, #tpu.memory_space<semaphore_mem>>)
      %dma_start3A_504 = arith.constant 10 : i32
      %dma_start3A_505 = tpu.memref_slice %arg2[%dma_start3A_504, %add3A_478, %mul3A_495] : memref<16x128x16384xf32, #tpu.memory_space<hbm>> -> memref<6x1x4096xf32, #tpu.memory_space<hbm>>
      %dma_start3A_506 = tpu.memref_squeeze %dma_start3A_505 : memref<6x1x4096xf32, #tpu.memory_space<hbm>> -> memref<6x4096xf32, #tpu.memory_space<hbm>>
      %dma_start3A_507 = arith.constant 10 : i32
      %dma_start3A_508 = tpu.memref_slice %arg2[%dma_start3A_507, %add3A_478, %mul3A_495] : memref<16x128x16384xf32, #tpu.memory_space<hbm>> -> memref<6x1x4096xf32, #tpu.memory_space<hbm>>
      %dma_start3A_509 = tpu.memref_squeeze %dma_start3A_508 : memref<6x1x4096xf32, #tpu.memory_space<hbm>> -> memref<6x4096xf32, #tpu.memory_space<hbm>>
      tpu.enqueue_dma source(%dma_start3A_509 : memref<6x4096xf32, #tpu.memory_space<hbm>>) target(%arg12 : memref<6x4096xf32, #tpu.memory_space<vmem>>) target_semaphore(%arg15 : memref<!tpu.dma_semaphore, #tpu.memory_space<semaphore_mem>>)
      %dma_wait3A_510 = arith.constant 0 : i32
      %dma_wait3A_511 = arith.constant 0 : i32
      %dma_wait3A_512 = tpu.memref_slice %arg4[%dma_wait3A_510, %dma_wait3A_511] : memref<128x16384xi32, #tpu.memory_space<hbm>> -> memref<1x4096xi32, #tpu.memory_space<hbm>>
      %dma_wait3A_513 = tpu.memref_squeeze %dma_wait3A_512 : memref<1x4096xi32, #tpu.memory_space<hbm>> -> memref<4096xi32, #tpu.memory_space<hbm>>
      %dma_wait3A_514 = arith.constant 0 : i32
      %dma_wait3A_515 = tpu.memref_slice %arg4[%dma_wait3A_510, %dma_wait3A_514] : memref<128x16384xi32, #tpu.memory_space<hbm>> -> memref<1x4096xi32, #tpu.memory_space<hbm>>
      %dma_wait3A_516 = tpu.memref_squeeze %dma_wait3A_515 : memref<1x4096xi32, #tpu.memory_space<hbm>> -> memref<4096xi32, #tpu.memory_space<hbm>>
      tpu.wait_dma2 semaphore(%arg16 : memref<!tpu.dma_semaphore, #tpu.memory_space<semaphore_mem>>) src(%dma_wait3A_516 : memref<4096xi32, #tpu.memory_space<hbm>>) dst(%arg9 : memref<4096xi32, #tpu.memory_space<vmem>>)
      %dma_wait3A_517 = arith.constant 0 : i32
      %dma_wait3A_518 = arith.constant 0 : i32
      %dma_wait3A_519 = tpu.memref_slice %arg3[%dma_wait3A_517, %dma_wait3A_518] : memref<128x16384xf32, #tpu.memory_space<hbm>> -> memref<1x4096xf32, #tpu.memory_space<hbm>>
      %dma_wait3A_520 = tpu.memref_squeeze %dma_wait3A_519 : memref<1x4096xf32, #tpu.memory_space<hbm>> -> memref<4096xf32, #tpu.memory_space<hbm>>
      %dma_wait3A_521 = arith.constant 0 : i32
      %dma_wait3A_522 = tpu.memref_slice %arg3[%dma_wait3A_517, %dma_wait3A_521] : memref<128x16384xf32, #tpu.memory_space<hbm>> -> memref<1x4096xf32, #tpu.memory_space<hbm>>
      %dma_wait3A_523 = tpu.memref_squeeze %dma_wait3A_522 : memref<1x4096xf32, #tpu.memory_space<hbm>> -> memref<4096xf32, #tpu.memory_space<hbm>>
      tpu.wait_dma2 semaphore(%arg16 : memref<!tpu.dma_semaphore, #tpu.memory_space<semaphore_mem>>) src(%dma_wait3A_523 : memref<4096xf32, #tpu.memory_space<hbm>>) dst(%arg11 : memref<4096xf32, #tpu.memory_space<vmem>>)
      %dma_wait3A_524 = arith.constant 0 : i32
      %dma_wait3A_525 = arith.constant 10 : i32
      %dma_wait3A_526 = arith.constant 0 : i32
      %dma_wait3A_527 = tpu.memref_slice %arg2[%dma_wait3A_525, %dma_wait3A_524, %dma_wait3A_526] : memref<16x128x16384xf32, #tpu.memory_space<hbm>> -> memref<6x1x4096xf32, #tpu.memory_space<hbm>>
      %dma_wait3A_528 = tpu.memref_squeeze %dma_wait3A_527 : memref<6x1x4096xf32, #tpu.memory_space<hbm>> -> memref<6x4096xf32, #tpu.memory_space<hbm>>
      %dma_wait3A_529 = arith.constant 10 : i32
      %dma_wait3A_530 = arith.constant 0 : i32
      %dma_wait3A_531 = tpu.memref_slice %arg2[%dma_wait3A_529, %dma_wait3A_524, %dma_wait3A_530] : memref<16x128x16384xf32, #tpu.memory_space<hbm>> -> memref<6x1x4096xf32, #tpu.memory_space<hbm>>
      %dma_wait3A_532 = tpu.memref_squeeze %dma_wait3A_531 : memref<6x1x4096xf32, #tpu.memory_space<hbm>> -> memref<6x4096xf32, #tpu.memory_space<hbm>>
      tpu.wait_dma2 semaphore(%arg16 : memref<!tpu.dma_semaphore, #tpu.memory_space<semaphore_mem>>) src(%dma_wait3A_532 : memref<6x4096xf32, #tpu.memory_space<hbm>>) dst(%arg13 : memref<6x4096xf32, #tpu.memory_space<vmem>>)
      %scan3A_533 = arith.constant 0 : i32
      %scan3A_534 = arith.constant 64 : i32
      %scan3A_535 = arith.addi %scan3A_533, %scan3A_534 : i32
      %scan3A_536 = arith.constant 1 : i32
      %scan3A_537:7 = scf.for %scan3A_539 = %scan3A_533 to %scan3A_535 step %scan3A_536 iter_args(%scan3A_540 = %scan3A_452#0, %scan3A_541 = %scan3A_452#1, %scan3A_542 = %scan3A_452#2, %scan3A_543 = %scan3A_452#3, %scan3A_544 = %scan3A_452#4, %scan3A_545 = %scan3A_452#5, %scan3A_546 = %scan3A_452#6) -> (vector<16xf32>, vector<16xf32>, vector<16xf32>, vector<16xf32>, vector<16xf32>, vector<16xf32>, vector<16xf32>)  : i32 {
        %mul3A_547 = arith.constant 4 : i32
        %mul3A_548 = arith.muli %scan3A_539, %mul3A_547 : i32
        %add3A_549 = arith.constant 0 : i32
        %add3A_550 = arith.addi %mul3A_548, %add3A_549 : i32
        %mul3A_551 = arith.constant 16 : i32
        %mul3A_552 = arith.muli %add3A_550, %mul3A_551 : i32
        %get3A_553 = arith.index_cast %mul3A_552 : i32 to index
        %get3A_554 = tpu.vector_load %arg9[%get3A_553] {strides = array<i32>} : memref<4096xi32, #tpu.memory_space<vmem>>, vector<16xi32>,
        %get3A_555 = vector.shape_cast %get3A_554 : vector<16xi32> to vector<16xi32>
        %broadcast_in_dim3A_556 = vector.shape_cast %get3A_555 : vector<16xi32> to vector<16x1xi32>
        %gather3A_557 = vector.shape_cast %broadcast_in_dim3A_556 : vector<16x1xi32> to vector<16xi32>
        %gather3A_558 = tpu.dynamic_gather %get3A_4[%gather3A_557] in [0] : vector<16xf32>, vector<16xi32> -> vector<16xf32>
        %get3A_559 = arith.index_cast %mul3A_552 : i32 to index
        %get3A_560 = tpu.vector_load %arg11[%get3A_559] {strides = array<i32>} : memref<4096xf32, #tpu.memory_space<vmem>>, vector<16xf32>,
        %get3A_561 = vector.shape_cast %get3A_560 : vector<16xf32> to vector<16xf32>
        %mul3A_562 = arith.mulf %gather3A_558, %get3A_561 : vector<16xf32>
        %add3A_563 = arith.addf %scan3A_540, %mul3A_562 : vector<16xf32>
        %get3A_564 = arith.constant 0 : i32
        %get3A_565 = arith.index_cast %get3A_564 : i32 to index
        %get3A_566 = arith.index_cast %mul3A_552 : i32 to index
        %get3A_567 = tpu.vector_load %arg13[%get3A_565, %get3A_566] {strides = array<i32>} : memref<6x4096xf32, #tpu.memory_space<vmem>>, vector<1x16xf32>,
        %get3A_568 = vector.shape_cast %get3A_567 : vector<1x16xf32> to vector<16xf32>
        %mul3A_569 = arith.mulf %gather3A_558, %get3A_568 : vector<16xf32>
        %add3A_570 = arith.addf %scan3A_541, %mul3A_569 : vector<16xf32>
        %get3A_571 = arith.constant 1 : i32
        %get3A_572 = arith.index_cast %get3A_571 : i32 to index
        %get3A_573 = arith.index_cast %mul3A_552 : i32 to index
        %get3A_574 = tpu.vector_load %arg13[%get3A_572, %get3A_573] {strides = array<i32>} : memref<6x4096xf32, #tpu.memory_space<vmem>>, vector<1x16xf32>,
        %get3A_575 = vector.shape_cast %get3A_574 : vector<1x16xf32> to vector<16xf32>
        %mul3A_576 = arith.mulf %gather3A_558, %get3A_575 : vector<16xf32>
        %add3A_577 = arith.addf %scan3A_542, %mul3A_576 : vector<16xf32>
        %get3A_578 = arith.constant 2 : i32
        %get3A_579 = arith.index_cast %get3A_578 : i32 to index
        %get3A_580 = arith.index_cast %mul3A_552 : i32 to index
        %get3A_581 = tpu.vector_load %arg13[%get3A_579, %get3A_580] {strides = array<i32>} : memref<6x4096xf32, #tpu.memory_space<vmem>>, vector<1x16xf32>,
        %get3A_582 = vector.shape_cast %get3A_581 : vector<1x16xf32> to vector<16xf32>
        %mul3A_583 = arith.mulf %gather3A_558, %get3A_582 : vector<16xf32>
        %add3A_584 = arith.addf %scan3A_543, %mul3A_583 : vector<16xf32>
        %get3A_585 = arith.constant 3 : i32
        %get3A_586 = arith.index_cast %get3A_585 : i32 to index
        %get3A_587 = arith.index_cast %mul3A_552 : i32 to index
        %get3A_588 = tpu.vector_load %arg13[%get3A_586, %get3A_587] {strides = array<i32>} : memref<6x4096xf32, #tpu.memory_space<vmem>>, vector<1x16xf32>,
        %get3A_589 = vector.shape_cast %get3A_588 : vector<1x16xf32> to vector<16xf32>
        %mul3A_590 = arith.mulf %gather3A_558, %get3A_589 : vector<16xf32>
        %add3A_591 = arith.addf %scan3A_544, %mul3A_590 : vector<16xf32>
        %get3A_592 = arith.constant 4 : i32
        %get3A_593 = arith.index_cast %get3A_592 : i32 to index
        %get3A_594 = arith.index_cast %mul3A_552 : i32 to index
        %get3A_595 = tpu.vector_load %arg13[%get3A_593, %get3A_594] {strides = array<i32>} : memref<6x4096xf32, #tpu.memory_space<vmem>>, vector<1x16xf32>,
        %get3A_596 = vector.shape_cast %get3A_595 : vector<1x16xf32> to vector<16xf32>
        %mul3A_597 = arith.mulf %gather3A_558, %get3A_596 : vector<16xf32>
        %add3A_598 = arith.addf %scan3A_545, %mul3A_597 : vector<16xf32>
        %get3A_599 = arith.constant 5 : i32
        %get3A_600 = arith.index_cast %get3A_599 : i32 to index
        %get3A_601 = arith.index_cast %mul3A_552 : i32 to index
        %get3A_602 = tpu.vector_load %arg13[%get3A_600, %get3A_601] {strides = array<i32>} : memref<6x4096xf32, #tpu.memory_space<vmem>>, vector<1x16xf32>,
        %get3A_603 = vector.shape_cast %get3A_602 : vector<1x16xf32> to vector<16xf32>
        %mul3A_604 = arith.mulf %gather3A_558, %get3A_603 : vector<16xf32>
        %add3A_605 = arith.addf %scan3A_546, %mul3A_604 : vector<16xf32>
        %mul3A_606 = arith.constant 4 : i32
        %mul3A_607 = arith.muli %scan3A_539, %mul3A_606 : i32
        %add3A_608 = arith.constant 1 : i32
        %add3A_609 = arith.addi %mul3A_607, %add3A_608 : i32
        %mul3A_610 = arith.constant 16 : i32
        %mul3A_611 = arith.muli %add3A_609, %mul3A_610 : i32
        %get3A_612 = arith.index_cast %mul3A_611 : i32 to index
        %get3A_613 = tpu.vector_load %arg9[%get3A_612] {strides = array<i32>} : memref<4096xi32, #tpu.memory_space<vmem>>, vector<16xi32>,
        %get3A_614 = vector.shape_cast %get3A_613 : vector<16xi32> to vector<16xi32>
        %broadcast_in_dim3A_615 = vector.shape_cast %get3A_614 : vector<16xi32> to vector<16x1xi32>
        %gather3A_616 = vector.shape_cast %broadcast_in_dim3A_615 : vector<16x1xi32> to vector<16xi32>
        %gather3A_617 = tpu.dynamic_gather %get3A_4[%gather3A_616] in [0] : vector<16xf32>, vector<16xi32> -> vector<16xf32>
        %get3A_618 = arith.index_cast %mul3A_611 : i32 to index
        %get3A_619 = tpu.vector_load %arg11[%get3A_618] {strides = array<i32>} : memref<4096xf32, #tpu.memory_space<vmem>>, vector<16xf32>,
        %get3A_620 = vector.shape_cast %get3A_619 : vector<16xf32> to vector<16xf32>
        %mul3A_621 = arith.mulf %gather3A_617, %get3A_620 : vector<16xf32>
        %add3A_622 = arith.addf %add3A_563, %mul3A_621 : vector<16xf32>
        %get3A_623 = arith.constant 0 : i32
        %get3A_624 = arith.index_cast %get3A_623 : i32 to index
        %get3A_625 = arith.index_cast %mul3A_611 : i32 to index
        %get3A_626 = tpu.vector_load %arg13[%get3A_624, %get3A_625] {strides = array<i32>} : memref<6x4096xf32, #tpu.memory_space<vmem>>, vector<1x16xf32>,
        %get3A_627 = vector.shape_cast %get3A_626 : vector<1x16xf32> to vector<16xf32>
        %mul3A_628 = arith.mulf %gather3A_617, %get3A_627 : vector<16xf32>
        %add3A_629 = arith.addf %add3A_570, %mul3A_628 : vector<16xf32>
        %get3A_630 = arith.constant 1 : i32
        %get3A_631 = arith.index_cast %get3A_630 : i32 to index
        %get3A_632 = arith.index_cast %mul3A_611 : i32 to index
        %get3A_633 = tpu.vector_load %arg13[%get3A_631, %get3A_632] {strides = array<i32>} : memref<6x4096xf32, #tpu.memory_space<vmem>>, vector<1x16xf32>,
        %get3A_634 = vector.shape_cast %get3A_633 : vector<1x16xf32> to vector<16xf32>
        %mul3A_635 = arith.mulf %gather3A_617, %get3A_634 : vector<16xf32>
        %add3A_636 = arith.addf %add3A_577, %mul3A_635 : vector<16xf32>
        %get3A_637 = arith.constant 2 : i32
        %get3A_638 = arith.index_cast %get3A_637 : i32 to index
        %get3A_639 = arith.index_cast %mul3A_611 : i32 to index
        %get3A_640 = tpu.vector_load %arg13[%get3A_638, %get3A_639] {strides = array<i32>} : memref<6x4096xf32, #tpu.memory_space<vmem>>, vector<1x16xf32>,
        %get3A_641 = vector.shape_cast %get3A_640 : vector<1x16xf32> to vector<16xf32>
        %mul3A_642 = arith.mulf %gather3A_617, %get3A_641 : vector<16xf32>
        %add3A_643 = arith.addf %add3A_584, %mul3A_642 : vector<16xf32>
        %get3A_644 = arith.constant 3 : i32
        %get3A_645 = arith.index_cast %get3A_644 : i32 to index
        %get3A_646 = arith.index_cast %mul3A_611 : i32 to index
        %get3A_647 = tpu.vector_load %arg13[%get3A_645, %get3A_646] {strides = array<i32>} : memref<6x4096xf32, #tpu.memory_space<vmem>>, vector<1x16xf32>,
        %get3A_648 = vector.shape_cast %get3A_647 : vector<1x16xf32> to vector<16xf32>
        %mul3A_649 = arith.mulf %gather3A_617, %get3A_648 : vector<16xf32>
        %add3A_650 = arith.addf %add3A_591, %mul3A_649 : vector<16xf32>
        %get3A_651 = arith.constant 4 : i32
        %get3A_652 = arith.index_cast %get3A_651 : i32 to index
        %get3A_653 = arith.index_cast %mul3A_611 : i32 to index
        %get3A_654 = tpu.vector_load %arg13[%get3A_652, %get3A_653] {strides = array<i32>} : memref<6x4096xf32, #tpu.memory_space<vmem>>, vector<1x16xf32>,
        %get3A_655 = vector.shape_cast %get3A_654 : vector<1x16xf32> to vector<16xf32>
        %mul3A_656 = arith.mulf %gather3A_617, %get3A_655 : vector<16xf32>
        %add3A_657 = arith.addf %add3A_598, %mul3A_656 : vector<16xf32>
        %get3A_658 = arith.constant 5 : i32
        %get3A_659 = arith.index_cast %get3A_658 : i32 to index
        %get3A_660 = arith.index_cast %mul3A_611 : i32 to index
        %get3A_661 = tpu.vector_load %arg13[%get3A_659, %get3A_660] {strides = array<i32>} : memref<6x4096xf32, #tpu.memory_space<vmem>>, vector<1x16xf32>,
        %get3A_662 = vector.shape_cast %get3A_661 : vector<1x16xf32> to vector<16xf32>
        %mul3A_663 = arith.mulf %gather3A_617, %get3A_662 : vector<16xf32>
        %add3A_664 = arith.addf %add3A_605, %mul3A_663 : vector<16xf32>
        %mul3A_665 = arith.constant 4 : i32
        %mul3A_666 = arith.muli %scan3A_539, %mul3A_665 : i32
        %add3A_667 = arith.constant 2 : i32
        %add3A_668 = arith.addi %mul3A_666, %add3A_667 : i32
        %mul3A_669 = arith.constant 16 : i32
        %mul3A_670 = arith.muli %add3A_668, %mul3A_669 : i32
        %get3A_671 = arith.index_cast %mul3A_670 : i32 to index
        %get3A_672 = tpu.vector_load %arg9[%get3A_671] {strides = array<i32>} : memref<4096xi32, #tpu.memory_space<vmem>>, vector<16xi32>,
        %get3A_673 = vector.shape_cast %get3A_672 : vector<16xi32> to vector<16xi32>
        %broadcast_in_dim3A_674 = vector.shape_cast %get3A_673 : vector<16xi32> to vector<16x1xi32>
        %gather3A_675 = vector.shape_cast %broadcast_in_dim3A_674 : vector<16x1xi32> to vector<16xi32>
        %gather3A_676 = tpu.dynamic_gather %get3A_4[%gather3A_675] in [0] : vector<16xf32>, vector<16xi32> -> vector<16xf32>
        %get3A_677 = arith.index_cast %mul3A_670 : i32 to index
        %get3A_678 = tpu.vector_load %arg11[%get3A_677] {strides = array<i32>} : memref<4096xf32, #tpu.memory_space<vmem>>, vector<16xf32>,
        %get3A_679 = vector.shape_cast %get3A_678 : vector<16xf32> to vector<16xf32>
        %mul3A_680 = arith.mulf %gather3A_676, %get3A_679 : vector<16xf32>
        %add3A_681 = arith.addf %add3A_622, %mul3A_680 : vector<16xf32>
        %get3A_682 = arith.constant 0 : i32
        %get3A_683 = arith.index_cast %get3A_682 : i32 to index
        %get3A_684 = arith.index_cast %mul3A_670 : i32 to index
        %get3A_685 = tpu.vector_load %arg13[%get3A_683, %get3A_684] {strides = array<i32>} : memref<6x4096xf32, #tpu.memory_space<vmem>>, vector<1x16xf32>,
        %get3A_686 = vector.shape_cast %get3A_685 : vector<1x16xf32> to vector<16xf32>
        %mul3A_687 = arith.mulf %gather3A_676, %get3A_686 : vector<16xf32>
        %add3A_688 = arith.addf %add3A_629, %mul3A_687 : vector<16xf32>
        %get3A_689 = arith.constant 1 : i32
        %get3A_690 = arith.index_cast %get3A_689 : i32 to index
        %get3A_691 = arith.index_cast %mul3A_670 : i32 to index
        %get3A_692 = tpu.vector_load %arg13[%get3A_690, %get3A_691] {strides = array<i32>} : memref<6x4096xf32, #tpu.memory_space<vmem>>, vector<1x16xf32>,
        %get3A_693 = vector.shape_cast %get3A_692 : vector<1x16xf32> to vector<16xf32>
        %mul3A_694 = arith.mulf %gather3A_676, %get3A_693 : vector<16xf32>
        %add3A_695 = arith.addf %add3A_636, %mul3A_694 : vector<16xf32>
        %get3A_696 = arith.constant 2 : i32
        %get3A_697 = arith.index_cast %get3A_696 : i32 to index
        %get3A_698 = arith.index_cast %mul3A_670 : i32 to index
        %get3A_699 = tpu.vector_load %arg13[%get3A_697, %get3A_698] {strides = array<i32>} : memref<6x4096xf32, #tpu.memory_space<vmem>>, vector<1x16xf32>,
        %get3A_700 = vector.shape_cast %get3A_699 : vector<1x16xf32> to vector<16xf32>
        %mul3A_701 = arith.mulf %gather3A_676, %get3A_700 : vector<16xf32>
        %add3A_702 = arith.addf %add3A_643, %mul3A_701 : vector<16xf32>
        %get3A_703 = arith.constant 3 : i32
        %get3A_704 = arith.index_cast %get3A_703 : i32 to index
        %get3A_705 = arith.index_cast %mul3A_670 : i32 to index
        %get3A_706 = tpu.vector_load %arg13[%get3A_704, %get3A_705] {strides = array<i32>} : memref<6x4096xf32, #tpu.memory_space<vmem>>, vector<1x16xf32>,
        %get3A_707 = vector.shape_cast %get3A_706 : vector<1x16xf32> to vector<16xf32>
        %mul3A_708 = arith.mulf %gather3A_676, %get3A_707 : vector<16xf32>
        %add3A_709 = arith.addf %add3A_650, %mul3A_708 : vector<16xf32>
        %get3A_710 = arith.constant 4 : i32
        %get3A_711 = arith.index_cast %get3A_710 : i32 to index
        %get3A_712 = arith.index_cast %mul3A_670 : i32 to index
        %get3A_713 = tpu.vector_load %arg13[%get3A_711, %get3A_712] {strides = array<i32>} : memref<6x4096xf32, #tpu.memory_space<vmem>>, vector<1x16xf32>,
        %get3A_714 = vector.shape_cast %get3A_713 : vector<1x16xf32> to vector<16xf32>
        %mul3A_715 = arith.mulf %gather3A_676, %get3A_714 : vector<16xf32>
        %add3A_716 = arith.addf %add3A_657, %mul3A_715 : vector<16xf32>
        %get3A_717 = arith.constant 5 : i32
        %get3A_718 = arith.index_cast %get3A_717 : i32 to index
        %get3A_719 = arith.index_cast %mul3A_670 : i32 to index
        %get3A_720 = tpu.vector_load %arg13[%get3A_718, %get3A_719] {strides = array<i32>} : memref<6x4096xf32, #tpu.memory_space<vmem>>, vector<1x16xf32>,
        %get3A_721 = vector.shape_cast %get3A_720 : vector<1x16xf32> to vector<16xf32>
        %mul3A_722 = arith.mulf %gather3A_676, %get3A_721 : vector<16xf32>
        %add3A_723 = arith.addf %add3A_664, %mul3A_722 : vector<16xf32>
        %mul3A_724 = arith.constant 4 : i32
        %mul3A_725 = arith.muli %scan3A_539, %mul3A_724 : i32
        %add3A_726 = arith.constant 3 : i32
        %add3A_727 = arith.addi %mul3A_725, %add3A_726 : i32
        %mul3A_728 = arith.constant 16 : i32
        %mul3A_729 = arith.muli %add3A_727, %mul3A_728 : i32
        %get3A_730 = arith.index_cast %mul3A_729 : i32 to index
        %get3A_731 = tpu.vector_load %arg9[%get3A_730] {strides = array<i32>} : memref<4096xi32, #tpu.memory_space<vmem>>, vector<16xi32>,
        %get3A_732 = vector.shape_cast %get3A_731 : vector<16xi32> to vector<16xi32>
        %broadcast_in_dim3A_733 = vector.shape_cast %get3A_732 : vector<16xi32> to vector<16x1xi32>
        %gather3A_734 = vector.shape_cast %broadcast_in_dim3A_733 : vector<16x1xi32> to vector<16xi32>
        %gather3A_735 = tpu.dynamic_gather %get3A_4[%gather3A_734] in [0] : vector<16xf32>, vector<16xi32> -> vector<16xf32>
        %get3A_736 = arith.index_cast %mul3A_729 : i32 to index
        %get3A_737 = tpu.vector_load %arg11[%get3A_736] {strides = array<i32>} : memref<4096xf32, #tpu.memory_space<vmem>>, vector<16xf32>,
        %get3A_738 = vector.shape_cast %get3A_737 : vector<16xf32> to vector<16xf32>
        %mul3A_739 = arith.mulf %gather3A_735, %get3A_738 : vector<16xf32>
        %add3A_740 = arith.addf %add3A_681, %mul3A_739 : vector<16xf32>
        %get3A_741 = arith.constant 0 : i32
        %get3A_742 = arith.index_cast %get3A_741 : i32 to index
        %get3A_743 = arith.index_cast %mul3A_729 : i32 to index
        %get3A_744 = tpu.vector_load %arg13[%get3A_742, %get3A_743] {strides = array<i32>} : memref<6x4096xf32, #tpu.memory_space<vmem>>, vector<1x16xf32>,
        %get3A_745 = vector.shape_cast %get3A_744 : vector<1x16xf32> to vector<16xf32>
        %mul3A_746 = arith.mulf %gather3A_735, %get3A_745 : vector<16xf32>
        %add3A_747 = arith.addf %add3A_688, %mul3A_746 : vector<16xf32>
        %get3A_748 = arith.constant 1 : i32
        %get3A_749 = arith.index_cast %get3A_748 : i32 to index
        %get3A_750 = arith.index_cast %mul3A_729 : i32 to index
        %get3A_751 = tpu.vector_load %arg13[%get3A_749, %get3A_750] {strides = array<i32>} : memref<6x4096xf32, #tpu.memory_space<vmem>>, vector<1x16xf32>,
        %get3A_752 = vector.shape_cast %get3A_751 : vector<1x16xf32> to vector<16xf32>
        %mul3A_753 = arith.mulf %gather3A_735, %get3A_752 : vector<16xf32>
        %add3A_754 = arith.addf %add3A_695, %mul3A_753 : vector<16xf32>
        %get3A_755 = arith.constant 2 : i32
        %get3A_756 = arith.index_cast %get3A_755 : i32 to index
        %get3A_757 = arith.index_cast %mul3A_729 : i32 to index
        %get3A_758 = tpu.vector_load %arg13[%get3A_756, %get3A_757] {strides = array<i32>} : memref<6x4096xf32, #tpu.memory_space<vmem>>, vector<1x16xf32>,
        %get3A_759 = vector.shape_cast %get3A_758 : vector<1x16xf32> to vector<16xf32>
        %mul3A_760 = arith.mulf %gather3A_735, %get3A_759 : vector<16xf32>
        %add3A_761 = arith.addf %add3A_702, %mul3A_760 : vector<16xf32>
        %get3A_762 = arith.constant 3 : i32
        %get3A_763 = arith.index_cast %get3A_762 : i32 to index
        %get3A_764 = arith.index_cast %mul3A_729 : i32 to index
        %get3A_765 = tpu.vector_load %arg13[%get3A_763, %get3A_764] {strides = array<i32>} : memref<6x4096xf32, #tpu.memory_space<vmem>>, vector<1x16xf32>,
        %get3A_766 = vector.shape_cast %get3A_765 : vector<1x16xf32> to vector<16xf32>
        %mul3A_767 = arith.mulf %gather3A_735, %get3A_766 : vector<16xf32>
        %add3A_768 = arith.addf %add3A_709, %mul3A_767 : vector<16xf32>
        %get3A_769 = arith.constant 4 : i32
        %get3A_770 = arith.index_cast %get3A_769 : i32 to index
        %get3A_771 = arith.index_cast %mul3A_729 : i32 to index
        %get3A_772 = tpu.vector_load %arg13[%get3A_770, %get3A_771] {strides = array<i32>} : memref<6x4096xf32, #tpu.memory_space<vmem>>, vector<1x16xf32>,
        %get3A_773 = vector.shape_cast %get3A_772 : vector<1x16xf32> to vector<16xf32>
        %mul3A_774 = arith.mulf %gather3A_735, %get3A_773 : vector<16xf32>
        %add3A_775 = arith.addf %add3A_716, %mul3A_774 : vector<16xf32>
        %get3A_776 = arith.constant 5 : i32
        %get3A_777 = arith.index_cast %get3A_776 : i32 to index
        %get3A_778 = arith.index_cast %mul3A_729 : i32 to index
        %get3A_779 = tpu.vector_load %arg13[%get3A_777, %get3A_778] {strides = array<i32>} : memref<6x4096xf32, #tpu.memory_space<vmem>>, vector<1x16xf32>,
        %get3A_780 = vector.shape_cast %get3A_779 : vector<1x16xf32> to vector<16xf32>
        %mul3A_781 = arith.mulf %gather3A_735, %get3A_780 : vector<16xf32>
        %add3A_782 = arith.addf %add3A_723, %mul3A_781 : vector<16xf32>
        scf.yield %add3A_740, %add3A_747, %add3A_754, %add3A_761, %add3A_768, %add3A_775, %add3A_782 : vector<16xf32>, vector<16xf32>, vector<16xf32>, vector<16xf32>, vector<16xf32>, vector<16xf32>, vector<16xf32>
      }
      %scan3A_538 = arith.constant 64 : i32
      scf.yield %scan3A_537#0, %scan3A_537#1, %scan3A_537#2, %scan3A_537#3, %scan3A_537#4, %scan3A_537#5, %scan3A_537#6 : vector<16xf32>, vector<16xf32>, vector<16xf32>, vector<16xf32>, vector<16xf32>, vector<16xf32>, vector<16xf32>
    }
    %scan3A_64 = arith.constant 2 : i32
    %broadcast_in_dim3A_65 = vector.shape_cast %xor3A_28 : vector<16xi32> to vector<16x1xi32>
    %gather3A = vector.shape_cast %broadcast_in_dim3A_65 : vector<16x1xi32> to vector<16xi32>
    %gather3A_66 = tpu.dynamic_gather %scan3A_63#0[%gather3A] in [0] : vector<16xf32>, vector<16xi32> -> vector<16xf32>
    %add3A_67 = arith.addf %scan3A_63#0, %gather3A_66 : vector<16xf32>
    %broadcast_in_dim3A_68 = vector.shape_cast %xor3A_31 : vector<16xi32> to vector<16x1xi32>
    %gather3A_69 = vector.shape_cast %broadcast_in_dim3A_68 : vector<16x1xi32> to vector<16xi32>
    %gather3A_70 = tpu.dynamic_gather %add3A_67[%gather3A_69] in [0] : vector<16xf32>, vector<16xi32> -> vector<16xf32>
    %add3A_71 = arith.addf %add3A_67, %gather3A_70 : vector<16xf32>
    %broadcast_in_dim3A_72 = vector.shape_cast %xor3A_34 : vector<16xi32> to vector<16x1xi32>
    %gather3A_73 = vector.shape_cast %broadcast_in_dim3A_72 : vector<16x1xi32> to vector<16xi32>
    %gather3A_74 = tpu.dynamic_gather %add3A_71[%gather3A_73] in [0] : vector<16xf32>, vector<16xi32> -> vector<16xf32>
    %add3A_75 = arith.addf %add3A_71, %gather3A_74 : vector<16xf32>
    %broadcast_in_dim3A_76 = vector.shape_cast %xor3A_37 : vector<16xi32> to vector<16x1xi32>
    %gather3A_77 = vector.shape_cast %broadcast_in_dim3A_76 : vector<16x1xi32> to vector<16xi32>
    %gather3A_78 = tpu.dynamic_gather %add3A_75[%gather3A_77] in [0] : vector<16xf32>, vector<16xi32> -> vector<16xf32>
    %add3A_79 = arith.addf %add3A_75, %gather3A_78 : vector<16xf32>
    %select_n3A = arith.select %eq3A_8, %scan3A_63#1, %scan3A_63#2 : vector<16xi1>, vector<16xf32>
    %select_n3A_80 = arith.select %eq3A_8, %scan3A_63#2, %scan3A_63#1 : vector<16xi1>, vector<16xf32>
    %broadcast_in_dim3A_81 = vector.shape_cast %xor3A_28 : vector<16xi32> to vector<16x1xi32>
    %gather3A_82 = vector.shape_cast %broadcast_in_dim3A_81 : vector<16x1xi32> to vector<16xi32>
    %gather3A_83 = tpu.dynamic_gather %select_n3A_80[%gather3A_82] in [0] : vector<16xf32>, vector<16xi32> -> vector<16xf32>
    %add3A_84 = arith.addf %select_n3A, %gather3A_83 : vector<16xf32>
    %select_n3A_85 = arith.select %eq3A_8, %scan3A_63#3, %scan3A_63#4 : vector<16xi1>, vector<16xf32>
    %select_n3A_86 = arith.select %eq3A_8, %scan3A_63#4, %scan3A_63#3 : vector<16xi1>, vector<16xf32>
    %broadcast_in_dim3A_87 = vector.shape_cast %xor3A_28 : vector<16xi32> to vector<16x1xi32>
    %gather3A_88 = vector.shape_cast %broadcast_in_dim3A_87 : vector<16x1xi32> to vector<16xi32>
    %gather3A_89 = tpu.dynamic_gather %select_n3A_86[%gather3A_88] in [0] : vector<16xf32>, vector<16xi32> -> vector<16xf32>
    %add3A_90 = arith.addf %select_n3A_85, %gather3A_89 : vector<16xf32>
    %select_n3A_91 = arith.select %eq3A_8, %scan3A_63#5, %scan3A_63#6 : vector<16xi1>, vector<16xf32>
    %select_n3A_92 = arith.select %eq3A_8, %scan3A_63#6, %scan3A_63#5 : vector<16xi1>, vector<16xf32>
    %broadcast_in_dim3A_93 = vector.shape_cast %xor3A_28 : vector<16xi32> to vector<16x1xi32>
    %gather3A_94 = vector.shape_cast %broadcast_in_dim3A_93 : vector<16x1xi32> to vector<16xi32>
    %gather3A_95 = tpu.dynamic_gather %select_n3A_92[%gather3A_94] in [0] : vector<16xf32>, vector<16xi32> -> vector<16xf32>
    %add3A_96 = arith.addf %select_n3A_91, %gather3A_95 : vector<16xf32>
    %select_n3A_97 = arith.select %eq3A_8, %broadcast_in_dim3A_38, %broadcast_in_dim3A_38 : vector<16xi1>, vector<16xf32>
    %select_n3A_98 = arith.select %eq3A_8, %broadcast_in_dim3A_38, %broadcast_in_dim3A_38 : vector<16xi1>, vector<16xf32>
    %broadcast_in_dim3A_99 = vector.shape_cast %xor3A_28 : vector<16xi32> to vector<16x1xi32>
    %gather3A_100 = vector.shape_cast %broadcast_in_dim3A_99 : vector<16x1xi32> to vector<16xi32>
    %gather3A_101 = tpu.dynamic_gather %select_n3A_98[%gather3A_100] in [0] : vector<16xf32>, vector<16xi32> -> vector<16xf32>
    %add3A_102 = arith.addf %select_n3A_97, %gather3A_101 : vector<16xf32>
    %select_n3A_103 = arith.select %eq3A_14, %add3A_84, %add3A_90 : vector<16xi1>, vector<16xf32>
    %select_n3A_104 = arith.select %eq3A_14, %add3A_90, %add3A_84 : vector<16xi1>, vector<16xf32>
    %broadcast_in_dim3A_105 = vector.shape_cast %xor3A_31 : vector<16xi32> to vector<16x1xi32>
    %gather3A_106 = vector.shape_cast %broadcast_in_dim3A_105 : vector<16x1xi32> to vector<16xi32>
    %gather3A_107 = tpu.dynamic_gather %select_n3A_104[%gather3A_106] in [0] : vector<16xf32>, vector<16xi32> -> vector<16xf32>
    %add3A_108 = arith.addf %select_n3A_103, %gather3A_107 : vector<16xf32>
    %select_n3A_109 = arith.select %eq3A_14, %add3A_96, %add3A_102 : vector<16xi1>, vector<16xf32>
    %select_n3A_110 = arith.select %eq3A_14, %add3A_102, %add3A_96 : vector<16xi1>, vector<16xf32>
    %broadcast_in_dim3A_111 = vector.shape_cast %xor3A_31 : vector<16xi32> to vector<16x1xi32>
    %gather3A_112 = vector.shape_cast %broadcast_in_dim3A_111 : vector<16x1xi32> to vector<16xi32>
    %gather3A_113 = tpu.dynamic_gather %select_n3A_110[%gather3A_112] in [0] : vector<16xf32>, vector<16xi32> -> vector<16xf32>
    %add3A_114 = arith.addf %select_n3A_109, %gather3A_113 : vector<16xf32>
    %select_n3A_115 = arith.select %eq3A_20, %add3A_108, %add3A_114 : vector<16xi1>, vector<16xf32>
    %select_n3A_116 = arith.select %eq3A_20, %add3A_114, %add3A_108 : vector<16xi1>, vector<16xf32>
    %broadcast_in_dim3A_117 = vector.shape_cast %xor3A_34 : vector<16xi32> to vector<16x1xi32>
    %gather3A_118 = vector.shape_cast %broadcast_in_dim3A_117 : vector<16x1xi32> to vector<16xi32>
    %gather3A_119 = tpu.dynamic_gather %select_n3A_116[%gather3A_118] in [0] : vector<16xf32>, vector<16xi32> -> vector<16xf32>
    %add3A_120 = arith.addf %select_n3A_115, %gather3A_119 : vector<16xf32>
    %sub3A = arith.subf %add3A_79, %add3A_120 : vector<16xf32>
    %abs3A = math.absf %sub3A : vector<16xf32>
    %abs3A_121 = math.absf %add3A_120 : vector<16xf32>
    %mul3A_122 = arith.constant 9.99999974E-6 : f32
    %mul3A_123 = vector.broadcast %mul3A_122 : f32 to vector<16xf32>
    %mul3A_124 = arith.mulf %mul3A_123, %abs3A_121 : vector<16xf32>
    %add3A_125 = arith.constant 9.99999993E-9 : f32
    %add3A_126 = vector.broadcast %add3A_125 : f32 to vector<16xf32>
    %add3A_127 = arith.addf %add3A_126, %mul3A_124 : vector<16xf32>
    %le3A = arith.cmpf ole, %abs3A, %add3A_127 : vector<16xf32>
    %jit3A = arith.constant 1 : i32
    %jit3A_128 = arith.constant 0 : i32
    %broadcast_in_dim3A_129 = vector.broadcast %jit3A : i32 to vector<16xi32>
    %broadcast_in_dim3A_130 = vector.broadcast %jit3A_128 : i32 to vector<16xi32>
    %select_n3A_131 = arith.select %le3A, %broadcast_in_dim3A_129, %broadcast_in_dim3A_130 : vector<16xi1>, vector<16xi32>
    %swap3A = arith.constant 0 : i32
    %swap3A_132 = arith.index_cast %swap3A : i32 to index
    %swap3A_133 = arith.constant 0 : index
    %swap3A_134 = tpu.vector_load %arg14[%swap3A_132, %swap3A_133] {strides = array<i32>} : memref<4x16xi32, #tpu.memory_space<vmem>>, vector<1x16xi32>,
    %swap3A_135 = vector.shape_cast %swap3A_134 : vector<1x16xi32> to vector<16xi32>
    %swap3A_136 = vector.shape_cast %select_n3A_131 : vector<16xi32> to vector<1x16xi32>
    tpu.vector_store %arg14[%swap3A_132, %swap3A_133], %swap3A_136 {strides = array<i32>} : memref<4x16xi32, #tpu.memory_space<vmem>>, vector<1x16xi32>,
    %add3A_137 = arith.constant 1 : i32
    %add3A_138 = arith.addi %mul3A_2, %add3A_137 : i32
    %scan3A_139 = arith.constant 0 : i32
    %scan3A_140 = arith.constant 2 : i32
    %scan3A_141 = arith.addi %scan3A_139, %scan3A_140 : i32
    %scan3A_142 = arith.constant 1 : i32
    %scan3A_143:7 = scf.for %scan3A_398 = %scan3A_139 to %scan3A_141 step %scan3A_142 iter_args(%scan3A_399 = %broadcast_in_dim3A_38, %scan3A_400 = %broadcast_in_dim3A_38, %scan3A_401 = %broadcast_in_dim3A_38, %scan3A_402 = %broadcast_in_dim3A_38, %scan3A_403 = %broadcast_in_dim3A_38, %scan3A_404 = %broadcast_in_dim3A_38, %scan3A_405 = %broadcast_in_dim3A_38) -> (vector<16xf32>, vector<16xf32>, vector<16xf32>, vector<16xf32>, vector<16xf32>, vector<16xf32>, vector<16xf32>)  : i32 {
      %mul3A_406 = arith.constant 2 : i32
      %mul3A_407 = arith.muli %mul3A_406, %scan3A_398 : i32
      %add3A_408 = arith.constant 1 : i32
      %add3A_409 = arith.addi %mul3A_407, %add3A_408 : i32
      %mul3A_410 = arith.constant 4096 : i32
      %mul3A_411 = arith.muli %add3A_409, %mul3A_410 : i32
      %dma_start3A_412 = tpu.memref_slice %arg4[%add3A_138, %mul3A_411] : memref<128x16384xi32, #tpu.memory_space<hbm>> -> memref<1x4096xi32, #tpu.memory_space<hbm>>
      %dma_start3A_413 = tpu.memref_squeeze %dma_start3A_412 : memref<1x4096xi32, #tpu.memory_space<hbm>> -> memref<4096xi32, #tpu.memory_space<hbm>>
      %dma_start3A_414 = tpu.memref_slice %arg4[%add3A_138, %mul3A_411] : memref<128x16384xi32, #tpu.memory_space<hbm>> -> memref<1x4096xi32, #tpu.memory_space<hbm>>
      %dma_start3A_415 = tpu.memref_squeeze %dma_start3A_414 : memref<1x4096xi32, #tpu.memory_space<hbm>> -> memref<4096xi32, #tpu.memory_space<hbm>>
      tpu.enqueue_dma source(%dma_start3A_415 : memref<4096xi32, #tpu.memory_space<hbm>>) target(%arg9 : memref<4096xi32, #tpu.memory_space<vmem>>) target_semaphore(%arg16 : memref<!tpu.dma_semaphore, #tpu.memory_space<semaphore_mem>>)
      %dma_start3A_416 = tpu.memref_slice %arg3[%add3A_138, %mul3A_411] : memref<128x16384xf32, #tpu.memory_space<hbm>> -> memref<1x4096xf32, #tpu.memory_space<hbm>>
      %dma_start3A_417 = tpu.memref_squeeze %dma_start3A_416 : memref<1x4096xf32, #tpu.memory_space<hbm>> -> memref<4096xf32, #tpu.memory_space<hbm>>
      %dma_start3A_418 = tpu.memref_slice %arg3[%add3A_138, %mul3A_411] : memref<128x16384xf32, #tpu.memory_space<hbm>> -> memref<1x4096xf32, #tpu.memory_space<hbm>>
      %dma_start3A_419 = tpu.memref_squeeze %dma_start3A_418 : memref<1x4096xf32, #tpu.memory_space<hbm>> -> memref<4096xf32, #tpu.memory_space<hbm>>
      tpu.enqueue_dma source(%dma_start3A_419 : memref<4096xf32, #tpu.memory_space<hbm>>) target(%arg11 : memref<4096xf32, #tpu.memory_space<vmem>>) target_semaphore(%arg16 : memref<!tpu.dma_semaphore, #tpu.memory_space<semaphore_mem>>)
      %dma_start3A_420 = arith.constant 10 : i32
      %dma_start3A_421 = tpu.memref_slice %arg2[%dma_start3A_420, %add3A_138, %mul3A_411] : memref<16x128x16384xf32, #tpu.memory_space<hbm>> -> memref<6x1x4096xf32, #tpu.memory_space<hbm>>
      %dma_start3A_422 = tpu.memref_squeeze %dma_start3A_421 : memref<6x1x4096xf32, #tpu.memory_space<hbm>> -> memref<6x4096xf32, #tpu.memory_space<hbm>>
      %dma_start3A_423 = arith.constant 10 : i32
      %dma_start3A_424 = tpu.memref_slice %arg2[%dma_start3A_423, %add3A_138, %mul3A_411] : memref<16x128x16384xf32, #tpu.memory_space<hbm>> -> memref<6x1x4096xf32, #tpu.memory_space<hbm>>
      %dma_start3A_425 = tpu.memref_squeeze %dma_start3A_424 : memref<6x1x4096xf32, #tpu.memory_space<hbm>> -> memref<6x4096xf32, #tpu.memory_space<hbm>>
      tpu.enqueue_dma source(%dma_start3A_425 : memref<6x4096xf32, #tpu.memory_space<hbm>>) target(%arg13 : memref<6x4096xf32, #tpu.memory_space<vmem>>) target_semaphore(%arg16 : memref<!tpu.dma_semaphore, #tpu.memory_space<semaphore_mem>>)
      %dma_wait3A = arith.constant 0 : i32
      %dma_wait3A_426 = arith.constant 0 : i32
      %dma_wait3A_427 = tpu.memref_slice %arg4[%dma_wait3A, %dma_wait3A_426] : memref<128x16384xi32, #tpu.memory_space<hbm>> -> memref<1x4096xi32, #tpu.memory_space<hbm>>
      %dma_wait3A_428 = tpu.memref_squeeze %dma_wait3A_427 : memref<1x4096xi32, #tpu.memory_space<hbm>> -> memref<4096xi32, #tpu.memory_space<hbm>>
      %dma_wait3A_429 = arith.constant 0 : i32
      %dma_wait3A_430 = tpu.memref_slice %arg4[%dma_wait3A, %dma_wait3A_429] : memref<128x16384xi32, #tpu.memory_space<hbm>> -> memref<1x4096xi32, #tpu.memory_space<hbm>>
      %dma_wait3A_431 = tpu.memref_squeeze %dma_wait3A_430 : memref<1x4096xi32, #tpu.memory_space<hbm>> -> memref<4096xi32, #tpu.memory_space<hbm>>
      tpu.wait_dma2 semaphore(%arg15 : memref<!tpu.dma_semaphore, #tpu.memory_space<semaphore_mem>>) src(%dma_wait3A_431 : memref<4096xi32, #tpu.memory_space<hbm>>) dst(%arg8 : memref<4096xi32, #tpu.memory_space<vmem>>)
      %dma_wait3A_432 = arith.constant 0 : i32
      %dma_wait3A_433 = arith.constant 0 : i32
      %dma_wait3A_434 = tpu.memref_slice %arg3[%dma_wait3A_432, %dma_wait3A_433] : memref<128x16384xf32, #tpu.memory_space<hbm>> -> memref<1x4096xf32, #tpu.memory_space<hbm>>
      %dma_wait3A_435 = tpu.memref_squeeze %dma_wait3A_434 : memref<1x4096xf32, #tpu.memory_space<hbm>> -> memref<4096xf32, #tpu.memory_space<hbm>>
      %dma_wait3A_436 = arith.constant 0 : i32
      %dma_wait3A_437 = tpu.memref_slice %arg3[%dma_wait3A_432, %dma_wait3A_436] : memref<128x16384xf32, #tpu.memory_space<hbm>> -> memref<1x4096xf32, #tpu.memory_space<hbm>>
      %dma_wait3A_438 = tpu.memref_squeeze %dma_wait3A_437 : memref<1x4096xf32, #tpu.memory_space<hbm>> -> memref<4096xf32, #tpu.memory_space<hbm>>
      tpu.wait_dma2 semaphore(%arg15 : memref<!tpu.dma_semaphore, #tpu.memory_space<semaphore_mem>>) src(%dma_wait3A_438 : memref<4096xf32, #tpu.memory_space<hbm>>) dst(%arg10 : memref<4096xf32, #tpu.memory_space<vmem>>)
      %dma_wait3A_439 = arith.constant 0 : i32
      %dma_wait3A_440 = arith.constant 10 : i32
      %dma_wait3A_441 = arith.constant 0 : i32
      %dma_wait3A_442 = tpu.memref_slice %arg2[%dma_wait3A_440, %dma_wait3A_439, %dma_wait3A_441] : memref<16x128x16384xf32, #tpu.memory_space<hbm>> -> memref<6x1x4096xf32, #tpu.memory_space<hbm>>
      %dma_wait3A_443 = tpu.memref_squeeze %dma_wait3A_442 : memref<6x1x4096xf32, #tpu.memory_space<hbm>> -> memref<6x4096xf32, #tpu.memory_space<hbm>>
      %dma_wait3A_444 = arith.constant 10 : i32
      %dma_wait3A_445 = arith.constant 0 : i32
      %dma_wait3A_446 = tpu.memref_slice %arg2[%dma_wait3A_444, %dma_wait3A_439, %dma_wait3A_445] : memref<16x128x16384xf32, #tpu.memory_space<hbm>> -> memref<6x1x4096xf32, #tpu.memory_space<hbm>>
      %dma_wait3A_447 = tpu.memref_squeeze %dma_wait3A_446 : memref<6x1x4096xf32, #tpu.memory_space<hbm>> -> memref<6x4096xf32, #tpu.memory_space<hbm>>
      tpu.wait_dma2 semaphore(%arg15 : memref<!tpu.dma_semaphore, #tpu.memory_space<semaphore_mem>>) src(%dma_wait3A_447 : memref<6x4096xf32, #tpu.memory_space<hbm>>) dst(%arg12 : memref<6x4096xf32, #tpu.memory_space<vmem>>)
      %scan3A_448 = arith.constant 0 : i32
      %scan3A_449 = arith.constant 64 : i32
      %scan3A_450 = arith.addi %scan3A_448, %scan3A_449 : i32
      %scan3A_451 = arith.constant 1 : i32
      %scan3A_452:7 = scf.for %scan3A_539 = %scan3A_448 to %scan3A_450 step %scan3A_451 iter_args(%scan3A_540 = %scan3A_399, %scan3A_541 = %scan3A_400, %scan3A_542 = %scan3A_401, %scan3A_543 = %scan3A_402, %scan3A_544 = %scan3A_403, %scan3A_545 = %scan3A_404, %scan3A_546 = %scan3A_405) -> (vector<16xf32>, vector<16xf32>, vector<16xf32>, vector<16xf32>, vector<16xf32>, vector<16xf32>, vector<16xf32>)  : i32 {
        %mul3A_547 = arith.constant 4 : i32
        %mul3A_548 = arith.muli %scan3A_539, %mul3A_547 : i32
        %add3A_549 = arith.constant 0 : i32
        %add3A_550 = arith.addi %mul3A_548, %add3A_549 : i32
        %mul3A_551 = arith.constant 16 : i32
        %mul3A_552 = arith.muli %add3A_550, %mul3A_551 : i32
        %get3A_553 = arith.index_cast %mul3A_552 : i32 to index
        %get3A_554 = tpu.vector_load %arg8[%get3A_553] {strides = array<i32>} : memref<4096xi32, #tpu.memory_space<vmem>>, vector<16xi32>,
        %get3A_555 = vector.shape_cast %get3A_554 : vector<16xi32> to vector<16xi32>
        %broadcast_in_dim3A_556 = vector.shape_cast %get3A_555 : vector<16xi32> to vector<16x1xi32>
        %gather3A_557 = vector.shape_cast %broadcast_in_dim3A_556 : vector<16x1xi32> to vector<16xi32>
        %gather3A_558 = tpu.dynamic_gather %get3A_4[%gather3A_557] in [0] : vector<16xf32>, vector<16xi32> -> vector<16xf32>
        %get3A_559 = arith.index_cast %mul3A_552 : i32 to index
        %get3A_560 = tpu.vector_load %arg10[%get3A_559] {strides = array<i32>} : memref<4096xf32, #tpu.memory_space<vmem>>, vector<16xf32>,
        %get3A_561 = vector.shape_cast %get3A_560 : vector<16xf32> to vector<16xf32>
        %mul3A_562 = arith.mulf %gather3A_558, %get3A_561 : vector<16xf32>
        %add3A_563 = arith.addf %scan3A_540, %mul3A_562 : vector<16xf32>
        %get3A_564 = arith.constant 0 : i32
        %get3A_565 = arith.index_cast %get3A_564 : i32 to index
        %get3A_566 = arith.index_cast %mul3A_552 : i32 to index
        %get3A_567 = tpu.vector_load %arg12[%get3A_565, %get3A_566] {strides = array<i32>} : memref<6x4096xf32, #tpu.memory_space<vmem>>, vector<1x16xf32>,
        %get3A_568 = vector.shape_cast %get3A_567 : vector<1x16xf32> to vector<16xf32>
        %mul3A_569 = arith.mulf %gather3A_558, %get3A_568 : vector<16xf32>
        %add3A_570 = arith.addf %scan3A_541, %mul3A_569 : vector<16xf32>
        %get3A_571 = arith.constant 1 : i32
        %get3A_572 = arith.index_cast %get3A_571 : i32 to index
        %get3A_573 = arith.index_cast %mul3A_552 : i32 to index
        %get3A_574 = tpu.vector_load %arg12[%get3A_572, %get3A_573] {strides = array<i32>} : memref<6x4096xf32, #tpu.memory_space<vmem>>, vector<1x16xf32>,
        %get3A_575 = vector.shape_cast %get3A_574 : vector<1x16xf32> to vector<16xf32>
        %mul3A_576 = arith.mulf %gather3A_558, %get3A_575 : vector<16xf32>
        %add3A_577 = arith.addf %scan3A_542, %mul3A_576 : vector<16xf32>
        %get3A_578 = arith.constant 2 : i32
        %get3A_579 = arith.index_cast %get3A_578 : i32 to index
        %get3A_580 = arith.index_cast %mul3A_552 : i32 to index
        %get3A_581 = tpu.vector_load %arg12[%get3A_579, %get3A_580] {strides = array<i32>} : memref<6x4096xf32, #tpu.memory_space<vmem>>, vector<1x16xf32>,
        %get3A_582 = vector.shape_cast %get3A_581 : vector<1x16xf32> to vector<16xf32>
        %mul3A_583 = arith.mulf %gather3A_558, %get3A_582 : vector<16xf32>
        %add3A_584 = arith.addf %scan3A_543, %mul3A_583 : vector<16xf32>
        %get3A_585 = arith.constant 3 : i32
        %get3A_586 = arith.index_cast %get3A_585 : i32 to index
        %get3A_587 = arith.index_cast %mul3A_552 : i32 to index
        %get3A_588 = tpu.vector_load %arg12[%get3A_586, %get3A_587] {strides = array<i32>} : memref<6x4096xf32, #tpu.memory_space<vmem>>, vector<1x16xf32>,
        %get3A_589 = vector.shape_cast %get3A_588 : vector<1x16xf32> to vector<16xf32>
        %mul3A_590 = arith.mulf %gather3A_558, %get3A_589 : vector<16xf32>
        %add3A_591 = arith.addf %scan3A_544, %mul3A_590 : vector<16xf32>
        %get3A_592 = arith.constant 4 : i32
        %get3A_593 = arith.index_cast %get3A_592 : i32 to index
        %get3A_594 = arith.index_cast %mul3A_552 : i32 to index
        %get3A_595 = tpu.vector_load %arg12[%get3A_593, %get3A_594] {strides = array<i32>} : memref<6x4096xf32, #tpu.memory_space<vmem>>, vector<1x16xf32>,
        %get3A_596 = vector.shape_cast %get3A_595 : vector<1x16xf32> to vector<16xf32>
        %mul3A_597 = arith.mulf %gather3A_558, %get3A_596 : vector<16xf32>
        %add3A_598 = arith.addf %scan3A_545, %mul3A_597 : vector<16xf32>
        %get3A_599 = arith.constant 5 : i32
        %get3A_600 = arith.index_cast %get3A_599 : i32 to index
        %get3A_601 = arith.index_cast %mul3A_552 : i32 to index
        %get3A_602 = tpu.vector_load %arg12[%get3A_600, %get3A_601] {strides = array<i32>} : memref<6x4096xf32, #tpu.memory_space<vmem>>, vector<1x16xf32>,
        %get3A_603 = vector.shape_cast %get3A_602 : vector<1x16xf32> to vector<16xf32>
        %mul3A_604 = arith.mulf %gather3A_558, %get3A_603 : vector<16xf32>
        %add3A_605 = arith.addf %scan3A_546, %mul3A_604 : vector<16xf32>
        %mul3A_606 = arith.constant 4 : i32
        %mul3A_607 = arith.muli %scan3A_539, %mul3A_606 : i32
        %add3A_608 = arith.constant 1 : i32
        %add3A_609 = arith.addi %mul3A_607, %add3A_608 : i32
        %mul3A_610 = arith.constant 16 : i32
        %mul3A_611 = arith.muli %add3A_609, %mul3A_610 : i32
        %get3A_612 = arith.index_cast %mul3A_611 : i32 to index
        %get3A_613 = tpu.vector_load %arg8[%get3A_612] {strides = array<i32>} : memref<4096xi32, #tpu.memory_space<vmem>>, vector<16xi32>,
        %get3A_614 = vector.shape_cast %get3A_613 : vector<16xi32> to vector<16xi32>
        %broadcast_in_dim3A_615 = vector.shape_cast %get3A_614 : vector<16xi32> to vector<16x1xi32>
        %gather3A_616 = vector.shape_cast %broadcast_in_dim3A_615 : vector<16x1xi32> to vector<16xi32>
        %gather3A_617 = tpu.dynamic_gather %get3A_4[%gather3A_616] in [0] : vector<16xf32>, vector<16xi32> -> vector<16xf32>
        %get3A_618 = arith.index_cast %mul3A_611 : i32 to index
        %get3A_619 = tpu.vector_load %arg10[%get3A_618] {strides = array<i32>} : memref<4096xf32, #tpu.memory_space<vmem>>, vector<16xf32>,
        %get3A_620 = vector.shape_cast %get3A_619 : vector<16xf32> to vector<16xf32>
        %mul3A_621 = arith.mulf %gather3A_617, %get3A_620 : vector<16xf32>
        %add3A_622 = arith.addf %add3A_563, %mul3A_621 : vector<16xf32>
        %get3A_623 = arith.constant 0 : i32
        %get3A_624 = arith.index_cast %get3A_623 : i32 to index
        %get3A_625 = arith.index_cast %mul3A_611 : i32 to index
        %get3A_626 = tpu.vector_load %arg12[%get3A_624, %get3A_625] {strides = array<i32>} : memref<6x4096xf32, #tpu.memory_space<vmem>>, vector<1x16xf32>,
        %get3A_627 = vector.shape_cast %get3A_626 : vector<1x16xf32> to vector<16xf32>
        %mul3A_628 = arith.mulf %gather3A_617, %get3A_627 : vector<16xf32>
        %add3A_629 = arith.addf %add3A_570, %mul3A_628 : vector<16xf32>
        %get3A_630 = arith.constant 1 : i32
        %get3A_631 = arith.index_cast %get3A_630 : i32 to index
        %get3A_632 = arith.index_cast %mul3A_611 : i32 to index
        %get3A_633 = tpu.vector_load %arg12[%get3A_631, %get3A_632] {strides = array<i32>} : memref<6x4096xf32, #tpu.memory_space<vmem>>, vector<1x16xf32>,
        %get3A_634 = vector.shape_cast %get3A_633 : vector<1x16xf32> to vector<16xf32>
        %mul3A_635 = arith.mulf %gather3A_617, %get3A_634 : vector<16xf32>
        %add3A_636 = arith.addf %add3A_577, %mul3A_635 : vector<16xf32>
        %get3A_637 = arith.constant 2 : i32
        %get3A_638 = arith.index_cast %get3A_637 : i32 to index
        %get3A_639 = arith.index_cast %mul3A_611 : i32 to index
        %get3A_640 = tpu.vector_load %arg12[%get3A_638, %get3A_639] {strides = array<i32>} : memref<6x4096xf32, #tpu.memory_space<vmem>>, vector<1x16xf32>,
        %get3A_641 = vector.shape_cast %get3A_640 : vector<1x16xf32> to vector<16xf32>
        %mul3A_642 = arith.mulf %gather3A_617, %get3A_641 : vector<16xf32>
        %add3A_643 = arith.addf %add3A_584, %mul3A_642 : vector<16xf32>
        %get3A_644 = arith.constant 3 : i32
        %get3A_645 = arith.index_cast %get3A_644 : i32 to index
        %get3A_646 = arith.index_cast %mul3A_611 : i32 to index
        %get3A_647 = tpu.vector_load %arg12[%get3A_645, %get3A_646] {strides = array<i32>} : memref<6x4096xf32, #tpu.memory_space<vmem>>, vector<1x16xf32>,
        %get3A_648 = vector.shape_cast %get3A_647 : vector<1x16xf32> to vector<16xf32>
        %mul3A_649 = arith.mulf %gather3A_617, %get3A_648 : vector<16xf32>
        %add3A_650 = arith.addf %add3A_591, %mul3A_649 : vector<16xf32>
        %get3A_651 = arith.constant 4 : i32
        %get3A_652 = arith.index_cast %get3A_651 : i32 to index
        %get3A_653 = arith.index_cast %mul3A_611 : i32 to index
        %get3A_654 = tpu.vector_load %arg12[%get3A_652, %get3A_653] {strides = array<i32>} : memref<6x4096xf32, #tpu.memory_space<vmem>>, vector<1x16xf32>,
        %get3A_655 = vector.shape_cast %get3A_654 : vector<1x16xf32> to vector<16xf32>
        %mul3A_656 = arith.mulf %gather3A_617, %get3A_655 : vector<16xf32>
        %add3A_657 = arith.addf %add3A_598, %mul3A_656 : vector<16xf32>
        %get3A_658 = arith.constant 5 : i32
        %get3A_659 = arith.index_cast %get3A_658 : i32 to index
        %get3A_660 = arith.index_cast %mul3A_611 : i32 to index
        %get3A_661 = tpu.vector_load %arg12[%get3A_659, %get3A_660] {strides = array<i32>} : memref<6x4096xf32, #tpu.memory_space<vmem>>, vector<1x16xf32>,
        %get3A_662 = vector.shape_cast %get3A_661 : vector<1x16xf32> to vector<16xf32>
        %mul3A_663 = arith.mulf %gather3A_617, %get3A_662 : vector<16xf32>
        %add3A_664 = arith.addf %add3A_605, %mul3A_663 : vector<16xf32>
        %mul3A_665 = arith.constant 4 : i32
        %mul3A_666 = arith.muli %scan3A_539, %mul3A_665 : i32
        %add3A_667 = arith.constant 2 : i32
        %add3A_668 = arith.addi %mul3A_666, %add3A_667 : i32
        %mul3A_669 = arith.constant 16 : i32
        %mul3A_670 = arith.muli %add3A_668, %mul3A_669 : i32
        %get3A_671 = arith.index_cast %mul3A_670 : i32 to index
        %get3A_672 = tpu.vector_load %arg8[%get3A_671] {strides = array<i32>} : memref<4096xi32, #tpu.memory_space<vmem>>, vector<16xi32>,
        %get3A_673 = vector.shape_cast %get3A_672 : vector<16xi32> to vector<16xi32>
        %broadcast_in_dim3A_674 = vector.shape_cast %get3A_673 : vector<16xi32> to vector<16x1xi32>
        %gather3A_675 = vector.shape_cast %broadcast_in_dim3A_674 : vector<16x1xi32> to vector<16xi32>
        %gather3A_676 = tpu.dynamic_gather %get3A_4[%gather3A_675] in [0] : vector<16xf32>, vector<16xi32> -> vector<16xf32>
        %get3A_677 = arith.index_cast %mul3A_670 : i32 to index
        %get3A_678 = tpu.vector_load %arg10[%get3A_677] {strides = array<i32>} : memref<4096xf32, #tpu.memory_space<vmem>>, vector<16xf32>,
        %get3A_679 = vector.shape_cast %get3A_678 : vector<16xf32> to vector<16xf32>
        %mul3A_680 = arith.mulf %gather3A_676, %get3A_679 : vector<16xf32>
        %add3A_681 = arith.addf %add3A_622, %mul3A_680 : vector<16xf32>
        %get3A_682 = arith.constant 0 : i32
        %get3A_683 = arith.index_cast %get3A_682 : i32 to index
        %get3A_684 = arith.index_cast %mul3A_670 : i32 to index
        %get3A_685 = tpu.vector_load %arg12[%get3A_683, %get3A_684] {strides = array<i32>} : memref<6x4096xf32, #tpu.memory_space<vmem>>, vector<1x16xf32>,
        %get3A_686 = vector.shape_cast %get3A_685 : vector<1x16xf32> to vector<16xf32>
        %mul3A_687 = arith.mulf %gather3A_676, %get3A_686 : vector<16xf32>
        %add3A_688 = arith.addf %add3A_629, %mul3A_687 : vector<16xf32>
        %get3A_689 = arith.constant 1 : i32
        %get3A_690 = arith.index_cast %get3A_689 : i32 to index
        %get3A_691 = arith.index_cast %mul3A_670 : i32 to index
        %get3A_692 = tpu.vector_load %arg12[%get3A_690, %get3A_691] {strides = array<i32>} : memref<6x4096xf32, #tpu.memory_space<vmem>>, vector<1x16xf32>,
        %get3A_693 = vector.shape_cast %get3A_692 : vector<1x16xf32> to vector<16xf32>
        %mul3A_694 = arith.mulf %gather3A_676, %get3A_693 : vector<16xf32>
        %add3A_695 = arith.addf %add3A_636, %mul3A_694 : vector<16xf32>
        %get3A_696 = arith.constant 2 : i32
        %get3A_697 = arith.index_cast %get3A_696 : i32 to index
        %get3A_698 = arith.index_cast %mul3A_670 : i32 to index
        %get3A_699 = tpu.vector_load %arg12[%get3A_697, %get3A_698] {strides = array<i32>} : memref<6x4096xf32, #tpu.memory_space<vmem>>, vector<1x16xf32>,
        %get3A_700 = vector.shape_cast %get3A_699 : vector<1x16xf32> to vector<16xf32>
        %mul3A_701 = arith.mulf %gather3A_676, %get3A_700 : vector<16xf32>
        %add3A_702 = arith.addf %add3A_643, %mul3A_701 : vector<16xf32>
        %get3A_703 = arith.constant 3 : i32
        %get3A_704 = arith.index_cast %get3A_703 : i32 to index
        %get3A_705 = arith.index_cast %mul3A_670 : i32 to index
        %get3A_706 = tpu.vector_load %arg12[%get3A_704, %get3A_705] {strides = array<i32>} : memref<6x4096xf32, #tpu.memory_space<vmem>>, vector<1x16xf32>,
        %get3A_707 = vector.shape_cast %get3A_706 : vector<1x16xf32> to vector<16xf32>
        %mul3A_708 = arith.mulf %gather3A_676, %get3A_707 : vector<16xf32>
        %add3A_709 = arith.addf %add3A_650, %mul3A_708 : vector<16xf32>
        %get3A_710 = arith.constant 4 : i32
        %get3A_711 = arith.index_cast %get3A_710 : i32 to index
        %get3A_712 = arith.index_cast %mul3A_670 : i32 to index
        %get3A_713 = tpu.vector_load %arg12[%get3A_711, %get3A_712] {strides = array<i32>} : memref<6x4096xf32, #tpu.memory_space<vmem>>, vector<1x16xf32>,
        %get3A_714 = vector.shape_cast %get3A_713 : vector<1x16xf32> to vector<16xf32>
        %mul3A_715 = arith.mulf %gather3A_676, %get3A_714 : vector<16xf32>
        %add3A_716 = arith.addf %add3A_657, %mul3A_715 : vector<16xf32>
        %get3A_717 = arith.constant 5 : i32
        %get3A_718 = arith.index_cast %get3A_717 : i32 to index
        %get3A_719 = arith.index_cast %mul3A_670 : i32 to index
        %get3A_720 = tpu.vector_load %arg12[%get3A_718, %get3A_719] {strides = array<i32>} : memref<6x4096xf32, #tpu.memory_space<vmem>>, vector<1x16xf32>,
        %get3A_721 = vector.shape_cast %get3A_720 : vector<1x16xf32> to vector<16xf32>
        %mul3A_722 = arith.mulf %gather3A_676, %get3A_721 : vector<16xf32>
        %add3A_723 = arith.addf %add3A_664, %mul3A_722 : vector<16xf32>
        %mul3A_724 = arith.constant 4 : i32
        %mul3A_725 = arith.muli %scan3A_539, %mul3A_724 : i32
        %add3A_726 = arith.constant 3 : i32
        %add3A_727 = arith.addi %mul3A_725, %add3A_726 : i32
        %mul3A_728 = arith.constant 16 : i32
        %mul3A_729 = arith.muli %add3A_727, %mul3A_728 : i32
        %get3A_730 = arith.index_cast %mul3A_729 : i32 to index
        %get3A_731 = tpu.vector_load %arg8[%get3A_730] {strides = array<i32>} : memref<4096xi32, #tpu.memory_space<vmem>>, vector<16xi32>,
        %get3A_732 = vector.shape_cast %get3A_731 : vector<16xi32> to vector<16xi32>
        %broadcast_in_dim3A_733 = vector.shape_cast %get3A_732 : vector<16xi32> to vector<16x1xi32>
        %gather3A_734 = vector.shape_cast %broadcast_in_dim3A_733 : vector<16x1xi32> to vector<16xi32>
        %gather3A_735 = tpu.dynamic_gather %get3A_4[%gather3A_734] in [0] : vector<16xf32>, vector<16xi32> -> vector<16xf32>
        %get3A_736 = arith.index_cast %mul3A_729 : i32 to index
        %get3A_737 = tpu.vector_load %arg10[%get3A_736] {strides = array<i32>} : memref<4096xf32, #tpu.memory_space<vmem>>, vector<16xf32>,
        %get3A_738 = vector.shape_cast %get3A_737 : vector<16xf32> to vector<16xf32>
        %mul3A_739 = arith.mulf %gather3A_735, %get3A_738 : vector<16xf32>
        %add3A_740 = arith.addf %add3A_681, %mul3A_739 : vector<16xf32>
        %get3A_741 = arith.constant 0 : i32
        %get3A_742 = arith.index_cast %get3A_741 : i32 to index
        %get3A_743 = arith.index_cast %mul3A_729 : i32 to index
        %get3A_744 = tpu.vector_load %arg12[%get3A_742, %get3A_743] {strides = array<i32>} : memref<6x4096xf32, #tpu.memory_space<vmem>>, vector<1x16xf32>,
        %get3A_745 = vector.shape_cast %get3A_744 : vector<1x16xf32> to vector<16xf32>
        %mul3A_746 = arith.mulf %gather3A_735, %get3A_745 : vector<16xf32>
        %add3A_747 = arith.addf %add3A_688, %mul3A_746 : vector<16xf32>
        %get3A_748 = arith.constant 1 : i32
        %get3A_749 = arith.index_cast %get3A_748 : i32 to index
        %get3A_750 = arith.index_cast %mul3A_729 : i32 to index
        %get3A_751 = tpu.vector_load %arg12[%get3A_749, %get3A_750] {strides = array<i32>} : memref<6x4096xf32, #tpu.memory_space<vmem>>, vector<1x16xf32>,
        %get3A_752 = vector.shape_cast %get3A_751 : vector<1x16xf32> to vector<16xf32>
        %mul3A_753 = arith.mulf %gather3A_735, %get3A_752 : vector<16xf32>
        %add3A_754 = arith.addf %add3A_695, %mul3A_753 : vector<16xf32>
        %get3A_755 = arith.constant 2 : i32
        %get3A_756 = arith.index_cast %get3A_755 : i32 to index
        %get3A_757 = arith.index_cast %mul3A_729 : i32 to index
        %get3A_758 = tpu.vector_load %arg12[%get3A_756, %get3A_757] {strides = array<i32>} : memref<6x4096xf32, #tpu.memory_space<vmem>>, vector<1x16xf32>,
        %get3A_759 = vector.shape_cast %get3A_758 : vector<1x16xf32> to vector<16xf32>
        %mul3A_760 = arith.mulf %gather3A_735, %get3A_759 : vector<16xf32>
        %add3A_761 = arith.addf %add3A_702, %mul3A_760 : vector<16xf32>
        %get3A_762 = arith.constant 3 : i32
        %get3A_763 = arith.index_cast %get3A_762 : i32 to index
        %get3A_764 = arith.index_cast %mul3A_729 : i32 to index
        %get3A_765 = tpu.vector_load %arg12[%get3A_763, %get3A_764] {strides = array<i32>} : memref<6x4096xf32, #tpu.memory_space<vmem>>, vector<1x16xf32>,
        %get3A_766 = vector.shape_cast %get3A_765 : vector<1x16xf32> to vector<16xf32>
        %mul3A_767 = arith.mulf %gather3A_735, %get3A_766 : vector<16xf32>
        %add3A_768 = arith.addf %add3A_709, %mul3A_767 : vector<16xf32>
        %get3A_769 = arith.constant 4 : i32
        %get3A_770 = arith.index_cast %get3A_769 : i32 to index
        %get3A_771 = arith.index_cast %mul3A_729 : i32 to index
        %get3A_772 = tpu.vector_load %arg12[%get3A_770, %get3A_771] {strides = array<i32>} : memref<6x4096xf32, #tpu.memory_space<vmem>>, vector<1x16xf32>,
        %get3A_773 = vector.shape_cast %get3A_772 : vector<1x16xf32> to vector<16xf32>
        %mul3A_774 = arith.mulf %gather3A_735, %get3A_773 : vector<16xf32>
        %add3A_775 = arith.addf %add3A_716, %mul3A_774 : vector<16xf32>
        %get3A_776 = arith.constant 5 : i32
        %get3A_777 = arith.index_cast %get3A_776 : i32 to index
        %get3A_778 = arith.index_cast %mul3A_729 : i32 to index
        %get3A_779 = tpu.vector_load %arg12[%get3A_777, %get3A_778] {strides = array<i32>} : memref<6x4096xf32, #tpu.memory_space<vmem>>, vector<1x16xf32>,
        %get3A_780 = vector.shape_cast %get3A_779 : vector<1x16xf32> to vector<16xf32>
        %mul3A_781 = arith.mulf %gather3A_735, %get3A_780 : vector<16xf32>
        %add3A_782 = arith.addf %add3A_723, %mul3A_781 : vector<16xf32>
        scf.yield %add3A_740, %add3A_747, %add3A_754, %add3A_761, %add3A_768, %add3A_775, %add3A_782 : vector<16xf32>, vector<16xf32>, vector<16xf32>, vector<16xf32>, vector<16xf32>, vector<16xf32>, vector<16xf32>
      }
      %scan3A_453 = arith.constant 64 : i32
      %mul3A_454 = arith.constant 2 : i32
      %mul3A_455 = arith.muli %mul3A_454, %scan3A_398 : i32
      %add3A_456 = arith.constant 2 : i32
      %add3A_457 = arith.addi %mul3A_455, %add3A_456 : i32
      %jit3A_458 = arith.constant 4 : i32
      %div3A = arith.divsi %add3A_457, %jit3A_458 : i32
      %sign3A = arith.constant 0 : i32
      %sign3A_459 = arith.cmpi sgt, %add3A_457, %sign3A : i32
      %sign3A_460 = arith.extui %sign3A_459 : i1 to i32
      %sign3A_461 = arith.constant 0 : i32
      %sign3A_462 = arith.cmpi slt, %add3A_457, %sign3A_461 : i32
      %sign3A_463 = arith.extui %sign3A_462 : i1 to i32
      %sign3A_464 = arith.subi %sign3A_460, %sign3A_463 : i32
      %sign3A_465 = arith.constant 0 : i32
      %sign3A_466 = arith.cmpi sgt, %jit3A_458, %sign3A_465 : i32
      %sign3A_467 = arith.extui %sign3A_466 : i1 to i32
      %sign3A_468 = arith.constant 0 : i32
      %sign3A_469 = arith.cmpi slt, %jit3A_458, %sign3A_468 : i32
      %sign3A_470 = arith.extui %sign3A_469 : i1 to i32
      %sign3A_471 = arith.subi %sign3A_467, %sign3A_470 : i32
      %ne3A = arith.cmpi ne, %sign3A_464, %sign3A_471 : i32
      %rem3A = arith.remsi %add3A_457, %jit3A_458 : i32
      %ne3A_472 = arith.constant 0 : i32
      %ne3A_473 = arith.cmpi ne, %rem3A, %ne3A_472 : i32
      %and3A_474 = arith.andi %ne3A, %ne3A_473 : i1
      %sub3A_475 = arith.constant 1 : i32
      %sub3A_476 = arith.subi %div3A, %sub3A_475 : i32
      %select_n3A_477 = arith.select %and3A_474, %sub3A_476, %div3A : i32
      %add3A_478 = arith.addi %add3A_138, %select_n3A_477 : i32
      %jit3A_479 = arith.constant 4 : i32
      %eq3A_480 = arith.constant 0 : i32
      %eq3A_481 = arith.cmpi eq, %jit3A_479, %eq3A_480 : i32
      %jit3A_482 = arith.constant 1 : i32
      %select_n3A_483 = arith.select %eq3A_481, %jit3A_482, %jit3A_479 : i32
      %rem3A_484 = arith.remsi %add3A_457, %select_n3A_483 : i32
      %ne3A_485 = arith.constant 0 : i32
      %ne3A_486 = arith.cmpi ne, %rem3A_484, %ne3A_485 : i32
      %lt3A = arith.constant 0 : i32
      %lt3A_487 = arith.cmpi slt, %rem3A_484, %lt3A : i32
      %lt3A_488 = arith.constant 0 : i32
      %lt3A_489 = arith.cmpi slt, %select_n3A_483, %lt3A_488 : i32
      %ne3A_490 = arith.xori %lt3A_487, %lt3A_489 : i1
      %and3A_491 = arith.andi %ne3A_490, %ne3A_486 : i1
      %add3A_492 = arith.addi %rem3A_484, %select_n3A_483 : i32
      %select_n3A_493 = arith.select %and3A_491, %add3A_492, %rem3A_484 : i32
      %mul3A_494 = arith.constant 4096 : i32
      %mul3A_495 = arith.muli %select_n3A_493, %mul3A_494 : i32
      %dma_start3A_496 = tpu.memref_slice %arg4[%add3A_478, %mul3A_495] : memref<128x16384xi32, #tpu.memory_space<hbm>> -> memref<1x4096xi32, #tpu.memory_space<hbm>>
      %dma_start3A_497 = tpu.memref_squeeze %dma_start3A_496 : memref<1x4096xi32, #tpu.memory_space<hbm>> -> memref<4096xi32, #tpu.memory_space<hbm>>
      %dma_start3A_498 = tpu.memref_slice %arg4[%add3A_478, %mul3A_495] : memref<128x16384xi32, #tpu.memory_space<hbm>> -> memref<1x4096xi32, #tpu.memory_space<hbm>>
      %dma_start3A_499 = tpu.memref_squeeze %dma_start3A_498 : memref<1x4096xi32, #tpu.memory_space<hbm>> -> memref<4096xi32, #tpu.memory_space<hbm>>
      tpu.enqueue_dma source(%dma_start3A_499 : memref<4096xi32, #tpu.memory_space<hbm>>) target(%arg8 : memref<4096xi32, #tpu.memory_space<vmem>>) target_semaphore(%arg15 : memref<!tpu.dma_semaphore, #tpu.memory_space<semaphore_mem>>)
      %dma_start3A_500 = tpu.memref_slice %arg3[%add3A_478, %mul3A_495] : memref<128x16384xf32, #tpu.memory_space<hbm>> -> memref<1x4096xf32, #tpu.memory_space<hbm>>
      %dma_start3A_501 = tpu.memref_squeeze %dma_start3A_500 : memref<1x4096xf32, #tpu.memory_space<hbm>> -> memref<4096xf32, #tpu.memory_space<hbm>>
      %dma_start3A_502 = tpu.memref_slice %arg3[%add3A_478, %mul3A_495] : memref<128x16384xf32, #tpu.memory_space<hbm>> -> memref<1x4096xf32, #tpu.memory_space<hbm>>
      %dma_start3A_503 = tpu.memref_squeeze %dma_start3A_502 : memref<1x4096xf32, #tpu.memory_space<hbm>> -> memref<4096xf32, #tpu.memory_space<hbm>>
      tpu.enqueue_dma source(%dma_start3A_503 : memref<4096xf32, #tpu.memory_space<hbm>>) target(%arg10 : memref<4096xf32, #tpu.memory_space<vmem>>) target_semaphore(%arg15 : memref<!tpu.dma_semaphore, #tpu.memory_space<semaphore_mem>>)
      %dma_start3A_504 = arith.constant 10 : i32
      %dma_start3A_505 = tpu.memref_slice %arg2[%dma_start3A_504, %add3A_478, %mul3A_495] : memref<16x128x16384xf32, #tpu.memory_space<hbm>> -> memref<6x1x4096xf32, #tpu.memory_space<hbm>>
      %dma_start3A_506 = tpu.memref_squeeze %dma_start3A_505 : memref<6x1x4096xf32, #tpu.memory_space<hbm>> -> memref<6x4096xf32, #tpu.memory_space<hbm>>
      %dma_start3A_507 = arith.constant 10 : i32
      %dma_start3A_508 = tpu.memref_slice %arg2[%dma_start3A_507, %add3A_478, %mul3A_495] : memref<16x128x16384xf32, #tpu.memory_space<hbm>> -> memref<6x1x4096xf32, #tpu.memory_space<hbm>>
      %dma_start3A_509 = tpu.memref_squeeze %dma_start3A_508 : memref<6x1x4096xf32, #tpu.memory_space<hbm>> -> memref<6x4096xf32, #tpu.memory_space<hbm>>
      tpu.enqueue_dma source(%dma_start3A_509 : memref<6x4096xf32, #tpu.memory_space<hbm>>) target(%arg12 : memref<6x4096xf32, #tpu.memory_space<vmem>>) target_semaphore(%arg15 : memref<!tpu.dma_semaphore, #tpu.memory_space<semaphore_mem>>)
      %dma_wait3A_510 = arith.constant 0 : i32
      %dma_wait3A_511 = arith.constant 0 : i32
      %dma_wait3A_512 = tpu.memref_slice %arg4[%dma_wait3A_510, %dma_wait3A_511] : memref<128x16384xi32, #tpu.memory_space<hbm>> -> memref<1x4096xi32, #tpu.memory_space<hbm>>
      %dma_wait3A_513 = tpu.memref_squeeze %dma_wait3A_512 : memref<1x4096xi32, #tpu.memory_space<hbm>> -> memref<4096xi32, #tpu.memory_space<hbm>>
      %dma_wait3A_514 = arith.constant 0 : i32
      %dma_wait3A_515 = tpu.memref_slice %arg4[%dma_wait3A_510, %dma_wait3A_514] : memref<128x16384xi32, #tpu.memory_space<hbm>> -> memref<1x4096xi32, #tpu.memory_space<hbm>>
      %dma_wait3A_516 = tpu.memref_squeeze %dma_wait3A_515 : memref<1x4096xi32, #tpu.memory_space<hbm>> -> memref<4096xi32, #tpu.memory_space<hbm>>
      tpu.wait_dma2 semaphore(%arg16 : memref<!tpu.dma_semaphore, #tpu.memory_space<semaphore_mem>>) src(%dma_wait3A_516 : memref<4096xi32, #tpu.memory_space<hbm>>) dst(%arg9 : memref<4096xi32, #tpu.memory_space<vmem>>)
      %dma_wait3A_517 = arith.constant 0 : i32
      %dma_wait3A_518 = arith.constant 0 : i32
      %dma_wait3A_519 = tpu.memref_slice %arg3[%dma_wait3A_517, %dma_wait3A_518] : memref<128x16384xf32, #tpu.memory_space<hbm>> -> memref<1x4096xf32, #tpu.memory_space<hbm>>
      %dma_wait3A_520 = tpu.memref_squeeze %dma_wait3A_519 : memref<1x4096xf32, #tpu.memory_space<hbm>> -> memref<4096xf32, #tpu.memory_space<hbm>>
      %dma_wait3A_521 = arith.constant 0 : i32
      %dma_wait3A_522 = tpu.memref_slice %arg3[%dma_wait3A_517, %dma_wait3A_521] : memref<128x16384xf32, #tpu.memory_space<hbm>> -> memref<1x4096xf32, #tpu.memory_space<hbm>>
      %dma_wait3A_523 = tpu.memref_squeeze %dma_wait3A_522 : memref<1x4096xf32, #tpu.memory_space<hbm>> -> memref<4096xf32, #tpu.memory_space<hbm>>
      tpu.wait_dma2 semaphore(%arg16 : memref<!tpu.dma_semaphore, #tpu.memory_space<semaphore_mem>>) src(%dma_wait3A_523 : memref<4096xf32, #tpu.memory_space<hbm>>) dst(%arg11 : memref<4096xf32, #tpu.memory_space<vmem>>)
      %dma_wait3A_524 = arith.constant 0 : i32
      %dma_wait3A_525 = arith.constant 10 : i32
      %dma_wait3A_526 = arith.constant 0 : i32
      %dma_wait3A_527 = tpu.memref_slice %arg2[%dma_wait3A_525, %dma_wait3A_524, %dma_wait3A_526] : memref<16x128x16384xf32, #tpu.memory_space<hbm>> -> memref<6x1x4096xf32, #tpu.memory_space<hbm>>
      %dma_wait3A_528 = tpu.memref_squeeze %dma_wait3A_527 : memref<6x1x4096xf32, #tpu.memory_space<hbm>> -> memref<6x4096xf32, #tpu.memory_space<hbm>>
      %dma_wait3A_529 = arith.constant 10 : i32
      %dma_wait3A_530 = arith.constant 0 : i32
      %dma_wait3A_531 = tpu.memref_slice %arg2[%dma_wait3A_529, %dma_wait3A_524, %dma_wait3A_530] : memref<16x128x16384xf32, #tpu.memory_space<hbm>> -> memref<6x1x4096xf32, #tpu.memory_space<hbm>>
      %dma_wait3A_532 = tpu.memref_squeeze %dma_wait3A_531 : memref<6x1x4096xf32, #tpu.memory_space<hbm>> -> memref<6x4096xf32, #tpu.memory_space<hbm>>
      tpu.wait_dma2 semaphore(%arg16 : memref<!tpu.dma_semaphore, #tpu.memory_space<semaphore_mem>>) src(%dma_wait3A_532 : memref<6x4096xf32, #tpu.memory_space<hbm>>) dst(%arg13 : memref<6x4096xf32, #tpu.memory_space<vmem>>)
      %scan3A_533 = arith.constant 0 : i32
      %scan3A_534 = arith.constant 64 : i32
      %scan3A_535 = arith.addi %scan3A_533, %scan3A_534 : i32
      %scan3A_536 = arith.constant 1 : i32
      %scan3A_537:7 = scf.for %scan3A_539 = %scan3A_533 to %scan3A_535 step %scan3A_536 iter_args(%scan3A_540 = %scan3A_452#0, %scan3A_541 = %scan3A_452#1, %scan3A_542 = %scan3A_452#2, %scan3A_543 = %scan3A_452#3, %scan3A_544 = %scan3A_452#4, %scan3A_545 = %scan3A_452#5, %scan3A_546 = %scan3A_452#6) -> (vector<16xf32>, vector<16xf32>, vector<16xf32>, vector<16xf32>, vector<16xf32>, vector<16xf32>, vector<16xf32>)  : i32 {
        %mul3A_547 = arith.constant 4 : i32
        %mul3A_548 = arith.muli %scan3A_539, %mul3A_547 : i32
        %add3A_549 = arith.constant 0 : i32
        %add3A_550 = arith.addi %mul3A_548, %add3A_549 : i32
        %mul3A_551 = arith.constant 16 : i32
        %mul3A_552 = arith.muli %add3A_550, %mul3A_551 : i32
        %get3A_553 = arith.index_cast %mul3A_552 : i32 to index
        %get3A_554 = tpu.vector_load %arg9[%get3A_553] {strides = array<i32>} : memref<4096xi32, #tpu.memory_space<vmem>>, vector<16xi32>,
        %get3A_555 = vector.shape_cast %get3A_554 : vector<16xi32> to vector<16xi32>
        %broadcast_in_dim3A_556 = vector.shape_cast %get3A_555 : vector<16xi32> to vector<16x1xi32>
        %gather3A_557 = vector.shape_cast %broadcast_in_dim3A_556 : vector<16x1xi32> to vector<16xi32>
        %gather3A_558 = tpu.dynamic_gather %get3A_4[%gather3A_557] in [0] : vector<16xf32>, vector<16xi32> -> vector<16xf32>
        %get3A_559 = arith.index_cast %mul3A_552 : i32 to index
        %get3A_560 = tpu.vector_load %arg11[%get3A_559] {strides = array<i32>} : memref<4096xf32, #tpu.memory_space<vmem>>, vector<16xf32>,
        %get3A_561 = vector.shape_cast %get3A_560 : vector<16xf32> to vector<16xf32>
        %mul3A_562 = arith.mulf %gather3A_558, %get3A_561 : vector<16xf32>
        %add3A_563 = arith.addf %scan3A_540, %mul3A_562 : vector<16xf32>
        %get3A_564 = arith.constant 0 : i32
        %get3A_565 = arith.index_cast %get3A_564 : i32 to index
        %get3A_566 = arith.index_cast %mul3A_552 : i32 to index
        %get3A_567 = tpu.vector_load %arg13[%get3A_565, %get3A_566] {strides = array<i32>} : memref<6x4096xf32, #tpu.memory_space<vmem>>, vector<1x16xf32>,
        %get3A_568 = vector.shape_cast %get3A_567 : vector<1x16xf32> to vector<16xf32>
        %mul3A_569 = arith.mulf %gather3A_558, %get3A_568 : vector<16xf32>
        %add3A_570 = arith.addf %scan3A_541, %mul3A_569 : vector<16xf32>
        %get3A_571 = arith.constant 1 : i32
        %get3A_572 = arith.index_cast %get3A_571 : i32 to index
        %get3A_573 = arith.index_cast %mul3A_552 : i32 to index
        %get3A_574 = tpu.vector_load %arg13[%get3A_572, %get3A_573] {strides = array<i32>} : memref<6x4096xf32, #tpu.memory_space<vmem>>, vector<1x16xf32>,
        %get3A_575 = vector.shape_cast %get3A_574 : vector<1x16xf32> to vector<16xf32>
        %mul3A_576 = arith.mulf %gather3A_558, %get3A_575 : vector<16xf32>
        %add3A_577 = arith.addf %scan3A_542, %mul3A_576 : vector<16xf32>
        %get3A_578 = arith.constant 2 : i32
        %get3A_579 = arith.index_cast %get3A_578 : i32 to index
        %get3A_580 = arith.index_cast %mul3A_552 : i32 to index
        %get3A_581 = tpu.vector_load %arg13[%get3A_579, %get3A_580] {strides = array<i32>} : memref<6x4096xf32, #tpu.memory_space<vmem>>, vector<1x16xf32>,
        %get3A_582 = vector.shape_cast %get3A_581 : vector<1x16xf32> to vector<16xf32>
        %mul3A_583 = arith.mulf %gather3A_558, %get3A_582 : vector<16xf32>
        %add3A_584 = arith.addf %scan3A_543, %mul3A_583 : vector<16xf32>
        %get3A_585 = arith.constant 3 : i32
        %get3A_586 = arith.index_cast %get3A_585 : i32 to index
        %get3A_587 = arith.index_cast %mul3A_552 : i32 to index
        %get3A_588 = tpu.vector_load %arg13[%get3A_586, %get3A_587] {strides = array<i32>} : memref<6x4096xf32, #tpu.memory_space<vmem>>, vector<1x16xf32>,
        %get3A_589 = vector.shape_cast %get3A_588 : vector<1x16xf32> to vector<16xf32>
        %mul3A_590 = arith.mulf %gather3A_558, %get3A_589 : vector<16xf32>
        %add3A_591 = arith.addf %scan3A_544, %mul3A_590 : vector<16xf32>
        %get3A_592 = arith.constant 4 : i32
        %get3A_593 = arith.index_cast %get3A_592 : i32 to index
        %get3A_594 = arith.index_cast %mul3A_552 : i32 to index
        %get3A_595 = tpu.vector_load %arg13[%get3A_593, %get3A_594] {strides = array<i32>} : memref<6x4096xf32, #tpu.memory_space<vmem>>, vector<1x16xf32>,
        %get3A_596 = vector.shape_cast %get3A_595 : vector<1x16xf32> to vector<16xf32>
        %mul3A_597 = arith.mulf %gather3A_558, %get3A_596 : vector<16xf32>
        %add3A_598 = arith.addf %scan3A_545, %mul3A_597 : vector<16xf32>
        %get3A_599 = arith.constant 5 : i32
        %get3A_600 = arith.index_cast %get3A_599 : i32 to index
        %get3A_601 = arith.index_cast %mul3A_552 : i32 to index
        %get3A_602 = tpu.vector_load %arg13[%get3A_600, %get3A_601] {strides = array<i32>} : memref<6x4096xf32, #tpu.memory_space<vmem>>, vector<1x16xf32>,
        %get3A_603 = vector.shape_cast %get3A_602 : vector<1x16xf32> to vector<16xf32>
        %mul3A_604 = arith.mulf %gather3A_558, %get3A_603 : vector<16xf32>
        %add3A_605 = arith.addf %scan3A_546, %mul3A_604 : vector<16xf32>
        %mul3A_606 = arith.constant 4 : i32
        %mul3A_607 = arith.muli %scan3A_539, %mul3A_606 : i32
        %add3A_608 = arith.constant 1 : i32
        %add3A_609 = arith.addi %mul3A_607, %add3A_608 : i32
        %mul3A_610 = arith.constant 16 : i32
        %mul3A_611 = arith.muli %add3A_609, %mul3A_610 : i32
        %get3A_612 = arith.index_cast %mul3A_611 : i32 to index
        %get3A_613 = tpu.vector_load %arg9[%get3A_612] {strides = array<i32>} : memref<4096xi32, #tpu.memory_space<vmem>>, vector<16xi32>,
        %get3A_614 = vector.shape_cast %get3A_613 : vector<16xi32> to vector<16xi32>
        %broadcast_in_dim3A_615 = vector.shape_cast %get3A_614 : vector<16xi32> to vector<16x1xi32>
        %gather3A_616 = vector.shape_cast %broadcast_in_dim3A_615 : vector<16x1xi32> to vector<16xi32>
        %gather3A_617 = tpu.dynamic_gather %get3A_4[%gather3A_616] in [0] : vector<16xf32>, vector<16xi32> -> vector<16xf32>
        %get3A_618 = arith.index_cast %mul3A_611 : i32 to index
        %get3A_619 = tpu.vector_load %arg11[%get3A_618] {strides = array<i32>} : memref<4096xf32, #tpu.memory_space<vmem>>, vector<16xf32>,
        %get3A_620 = vector.shape_cast %get3A_619 : vector<16xf32> to vector<16xf32>
        %mul3A_621 = arith.mulf %gather3A_617, %get3A_620 : vector<16xf32>
        %add3A_622 = arith.addf %add3A_563, %mul3A_621 : vector<16xf32>
        %get3A_623 = arith.constant 0 : i32
        %get3A_624 = arith.index_cast %get3A_623 : i32 to index
        %get3A_625 = arith.index_cast %mul3A_611 : i32 to index
        %get3A_626 = tpu.vector_load %arg13[%get3A_624, %get3A_625] {strides = array<i32>} : memref<6x4096xf32, #tpu.memory_space<vmem>>, vector<1x16xf32>,
        %get3A_627 = vector.shape_cast %get3A_626 : vector<1x16xf32> to vector<16xf32>
        %mul3A_628 = arith.mulf %gather3A_617, %get3A_627 : vector<16xf32>
        %add3A_629 = arith.addf %add3A_570, %mul3A_628 : vector<16xf32>
        %get3A_630 = arith.constant 1 : i32
        %get3A_631 = arith.index_cast %get3A_630 : i32 to index
        %get3A_632 = arith.index_cast %mul3A_611 : i32 to index
        %get3A_633 = tpu.vector_load %arg13[%get3A_631, %get3A_632] {strides = array<i32>} : memref<6x4096xf32, #tpu.memory_space<vmem>>, vector<1x16xf32>,
        %get3A_634 = vector.shape_cast %get3A_633 : vector<1x16xf32> to vector<16xf32>
        %mul3A_635 = arith.mulf %gather3A_617, %get3A_634 : vector<16xf32>
        %add3A_636 = arith.addf %add3A_577, %mul3A_635 : vector<16xf32>
        %get3A_637 = arith.constant 2 : i32
        %get3A_638 = arith.index_cast %get3A_637 : i32 to index
        %get3A_639 = arith.index_cast %mul3A_611 : i32 to index
        %get3A_640 = tpu.vector_load %arg13[%get3A_638, %get3A_639] {strides = array<i32>} : memref<6x4096xf32, #tpu.memory_space<vmem>>, vector<1x16xf32>,
        %get3A_641 = vector.shape_cast %get3A_640 : vector<1x16xf32> to vector<16xf32>
        %mul3A_642 = arith.mulf %gather3A_617, %get3A_641 : vector<16xf32>
        %add3A_643 = arith.addf %add3A_584, %mul3A_642 : vector<16xf32>
        %get3A_644 = arith.constant 3 : i32
        %get3A_645 = arith.index_cast %get3A_644 : i32 to index
        %get3A_646 = arith.index_cast %mul3A_611 : i32 to index
        %get3A_647 = tpu.vector_load %arg13[%get3A_645, %get3A_646] {strides = array<i32>} : memref<6x4096xf32, #tpu.memory_space<vmem>>, vector<1x16xf32>,
        %get3A_648 = vector.shape_cast %get3A_647 : vector<1x16xf32> to vector<16xf32>
        %mul3A_649 = arith.mulf %gather3A_617, %get3A_648 : vector<16xf32>
        %add3A_650 = arith.addf %add3A_591, %mul3A_649 : vector<16xf32>
        %get3A_651 = arith.constant 4 : i32
        %get3A_652 = arith.index_cast %get3A_651 : i32 to index
        %get3A_653 = arith.index_cast %mul3A_611 : i32 to index
        %get3A_654 = tpu.vector_load %arg13[%get3A_652, %get3A_653] {strides = array<i32>} : memref<6x4096xf32, #tpu.memory_space<vmem>>, vector<1x16xf32>,
        %get3A_655 = vector.shape_cast %get3A_654 : vector<1x16xf32> to vector<16xf32>
        %mul3A_656 = arith.mulf %gather3A_617, %get3A_655 : vector<16xf32>
        %add3A_657 = arith.addf %add3A_598, %mul3A_656 : vector<16xf32>
        %get3A_658 = arith.constant 5 : i32
        %get3A_659 = arith.index_cast %get3A_658 : i32 to index
        %get3A_660 = arith.index_cast %mul3A_611 : i32 to index
        %get3A_661 = tpu.vector_load %arg13[%get3A_659, %get3A_660] {strides = array<i32>} : memref<6x4096xf32, #tpu.memory_space<vmem>>, vector<1x16xf32>,
        %get3A_662 = vector.shape_cast %get3A_661 : vector<1x16xf32> to vector<16xf32>
        %mul3A_663 = arith.mulf %gather3A_617, %get3A_662 : vector<16xf32>
        %add3A_664 = arith.addf %add3A_605, %mul3A_663 : vector<16xf32>
        %mul3A_665 = arith.constant 4 : i32
        %mul3A_666 = arith.muli %scan3A_539, %mul3A_665 : i32
        %add3A_667 = arith.constant 2 : i32
        %add3A_668 = arith.addi %mul3A_666, %add3A_667 : i32
        %mul3A_669 = arith.constant 16 : i32
        %mul3A_670 = arith.muli %add3A_668, %mul3A_669 : i32
        %get3A_671 = arith.index_cast %mul3A_670 : i32 to index
        %get3A_672 = tpu.vector_load %arg9[%get3A_671] {strides = array<i32>} : memref<4096xi32, #tpu.memory_space<vmem>>, vector<16xi32>,
        %get3A_673 = vector.shape_cast %get3A_672 : vector<16xi32> to vector<16xi32>
        %broadcast_in_dim3A_674 = vector.shape_cast %get3A_673 : vector<16xi32> to vector<16x1xi32>
        %gather3A_675 = vector.shape_cast %broadcast_in_dim3A_674 : vector<16x1xi32> to vector<16xi32>
        %gather3A_676 = tpu.dynamic_gather %get3A_4[%gather3A_675] in [0] : vector<16xf32>, vector<16xi32> -> vector<16xf32>
        %get3A_677 = arith.index_cast %mul3A_670 : i32 to index
        %get3A_678 = tpu.vector_load %arg11[%get3A_677] {strides = array<i32>} : memref<4096xf32, #tpu.memory_space<vmem>>, vector<16xf32>,
        %get3A_679 = vector.shape_cast %get3A_678 : vector<16xf32> to vector<16xf32>
        %mul3A_680 = arith.mulf %gather3A_676, %get3A_679 : vector<16xf32>
        %add3A_681 = arith.addf %add3A_622, %mul3A_680 : vector<16xf32>
        %get3A_682 = arith.constant 0 : i32
        %get3A_683 = arith.index_cast %get3A_682 : i32 to index
        %get3A_684 = arith.index_cast %mul3A_670 : i32 to index
        %get3A_685 = tpu.vector_load %arg13[%get3A_683, %get3A_684] {strides = array<i32>} : memref<6x4096xf32, #tpu.memory_space<vmem>>, vector<1x16xf32>,
        %get3A_686 = vector.shape_cast %get3A_685 : vector<1x16xf32> to vector<16xf32>
        %mul3A_687 = arith.mulf %gather3A_676, %get3A_686 : vector<16xf32>
        %add3A_688 = arith.addf %add3A_629, %mul3A_687 : vector<16xf32>
        %get3A_689 = arith.constant 1 : i32
        %get3A_690 = arith.index_cast %get3A_689 : i32 to index
        %get3A_691 = arith.index_cast %mul3A_670 : i32 to index
        %get3A_692 = tpu.vector_load %arg13[%get3A_690, %get3A_691] {strides = array<i32>} : memref<6x4096xf32, #tpu.memory_space<vmem>>, vector<1x16xf32>,
        %get3A_693 = vector.shape_cast %get3A_692 : vector<1x16xf32> to vector<16xf32>
        %mul3A_694 = arith.mulf %gather3A_676, %get3A_693 : vector<16xf32>
        %add3A_695 = arith.addf %add3A_636, %mul3A_694 : vector<16xf32>
        %get3A_696 = arith.constant 2 : i32
        %get3A_697 = arith.index_cast %get3A_696 : i32 to index
        %get3A_698 = arith.index_cast %mul3A_670 : i32 to index
        %get3A_699 = tpu.vector_load %arg13[%get3A_697, %get3A_698] {strides = array<i32>} : memref<6x4096xf32, #tpu.memory_space<vmem>>, vector<1x16xf32>,
        %get3A_700 = vector.shape_cast %get3A_699 : vector<1x16xf32> to vector<16xf32>
        %mul3A_701 = arith.mulf %gather3A_676, %get3A_700 : vector<16xf32>
        %add3A_702 = arith.addf %add3A_643, %mul3A_701 : vector<16xf32>
        %get3A_703 = arith.constant 3 : i32
        %get3A_704 = arith.index_cast %get3A_703 : i32 to index
        %get3A_705 = arith.index_cast %mul3A_670 : i32 to index
        %get3A_706 = tpu.vector_load %arg13[%get3A_704, %get3A_705] {strides = array<i32>} : memref<6x4096xf32, #tpu.memory_space<vmem>>, vector<1x16xf32>,
        %get3A_707 = vector.shape_cast %get3A_706 : vector<1x16xf32> to vector<16xf32>
        %mul3A_708 = arith.mulf %gather3A_676, %get3A_707 : vector<16xf32>
        %add3A_709 = arith.addf %add3A_650, %mul3A_708 : vector<16xf32>
        %get3A_710 = arith.constant 4 : i32
        %get3A_711 = arith.index_cast %get3A_710 : i32 to index
        %get3A_712 = arith.index_cast %mul3A_670 : i32 to index
        %get3A_713 = tpu.vector_load %arg13[%get3A_711, %get3A_712] {strides = array<i32>} : memref<6x4096xf32, #tpu.memory_space<vmem>>, vector<1x16xf32>,
        %get3A_714 = vector.shape_cast %get3A_713 : vector<1x16xf32> to vector<16xf32>
        %mul3A_715 = arith.mulf %gather3A_676, %get3A_714 : vector<16xf32>
        %add3A_716 = arith.addf %add3A_657, %mul3A_715 : vector<16xf32>
        %get3A_717 = arith.constant 5 : i32
        %get3A_718 = arith.index_cast %get3A_717 : i32 to index
        %get3A_719 = arith.index_cast %mul3A_670 : i32 to index
        %get3A_720 = tpu.vector_load %arg13[%get3A_718, %get3A_719] {strides = array<i32>} : memref<6x4096xf32, #tpu.memory_space<vmem>>, vector<1x16xf32>,
        %get3A_721 = vector.shape_cast %get3A_720 : vector<1x16xf32> to vector<16xf32>
        %mul3A_722 = arith.mulf %gather3A_676, %get3A_721 : vector<16xf32>
        %add3A_723 = arith.addf %add3A_664, %mul3A_722 : vector<16xf32>
        %mul3A_724 = arith.constant 4 : i32
        %mul3A_725 = arith.muli %scan3A_539, %mul3A_724 : i32
        %add3A_726 = arith.constant 3 : i32
        %add3A_727 = arith.addi %mul3A_725, %add3A_726 : i32
        %mul3A_728 = arith.constant 16 : i32
        %mul3A_729 = arith.muli %add3A_727, %mul3A_728 : i32
        %get3A_730 = arith.index_cast %mul3A_729 : i32 to index
        %get3A_731 = tpu.vector_load %arg9[%get3A_730] {strides = array<i32>} : memref<4096xi32, #tpu.memory_space<vmem>>, vector<16xi32>,
        %get3A_732 = vector.shape_cast %get3A_731 : vector<16xi32> to vector<16xi32>
        %broadcast_in_dim3A_733 = vector.shape_cast %get3A_732 : vector<16xi32> to vector<16x1xi32>
        %gather3A_734 = vector.shape_cast %broadcast_in_dim3A_733 : vector<16x1xi32> to vector<16xi32>
        %gather3A_735 = tpu.dynamic_gather %get3A_4[%gather3A_734] in [0] : vector<16xf32>, vector<16xi32> -> vector<16xf32>
        %get3A_736 = arith.index_cast %mul3A_729 : i32 to index
        %get3A_737 = tpu.vector_load %arg11[%get3A_736] {strides = array<i32>} : memref<4096xf32, #tpu.memory_space<vmem>>, vector<16xf32>,
        %get3A_738 = vector.shape_cast %get3A_737 : vector<16xf32> to vector<16xf32>
        %mul3A_739 = arith.mulf %gather3A_735, %get3A_738 : vector<16xf32>
        %add3A_740 = arith.addf %add3A_681, %mul3A_739 : vector<16xf32>
        %get3A_741 = arith.constant 0 : i32
        %get3A_742 = arith.index_cast %get3A_741 : i32 to index
        %get3A_743 = arith.index_cast %mul3A_729 : i32 to index
        %get3A_744 = tpu.vector_load %arg13[%get3A_742, %get3A_743] {strides = array<i32>} : memref<6x4096xf32, #tpu.memory_space<vmem>>, vector<1x16xf32>,
        %get3A_745 = vector.shape_cast %get3A_744 : vector<1x16xf32> to vector<16xf32>
        %mul3A_746 = arith.mulf %gather3A_735, %get3A_745 : vector<16xf32>
        %add3A_747 = arith.addf %add3A_688, %mul3A_746 : vector<16xf32>
        %get3A_748 = arith.constant 1 : i32
        %get3A_749 = arith.index_cast %get3A_748 : i32 to index
        %get3A_750 = arith.index_cast %mul3A_729 : i32 to index
        %get3A_751 = tpu.vector_load %arg13[%get3A_749, %get3A_750] {strides = array<i32>} : memref<6x4096xf32, #tpu.memory_space<vmem>>, vector<1x16xf32>,
        %get3A_752 = vector.shape_cast %get3A_751 : vector<1x16xf32> to vector<16xf32>
        %mul3A_753 = arith.mulf %gather3A_735, %get3A_752 : vector<16xf32>
        %add3A_754 = arith.addf %add3A_695, %mul3A_753 : vector<16xf32>
        %get3A_755 = arith.constant 2 : i32
        %get3A_756 = arith.index_cast %get3A_755 : i32 to index
        %get3A_757 = arith.index_cast %mul3A_729 : i32 to index
        %get3A_758 = tpu.vector_load %arg13[%get3A_756, %get3A_757] {strides = array<i32>} : memref<6x4096xf32, #tpu.memory_space<vmem>>, vector<1x16xf32>,
        %get3A_759 = vector.shape_cast %get3A_758 : vector<1x16xf32> to vector<16xf32>
        %mul3A_760 = arith.mulf %gather3A_735, %get3A_759 : vector<16xf32>
        %add3A_761 = arith.addf %add3A_702, %mul3A_760 : vector<16xf32>
        %get3A_762 = arith.constant 3 : i32
        %get3A_763 = arith.index_cast %get3A_762 : i32 to index
        %get3A_764 = arith.index_cast %mul3A_729 : i32 to index
        %get3A_765 = tpu.vector_load %arg13[%get3A_763, %get3A_764] {strides = array<i32>} : memref<6x4096xf32, #tpu.memory_space<vmem>>, vector<1x16xf32>,
        %get3A_766 = vector.shape_cast %get3A_765 : vector<1x16xf32> to vector<16xf32>
        %mul3A_767 = arith.mulf %gather3A_735, %get3A_766 : vector<16xf32>
        %add3A_768 = arith.addf %add3A_709, %mul3A_767 : vector<16xf32>
        %get3A_769 = arith.constant 4 : i32
        %get3A_770 = arith.index_cast %get3A_769 : i32 to index
        %get3A_771 = arith.index_cast %mul3A_729 : i32 to index
        %get3A_772 = tpu.vector_load %arg13[%get3A_770, %get3A_771] {strides = array<i32>} : memref<6x4096xf32, #tpu.memory_space<vmem>>, vector<1x16xf32>,
        %get3A_773 = vector.shape_cast %get3A_772 : vector<1x16xf32> to vector<16xf32>
        %mul3A_774 = arith.mulf %gather3A_735, %get3A_773 : vector<16xf32>
        %add3A_775 = arith.addf %add3A_716, %mul3A_774 : vector<16xf32>
        %get3A_776 = arith.constant 5 : i32
        %get3A_777 = arith.index_cast %get3A_776 : i32 to index
        %get3A_778 = arith.index_cast %mul3A_729 : i32 to index
        %get3A_779 = tpu.vector_load %arg13[%get3A_777, %get3A_778] {strides = array<i32>} : memref<6x4096xf32, #tpu.memory_space<vmem>>, vector<1x16xf32>,
        %get3A_780 = vector.shape_cast %get3A_779 : vector<1x16xf32> to vector<16xf32>
        %mul3A_781 = arith.mulf %gather3A_735, %get3A_780 : vector<16xf32>
        %add3A_782 = arith.addf %add3A_723, %mul3A_781 : vector<16xf32>
        scf.yield %add3A_740, %add3A_747, %add3A_754, %add3A_761, %add3A_768, %add3A_775, %add3A_782 : vector<16xf32>, vector<16xf32>, vector<16xf32>, vector<16xf32>, vector<16xf32>, vector<16xf32>, vector<16xf32>
      }
      %scan3A_538 = arith.constant 64 : i32
      scf.yield %scan3A_537#0, %scan3A_537#1, %scan3A_537#2, %scan3A_537#3, %scan3A_537#4, %scan3A_537#5, %scan3A_537#6 : vector<16xf32>, vector<16xf32>, vector<16xf32>, vector<16xf32>, vector<16xf32>, vector<16xf32>, vector<16xf32>
    }
    %scan3A_144 = arith.constant 2 : i32
    %broadcast_in_dim3A_145 = vector.shape_cast %xor3A_28 : vector<16xi32> to vector<16x1xi32>
    %gather3A_146 = vector.shape_cast %broadcast_in_dim3A_145 : vector<16x1xi32> to vector<16xi32>
    %gather3A_147 = tpu.dynamic_gather %scan3A_143#0[%gather3A_146] in [0] : vector<16xf32>, vector<16xi32> -> vector<16xf32>
    %add3A_148 = arith.addf %scan3A_143#0, %gather3A_147 : vector<16xf32>
    %broadcast_in_dim3A_149 = vector.shape_cast %xor3A_31 : vector<16xi32> to vector<16x1xi32>
    %gather3A_150 = vector.shape_cast %broadcast_in_dim3A_149 : vector<16x1xi32> to vector<16xi32>
    %gather3A_151 = tpu.dynamic_gather %add3A_148[%gather3A_150] in [0] : vector<16xf32>, vector<16xi32> -> vector<16xf32>
    %add3A_152 = arith.addf %add3A_148, %gather3A_151 : vector<16xf32>
    %broadcast_in_dim3A_153 = vector.shape_cast %xor3A_34 : vector<16xi32> to vector<16x1xi32>
    %gather3A_154 = vector.shape_cast %broadcast_in_dim3A_153 : vector<16x1xi32> to vector<16xi32>
    %gather3A_155 = tpu.dynamic_gather %add3A_152[%gather3A_154] in [0] : vector<16xf32>, vector<16xi32> -> vector<16xf32>
    %add3A_156 = arith.addf %add3A_152, %gather3A_155 : vector<16xf32>
    %broadcast_in_dim3A_157 = vector.shape_cast %xor3A_37 : vector<16xi32> to vector<16x1xi32>
    %gather3A_158 = vector.shape_cast %broadcast_in_dim3A_157 : vector<16x1xi32> to vector<16xi32>
    %gather3A_159 = tpu.dynamic_gather %add3A_156[%gather3A_158] in [0] : vector<16xf32>, vector<16xi32> -> vector<16xf32>
    %add3A_160 = arith.addf %add3A_156, %gather3A_159 : vector<16xf32>
    %select_n3A_161 = arith.select %eq3A_8, %scan3A_143#1, %scan3A_143#2 : vector<16xi1>, vector<16xf32>
    %select_n3A_162 = arith.select %eq3A_8, %scan3A_143#2, %scan3A_143#1 : vector<16xi1>, vector<16xf32>
    %broadcast_in_dim3A_163 = vector.shape_cast %xor3A_28 : vector<16xi32> to vector<16x1xi32>
    %gather3A_164 = vector.shape_cast %broadcast_in_dim3A_163 : vector<16x1xi32> to vector<16xi32>
    %gather3A_165 = tpu.dynamic_gather %select_n3A_162[%gather3A_164] in [0] : vector<16xf32>, vector<16xi32> -> vector<16xf32>
    %add3A_166 = arith.addf %select_n3A_161, %gather3A_165 : vector<16xf32>
    %select_n3A_167 = arith.select %eq3A_8, %scan3A_143#3, %scan3A_143#4 : vector<16xi1>, vector<16xf32>
    %select_n3A_168 = arith.select %eq3A_8, %scan3A_143#4, %scan3A_143#3 : vector<16xi1>, vector<16xf32>
    %broadcast_in_dim3A_169 = vector.shape_cast %xor3A_28 : vector<16xi32> to vector<16x1xi32>
    %gather3A_170 = vector.shape_cast %broadcast_in_dim3A_169 : vector<16x1xi32> to vector<16xi32>
    %gather3A_171 = tpu.dynamic_gather %select_n3A_168[%gather3A_170] in [0] : vector<16xf32>, vector<16xi32> -> vector<16xf32>
    %add3A_172 = arith.addf %select_n3A_167, %gather3A_171 : vector<16xf32>
    %select_n3A_173 = arith.select %eq3A_8, %scan3A_143#5, %scan3A_143#6 : vector<16xi1>, vector<16xf32>
    %select_n3A_174 = arith.select %eq3A_8, %scan3A_143#6, %scan3A_143#5 : vector<16xi1>, vector<16xf32>
    %broadcast_in_dim3A_175 = vector.shape_cast %xor3A_28 : vector<16xi32> to vector<16x1xi32>
    %gather3A_176 = vector.shape_cast %broadcast_in_dim3A_175 : vector<16x1xi32> to vector<16xi32>
    %gather3A_177 = tpu.dynamic_gather %select_n3A_174[%gather3A_176] in [0] : vector<16xf32>, vector<16xi32> -> vector<16xf32>
    %add3A_178 = arith.addf %select_n3A_173, %gather3A_177 : vector<16xf32>
    %select_n3A_179 = arith.select %eq3A_8, %broadcast_in_dim3A_38, %broadcast_in_dim3A_38 : vector<16xi1>, vector<16xf32>
    %select_n3A_180 = arith.select %eq3A_8, %broadcast_in_dim3A_38, %broadcast_in_dim3A_38 : vector<16xi1>, vector<16xf32>
    %broadcast_in_dim3A_181 = vector.shape_cast %xor3A_28 : vector<16xi32> to vector<16x1xi32>
    %gather3A_182 = vector.shape_cast %broadcast_in_dim3A_181 : vector<16x1xi32> to vector<16xi32>
    %gather3A_183 = tpu.dynamic_gather %select_n3A_180[%gather3A_182] in [0] : vector<16xf32>, vector<16xi32> -> vector<16xf32>
    %add3A_184 = arith.addf %select_n3A_179, %gather3A_183 : vector<16xf32>
    %select_n3A_185 = arith.select %eq3A_14, %add3A_166, %add3A_172 : vector<16xi1>, vector<16xf32>
    %select_n3A_186 = arith.select %eq3A_14, %add3A_172, %add3A_166 : vector<16xi1>, vector<16xf32>
    %broadcast_in_dim3A_187 = vector.shape_cast %xor3A_31 : vector<16xi32> to vector<16x1xi32>
    %gather3A_188 = vector.shape_cast %broadcast_in_dim3A_187 : vector<16x1xi32> to vector<16xi32>
    %gather3A_189 = tpu.dynamic_gather %select_n3A_186[%gather3A_188] in [0] : vector<16xf32>, vector<16xi32> -> vector<16xf32>
    %add3A_190 = arith.addf %select_n3A_185, %gather3A_189 : vector<16xf32>
    %select_n3A_191 = arith.select %eq3A_14, %add3A_178, %add3A_184 : vector<16xi1>, vector<16xf32>
    %select_n3A_192 = arith.select %eq3A_14, %add3A_184, %add3A_178 : vector<16xi1>, vector<16xf32>
    %broadcast_in_dim3A_193 = vector.shape_cast %xor3A_31 : vector<16xi32> to vector<16x1xi32>
    %gather3A_194 = vector.shape_cast %broadcast_in_dim3A_193 : vector<16x1xi32> to vector<16xi32>
    %gather3A_195 = tpu.dynamic_gather %select_n3A_192[%gather3A_194] in [0] : vector<16xf32>, vector<16xi32> -> vector<16xf32>
    %add3A_196 = arith.addf %select_n3A_191, %gather3A_195 : vector<16xf32>
    %select_n3A_197 = arith.select %eq3A_20, %add3A_190, %add3A_196 : vector<16xi1>, vector<16xf32>
    %select_n3A_198 = arith.select %eq3A_20, %add3A_196, %add3A_190 : vector<16xi1>, vector<16xf32>
    %broadcast_in_dim3A_199 = vector.shape_cast %xor3A_34 : vector<16xi32> to vector<16x1xi32>
    %gather3A_200 = vector.shape_cast %broadcast_in_dim3A_199 : vector<16x1xi32> to vector<16xi32>
    %gather3A_201 = tpu.dynamic_gather %select_n3A_198[%gather3A_200] in [0] : vector<16xf32>, vector<16xi32> -> vector<16xf32>
    %add3A_202 = arith.addf %select_n3A_197, %gather3A_201 : vector<16xf32>
    %sub3A_203 = arith.subf %add3A_160, %add3A_202 : vector<16xf32>
    %abs3A_204 = math.absf %sub3A_203 : vector<16xf32>
    %abs3A_205 = math.absf %add3A_202 : vector<16xf32>
    %mul3A_206 = arith.constant 9.99999974E-6 : f32
    %mul3A_207 = vector.broadcast %mul3A_206 : f32 to vector<16xf32>
    %mul3A_208 = arith.mulf %mul3A_207, %abs3A_205 : vector<16xf32>
    %add3A_209 = arith.constant 9.99999993E-9 : f32
    %add3A_210 = vector.broadcast %add3A_209 : f32 to vector<16xf32>
    %add3A_211 = arith.addf %add3A_210, %mul3A_208 : vector<16xf32>
    %le3A_212 = arith.cmpf ole, %abs3A_204, %add3A_211 : vector<16xf32>
    %jit3A_213 = arith.constant 1 : i32
    %jit3A_214 = arith.constant 0 : i32
    %broadcast_in_dim3A_215 = vector.broadcast %jit3A_213 : i32 to vector<16xi32>
    %broadcast_in_dim3A_216 = vector.broadcast %jit3A_214 : i32 to vector<16xi32>
    %select_n3A_217 = arith.select %le3A_212, %broadcast_in_dim3A_215, %broadcast_in_dim3A_216 : vector<16xi1>, vector<16xi32>
    %swap3A_218 = arith.constant 1 : i32
    %swap3A_219 = arith.index_cast %swap3A_218 : i32 to index
    %swap3A_220 = arith.constant 0 : index
    %swap3A_221 = tpu.vector_load %arg14[%swap3A_219, %swap3A_220] {strides = array<i32>} : memref<4x16xi32, #tpu.memory_space<vmem>>, vector<1x16xi32>,
    %swap3A_222 = vector.shape_cast %swap3A_221 : vector<1x16xi32> to vector<16xi32>
    %swap3A_223 = vector.shape_cast %select_n3A_217 : vector<16xi32> to vector<1x16xi32>
    tpu.vector_store %arg14[%swap3A_219, %swap3A_220], %swap3A_223 {strides = array<i32>} : memref<4x16xi32, #tpu.memory_space<vmem>>, vector<1x16xi32>,
    %add3A_224 = arith.constant 2 : i32
    %add3A_225 = arith.addi %mul3A_2, %add3A_224 : i32
    %scan3A_226 = arith.constant 0 : i32
    %scan3A_227 = arith.constant 2 : i32
    %scan3A_228 = arith.addi %scan3A_226, %scan3A_227 : i32
    %scan3A_229 = arith.constant 1 : i32
    %scan3A_230:7 = scf.for %scan3A_398 = %scan3A_226 to %scan3A_228 step %scan3A_229 iter_args(%scan3A_399 = %broadcast_in_dim3A_38, %scan3A_400 = %broadcast_in_dim3A_38, %scan3A_401 = %broadcast_in_dim3A_38, %scan3A_402 = %broadcast_in_dim3A_38, %scan3A_403 = %broadcast_in_dim3A_38, %scan3A_404 = %broadcast_in_dim3A_38, %scan3A_405 = %broadcast_in_dim3A_38) -> (vector<16xf32>, vector<16xf32>, vector<16xf32>, vector<16xf32>, vector<16xf32>, vector<16xf32>, vector<16xf32>)  : i32 {
      %mul3A_406 = arith.constant 2 : i32
      %mul3A_407 = arith.muli %mul3A_406, %scan3A_398 : i32
      %add3A_408 = arith.constant 1 : i32
      %add3A_409 = arith.addi %mul3A_407, %add3A_408 : i32
      %mul3A_410 = arith.constant 4096 : i32
      %mul3A_411 = arith.muli %add3A_409, %mul3A_410 : i32
      %dma_start3A_412 = tpu.memref_slice %arg4[%add3A_225, %mul3A_411] : memref<128x16384xi32, #tpu.memory_space<hbm>> -> memref<1x4096xi32, #tpu.memory_space<hbm>>
      %dma_start3A_413 = tpu.memref_squeeze %dma_start3A_412 : memref<1x4096xi32, #tpu.memory_space<hbm>> -> memref<4096xi32, #tpu.memory_space<hbm>>
      %dma_start3A_414 = tpu.memref_slice %arg4[%add3A_225, %mul3A_411] : memref<128x16384xi32, #tpu.memory_space<hbm>> -> memref<1x4096xi32, #tpu.memory_space<hbm>>
      %dma_start3A_415 = tpu.memref_squeeze %dma_start3A_414 : memref<1x4096xi32, #tpu.memory_space<hbm>> -> memref<4096xi32, #tpu.memory_space<hbm>>
      tpu.enqueue_dma source(%dma_start3A_415 : memref<4096xi32, #tpu.memory_space<hbm>>) target(%arg9 : memref<4096xi32, #tpu.memory_space<vmem>>) target_semaphore(%arg16 : memref<!tpu.dma_semaphore, #tpu.memory_space<semaphore_mem>>)
      %dma_start3A_416 = tpu.memref_slice %arg3[%add3A_225, %mul3A_411] : memref<128x16384xf32, #tpu.memory_space<hbm>> -> memref<1x4096xf32, #tpu.memory_space<hbm>>
      %dma_start3A_417 = tpu.memref_squeeze %dma_start3A_416 : memref<1x4096xf32, #tpu.memory_space<hbm>> -> memref<4096xf32, #tpu.memory_space<hbm>>
      %dma_start3A_418 = tpu.memref_slice %arg3[%add3A_225, %mul3A_411] : memref<128x16384xf32, #tpu.memory_space<hbm>> -> memref<1x4096xf32, #tpu.memory_space<hbm>>
      %dma_start3A_419 = tpu.memref_squeeze %dma_start3A_418 : memref<1x4096xf32, #tpu.memory_space<hbm>> -> memref<4096xf32, #tpu.memory_space<hbm>>
      tpu.enqueue_dma source(%dma_start3A_419 : memref<4096xf32, #tpu.memory_space<hbm>>) target(%arg11 : memref<4096xf32, #tpu.memory_space<vmem>>) target_semaphore(%arg16 : memref<!tpu.dma_semaphore, #tpu.memory_space<semaphore_mem>>)
      %dma_start3A_420 = arith.constant 10 : i32
      %dma_start3A_421 = tpu.memref_slice %arg2[%dma_start3A_420, %add3A_225, %mul3A_411] : memref<16x128x16384xf32, #tpu.memory_space<hbm>> -> memref<6x1x4096xf32, #tpu.memory_space<hbm>>
      %dma_start3A_422 = tpu.memref_squeeze %dma_start3A_421 : memref<6x1x4096xf32, #tpu.memory_space<hbm>> -> memref<6x4096xf32, #tpu.memory_space<hbm>>
      %dma_start3A_423 = arith.constant 10 : i32
      %dma_start3A_424 = tpu.memref_slice %arg2[%dma_start3A_423, %add3A_225, %mul3A_411] : memref<16x128x16384xf32, #tpu.memory_space<hbm>> -> memref<6x1x4096xf32, #tpu.memory_space<hbm>>
      %dma_start3A_425 = tpu.memref_squeeze %dma_start3A_424 : memref<6x1x4096xf32, #tpu.memory_space<hbm>> -> memref<6x4096xf32, #tpu.memory_space<hbm>>
      tpu.enqueue_dma source(%dma_start3A_425 : memref<6x4096xf32, #tpu.memory_space<hbm>>) target(%arg13 : memref<6x4096xf32, #tpu.memory_space<vmem>>) target_semaphore(%arg16 : memref<!tpu.dma_semaphore, #tpu.memory_space<semaphore_mem>>)
      %dma_wait3A = arith.constant 0 : i32
      %dma_wait3A_426 = arith.constant 0 : i32
      %dma_wait3A_427 = tpu.memref_slice %arg4[%dma_wait3A, %dma_wait3A_426] : memref<128x16384xi32, #tpu.memory_space<hbm>> -> memref<1x4096xi32, #tpu.memory_space<hbm>>
      %dma_wait3A_428 = tpu.memref_squeeze %dma_wait3A_427 : memref<1x4096xi32, #tpu.memory_space<hbm>> -> memref<4096xi32, #tpu.memory_space<hbm>>
      %dma_wait3A_429 = arith.constant 0 : i32
      %dma_wait3A_430 = tpu.memref_slice %arg4[%dma_wait3A, %dma_wait3A_429] : memref<128x16384xi32, #tpu.memory_space<hbm>> -> memref<1x4096xi32, #tpu.memory_space<hbm>>
      %dma_wait3A_431 = tpu.memref_squeeze %dma_wait3A_430 : memref<1x4096xi32, #tpu.memory_space<hbm>> -> memref<4096xi32, #tpu.memory_space<hbm>>
      tpu.wait_dma2 semaphore(%arg15 : memref<!tpu.dma_semaphore, #tpu.memory_space<semaphore_mem>>) src(%dma_wait3A_431 : memref<4096xi32, #tpu.memory_space<hbm>>) dst(%arg8 : memref<4096xi32, #tpu.memory_space<vmem>>)
      %dma_wait3A_432 = arith.constant 0 : i32
      %dma_wait3A_433 = arith.constant 0 : i32
      %dma_wait3A_434 = tpu.memref_slice %arg3[%dma_wait3A_432, %dma_wait3A_433] : memref<128x16384xf32, #tpu.memory_space<hbm>> -> memref<1x4096xf32, #tpu.memory_space<hbm>>
      %dma_wait3A_435 = tpu.memref_squeeze %dma_wait3A_434 : memref<1x4096xf32, #tpu.memory_space<hbm>> -> memref<4096xf32, #tpu.memory_space<hbm>>
      %dma_wait3A_436 = arith.constant 0 : i32
      %dma_wait3A_437 = tpu.memref_slice %arg3[%dma_wait3A_432, %dma_wait3A_436] : memref<128x16384xf32, #tpu.memory_space<hbm>> -> memref<1x4096xf32, #tpu.memory_space<hbm>>
      %dma_wait3A_438 = tpu.memref_squeeze %dma_wait3A_437 : memref<1x4096xf32, #tpu.memory_space<hbm>> -> memref<4096xf32, #tpu.memory_space<hbm>>
      tpu.wait_dma2 semaphore(%arg15 : memref<!tpu.dma_semaphore, #tpu.memory_space<semaphore_mem>>) src(%dma_wait3A_438 : memref<4096xf32, #tpu.memory_space<hbm>>) dst(%arg10 : memref<4096xf32, #tpu.memory_space<vmem>>)
      %dma_wait3A_439 = arith.constant 0 : i32
      %dma_wait3A_440 = arith.constant 10 : i32
      %dma_wait3A_441 = arith.constant 0 : i32
      %dma_wait3A_442 = tpu.memref_slice %arg2[%dma_wait3A_440, %dma_wait3A_439, %dma_wait3A_441] : memref<16x128x16384xf32, #tpu.memory_space<hbm>> -> memref<6x1x4096xf32, #tpu.memory_space<hbm>>
      %dma_wait3A_443 = tpu.memref_squeeze %dma_wait3A_442 : memref<6x1x4096xf32, #tpu.memory_space<hbm>> -> memref<6x4096xf32, #tpu.memory_space<hbm>>
      %dma_wait3A_444 = arith.constant 10 : i32
      %dma_wait3A_445 = arith.constant 0 : i32
      %dma_wait3A_446 = tpu.memref_slice %arg2[%dma_wait3A_444, %dma_wait3A_439, %dma_wait3A_445] : memref<16x128x16384xf32, #tpu.memory_space<hbm>> -> memref<6x1x4096xf32, #tpu.memory_space<hbm>>
      %dma_wait3A_447 = tpu.memref_squeeze %dma_wait3A_446 : memref<6x1x4096xf32, #tpu.memory_space<hbm>> -> memref<6x4096xf32, #tpu.memory_space<hbm>>
      tpu.wait_dma2 semaphore(%arg15 : memref<!tpu.dma_semaphore, #tpu.memory_space<semaphore_mem>>) src(%dma_wait3A_447 : memref<6x4096xf32, #tpu.memory_space<hbm>>) dst(%arg12 : memref<6x4096xf32, #tpu.memory_space<vmem>>)
      %scan3A_448 = arith.constant 0 : i32
      %scan3A_449 = arith.constant 64 : i32
      %scan3A_450 = arith.addi %scan3A_448, %scan3A_449 : i32
      %scan3A_451 = arith.constant 1 : i32
      %scan3A_452:7 = scf.for %scan3A_539 = %scan3A_448 to %scan3A_450 step %scan3A_451 iter_args(%scan3A_540 = %scan3A_399, %scan3A_541 = %scan3A_400, %scan3A_542 = %scan3A_401, %scan3A_543 = %scan3A_402, %scan3A_544 = %scan3A_403, %scan3A_545 = %scan3A_404, %scan3A_546 = %scan3A_405) -> (vector<16xf32>, vector<16xf32>, vector<16xf32>, vector<16xf32>, vector<16xf32>, vector<16xf32>, vector<16xf32>)  : i32 {
        %mul3A_547 = arith.constant 4 : i32
        %mul3A_548 = arith.muli %scan3A_539, %mul3A_547 : i32
        %add3A_549 = arith.constant 0 : i32
        %add3A_550 = arith.addi %mul3A_548, %add3A_549 : i32
        %mul3A_551 = arith.constant 16 : i32
        %mul3A_552 = arith.muli %add3A_550, %mul3A_551 : i32
        %get3A_553 = arith.index_cast %mul3A_552 : i32 to index
        %get3A_554 = tpu.vector_load %arg8[%get3A_553] {strides = array<i32>} : memref<4096xi32, #tpu.memory_space<vmem>>, vector<16xi32>,
        %get3A_555 = vector.shape_cast %get3A_554 : vector<16xi32> to vector<16xi32>
        %broadcast_in_dim3A_556 = vector.shape_cast %get3A_555 : vector<16xi32> to vector<16x1xi32>
        %gather3A_557 = vector.shape_cast %broadcast_in_dim3A_556 : vector<16x1xi32> to vector<16xi32>
        %gather3A_558 = tpu.dynamic_gather %get3A_4[%gather3A_557] in [0] : vector<16xf32>, vector<16xi32> -> vector<16xf32>
        %get3A_559 = arith.index_cast %mul3A_552 : i32 to index
        %get3A_560 = tpu.vector_load %arg10[%get3A_559] {strides = array<i32>} : memref<4096xf32, #tpu.memory_space<vmem>>, vector<16xf32>,
        %get3A_561 = vector.shape_cast %get3A_560 : vector<16xf32> to vector<16xf32>
        %mul3A_562 = arith.mulf %gather3A_558, %get3A_561 : vector<16xf32>
        %add3A_563 = arith.addf %scan3A_540, %mul3A_562 : vector<16xf32>
        %get3A_564 = arith.constant 0 : i32
        %get3A_565 = arith.index_cast %get3A_564 : i32 to index
        %get3A_566 = arith.index_cast %mul3A_552 : i32 to index
        %get3A_567 = tpu.vector_load %arg12[%get3A_565, %get3A_566] {strides = array<i32>} : memref<6x4096xf32, #tpu.memory_space<vmem>>, vector<1x16xf32>,
        %get3A_568 = vector.shape_cast %get3A_567 : vector<1x16xf32> to vector<16xf32>
        %mul3A_569 = arith.mulf %gather3A_558, %get3A_568 : vector<16xf32>
        %add3A_570 = arith.addf %scan3A_541, %mul3A_569 : vector<16xf32>
        %get3A_571 = arith.constant 1 : i32
        %get3A_572 = arith.index_cast %get3A_571 : i32 to index
        %get3A_573 = arith.index_cast %mul3A_552 : i32 to index
        %get3A_574 = tpu.vector_load %arg12[%get3A_572, %get3A_573] {strides = array<i32>} : memref<6x4096xf32, #tpu.memory_space<vmem>>, vector<1x16xf32>,
        %get3A_575 = vector.shape_cast %get3A_574 : vector<1x16xf32> to vector<16xf32>
        %mul3A_576 = arith.mulf %gather3A_558, %get3A_575 : vector<16xf32>
        %add3A_577 = arith.addf %scan3A_542, %mul3A_576 : vector<16xf32>
        %get3A_578 = arith.constant 2 : i32
        %get3A_579 = arith.index_cast %get3A_578 : i32 to index
        %get3A_580 = arith.index_cast %mul3A_552 : i32 to index
        %get3A_581 = tpu.vector_load %arg12[%get3A_579, %get3A_580] {strides = array<i32>} : memref<6x4096xf32, #tpu.memory_space<vmem>>, vector<1x16xf32>,
        %get3A_582 = vector.shape_cast %get3A_581 : vector<1x16xf32> to vector<16xf32>
        %mul3A_583 = arith.mulf %gather3A_558, %get3A_582 : vector<16xf32>
        %add3A_584 = arith.addf %scan3A_543, %mul3A_583 : vector<16xf32>
        %get3A_585 = arith.constant 3 : i32
        %get3A_586 = arith.index_cast %get3A_585 : i32 to index
        %get3A_587 = arith.index_cast %mul3A_552 : i32 to index
        %get3A_588 = tpu.vector_load %arg12[%get3A_586, %get3A_587] {strides = array<i32>} : memref<6x4096xf32, #tpu.memory_space<vmem>>, vector<1x16xf32>,
        %get3A_589 = vector.shape_cast %get3A_588 : vector<1x16xf32> to vector<16xf32>
        %mul3A_590 = arith.mulf %gather3A_558, %get3A_589 : vector<16xf32>
        %add3A_591 = arith.addf %scan3A_544, %mul3A_590 : vector<16xf32>
        %get3A_592 = arith.constant 4 : i32
        %get3A_593 = arith.index_cast %get3A_592 : i32 to index
        %get3A_594 = arith.index_cast %mul3A_552 : i32 to index
        %get3A_595 = tpu.vector_load %arg12[%get3A_593, %get3A_594] {strides = array<i32>} : memref<6x4096xf32, #tpu.memory_space<vmem>>, vector<1x16xf32>,
        %get3A_596 = vector.shape_cast %get3A_595 : vector<1x16xf32> to vector<16xf32>
        %mul3A_597 = arith.mulf %gather3A_558, %get3A_596 : vector<16xf32>
        %add3A_598 = arith.addf %scan3A_545, %mul3A_597 : vector<16xf32>
        %get3A_599 = arith.constant 5 : i32
        %get3A_600 = arith.index_cast %get3A_599 : i32 to index
        %get3A_601 = arith.index_cast %mul3A_552 : i32 to index
        %get3A_602 = tpu.vector_load %arg12[%get3A_600, %get3A_601] {strides = array<i32>} : memref<6x4096xf32, #tpu.memory_space<vmem>>, vector<1x16xf32>,
        %get3A_603 = vector.shape_cast %get3A_602 : vector<1x16xf32> to vector<16xf32>
        %mul3A_604 = arith.mulf %gather3A_558, %get3A_603 : vector<16xf32>
        %add3A_605 = arith.addf %scan3A_546, %mul3A_604 : vector<16xf32>
        %mul3A_606 = arith.constant 4 : i32
        %mul3A_607 = arith.muli %scan3A_539, %mul3A_606 : i32
        %add3A_608 = arith.constant 1 : i32
        %add3A_609 = arith.addi %mul3A_607, %add3A_608 : i32
        %mul3A_610 = arith.constant 16 : i32
        %mul3A_611 = arith.muli %add3A_609, %mul3A_610 : i32
        %get3A_612 = arith.index_cast %mul3A_611 : i32 to index
        %get3A_613 = tpu.vector_load %arg8[%get3A_612] {strides = array<i32>} : memref<4096xi32, #tpu.memory_space<vmem>>, vector<16xi32>,
        %get3A_614 = vector.shape_cast %get3A_613 : vector<16xi32> to vector<16xi32>
        %broadcast_in_dim3A_615 = vector.shape_cast %get3A_614 : vector<16xi32> to vector<16x1xi32>
        %gather3A_616 = vector.shape_cast %broadcast_in_dim3A_615 : vector<16x1xi32> to vector<16xi32>
        %gather3A_617 = tpu.dynamic_gather %get3A_4[%gather3A_616] in [0] : vector<16xf32>, vector<16xi32> -> vector<16xf32>
        %get3A_618 = arith.index_cast %mul3A_611 : i32 to index
        %get3A_619 = tpu.vector_load %arg10[%get3A_618] {strides = array<i32>} : memref<4096xf32, #tpu.memory_space<vmem>>, vector<16xf32>,
        %get3A_620 = vector.shape_cast %get3A_619 : vector<16xf32> to vector<16xf32>
        %mul3A_621 = arith.mulf %gather3A_617, %get3A_620 : vector<16xf32>
        %add3A_622 = arith.addf %add3A_563, %mul3A_621 : vector<16xf32>
        %get3A_623 = arith.constant 0 : i32
        %get3A_624 = arith.index_cast %get3A_623 : i32 to index
        %get3A_625 = arith.index_cast %mul3A_611 : i32 to index
        %get3A_626 = tpu.vector_load %arg12[%get3A_624, %get3A_625] {strides = array<i32>} : memref<6x4096xf32, #tpu.memory_space<vmem>>, vector<1x16xf32>,
        %get3A_627 = vector.shape_cast %get3A_626 : vector<1x16xf32> to vector<16xf32>
        %mul3A_628 = arith.mulf %gather3A_617, %get3A_627 : vector<16xf32>
        %add3A_629 = arith.addf %add3A_570, %mul3A_628 : vector<16xf32>
        %get3A_630 = arith.constant 1 : i32
        %get3A_631 = arith.index_cast %get3A_630 : i32 to index
        %get3A_632 = arith.index_cast %mul3A_611 : i32 to index
        %get3A_633 = tpu.vector_load %arg12[%get3A_631, %get3A_632] {strides = array<i32>} : memref<6x4096xf32, #tpu.memory_space<vmem>>, vector<1x16xf32>,
        %get3A_634 = vector.shape_cast %get3A_633 : vector<1x16xf32> to vector<16xf32>
        %mul3A_635 = arith.mulf %gather3A_617, %get3A_634 : vector<16xf32>
        %add3A_636 = arith.addf %add3A_577, %mul3A_635 : vector<16xf32>
        %get3A_637 = arith.constant 2 : i32
        %get3A_638 = arith.index_cast %get3A_637 : i32 to index
        %get3A_639 = arith.index_cast %mul3A_611 : i32 to index
        %get3A_640 = tpu.vector_load %arg12[%get3A_638, %get3A_639] {strides = array<i32>} : memref<6x4096xf32, #tpu.memory_space<vmem>>, vector<1x16xf32>,
        %get3A_641 = vector.shape_cast %get3A_640 : vector<1x16xf32> to vector<16xf32>
        %mul3A_642 = arith.mulf %gather3A_617, %get3A_641 : vector<16xf32>
        %add3A_643 = arith.addf %add3A_584, %mul3A_642 : vector<16xf32>
        %get3A_644 = arith.constant 3 : i32
        %get3A_645 = arith.index_cast %get3A_644 : i32 to index
        %get3A_646 = arith.index_cast %mul3A_611 : i32 to index
        %get3A_647 = tpu.vector_load %arg12[%get3A_645, %get3A_646] {strides = array<i32>} : memref<6x4096xf32, #tpu.memory_space<vmem>>, vector<1x16xf32>,
        %get3A_648 = vector.shape_cast %get3A_647 : vector<1x16xf32> to vector<16xf32>
        %mul3A_649 = arith.mulf %gather3A_617, %get3A_648 : vector<16xf32>
        %add3A_650 = arith.addf %add3A_591, %mul3A_649 : vector<16xf32>
        %get3A_651 = arith.constant 4 : i32
        %get3A_652 = arith.index_cast %get3A_651 : i32 to index
        %get3A_653 = arith.index_cast %mul3A_611 : i32 to index
        %get3A_654 = tpu.vector_load %arg12[%get3A_652, %get3A_653] {strides = array<i32>} : memref<6x4096xf32, #tpu.memory_space<vmem>>, vector<1x16xf32>,
        %get3A_655 = vector.shape_cast %get3A_654 : vector<1x16xf32> to vector<16xf32>
        %mul3A_656 = arith.mulf %gather3A_617, %get3A_655 : vector<16xf32>
        %add3A_657 = arith.addf %add3A_598, %mul3A_656 : vector<16xf32>
        %get3A_658 = arith.constant 5 : i32
        %get3A_659 = arith.index_cast %get3A_658 : i32 to index
        %get3A_660 = arith.index_cast %mul3A_611 : i32 to index
        %get3A_661 = tpu.vector_load %arg12[%get3A_659, %get3A_660] {strides = array<i32>} : memref<6x4096xf32, #tpu.memory_space<vmem>>, vector<1x16xf32>,
        %get3A_662 = vector.shape_cast %get3A_661 : vector<1x16xf32> to vector<16xf32>
        %mul3A_663 = arith.mulf %gather3A_617, %get3A_662 : vector<16xf32>
        %add3A_664 = arith.addf %add3A_605, %mul3A_663 : vector<16xf32>
        %mul3A_665 = arith.constant 4 : i32
        %mul3A_666 = arith.muli %scan3A_539, %mul3A_665 : i32
        %add3A_667 = arith.constant 2 : i32
        %add3A_668 = arith.addi %mul3A_666, %add3A_667 : i32
        %mul3A_669 = arith.constant 16 : i32
        %mul3A_670 = arith.muli %add3A_668, %mul3A_669 : i32
        %get3A_671 = arith.index_cast %mul3A_670 : i32 to index
        %get3A_672 = tpu.vector_load %arg8[%get3A_671] {strides = array<i32>} : memref<4096xi32, #tpu.memory_space<vmem>>, vector<16xi32>,
        %get3A_673 = vector.shape_cast %get3A_672 : vector<16xi32> to vector<16xi32>
        %broadcast_in_dim3A_674 = vector.shape_cast %get3A_673 : vector<16xi32> to vector<16x1xi32>
        %gather3A_675 = vector.shape_cast %broadcast_in_dim3A_674 : vector<16x1xi32> to vector<16xi32>
        %gather3A_676 = tpu.dynamic_gather %get3A_4[%gather3A_675] in [0] : vector<16xf32>, vector<16xi32> -> vector<16xf32>
        %get3A_677 = arith.index_cast %mul3A_670 : i32 to index
        %get3A_678 = tpu.vector_load %arg10[%get3A_677] {strides = array<i32>} : memref<4096xf32, #tpu.memory_space<vmem>>, vector<16xf32>,
        %get3A_679 = vector.shape_cast %get3A_678 : vector<16xf32> to vector<16xf32>
        %mul3A_680 = arith.mulf %gather3A_676, %get3A_679 : vector<16xf32>
        %add3A_681 = arith.addf %add3A_622, %mul3A_680 : vector<16xf32>
        %get3A_682 = arith.constant 0 : i32
        %get3A_683 = arith.index_cast %get3A_682 : i32 to index
        %get3A_684 = arith.index_cast %mul3A_670 : i32 to index
        %get3A_685 = tpu.vector_load %arg12[%get3A_683, %get3A_684] {strides = array<i32>} : memref<6x4096xf32, #tpu.memory_space<vmem>>, vector<1x16xf32>,
        %get3A_686 = vector.shape_cast %get3A_685 : vector<1x16xf32> to vector<16xf32>
        %mul3A_687 = arith.mulf %gather3A_676, %get3A_686 : vector<16xf32>
        %add3A_688 = arith.addf %add3A_629, %mul3A_687 : vector<16xf32>
        %get3A_689 = arith.constant 1 : i32
        %get3A_690 = arith.index_cast %get3A_689 : i32 to index
        %get3A_691 = arith.index_cast %mul3A_670 : i32 to index
        %get3A_692 = tpu.vector_load %arg12[%get3A_690, %get3A_691] {strides = array<i32>} : memref<6x4096xf32, #tpu.memory_space<vmem>>, vector<1x16xf32>,
        %get3A_693 = vector.shape_cast %get3A_692 : vector<1x16xf32> to vector<16xf32>
        %mul3A_694 = arith.mulf %gather3A_676, %get3A_693 : vector<16xf32>
        %add3A_695 = arith.addf %add3A_636, %mul3A_694 : vector<16xf32>
        %get3A_696 = arith.constant 2 : i32
        %get3A_697 = arith.index_cast %get3A_696 : i32 to index
        %get3A_698 = arith.index_cast %mul3A_670 : i32 to index
        %get3A_699 = tpu.vector_load %arg12[%get3A_697, %get3A_698] {strides = array<i32>} : memref<6x4096xf32, #tpu.memory_space<vmem>>, vector<1x16xf32>,
        %get3A_700 = vector.shape_cast %get3A_699 : vector<1x16xf32> to vector<16xf32>
        %mul3A_701 = arith.mulf %gather3A_676, %get3A_700 : vector<16xf32>
        %add3A_702 = arith.addf %add3A_643, %mul3A_701 : vector<16xf32>
        %get3A_703 = arith.constant 3 : i32
        %get3A_704 = arith.index_cast %get3A_703 : i32 to index
        %get3A_705 = arith.index_cast %mul3A_670 : i32 to index
        %get3A_706 = tpu.vector_load %arg12[%get3A_704, %get3A_705] {strides = array<i32>} : memref<6x4096xf32, #tpu.memory_space<vmem>>, vector<1x16xf32>,
        %get3A_707 = vector.shape_cast %get3A_706 : vector<1x16xf32> to vector<16xf32>
        %mul3A_708 = arith.mulf %gather3A_676, %get3A_707 : vector<16xf32>
        %add3A_709 = arith.addf %add3A_650, %mul3A_708 : vector<16xf32>
        %get3A_710 = arith.constant 4 : i32
        %get3A_711 = arith.index_cast %get3A_710 : i32 to index
        %get3A_712 = arith.index_cast %mul3A_670 : i32 to index
        %get3A_713 = tpu.vector_load %arg12[%get3A_711, %get3A_712] {strides = array<i32>} : memref<6x4096xf32, #tpu.memory_space<vmem>>, vector<1x16xf32>,
        %get3A_714 = vector.shape_cast %get3A_713 : vector<1x16xf32> to vector<16xf32>
        %mul3A_715 = arith.mulf %gather3A_676, %get3A_714 : vector<16xf32>
        %add3A_716 = arith.addf %add3A_657, %mul3A_715 : vector<16xf32>
        %get3A_717 = arith.constant 5 : i32
        %get3A_718 = arith.index_cast %get3A_717 : i32 to index
        %get3A_719 = arith.index_cast %mul3A_670 : i32 to index
        %get3A_720 = tpu.vector_load %arg12[%get3A_718, %get3A_719] {strides = array<i32>} : memref<6x4096xf32, #tpu.memory_space<vmem>>, vector<1x16xf32>,
        %get3A_721 = vector.shape_cast %get3A_720 : vector<1x16xf32> to vector<16xf32>
        %mul3A_722 = arith.mulf %gather3A_676, %get3A_721 : vector<16xf32>
        %add3A_723 = arith.addf %add3A_664, %mul3A_722 : vector<16xf32>
        %mul3A_724 = arith.constant 4 : i32
        %mul3A_725 = arith.muli %scan3A_539, %mul3A_724 : i32
        %add3A_726 = arith.constant 3 : i32
        %add3A_727 = arith.addi %mul3A_725, %add3A_726 : i32
        %mul3A_728 = arith.constant 16 : i32
        %mul3A_729 = arith.muli %add3A_727, %mul3A_728 : i32
        %get3A_730 = arith.index_cast %mul3A_729 : i32 to index
        %get3A_731 = tpu.vector_load %arg8[%get3A_730] {strides = array<i32>} : memref<4096xi32, #tpu.memory_space<vmem>>, vector<16xi32>,
        %get3A_732 = vector.shape_cast %get3A_731 : vector<16xi32> to vector<16xi32>
        %broadcast_in_dim3A_733 = vector.shape_cast %get3A_732 : vector<16xi32> to vector<16x1xi32>
        %gather3A_734 = vector.shape_cast %broadcast_in_dim3A_733 : vector<16x1xi32> to vector<16xi32>
        %gather3A_735 = tpu.dynamic_gather %get3A_4[%gather3A_734] in [0] : vector<16xf32>, vector<16xi32> -> vector<16xf32>
        %get3A_736 = arith.index_cast %mul3A_729 : i32 to index
        %get3A_737 = tpu.vector_load %arg10[%get3A_736] {strides = array<i32>} : memref<4096xf32, #tpu.memory_space<vmem>>, vector<16xf32>,
        %get3A_738 = vector.shape_cast %get3A_737 : vector<16xf32> to vector<16xf32>
        %mul3A_739 = arith.mulf %gather3A_735, %get3A_738 : vector<16xf32>
        %add3A_740 = arith.addf %add3A_681, %mul3A_739 : vector<16xf32>
        %get3A_741 = arith.constant 0 : i32
        %get3A_742 = arith.index_cast %get3A_741 : i32 to index
        %get3A_743 = arith.index_cast %mul3A_729 : i32 to index
        %get3A_744 = tpu.vector_load %arg12[%get3A_742, %get3A_743] {strides = array<i32>} : memref<6x4096xf32, #tpu.memory_space<vmem>>, vector<1x16xf32>,
        %get3A_745 = vector.shape_cast %get3A_744 : vector<1x16xf32> to vector<16xf32>
        %mul3A_746 = arith.mulf %gather3A_735, %get3A_745 : vector<16xf32>
        %add3A_747 = arith.addf %add3A_688, %mul3A_746 : vector<16xf32>
        %get3A_748 = arith.constant 1 : i32
        %get3A_749 = arith.index_cast %get3A_748 : i32 to index
        %get3A_750 = arith.index_cast %mul3A_729 : i32 to index
        %get3A_751 = tpu.vector_load %arg12[%get3A_749, %get3A_750] {strides = array<i32>} : memref<6x4096xf32, #tpu.memory_space<vmem>>, vector<1x16xf32>,
        %get3A_752 = vector.shape_cast %get3A_751 : vector<1x16xf32> to vector<16xf32>
        %mul3A_753 = arith.mulf %gather3A_735, %get3A_752 : vector<16xf32>
        %add3A_754 = arith.addf %add3A_695, %mul3A_753 : vector<16xf32>
        %get3A_755 = arith.constant 2 : i32
        %get3A_756 = arith.index_cast %get3A_755 : i32 to index
        %get3A_757 = arith.index_cast %mul3A_729 : i32 to index
        %get3A_758 = tpu.vector_load %arg12[%get3A_756, %get3A_757] {strides = array<i32>} : memref<6x4096xf32, #tpu.memory_space<vmem>>, vector<1x16xf32>,
        %get3A_759 = vector.shape_cast %get3A_758 : vector<1x16xf32> to vector<16xf32>
        %mul3A_760 = arith.mulf %gather3A_735, %get3A_759 : vector<16xf32>
        %add3A_761 = arith.addf %add3A_702, %mul3A_760 : vector<16xf32>
        %get3A_762 = arith.constant 3 : i32
        %get3A_763 = arith.index_cast %get3A_762 : i32 to index
        %get3A_764 = arith.index_cast %mul3A_729 : i32 to index
        %get3A_765 = tpu.vector_load %arg12[%get3A_763, %get3A_764] {strides = array<i32>} : memref<6x4096xf32, #tpu.memory_space<vmem>>, vector<1x16xf32>,
        %get3A_766 = vector.shape_cast %get3A_765 : vector<1x16xf32> to vector<16xf32>
        %mul3A_767 = arith.mulf %gather3A_735, %get3A_766 : vector<16xf32>
        %add3A_768 = arith.addf %add3A_709, %mul3A_767 : vector<16xf32>
        %get3A_769 = arith.constant 4 : i32
        %get3A_770 = arith.index_cast %get3A_769 : i32 to index
        %get3A_771 = arith.index_cast %mul3A_729 : i32 to index
        %get3A_772 = tpu.vector_load %arg12[%get3A_770, %get3A_771] {strides = array<i32>} : memref<6x4096xf32, #tpu.memory_space<vmem>>, vector<1x16xf32>,
        %get3A_773 = vector.shape_cast %get3A_772 : vector<1x16xf32> to vector<16xf32>
        %mul3A_774 = arith.mulf %gather3A_735, %get3A_773 : vector<16xf32>
        %add3A_775 = arith.addf %add3A_716, %mul3A_774 : vector<16xf32>
        %get3A_776 = arith.constant 5 : i32
        %get3A_777 = arith.index_cast %get3A_776 : i32 to index
        %get3A_778 = arith.index_cast %mul3A_729 : i32 to index
        %get3A_779 = tpu.vector_load %arg12[%get3A_777, %get3A_778] {strides = array<i32>} : memref<6x4096xf32, #tpu.memory_space<vmem>>, vector<1x16xf32>,
        %get3A_780 = vector.shape_cast %get3A_779 : vector<1x16xf32> to vector<16xf32>
        %mul3A_781 = arith.mulf %gather3A_735, %get3A_780 : vector<16xf32>
        %add3A_782 = arith.addf %add3A_723, %mul3A_781 : vector<16xf32>
        scf.yield %add3A_740, %add3A_747, %add3A_754, %add3A_761, %add3A_768, %add3A_775, %add3A_782 : vector<16xf32>, vector<16xf32>, vector<16xf32>, vector<16xf32>, vector<16xf32>, vector<16xf32>, vector<16xf32>
      }
      %scan3A_453 = arith.constant 64 : i32
      %mul3A_454 = arith.constant 2 : i32
      %mul3A_455 = arith.muli %mul3A_454, %scan3A_398 : i32
      %add3A_456 = arith.constant 2 : i32
      %add3A_457 = arith.addi %mul3A_455, %add3A_456 : i32
      %jit3A_458 = arith.constant 4 : i32
      %div3A = arith.divsi %add3A_457, %jit3A_458 : i32
      %sign3A = arith.constant 0 : i32
      %sign3A_459 = arith.cmpi sgt, %add3A_457, %sign3A : i32
      %sign3A_460 = arith.extui %sign3A_459 : i1 to i32
      %sign3A_461 = arith.constant 0 : i32
      %sign3A_462 = arith.cmpi slt, %add3A_457, %sign3A_461 : i32
      %sign3A_463 = arith.extui %sign3A_462 : i1 to i32
      %sign3A_464 = arith.subi %sign3A_460, %sign3A_463 : i32
      %sign3A_465 = arith.constant 0 : i32
      %sign3A_466 = arith.cmpi sgt, %jit3A_458, %sign3A_465 : i32
      %sign3A_467 = arith.extui %sign3A_466 : i1 to i32
      %sign3A_468 = arith.constant 0 : i32
      %sign3A_469 = arith.cmpi slt, %jit3A_458, %sign3A_468 : i32
      %sign3A_470 = arith.extui %sign3A_469 : i1 to i32
      %sign3A_471 = arith.subi %sign3A_467, %sign3A_470 : i32
      %ne3A = arith.cmpi ne, %sign3A_464, %sign3A_471 : i32
      %rem3A = arith.remsi %add3A_457, %jit3A_458 : i32
      %ne3A_472 = arith.constant 0 : i32
      %ne3A_473 = arith.cmpi ne, %rem3A, %ne3A_472 : i32
      %and3A_474 = arith.andi %ne3A, %ne3A_473 : i1
      %sub3A_475 = arith.constant 1 : i32
      %sub3A_476 = arith.subi %div3A, %sub3A_475 : i32
      %select_n3A_477 = arith.select %and3A_474, %sub3A_476, %div3A : i32
      %add3A_478 = arith.addi %add3A_225, %select_n3A_477 : i32
      %jit3A_479 = arith.constant 4 : i32
      %eq3A_480 = arith.constant 0 : i32
      %eq3A_481 = arith.cmpi eq, %jit3A_479, %eq3A_480 : i32
      %jit3A_482 = arith.constant 1 : i32
      %select_n3A_483 = arith.select %eq3A_481, %jit3A_482, %jit3A_479 : i32
      %rem3A_484 = arith.remsi %add3A_457, %select_n3A_483 : i32
      %ne3A_485 = arith.constant 0 : i32
      %ne3A_486 = arith.cmpi ne, %rem3A_484, %ne3A_485 : i32
      %lt3A = arith.constant 0 : i32
      %lt3A_487 = arith.cmpi slt, %rem3A_484, %lt3A : i32
      %lt3A_488 = arith.constant 0 : i32
      %lt3A_489 = arith.cmpi slt, %select_n3A_483, %lt3A_488 : i32
      %ne3A_490 = arith.xori %lt3A_487, %lt3A_489 : i1
      %and3A_491 = arith.andi %ne3A_490, %ne3A_486 : i1
      %add3A_492 = arith.addi %rem3A_484, %select_n3A_483 : i32
      %select_n3A_493 = arith.select %and3A_491, %add3A_492, %rem3A_484 : i32
      %mul3A_494 = arith.constant 4096 : i32
      %mul3A_495 = arith.muli %select_n3A_493, %mul3A_494 : i32
      %dma_start3A_496 = tpu.memref_slice %arg4[%add3A_478, %mul3A_495] : memref<128x16384xi32, #tpu.memory_space<hbm>> -> memref<1x4096xi32, #tpu.memory_space<hbm>>
      %dma_start3A_497 = tpu.memref_squeeze %dma_start3A_496 : memref<1x4096xi32, #tpu.memory_space<hbm>> -> memref<4096xi32, #tpu.memory_space<hbm>>
      %dma_start3A_498 = tpu.memref_slice %arg4[%add3A_478, %mul3A_495] : memref<128x16384xi32, #tpu.memory_space<hbm>> -> memref<1x4096xi32, #tpu.memory_space<hbm>>
      %dma_start3A_499 = tpu.memref_squeeze %dma_start3A_498 : memref<1x4096xi32, #tpu.memory_space<hbm>> -> memref<4096xi32, #tpu.memory_space<hbm>>
      tpu.enqueue_dma source(%dma_start3A_499 : memref<4096xi32, #tpu.memory_space<hbm>>) target(%arg8 : memref<4096xi32, #tpu.memory_space<vmem>>) target_semaphore(%arg15 : memref<!tpu.dma_semaphore, #tpu.memory_space<semaphore_mem>>)
      %dma_start3A_500 = tpu.memref_slice %arg3[%add3A_478, %mul3A_495] : memref<128x16384xf32, #tpu.memory_space<hbm>> -> memref<1x4096xf32, #tpu.memory_space<hbm>>
      %dma_start3A_501 = tpu.memref_squeeze %dma_start3A_500 : memref<1x4096xf32, #tpu.memory_space<hbm>> -> memref<4096xf32, #tpu.memory_space<hbm>>
      %dma_start3A_502 = tpu.memref_slice %arg3[%add3A_478, %mul3A_495] : memref<128x16384xf32, #tpu.memory_space<hbm>> -> memref<1x4096xf32, #tpu.memory_space<hbm>>
      %dma_start3A_503 = tpu.memref_squeeze %dma_start3A_502 : memref<1x4096xf32, #tpu.memory_space<hbm>> -> memref<4096xf32, #tpu.memory_space<hbm>>
      tpu.enqueue_dma source(%dma_start3A_503 : memref<4096xf32, #tpu.memory_space<hbm>>) target(%arg10 : memref<4096xf32, #tpu.memory_space<vmem>>) target_semaphore(%arg15 : memref<!tpu.dma_semaphore, #tpu.memory_space<semaphore_mem>>)
      %dma_start3A_504 = arith.constant 10 : i32
      %dma_start3A_505 = tpu.memref_slice %arg2[%dma_start3A_504, %add3A_478, %mul3A_495] : memref<16x128x16384xf32, #tpu.memory_space<hbm>> -> memref<6x1x4096xf32, #tpu.memory_space<hbm>>
      %dma_start3A_506 = tpu.memref_squeeze %dma_start3A_505 : memref<6x1x4096xf32, #tpu.memory_space<hbm>> -> memref<6x4096xf32, #tpu.memory_space<hbm>>
      %dma_start3A_507 = arith.constant 10 : i32
      %dma_start3A_508 = tpu.memref_slice %arg2[%dma_start3A_507, %add3A_478, %mul3A_495] : memref<16x128x16384xf32, #tpu.memory_space<hbm>> -> memref<6x1x4096xf32, #tpu.memory_space<hbm>>
      %dma_start3A_509 = tpu.memref_squeeze %dma_start3A_508 : memref<6x1x4096xf32, #tpu.memory_space<hbm>> -> memref<6x4096xf32, #tpu.memory_space<hbm>>
      tpu.enqueue_dma source(%dma_start3A_509 : memref<6x4096xf32, #tpu.memory_space<hbm>>) target(%arg12 : memref<6x4096xf32, #tpu.memory_space<vmem>>) target_semaphore(%arg15 : memref<!tpu.dma_semaphore, #tpu.memory_space<semaphore_mem>>)
      %dma_wait3A_510 = arith.constant 0 : i32
      %dma_wait3A_511 = arith.constant 0 : i32
      %dma_wait3A_512 = tpu.memref_slice %arg4[%dma_wait3A_510, %dma_wait3A_511] : memref<128x16384xi32, #tpu.memory_space<hbm>> -> memref<1x4096xi32, #tpu.memory_space<hbm>>
      %dma_wait3A_513 = tpu.memref_squeeze %dma_wait3A_512 : memref<1x4096xi32, #tpu.memory_space<hbm>> -> memref<4096xi32, #tpu.memory_space<hbm>>
      %dma_wait3A_514 = arith.constant 0 : i32
      %dma_wait3A_515 = tpu.memref_slice %arg4[%dma_wait3A_510, %dma_wait3A_514] : memref<128x16384xi32, #tpu.memory_space<hbm>> -> memref<1x4096xi32, #tpu.memory_space<hbm>>
      %dma_wait3A_516 = tpu.memref_squeeze %dma_wait3A_515 : memref<1x4096xi32, #tpu.memory_space<hbm>> -> memref<4096xi32, #tpu.memory_space<hbm>>
      tpu.wait_dma2 semaphore(%arg16 : memref<!tpu.dma_semaphore, #tpu.memory_space<semaphore_mem>>) src(%dma_wait3A_516 : memref<4096xi32, #tpu.memory_space<hbm>>) dst(%arg9 : memref<4096xi32, #tpu.memory_space<vmem>>)
      %dma_wait3A_517 = arith.constant 0 : i32
      %dma_wait3A_518 = arith.constant 0 : i32
      %dma_wait3A_519 = tpu.memref_slice %arg3[%dma_wait3A_517, %dma_wait3A_518] : memref<128x16384xf32, #tpu.memory_space<hbm>> -> memref<1x4096xf32, #tpu.memory_space<hbm>>
      %dma_wait3A_520 = tpu.memref_squeeze %dma_wait3A_519 : memref<1x4096xf32, #tpu.memory_space<hbm>> -> memref<4096xf32, #tpu.memory_space<hbm>>
      %dma_wait3A_521 = arith.constant 0 : i32
      %dma_wait3A_522 = tpu.memref_slice %arg3[%dma_wait3A_517, %dma_wait3A_521] : memref<128x16384xf32, #tpu.memory_space<hbm>> -> memref<1x4096xf32, #tpu.memory_space<hbm>>
      %dma_wait3A_523 = tpu.memref_squeeze %dma_wait3A_522 : memref<1x4096xf32, #tpu.memory_space<hbm>> -> memref<4096xf32, #tpu.memory_space<hbm>>
      tpu.wait_dma2 semaphore(%arg16 : memref<!tpu.dma_semaphore, #tpu.memory_space<semaphore_mem>>) src(%dma_wait3A_523 : memref<4096xf32, #tpu.memory_space<hbm>>) dst(%arg11 : memref<4096xf32, #tpu.memory_space<vmem>>)
      %dma_wait3A_524 = arith.constant 0 : i32
      %dma_wait3A_525 = arith.constant 10 : i32
      %dma_wait3A_526 = arith.constant 0 : i32
      %dma_wait3A_527 = tpu.memref_slice %arg2[%dma_wait3A_525, %dma_wait3A_524, %dma_wait3A_526] : memref<16x128x16384xf32, #tpu.memory_space<hbm>> -> memref<6x1x4096xf32, #tpu.memory_space<hbm>>
      %dma_wait3A_528 = tpu.memref_squeeze %dma_wait3A_527 : memref<6x1x4096xf32, #tpu.memory_space<hbm>> -> memref<6x4096xf32, #tpu.memory_space<hbm>>
      %dma_wait3A_529 = arith.constant 10 : i32
      %dma_wait3A_530 = arith.constant 0 : i32
      %dma_wait3A_531 = tpu.memref_slice %arg2[%dma_wait3A_529, %dma_wait3A_524, %dma_wait3A_530] : memref<16x128x16384xf32, #tpu.memory_space<hbm>> -> memref<6x1x4096xf32, #tpu.memory_space<hbm>>
      %dma_wait3A_532 = tpu.memref_squeeze %dma_wait3A_531 : memref<6x1x4096xf32, #tpu.memory_space<hbm>> -> memref<6x4096xf32, #tpu.memory_space<hbm>>
      tpu.wait_dma2 semaphore(%arg16 : memref<!tpu.dma_semaphore, #tpu.memory_space<semaphore_mem>>) src(%dma_wait3A_532 : memref<6x4096xf32, #tpu.memory_space<hbm>>) dst(%arg13 : memref<6x4096xf32, #tpu.memory_space<vmem>>)
      %scan3A_533 = arith.constant 0 : i32
      %scan3A_534 = arith.constant 64 : i32
      %scan3A_535 = arith.addi %scan3A_533, %scan3A_534 : i32
      %scan3A_536 = arith.constant 1 : i32
      %scan3A_537:7 = scf.for %scan3A_539 = %scan3A_533 to %scan3A_535 step %scan3A_536 iter_args(%scan3A_540 = %scan3A_452#0, %scan3A_541 = %scan3A_452#1, %scan3A_542 = %scan3A_452#2, %scan3A_543 = %scan3A_452#3, %scan3A_544 = %scan3A_452#4, %scan3A_545 = %scan3A_452#5, %scan3A_546 = %scan3A_452#6) -> (vector<16xf32>, vector<16xf32>, vector<16xf32>, vector<16xf32>, vector<16xf32>, vector<16xf32>, vector<16xf32>)  : i32 {
        %mul3A_547 = arith.constant 4 : i32
        %mul3A_548 = arith.muli %scan3A_539, %mul3A_547 : i32
        %add3A_549 = arith.constant 0 : i32
        %add3A_550 = arith.addi %mul3A_548, %add3A_549 : i32
        %mul3A_551 = arith.constant 16 : i32
        %mul3A_552 = arith.muli %add3A_550, %mul3A_551 : i32
        %get3A_553 = arith.index_cast %mul3A_552 : i32 to index
        %get3A_554 = tpu.vector_load %arg9[%get3A_553] {strides = array<i32>} : memref<4096xi32, #tpu.memory_space<vmem>>, vector<16xi32>,
        %get3A_555 = vector.shape_cast %get3A_554 : vector<16xi32> to vector<16xi32>
        %broadcast_in_dim3A_556 = vector.shape_cast %get3A_555 : vector<16xi32> to vector<16x1xi32>
        %gather3A_557 = vector.shape_cast %broadcast_in_dim3A_556 : vector<16x1xi32> to vector<16xi32>
        %gather3A_558 = tpu.dynamic_gather %get3A_4[%gather3A_557] in [0] : vector<16xf32>, vector<16xi32> -> vector<16xf32>
        %get3A_559 = arith.index_cast %mul3A_552 : i32 to index
        %get3A_560 = tpu.vector_load %arg11[%get3A_559] {strides = array<i32>} : memref<4096xf32, #tpu.memory_space<vmem>>, vector<16xf32>,
        %get3A_561 = vector.shape_cast %get3A_560 : vector<16xf32> to vector<16xf32>
        %mul3A_562 = arith.mulf %gather3A_558, %get3A_561 : vector<16xf32>
        %add3A_563 = arith.addf %scan3A_540, %mul3A_562 : vector<16xf32>
        %get3A_564 = arith.constant 0 : i32
        %get3A_565 = arith.index_cast %get3A_564 : i32 to index
        %get3A_566 = arith.index_cast %mul3A_552 : i32 to index
        %get3A_567 = tpu.vector_load %arg13[%get3A_565, %get3A_566] {strides = array<i32>} : memref<6x4096xf32, #tpu.memory_space<vmem>>, vector<1x16xf32>,
        %get3A_568 = vector.shape_cast %get3A_567 : vector<1x16xf32> to vector<16xf32>
        %mul3A_569 = arith.mulf %gather3A_558, %get3A_568 : vector<16xf32>
        %add3A_570 = arith.addf %scan3A_541, %mul3A_569 : vector<16xf32>
        %get3A_571 = arith.constant 1 : i32
        %get3A_572 = arith.index_cast %get3A_571 : i32 to index
        %get3A_573 = arith.index_cast %mul3A_552 : i32 to index
        %get3A_574 = tpu.vector_load %arg13[%get3A_572, %get3A_573] {strides = array<i32>} : memref<6x4096xf32, #tpu.memory_space<vmem>>, vector<1x16xf32>,
        %get3A_575 = vector.shape_cast %get3A_574 : vector<1x16xf32> to vector<16xf32>
        %mul3A_576 = arith.mulf %gather3A_558, %get3A_575 : vector<16xf32>
        %add3A_577 = arith.addf %scan3A_542, %mul3A_576 : vector<16xf32>
        %get3A_578 = arith.constant 2 : i32
        %get3A_579 = arith.index_cast %get3A_578 : i32 to index
        %get3A_580 = arith.index_cast %mul3A_552 : i32 to index
        %get3A_581 = tpu.vector_load %arg13[%get3A_579, %get3A_580] {strides = array<i32>} : memref<6x4096xf32, #tpu.memory_space<vmem>>, vector<1x16xf32>,
        %get3A_582 = vector.shape_cast %get3A_581 : vector<1x16xf32> to vector<16xf32>
        %mul3A_583 = arith.mulf %gather3A_558, %get3A_582 : vector<16xf32>
        %add3A_584 = arith.addf %scan3A_543, %mul3A_583 : vector<16xf32>
        %get3A_585 = arith.constant 3 : i32
        %get3A_586 = arith.index_cast %get3A_585 : i32 to index
        %get3A_587 = arith.index_cast %mul3A_552 : i32 to index
        %get3A_588 = tpu.vector_load %arg13[%get3A_586, %get3A_587] {strides = array<i32>} : memref<6x4096xf32, #tpu.memory_space<vmem>>, vector<1x16xf32>,
        %get3A_589 = vector.shape_cast %get3A_588 : vector<1x16xf32> to vector<16xf32>
        %mul3A_590 = arith.mulf %gather3A_558, %get3A_589 : vector<16xf32>
        %add3A_591 = arith.addf %scan3A_544, %mul3A_590 : vector<16xf32>
        %get3A_592 = arith.constant 4 : i32
        %get3A_593 = arith.index_cast %get3A_592 : i32 to index
        %get3A_594 = arith.index_cast %mul3A_552 : i32 to index
        %get3A_595 = tpu.vector_load %arg13[%get3A_593, %get3A_594] {strides = array<i32>} : memref<6x4096xf32, #tpu.memory_space<vmem>>, vector<1x16xf32>,
        %get3A_596 = vector.shape_cast %get3A_595 : vector<1x16xf32> to vector<16xf32>
        %mul3A_597 = arith.mulf %gather3A_558, %get3A_596 : vector<16xf32>
        %add3A_598 = arith.addf %scan3A_545, %mul3A_597 : vector<16xf32>
        %get3A_599 = arith.constant 5 : i32
        %get3A_600 = arith.index_cast %get3A_599 : i32 to index
        %get3A_601 = arith.index_cast %mul3A_552 : i32 to index
        %get3A_602 = tpu.vector_load %arg13[%get3A_600, %get3A_601] {strides = array<i32>} : memref<6x4096xf32, #tpu.memory_space<vmem>>, vector<1x16xf32>,
        %get3A_603 = vector.shape_cast %get3A_602 : vector<1x16xf32> to vector<16xf32>
        %mul3A_604 = arith.mulf %gather3A_558, %get3A_603 : vector<16xf32>
        %add3A_605 = arith.addf %scan3A_546, %mul3A_604 : vector<16xf32>
        %mul3A_606 = arith.constant 4 : i32
        %mul3A_607 = arith.muli %scan3A_539, %mul3A_606 : i32
        %add3A_608 = arith.constant 1 : i32
        %add3A_609 = arith.addi %mul3A_607, %add3A_608 : i32
        %mul3A_610 = arith.constant 16 : i32
        %mul3A_611 = arith.muli %add3A_609, %mul3A_610 : i32
        %get3A_612 = arith.index_cast %mul3A_611 : i32 to index
        %get3A_613 = tpu.vector_load %arg9[%get3A_612] {strides = array<i32>} : memref<4096xi32, #tpu.memory_space<vmem>>, vector<16xi32>,
        %get3A_614 = vector.shape_cast %get3A_613 : vector<16xi32> to vector<16xi32>
        %broadcast_in_dim3A_615 = vector.shape_cast %get3A_614 : vector<16xi32> to vector<16x1xi32>
        %gather3A_616 = vector.shape_cast %broadcast_in_dim3A_615 : vector<16x1xi32> to vector<16xi32>
        %gather3A_617 = tpu.dynamic_gather %get3A_4[%gather3A_616] in [0] : vector<16xf32>, vector<16xi32> -> vector<16xf32>
        %get3A_618 = arith.index_cast %mul3A_611 : i32 to index
        %get3A_619 = tpu.vector_load %arg11[%get3A_618] {strides = array<i32>} : memref<4096xf32, #tpu.memory_space<vmem>>, vector<16xf32>,
        %get3A_620 = vector.shape_cast %get3A_619 : vector<16xf32> to vector<16xf32>
        %mul3A_621 = arith.mulf %gather3A_617, %get3A_620 : vector<16xf32>
        %add3A_622 = arith.addf %add3A_563, %mul3A_621 : vector<16xf32>
        %get3A_623 = arith.constant 0 : i32
        %get3A_624 = arith.index_cast %get3A_623 : i32 to index
        %get3A_625 = arith.index_cast %mul3A_611 : i32 to index
        %get3A_626 = tpu.vector_load %arg13[%get3A_624, %get3A_625] {strides = array<i32>} : memref<6x4096xf32, #tpu.memory_space<vmem>>, vector<1x16xf32>,
        %get3A_627 = vector.shape_cast %get3A_626 : vector<1x16xf32> to vector<16xf32>
        %mul3A_628 = arith.mulf %gather3A_617, %get3A_627 : vector<16xf32>
        %add3A_629 = arith.addf %add3A_570, %mul3A_628 : vector<16xf32>
        %get3A_630 = arith.constant 1 : i32
        %get3A_631 = arith.index_cast %get3A_630 : i32 to index
        %get3A_632 = arith.index_cast %mul3A_611 : i32 to index
        %get3A_633 = tpu.vector_load %arg13[%get3A_631, %get3A_632] {strides = array<i32>} : memref<6x4096xf32, #tpu.memory_space<vmem>>, vector<1x16xf32>,
        %get3A_634 = vector.shape_cast %get3A_633 : vector<1x16xf32> to vector<16xf32>
        %mul3A_635 = arith.mulf %gather3A_617, %get3A_634 : vector<16xf32>
        %add3A_636 = arith.addf %add3A_577, %mul3A_635 : vector<16xf32>
        %get3A_637 = arith.constant 2 : i32
        %get3A_638 = arith.index_cast %get3A_637 : i32 to index
        %get3A_639 = arith.index_cast %mul3A_611 : i32 to index
        %get3A_640 = tpu.vector_load %arg13[%get3A_638, %get3A_639] {strides = array<i32>} : memref<6x4096xf32, #tpu.memory_space<vmem>>, vector<1x16xf32>,
        %get3A_641 = vector.shape_cast %get3A_640 : vector<1x16xf32> to vector<16xf32>
        %mul3A_642 = arith.mulf %gather3A_617, %get3A_641 : vector<16xf32>
        %add3A_643 = arith.addf %add3A_584, %mul3A_642 : vector<16xf32>
        %get3A_644 = arith.constant 3 : i32
        %get3A_645 = arith.index_cast %get3A_644 : i32 to index
        %get3A_646 = arith.index_cast %mul3A_611 : i32 to index
        %get3A_647 = tpu.vector_load %arg13[%get3A_645, %get3A_646] {strides = array<i32>} : memref<6x4096xf32, #tpu.memory_space<vmem>>, vector<1x16xf32>,
        %get3A_648 = vector.shape_cast %get3A_647 : vector<1x16xf32> to vector<16xf32>
        %mul3A_649 = arith.mulf %gather3A_617, %get3A_648 : vector<16xf32>
        %add3A_650 = arith.addf %add3A_591, %mul3A_649 : vector<16xf32>
        %get3A_651 = arith.constant 4 : i32
        %get3A_652 = arith.index_cast %get3A_651 : i32 to index
        %get3A_653 = arith.index_cast %mul3A_611 : i32 to index
        %get3A_654 = tpu.vector_load %arg13[%get3A_652, %get3A_653] {strides = array<i32>} : memref<6x4096xf32, #tpu.memory_space<vmem>>, vector<1x16xf32>,
        %get3A_655 = vector.shape_cast %get3A_654 : vector<1x16xf32> to vector<16xf32>
        %mul3A_656 = arith.mulf %gather3A_617, %get3A_655 : vector<16xf32>
        %add3A_657 = arith.addf %add3A_598, %mul3A_656 : vector<16xf32>
        %get3A_658 = arith.constant 5 : i32
        %get3A_659 = arith.index_cast %get3A_658 : i32 to index
        %get3A_660 = arith.index_cast %mul3A_611 : i32 to index
        %get3A_661 = tpu.vector_load %arg13[%get3A_659, %get3A_660] {strides = array<i32>} : memref<6x4096xf32, #tpu.memory_space<vmem>>, vector<1x16xf32>,
        %get3A_662 = vector.shape_cast %get3A_661 : vector<1x16xf32> to vector<16xf32>
        %mul3A_663 = arith.mulf %gather3A_617, %get3A_662 : vector<16xf32>
        %add3A_664 = arith.addf %add3A_605, %mul3A_663 : vector<16xf32>
        %mul3A_665 = arith.constant 4 : i32
        %mul3A_666 = arith.muli %scan3A_539, %mul3A_665 : i32
        %add3A_667 = arith.constant 2 : i32
        %add3A_668 = arith.addi %mul3A_666, %add3A_667 : i32
        %mul3A_669 = arith.constant 16 : i32
        %mul3A_670 = arith.muli %add3A_668, %mul3A_669 : i32
        %get3A_671 = arith.index_cast %mul3A_670 : i32 to index
        %get3A_672 = tpu.vector_load %arg9[%get3A_671] {strides = array<i32>} : memref<4096xi32, #tpu.memory_space<vmem>>, vector<16xi32>,
        %get3A_673 = vector.shape_cast %get3A_672 : vector<16xi32> to vector<16xi32>
        %broadcast_in_dim3A_674 = vector.shape_cast %get3A_673 : vector<16xi32> to vector<16x1xi32>
        %gather3A_675 = vector.shape_cast %broadcast_in_dim3A_674 : vector<16x1xi32> to vector<16xi32>
        %gather3A_676 = tpu.dynamic_gather %get3A_4[%gather3A_675] in [0] : vector<16xf32>, vector<16xi32> -> vector<16xf32>
        %get3A_677 = arith.index_cast %mul3A_670 : i32 to index
        %get3A_678 = tpu.vector_load %arg11[%get3A_677] {strides = array<i32>} : memref<4096xf32, #tpu.memory_space<vmem>>, vector<16xf32>,
        %get3A_679 = vector.shape_cast %get3A_678 : vector<16xf32> to vector<16xf32>
        %mul3A_680 = arith.mulf %gather3A_676, %get3A_679 : vector<16xf32>
        %add3A_681 = arith.addf %add3A_622, %mul3A_680 : vector<16xf32>
        %get3A_682 = arith.constant 0 : i32
        %get3A_683 = arith.index_cast %get3A_682 : i32 to index
        %get3A_684 = arith.index_cast %mul3A_670 : i32 to index
        %get3A_685 = tpu.vector_load %arg13[%get3A_683, %get3A_684] {strides = array<i32>} : memref<6x4096xf32, #tpu.memory_space<vmem>>, vector<1x16xf32>,
        %get3A_686 = vector.shape_cast %get3A_685 : vector<1x16xf32> to vector<16xf32>
        %mul3A_687 = arith.mulf %gather3A_676, %get3A_686 : vector<16xf32>
        %add3A_688 = arith.addf %add3A_629, %mul3A_687 : vector<16xf32>
        %get3A_689 = arith.constant 1 : i32
        %get3A_690 = arith.index_cast %get3A_689 : i32 to index
        %get3A_691 = arith.index_cast %mul3A_670 : i32 to index
        %get3A_692 = tpu.vector_load %arg13[%get3A_690, %get3A_691] {strides = array<i32>} : memref<6x4096xf32, #tpu.memory_space<vmem>>, vector<1x16xf32>,
        %get3A_693 = vector.shape_cast %get3A_692 : vector<1x16xf32> to vector<16xf32>
        %mul3A_694 = arith.mulf %gather3A_676, %get3A_693 : vector<16xf32>
        %add3A_695 = arith.addf %add3A_636, %mul3A_694 : vector<16xf32>
        %get3A_696 = arith.constant 2 : i32
        %get3A_697 = arith.index_cast %get3A_696 : i32 to index
        %get3A_698 = arith.index_cast %mul3A_670 : i32 to index
        %get3A_699 = tpu.vector_load %arg13[%get3A_697, %get3A_698] {strides = array<i32>} : memref<6x4096xf32, #tpu.memory_space<vmem>>, vector<1x16xf32>,
        %get3A_700 = vector.shape_cast %get3A_699 : vector<1x16xf32> to vector<16xf32>
        %mul3A_701 = arith.mulf %gather3A_676, %get3A_700 : vector<16xf32>
        %add3A_702 = arith.addf %add3A_643, %mul3A_701 : vector<16xf32>
        %get3A_703 = arith.constant 3 : i32
        %get3A_704 = arith.index_cast %get3A_703 : i32 to index
        %get3A_705 = arith.index_cast %mul3A_670 : i32 to index
        %get3A_706 = tpu.vector_load %arg13[%get3A_704, %get3A_705] {strides = array<i32>} : memref<6x4096xf32, #tpu.memory_space<vmem>>, vector<1x16xf32>,
        %get3A_707 = vector.shape_cast %get3A_706 : vector<1x16xf32> to vector<16xf32>
        %mul3A_708 = arith.mulf %gather3A_676, %get3A_707 : vector<16xf32>
        %add3A_709 = arith.addf %add3A_650, %mul3A_708 : vector<16xf32>
        %get3A_710 = arith.constant 4 : i32
        %get3A_711 = arith.index_cast %get3A_710 : i32 to index
        %get3A_712 = arith.index_cast %mul3A_670 : i32 to index
        %get3A_713 = tpu.vector_load %arg13[%get3A_711, %get3A_712] {strides = array<i32>} : memref<6x4096xf32, #tpu.memory_space<vmem>>, vector<1x16xf32>,
        %get3A_714 = vector.shape_cast %get3A_713 : vector<1x16xf32> to vector<16xf32>
        %mul3A_715 = arith.mulf %gather3A_676, %get3A_714 : vector<16xf32>
        %add3A_716 = arith.addf %add3A_657, %mul3A_715 : vector<16xf32>
        %get3A_717 = arith.constant 5 : i32
        %get3A_718 = arith.index_cast %get3A_717 : i32 to index
        %get3A_719 = arith.index_cast %mul3A_670 : i32 to index
        %get3A_720 = tpu.vector_load %arg13[%get3A_718, %get3A_719] {strides = array<i32>} : memref<6x4096xf32, #tpu.memory_space<vmem>>, vector<1x16xf32>,
        %get3A_721 = vector.shape_cast %get3A_720 : vector<1x16xf32> to vector<16xf32>
        %mul3A_722 = arith.mulf %gather3A_676, %get3A_721 : vector<16xf32>
        %add3A_723 = arith.addf %add3A_664, %mul3A_722 : vector<16xf32>
        %mul3A_724 = arith.constant 4 : i32
        %mul3A_725 = arith.muli %scan3A_539, %mul3A_724 : i32
        %add3A_726 = arith.constant 3 : i32
        %add3A_727 = arith.addi %mul3A_725, %add3A_726 : i32
        %mul3A_728 = arith.constant 16 : i32
        %mul3A_729 = arith.muli %add3A_727, %mul3A_728 : i32
        %get3A_730 = arith.index_cast %mul3A_729 : i32 to index
        %get3A_731 = tpu.vector_load %arg9[%get3A_730] {strides = array<i32>} : memref<4096xi32, #tpu.memory_space<vmem>>, vector<16xi32>,
        %get3A_732 = vector.shape_cast %get3A_731 : vector<16xi32> to vector<16xi32>
        %broadcast_in_dim3A_733 = vector.shape_cast %get3A_732 : vector<16xi32> to vector<16x1xi32>
        %gather3A_734 = vector.shape_cast %broadcast_in_dim3A_733 : vector<16x1xi32> to vector<16xi32>
        %gather3A_735 = tpu.dynamic_gather %get3A_4[%gather3A_734] in [0] : vector<16xf32>, vector<16xi32> -> vector<16xf32>
        %get3A_736 = arith.index_cast %mul3A_729 : i32 to index
        %get3A_737 = tpu.vector_load %arg11[%get3A_736] {strides = array<i32>} : memref<4096xf32, #tpu.memory_space<vmem>>, vector<16xf32>,
        %get3A_738 = vector.shape_cast %get3A_737 : vector<16xf32> to vector<16xf32>
        %mul3A_739 = arith.mulf %gather3A_735, %get3A_738 : vector<16xf32>
        %add3A_740 = arith.addf %add3A_681, %mul3A_739 : vector<16xf32>
        %get3A_741 = arith.constant 0 : i32
        %get3A_742 = arith.index_cast %get3A_741 : i32 to index
        %get3A_743 = arith.index_cast %mul3A_729 : i32 to index
        %get3A_744 = tpu.vector_load %arg13[%get3A_742, %get3A_743] {strides = array<i32>} : memref<6x4096xf32, #tpu.memory_space<vmem>>, vector<1x16xf32>,
        %get3A_745 = vector.shape_cast %get3A_744 : vector<1x16xf32> to vector<16xf32>
        %mul3A_746 = arith.mulf %gather3A_735, %get3A_745 : vector<16xf32>
        %add3A_747 = arith.addf %add3A_688, %mul3A_746 : vector<16xf32>
        %get3A_748 = arith.constant 1 : i32
        %get3A_749 = arith.index_cast %get3A_748 : i32 to index
        %get3A_750 = arith.index_cast %mul3A_729 : i32 to index
        %get3A_751 = tpu.vector_load %arg13[%get3A_749, %get3A_750] {strides = array<i32>} : memref<6x4096xf32, #tpu.memory_space<vmem>>, vector<1x16xf32>,
        %get3A_752 = vector.shape_cast %get3A_751 : vector<1x16xf32> to vector<16xf32>
        %mul3A_753 = arith.mulf %gather3A_735, %get3A_752 : vector<16xf32>
        %add3A_754 = arith.addf %add3A_695, %mul3A_753 : vector<16xf32>
        %get3A_755 = arith.constant 2 : i32
        %get3A_756 = arith.index_cast %get3A_755 : i32 to index
        %get3A_757 = arith.index_cast %mul3A_729 : i32 to index
        %get3A_758 = tpu.vector_load %arg13[%get3A_756, %get3A_757] {strides = array<i32>} : memref<6x4096xf32, #tpu.memory_space<vmem>>, vector<1x16xf32>,
        %get3A_759 = vector.shape_cast %get3A_758 : vector<1x16xf32> to vector<16xf32>
        %mul3A_760 = arith.mulf %gather3A_735, %get3A_759 : vector<16xf32>
        %add3A_761 = arith.addf %add3A_702, %mul3A_760 : vector<16xf32>
        %get3A_762 = arith.constant 3 : i32
        %get3A_763 = arith.index_cast %get3A_762 : i32 to index
        %get3A_764 = arith.index_cast %mul3A_729 : i32 to index
        %get3A_765 = tpu.vector_load %arg13[%get3A_763, %get3A_764] {strides = array<i32>} : memref<6x4096xf32, #tpu.memory_space<vmem>>, vector<1x16xf32>,
        %get3A_766 = vector.shape_cast %get3A_765 : vector<1x16xf32> to vector<16xf32>
        %mul3A_767 = arith.mulf %gather3A_735, %get3A_766 : vector<16xf32>
        %add3A_768 = arith.addf %add3A_709, %mul3A_767 : vector<16xf32>
        %get3A_769 = arith.constant 4 : i32
        %get3A_770 = arith.index_cast %get3A_769 : i32 to index
        %get3A_771 = arith.index_cast %mul3A_729 : i32 to index
        %get3A_772 = tpu.vector_load %arg13[%get3A_770, %get3A_771] {strides = array<i32>} : memref<6x4096xf32, #tpu.memory_space<vmem>>, vector<1x16xf32>,
        %get3A_773 = vector.shape_cast %get3A_772 : vector<1x16xf32> to vector<16xf32>
        %mul3A_774 = arith.mulf %gather3A_735, %get3A_773 : vector<16xf32>
        %add3A_775 = arith.addf %add3A_716, %mul3A_774 : vector<16xf32>
        %get3A_776 = arith.constant 5 : i32
        %get3A_777 = arith.index_cast %get3A_776 : i32 to index
        %get3A_778 = arith.index_cast %mul3A_729 : i32 to index
        %get3A_779 = tpu.vector_load %arg13[%get3A_777, %get3A_778] {strides = array<i32>} : memref<6x4096xf32, #tpu.memory_space<vmem>>, vector<1x16xf32>,
        %get3A_780 = vector.shape_cast %get3A_779 : vector<1x16xf32> to vector<16xf32>
        %mul3A_781 = arith.mulf %gather3A_735, %get3A_780 : vector<16xf32>
        %add3A_782 = arith.addf %add3A_723, %mul3A_781 : vector<16xf32>
        scf.yield %add3A_740, %add3A_747, %add3A_754, %add3A_761, %add3A_768, %add3A_775, %add3A_782 : vector<16xf32>, vector<16xf32>, vector<16xf32>, vector<16xf32>, vector<16xf32>, vector<16xf32>, vector<16xf32>
      }
      %scan3A_538 = arith.constant 64 : i32
      scf.yield %scan3A_537#0, %scan3A_537#1, %scan3A_537#2, %scan3A_537#3, %scan3A_537#4, %scan3A_537#5, %scan3A_537#6 : vector<16xf32>, vector<16xf32>, vector<16xf32>, vector<16xf32>, vector<16xf32>, vector<16xf32>, vector<16xf32>
    }
    %scan3A_231 = arith.constant 2 : i32
    %broadcast_in_dim3A_232 = vector.shape_cast %xor3A_28 : vector<16xi32> to vector<16x1xi32>
    %gather3A_233 = vector.shape_cast %broadcast_in_dim3A_232 : vector<16x1xi32> to vector<16xi32>
    %gather3A_234 = tpu.dynamic_gather %scan3A_230#0[%gather3A_233] in [0] : vector<16xf32>, vector<16xi32> -> vector<16xf32>
    %add3A_235 = arith.addf %scan3A_230#0, %gather3A_234 : vector<16xf32>
    %broadcast_in_dim3A_236 = vector.shape_cast %xor3A_31 : vector<16xi32> to vector<16x1xi32>
    %gather3A_237 = vector.shape_cast %broadcast_in_dim3A_236 : vector<16x1xi32> to vector<16xi32>
    %gather3A_238 = tpu.dynamic_gather %add3A_235[%gather3A_237] in [0] : vector<16xf32>, vector<16xi32> -> vector<16xf32>
    %add3A_239 = arith.addf %add3A_235, %gather3A_238 : vector<16xf32>
    %broadcast_in_dim3A_240 = vector.shape_cast %xor3A_34 : vector<16xi32> to vector<16x1xi32>
    %gather3A_241 = vector.shape_cast %broadcast_in_dim3A_240 : vector<16x1xi32> to vector<16xi32>
    %gather3A_242 = tpu.dynamic_gather %add3A_239[%gather3A_241] in [0] : vector<16xf32>, vector<16xi32> -> vector<16xf32>
    %add3A_243 = arith.addf %add3A_239, %gather3A_242 : vector<16xf32>
    %broadcast_in_dim3A_244 = vector.shape_cast %xor3A_37 : vector<16xi32> to vector<16x1xi32>
    %gather3A_245 = vector.shape_cast %broadcast_in_dim3A_244 : vector<16x1xi32> to vector<16xi32>
    %gather3A_246 = tpu.dynamic_gather %add3A_243[%gather3A_245] in [0] : vector<16xf32>, vector<16xi32> -> vector<16xf32>
    %add3A_247 = arith.addf %add3A_243, %gather3A_246 : vector<16xf32>
    %select_n3A_248 = arith.select %eq3A_8, %scan3A_230#1, %scan3A_230#2 : vector<16xi1>, vector<16xf32>
    %select_n3A_249 = arith.select %eq3A_8, %scan3A_230#2, %scan3A_230#1 : vector<16xi1>, vector<16xf32>
    %broadcast_in_dim3A_250 = vector.shape_cast %xor3A_28 : vector<16xi32> to vector<16x1xi32>
    %gather3A_251 = vector.shape_cast %broadcast_in_dim3A_250 : vector<16x1xi32> to vector<16xi32>
    %gather3A_252 = tpu.dynamic_gather %select_n3A_249[%gather3A_251] in [0] : vector<16xf32>, vector<16xi32> -> vector<16xf32>
    %add3A_253 = arith.addf %select_n3A_248, %gather3A_252 : vector<16xf32>
    %select_n3A_254 = arith.select %eq3A_8, %scan3A_230#3, %scan3A_230#4 : vector<16xi1>, vector<16xf32>
    %select_n3A_255 = arith.select %eq3A_8, %scan3A_230#4, %scan3A_230#3 : vector<16xi1>, vector<16xf32>
    %broadcast_in_dim3A_256 = vector.shape_cast %xor3A_28 : vector<16xi32> to vector<16x1xi32>
    %gather3A_257 = vector.shape_cast %broadcast_in_dim3A_256 : vector<16x1xi32> to vector<16xi32>
    %gather3A_258 = tpu.dynamic_gather %select_n3A_255[%gather3A_257] in [0] : vector<16xf32>, vector<16xi32> -> vector<16xf32>
    %add3A_259 = arith.addf %select_n3A_254, %gather3A_258 : vector<16xf32>
    %select_n3A_260 = arith.select %eq3A_8, %scan3A_230#5, %scan3A_230#6 : vector<16xi1>, vector<16xf32>
    %select_n3A_261 = arith.select %eq3A_8, %scan3A_230#6, %scan3A_230#5 : vector<16xi1>, vector<16xf32>
    %broadcast_in_dim3A_262 = vector.shape_cast %xor3A_28 : vector<16xi32> to vector<16x1xi32>
    %gather3A_263 = vector.shape_cast %broadcast_in_dim3A_262 : vector<16x1xi32> to vector<16xi32>
    %gather3A_264 = tpu.dynamic_gather %select_n3A_261[%gather3A_263] in [0] : vector<16xf32>, vector<16xi32> -> vector<16xf32>
    %add3A_265 = arith.addf %select_n3A_260, %gather3A_264 : vector<16xf32>
    %select_n3A_266 = arith.select %eq3A_8, %broadcast_in_dim3A_38, %broadcast_in_dim3A_38 : vector<16xi1>, vector<16xf32>
    %select_n3A_267 = arith.select %eq3A_8, %broadcast_in_dim3A_38, %broadcast_in_dim3A_38 : vector<16xi1>, vector<16xf32>
    %broadcast_in_dim3A_268 = vector.shape_cast %xor3A_28 : vector<16xi32> to vector<16x1xi32>
    %gather3A_269 = vector.shape_cast %broadcast_in_dim3A_268 : vector<16x1xi32> to vector<16xi32>
    %gather3A_270 = tpu.dynamic_gather %select_n3A_267[%gather3A_269] in [0] : vector<16xf32>, vector<16xi32> -> vector<16xf32>
    %add3A_271 = arith.addf %select_n3A_266, %gather3A_270 : vector<16xf32>
    %select_n3A_272 = arith.select %eq3A_14, %add3A_253, %add3A_259 : vector<16xi1>, vector<16xf32>
    %select_n3A_273 = arith.select %eq3A_14, %add3A_259, %add3A_253 : vector<16xi1>, vector<16xf32>
    %broadcast_in_dim3A_274 = vector.shape_cast %xor3A_31 : vector<16xi32> to vector<16x1xi32>
    %gather3A_275 = vector.shape_cast %broadcast_in_dim3A_274 : vector<16x1xi32> to vector<16xi32>
    %gather3A_276 = tpu.dynamic_gather %select_n3A_273[%gather3A_275] in [0] : vector<16xf32>, vector<16xi32> -> vector<16xf32>
    %add3A_277 = arith.addf %select_n3A_272, %gather3A_276 : vector<16xf32>
    %select_n3A_278 = arith.select %eq3A_14, %add3A_265, %add3A_271 : vector<16xi1>, vector<16xf32>
    %select_n3A_279 = arith.select %eq3A_14, %add3A_271, %add3A_265 : vector<16xi1>, vector<16xf32>
    %broadcast_in_dim3A_280 = vector.shape_cast %xor3A_31 : vector<16xi32> to vector<16x1xi32>
    %gather3A_281 = vector.shape_cast %broadcast_in_dim3A_280 : vector<16x1xi32> to vector<16xi32>
    %gather3A_282 = tpu.dynamic_gather %select_n3A_279[%gather3A_281] in [0] : vector<16xf32>, vector<16xi32> -> vector<16xf32>
    %add3A_283 = arith.addf %select_n3A_278, %gather3A_282 : vector<16xf32>
    %select_n3A_284 = arith.select %eq3A_20, %add3A_277, %add3A_283 : vector<16xi1>, vector<16xf32>
    %select_n3A_285 = arith.select %eq3A_20, %add3A_283, %add3A_277 : vector<16xi1>, vector<16xf32>
    %broadcast_in_dim3A_286 = vector.shape_cast %xor3A_34 : vector<16xi32> to vector<16x1xi32>
    %gather3A_287 = vector.shape_cast %broadcast_in_dim3A_286 : vector<16x1xi32> to vector<16xi32>
    %gather3A_288 = tpu.dynamic_gather %select_n3A_285[%gather3A_287] in [0] : vector<16xf32>, vector<16xi32> -> vector<16xf32>
    %add3A_289 = arith.addf %select_n3A_284, %gather3A_288 : vector<16xf32>
    %sub3A_290 = arith.subf %add3A_247, %add3A_289 : vector<16xf32>
    %abs3A_291 = math.absf %sub3A_290 : vector<16xf32>
    %abs3A_292 = math.absf %add3A_289 : vector<16xf32>
    %mul3A_293 = arith.constant 9.99999974E-6 : f32
    %mul3A_294 = vector.broadcast %mul3A_293 : f32 to vector<16xf32>
    %mul3A_295 = arith.mulf %mul3A_294, %abs3A_292 : vector<16xf32>
    %add3A_296 = arith.constant 9.99999993E-9 : f32
    %add3A_297 = vector.broadcast %add3A_296 : f32 to vector<16xf32>
    %add3A_298 = arith.addf %add3A_297, %mul3A_295 : vector<16xf32>
    %le3A_299 = arith.cmpf ole, %abs3A_291, %add3A_298 : vector<16xf32>
    %jit3A_300 = arith.constant 1 : i32
    %jit3A_301 = arith.constant 0 : i32
    %broadcast_in_dim3A_302 = vector.broadcast %jit3A_300 : i32 to vector<16xi32>
    %broadcast_in_dim3A_303 = vector.broadcast %jit3A_301 : i32 to vector<16xi32>
    %select_n3A_304 = arith.select %le3A_299, %broadcast_in_dim3A_302, %broadcast_in_dim3A_303 : vector<16xi1>, vector<16xi32>
    %swap3A_305 = arith.constant 2 : i32
    %swap3A_306 = arith.index_cast %swap3A_305 : i32 to index
    %swap3A_307 = arith.constant 0 : index
    %swap3A_308 = tpu.vector_load %arg14[%swap3A_306, %swap3A_307] {strides = array<i32>} : memref<4x16xi32, #tpu.memory_space<vmem>>, vector<1x16xi32>,
    %swap3A_309 = vector.shape_cast %swap3A_308 : vector<1x16xi32> to vector<16xi32>
    %swap3A_310 = vector.shape_cast %select_n3A_304 : vector<16xi32> to vector<1x16xi32>
    tpu.vector_store %arg14[%swap3A_306, %swap3A_307], %swap3A_310 {strides = array<i32>} : memref<4x16xi32, #tpu.memory_space<vmem>>, vector<1x16xi32>,
    %add3A_311 = arith.constant 3 : i32
    %add3A_312 = arith.addi %mul3A_2, %add3A_311 : i32
    %scan3A_313 = arith.constant 0 : i32
    %scan3A_314 = arith.constant 2 : i32
    %scan3A_315 = arith.addi %scan3A_313, %scan3A_314 : i32
    %scan3A_316 = arith.constant 1 : i32
    %scan3A_317:7 = scf.for %scan3A_398 = %scan3A_313 to %scan3A_315 step %scan3A_316 iter_args(%scan3A_399 = %broadcast_in_dim3A_38, %scan3A_400 = %broadcast_in_dim3A_38, %scan3A_401 = %broadcast_in_dim3A_38, %scan3A_402 = %broadcast_in_dim3A_38, %scan3A_403 = %broadcast_in_dim3A_38, %scan3A_404 = %broadcast_in_dim3A_38, %scan3A_405 = %broadcast_in_dim3A_38) -> (vector<16xf32>, vector<16xf32>, vector<16xf32>, vector<16xf32>, vector<16xf32>, vector<16xf32>, vector<16xf32>)  : i32 {
      %mul3A_406 = arith.constant 2 : i32
      %mul3A_407 = arith.muli %mul3A_406, %scan3A_398 : i32
      %add3A_408 = arith.constant 1 : i32
      %add3A_409 = arith.addi %mul3A_407, %add3A_408 : i32
      %mul3A_410 = arith.constant 4096 : i32
      %mul3A_411 = arith.muli %add3A_409, %mul3A_410 : i32
      %dma_start3A_412 = tpu.memref_slice %arg4[%add3A_312, %mul3A_411] : memref<128x16384xi32, #tpu.memory_space<hbm>> -> memref<1x4096xi32, #tpu.memory_space<hbm>>
      %dma_start3A_413 = tpu.memref_squeeze %dma_start3A_412 : memref<1x4096xi32, #tpu.memory_space<hbm>> -> memref<4096xi32, #tpu.memory_space<hbm>>
      %dma_start3A_414 = tpu.memref_slice %arg4[%add3A_312, %mul3A_411] : memref<128x16384xi32, #tpu.memory_space<hbm>> -> memref<1x4096xi32, #tpu.memory_space<hbm>>
      %dma_start3A_415 = tpu.memref_squeeze %dma_start3A_414 : memref<1x4096xi32, #tpu.memory_space<hbm>> -> memref<4096xi32, #tpu.memory_space<hbm>>
      tpu.enqueue_dma source(%dma_start3A_415 : memref<4096xi32, #tpu.memory_space<hbm>>) target(%arg9 : memref<4096xi32, #tpu.memory_space<vmem>>) target_semaphore(%arg16 : memref<!tpu.dma_semaphore, #tpu.memory_space<semaphore_mem>>)
      %dma_start3A_416 = tpu.memref_slice %arg3[%add3A_312, %mul3A_411] : memref<128x16384xf32, #tpu.memory_space<hbm>> -> memref<1x4096xf32, #tpu.memory_space<hbm>>
      %dma_start3A_417 = tpu.memref_squeeze %dma_start3A_416 : memref<1x4096xf32, #tpu.memory_space<hbm>> -> memref<4096xf32, #tpu.memory_space<hbm>>
      %dma_start3A_418 = tpu.memref_slice %arg3[%add3A_312, %mul3A_411] : memref<128x16384xf32, #tpu.memory_space<hbm>> -> memref<1x4096xf32, #tpu.memory_space<hbm>>
      %dma_start3A_419 = tpu.memref_squeeze %dma_start3A_418 : memref<1x4096xf32, #tpu.memory_space<hbm>> -> memref<4096xf32, #tpu.memory_space<hbm>>
      tpu.enqueue_dma source(%dma_start3A_419 : memref<4096xf32, #tpu.memory_space<hbm>>) target(%arg11 : memref<4096xf32, #tpu.memory_space<vmem>>) target_semaphore(%arg16 : memref<!tpu.dma_semaphore, #tpu.memory_space<semaphore_mem>>)
      %dma_start3A_420 = arith.constant 10 : i32
      %dma_start3A_421 = tpu.memref_slice %arg2[%dma_start3A_420, %add3A_312, %mul3A_411] : memref<16x128x16384xf32, #tpu.memory_space<hbm>> -> memref<6x1x4096xf32, #tpu.memory_space<hbm>>
      %dma_start3A_422 = tpu.memref_squeeze %dma_start3A_421 : memref<6x1x4096xf32, #tpu.memory_space<hbm>> -> memref<6x4096xf32, #tpu.memory_space<hbm>>
      %dma_start3A_423 = arith.constant 10 : i32
      %dma_start3A_424 = tpu.memref_slice %arg2[%dma_start3A_423, %add3A_312, %mul3A_411] : memref<16x128x16384xf32, #tpu.memory_space<hbm>> -> memref<6x1x4096xf32, #tpu.memory_space<hbm>>
      %dma_start3A_425 = tpu.memref_squeeze %dma_start3A_424 : memref<6x1x4096xf32, #tpu.memory_space<hbm>> -> memref<6x4096xf32, #tpu.memory_space<hbm>>
      tpu.enqueue_dma source(%dma_start3A_425 : memref<6x4096xf32, #tpu.memory_space<hbm>>) target(%arg13 : memref<6x4096xf32, #tpu.memory_space<vmem>>) target_semaphore(%arg16 : memref<!tpu.dma_semaphore, #tpu.memory_space<semaphore_mem>>)
      %dma_wait3A = arith.constant 0 : i32
      %dma_wait3A_426 = arith.constant 0 : i32
      %dma_wait3A_427 = tpu.memref_slice %arg4[%dma_wait3A, %dma_wait3A_426] : memref<128x16384xi32, #tpu.memory_space<hbm>> -> memref<1x4096xi32, #tpu.memory_space<hbm>>
      %dma_wait3A_428 = tpu.memref_squeeze %dma_wait3A_427 : memref<1x4096xi32, #tpu.memory_space<hbm>> -> memref<4096xi32, #tpu.memory_space<hbm>>
      %dma_wait3A_429 = arith.constant 0 : i32
      %dma_wait3A_430 = tpu.memref_slice %arg4[%dma_wait3A, %dma_wait3A_429] : memref<128x16384xi32, #tpu.memory_space<hbm>> -> memref<1x4096xi32, #tpu.memory_space<hbm>>
      %dma_wait3A_431 = tpu.memref_squeeze %dma_wait3A_430 : memref<1x4096xi32, #tpu.memory_space<hbm>> -> memref<4096xi32, #tpu.memory_space<hbm>>
      tpu.wait_dma2 semaphore(%arg15 : memref<!tpu.dma_semaphore, #tpu.memory_space<semaphore_mem>>) src(%dma_wait3A_431 : memref<4096xi32, #tpu.memory_space<hbm>>) dst(%arg8 : memref<4096xi32, #tpu.memory_space<vmem>>)
      %dma_wait3A_432 = arith.constant 0 : i32
      %dma_wait3A_433 = arith.constant 0 : i32
      %dma_wait3A_434 = tpu.memref_slice %arg3[%dma_wait3A_432, %dma_wait3A_433] : memref<128x16384xf32, #tpu.memory_space<hbm>> -> memref<1x4096xf32, #tpu.memory_space<hbm>>
      %dma_wait3A_435 = tpu.memref_squeeze %dma_wait3A_434 : memref<1x4096xf32, #tpu.memory_space<hbm>> -> memref<4096xf32, #tpu.memory_space<hbm>>
      %dma_wait3A_436 = arith.constant 0 : i32
      %dma_wait3A_437 = tpu.memref_slice %arg3[%dma_wait3A_432, %dma_wait3A_436] : memref<128x16384xf32, #tpu.memory_space<hbm>> -> memref<1x4096xf32, #tpu.memory_space<hbm>>
      %dma_wait3A_438 = tpu.memref_squeeze %dma_wait3A_437 : memref<1x4096xf32, #tpu.memory_space<hbm>> -> memref<4096xf32, #tpu.memory_space<hbm>>
      tpu.wait_dma2 semaphore(%arg15 : memref<!tpu.dma_semaphore, #tpu.memory_space<semaphore_mem>>) src(%dma_wait3A_438 : memref<4096xf32, #tpu.memory_space<hbm>>) dst(%arg10 : memref<4096xf32, #tpu.memory_space<vmem>>)
      %dma_wait3A_439 = arith.constant 0 : i32
      %dma_wait3A_440 = arith.constant 10 : i32
      %dma_wait3A_441 = arith.constant 0 : i32
      %dma_wait3A_442 = tpu.memref_slice %arg2[%dma_wait3A_440, %dma_wait3A_439, %dma_wait3A_441] : memref<16x128x16384xf32, #tpu.memory_space<hbm>> -> memref<6x1x4096xf32, #tpu.memory_space<hbm>>
      %dma_wait3A_443 = tpu.memref_squeeze %dma_wait3A_442 : memref<6x1x4096xf32, #tpu.memory_space<hbm>> -> memref<6x4096xf32, #tpu.memory_space<hbm>>
      %dma_wait3A_444 = arith.constant 10 : i32
      %dma_wait3A_445 = arith.constant 0 : i32
      %dma_wait3A_446 = tpu.memref_slice %arg2[%dma_wait3A_444, %dma_wait3A_439, %dma_wait3A_445] : memref<16x128x16384xf32, #tpu.memory_space<hbm>> -> memref<6x1x4096xf32, #tpu.memory_space<hbm>>
      %dma_wait3A_447 = tpu.memref_squeeze %dma_wait3A_446 : memref<6x1x4096xf32, #tpu.memory_space<hbm>> -> memref<6x4096xf32, #tpu.memory_space<hbm>>
      tpu.wait_dma2 semaphore(%arg15 : memref<!tpu.dma_semaphore, #tpu.memory_space<semaphore_mem>>) src(%dma_wait3A_447 : memref<6x4096xf32, #tpu.memory_space<hbm>>) dst(%arg12 : memref<6x4096xf32, #tpu.memory_space<vmem>>)
      %scan3A_448 = arith.constant 0 : i32
      %scan3A_449 = arith.constant 64 : i32
      %scan3A_450 = arith.addi %scan3A_448, %scan3A_449 : i32
      %scan3A_451 = arith.constant 1 : i32
      %scan3A_452:7 = scf.for %scan3A_489 = %scan3A_448 to %scan3A_450 step %scan3A_451 iter_args(%scan3A_490 = %scan3A_399, %scan3A_491 = %scan3A_400, %scan3A_492 = %scan3A_401, %scan3A_493 = %scan3A_402, %scan3A_494 = %scan3A_403, %scan3A_495 = %scan3A_404, %scan3A_496 = %scan3A_405) -> (vector<16xf32>, vector<16xf32>, vector<16xf32>, vector<16xf32>, vector<16xf32>, vector<16xf32>, vector<16xf32>)  : i32 {
        %mul3A_497 = arith.constant 4 : i32
        %mul3A_498 = arith.muli %scan3A_489, %mul3A_497 : i32
        %add3A_499 = arith.constant 0 : i32
        %add3A_500 = arith.addi %mul3A_498, %add3A_499 : i32
        %mul3A_501 = arith.constant 16 : i32
        %mul3A_502 = arith.muli %add3A_500, %mul3A_501 : i32
        %get3A_503 = arith.index_cast %mul3A_502 : i32 to index
        %get3A_504 = tpu.vector_load %arg8[%get3A_503] {strides = array<i32>} : memref<4096xi32, #tpu.memory_space<vmem>>, vector<16xi32>,
        %get3A_505 = vector.shape_cast %get3A_504 : vector<16xi32> to vector<16xi32>
        %broadcast_in_dim3A_506 = vector.shape_cast %get3A_505 : vector<16xi32> to vector<16x1xi32>
        %gather3A_507 = vector.shape_cast %broadcast_in_dim3A_506 : vector<16x1xi32> to vector<16xi32>
        %gather3A_508 = tpu.dynamic_gather %get3A_4[%gather3A_507] in [0] : vector<16xf32>, vector<16xi32> -> vector<16xf32>
        %get3A_509 = arith.index_cast %mul3A_502 : i32 to index
        %get3A_510 = tpu.vector_load %arg10[%get3A_509] {strides = array<i32>} : memref<4096xf32, #tpu.memory_space<vmem>>, vector<16xf32>,
        %get3A_511 = vector.shape_cast %get3A_510 : vector<16xf32> to vector<16xf32>
        %mul3A_512 = arith.mulf %gather3A_508, %get3A_511 : vector<16xf32>
        %add3A_513 = arith.addf %scan3A_490, %mul3A_512 : vector<16xf32>
        %get3A_514 = arith.constant 0 : i32
        %get3A_515 = arith.index_cast %get3A_514 : i32 to index
        %get3A_516 = arith.index_cast %mul3A_502 : i32 to index
        %get3A_517 = tpu.vector_load %arg12[%get3A_515, %get3A_516] {strides = array<i32>} : memref<6x4096xf32, #tpu.memory_space<vmem>>, vector<1x16xf32>,
        %get3A_518 = vector.shape_cast %get3A_517 : vector<1x16xf32> to vector<16xf32>
        %mul3A_519 = arith.mulf %gather3A_508, %get3A_518 : vector<16xf32>
        %add3A_520 = arith.addf %scan3A_491, %mul3A_519 : vector<16xf32>
        %get3A_521 = arith.constant 1 : i32
        %get3A_522 = arith.index_cast %get3A_521 : i32 to index
        %get3A_523 = arith.index_cast %mul3A_502 : i32 to index
        %get3A_524 = tpu.vector_load %arg12[%get3A_522, %get3A_523] {strides = array<i32>} : memref<6x4096xf32, #tpu.memory_space<vmem>>, vector<1x16xf32>,
        %get3A_525 = vector.shape_cast %get3A_524 : vector<1x16xf32> to vector<16xf32>
        %mul3A_526 = arith.mulf %gather3A_508, %get3A_525 : vector<16xf32>
        %add3A_527 = arith.addf %scan3A_492, %mul3A_526 : vector<16xf32>
        %get3A_528 = arith.constant 2 : i32
        %get3A_529 = arith.index_cast %get3A_528 : i32 to index
        %get3A_530 = arith.index_cast %mul3A_502 : i32 to index
        %get3A_531 = tpu.vector_load %arg12[%get3A_529, %get3A_530] {strides = array<i32>} : memref<6x4096xf32, #tpu.memory_space<vmem>>, vector<1x16xf32>,
        %get3A_532 = vector.shape_cast %get3A_531 : vector<1x16xf32> to vector<16xf32>
        %mul3A_533 = arith.mulf %gather3A_508, %get3A_532 : vector<16xf32>
        %add3A_534 = arith.addf %scan3A_493, %mul3A_533 : vector<16xf32>
        %get3A_535 = arith.constant 3 : i32
        %get3A_536 = arith.index_cast %get3A_535 : i32 to index
        %get3A_537 = arith.index_cast %mul3A_502 : i32 to index
        %get3A_538 = tpu.vector_load %arg12[%get3A_536, %get3A_537] {strides = array<i32>} : memref<6x4096xf32, #tpu.memory_space<vmem>>, vector<1x16xf32>,
        %get3A_539 = vector.shape_cast %get3A_538 : vector<1x16xf32> to vector<16xf32>
        %mul3A_540 = arith.mulf %gather3A_508, %get3A_539 : vector<16xf32>
        %add3A_541 = arith.addf %scan3A_494, %mul3A_540 : vector<16xf32>
        %get3A_542 = arith.constant 4 : i32
        %get3A_543 = arith.index_cast %get3A_542 : i32 to index
        %get3A_544 = arith.index_cast %mul3A_502 : i32 to index
        %get3A_545 = tpu.vector_load %arg12[%get3A_543, %get3A_544] {strides = array<i32>} : memref<6x4096xf32, #tpu.memory_space<vmem>>, vector<1x16xf32>,
        %get3A_546 = vector.shape_cast %get3A_545 : vector<1x16xf32> to vector<16xf32>
        %mul3A_547 = arith.mulf %gather3A_508, %get3A_546 : vector<16xf32>
        %add3A_548 = arith.addf %scan3A_495, %mul3A_547 : vector<16xf32>
        %get3A_549 = arith.constant 5 : i32
        %get3A_550 = arith.index_cast %get3A_549 : i32 to index
        %get3A_551 = arith.index_cast %mul3A_502 : i32 to index
        %get3A_552 = tpu.vector_load %arg12[%get3A_550, %get3A_551] {strides = array<i32>} : memref<6x4096xf32, #tpu.memory_space<vmem>>, vector<1x16xf32>,
        %get3A_553 = vector.shape_cast %get3A_552 : vector<1x16xf32> to vector<16xf32>
        %mul3A_554 = arith.mulf %gather3A_508, %get3A_553 : vector<16xf32>
        %add3A_555 = arith.addf %scan3A_496, %mul3A_554 : vector<16xf32>
        %mul3A_556 = arith.constant 4 : i32
        %mul3A_557 = arith.muli %scan3A_489, %mul3A_556 : i32
        %add3A_558 = arith.constant 1 : i32
        %add3A_559 = arith.addi %mul3A_557, %add3A_558 : i32
        %mul3A_560 = arith.constant 16 : i32
        %mul3A_561 = arith.muli %add3A_559, %mul3A_560 : i32
        %get3A_562 = arith.index_cast %mul3A_561 : i32 to index
        %get3A_563 = tpu.vector_load %arg8[%get3A_562] {strides = array<i32>} : memref<4096xi32, #tpu.memory_space<vmem>>, vector<16xi32>,
        %get3A_564 = vector.shape_cast %get3A_563 : vector<16xi32> to vector<16xi32>
        %broadcast_in_dim3A_565 = vector.shape_cast %get3A_564 : vector<16xi32> to vector<16x1xi32>
        %gather3A_566 = vector.shape_cast %broadcast_in_dim3A_565 : vector<16x1xi32> to vector<16xi32>
        %gather3A_567 = tpu.dynamic_gather %get3A_4[%gather3A_566] in [0] : vector<16xf32>, vector<16xi32> -> vector<16xf32>
        %get3A_568 = arith.index_cast %mul3A_561 : i32 to index
        %get3A_569 = tpu.vector_load %arg10[%get3A_568] {strides = array<i32>} : memref<4096xf32, #tpu.memory_space<vmem>>, vector<16xf32>,
        %get3A_570 = vector.shape_cast %get3A_569 : vector<16xf32> to vector<16xf32>
        %mul3A_571 = arith.mulf %gather3A_567, %get3A_570 : vector<16xf32>
        %add3A_572 = arith.addf %add3A_513, %mul3A_571 : vector<16xf32>
        %get3A_573 = arith.constant 0 : i32
        %get3A_574 = arith.index_cast %get3A_573 : i32 to index
        %get3A_575 = arith.index_cast %mul3A_561 : i32 to index
        %get3A_576 = tpu.vector_load %arg12[%get3A_574, %get3A_575] {strides = array<i32>} : memref<6x4096xf32, #tpu.memory_space<vmem>>, vector<1x16xf32>,
        %get3A_577 = vector.shape_cast %get3A_576 : vector<1x16xf32> to vector<16xf32>
        %mul3A_578 = arith.mulf %gather3A_567, %get3A_577 : vector<16xf32>
        %add3A_579 = arith.addf %add3A_520, %mul3A_578 : vector<16xf32>
        %get3A_580 = arith.constant 1 : i32
        %get3A_581 = arith.index_cast %get3A_580 : i32 to index
        %get3A_582 = arith.index_cast %mul3A_561 : i32 to index
        %get3A_583 = tpu.vector_load %arg12[%get3A_581, %get3A_582] {strides = array<i32>} : memref<6x4096xf32, #tpu.memory_space<vmem>>, vector<1x16xf32>,
        %get3A_584 = vector.shape_cast %get3A_583 : vector<1x16xf32> to vector<16xf32>
        %mul3A_585 = arith.mulf %gather3A_567, %get3A_584 : vector<16xf32>
        %add3A_586 = arith.addf %add3A_527, %mul3A_585 : vector<16xf32>
        %get3A_587 = arith.constant 2 : i32
        %get3A_588 = arith.index_cast %get3A_587 : i32 to index
        %get3A_589 = arith.index_cast %mul3A_561 : i32 to index
        %get3A_590 = tpu.vector_load %arg12[%get3A_588, %get3A_589] {strides = array<i32>} : memref<6x4096xf32, #tpu.memory_space<vmem>>, vector<1x16xf32>,
        %get3A_591 = vector.shape_cast %get3A_590 : vector<1x16xf32> to vector<16xf32>
        %mul3A_592 = arith.mulf %gather3A_567, %get3A_591 : vector<16xf32>
        %add3A_593 = arith.addf %add3A_534, %mul3A_592 : vector<16xf32>
        %get3A_594 = arith.constant 3 : i32
        %get3A_595 = arith.index_cast %get3A_594 : i32 to index
        %get3A_596 = arith.index_cast %mul3A_561 : i32 to index
        %get3A_597 = tpu.vector_load %arg12[%get3A_595, %get3A_596] {strides = array<i32>} : memref<6x4096xf32, #tpu.memory_space<vmem>>, vector<1x16xf32>,
        %get3A_598 = vector.shape_cast %get3A_597 : vector<1x16xf32> to vector<16xf32>
        %mul3A_599 = arith.mulf %gather3A_567, %get3A_598 : vector<16xf32>
        %add3A_600 = arith.addf %add3A_541, %mul3A_599 : vector<16xf32>
        %get3A_601 = arith.constant 4 : i32
        %get3A_602 = arith.index_cast %get3A_601 : i32 to index
        %get3A_603 = arith.index_cast %mul3A_561 : i32 to index
        %get3A_604 = tpu.vector_load %arg12[%get3A_602, %get3A_603] {strides = array<i32>} : memref<6x4096xf32, #tpu.memory_space<vmem>>, vector<1x16xf32>,
        %get3A_605 = vector.shape_cast %get3A_604 : vector<1x16xf32> to vector<16xf32>
        %mul3A_606 = arith.mulf %gather3A_567, %get3A_605 : vector<16xf32>
        %add3A_607 = arith.addf %add3A_548, %mul3A_606 : vector<16xf32>
        %get3A_608 = arith.constant 5 : i32
        %get3A_609 = arith.index_cast %get3A_608 : i32 to index
        %get3A_610 = arith.index_cast %mul3A_561 : i32 to index
        %get3A_611 = tpu.vector_load %arg12[%get3A_609, %get3A_610] {strides = array<i32>} : memref<6x4096xf32, #tpu.memory_space<vmem>>, vector<1x16xf32>,
        %get3A_612 = vector.shape_cast %get3A_611 : vector<1x16xf32> to vector<16xf32>
        %mul3A_613 = arith.mulf %gather3A_567, %get3A_612 : vector<16xf32>
        %add3A_614 = arith.addf %add3A_555, %mul3A_613 : vector<16xf32>
        %mul3A_615 = arith.constant 4 : i32
        %mul3A_616 = arith.muli %scan3A_489, %mul3A_615 : i32
        %add3A_617 = arith.constant 2 : i32
        %add3A_618 = arith.addi %mul3A_616, %add3A_617 : i32
        %mul3A_619 = arith.constant 16 : i32
        %mul3A_620 = arith.muli %add3A_618, %mul3A_619 : i32
        %get3A_621 = arith.index_cast %mul3A_620 : i32 to index
        %get3A_622 = tpu.vector_load %arg8[%get3A_621] {strides = array<i32>} : memref<4096xi32, #tpu.memory_space<vmem>>, vector<16xi32>,
        %get3A_623 = vector.shape_cast %get3A_622 : vector<16xi32> to vector<16xi32>
        %broadcast_in_dim3A_624 = vector.shape_cast %get3A_623 : vector<16xi32> to vector<16x1xi32>
        %gather3A_625 = vector.shape_cast %broadcast_in_dim3A_624 : vector<16x1xi32> to vector<16xi32>
        %gather3A_626 = tpu.dynamic_gather %get3A_4[%gather3A_625] in [0] : vector<16xf32>, vector<16xi32> -> vector<16xf32>
        %get3A_627 = arith.index_cast %mul3A_620 : i32 to index
        %get3A_628 = tpu.vector_load %arg10[%get3A_627] {strides = array<i32>} : memref<4096xf32, #tpu.memory_space<vmem>>, vector<16xf32>,
        %get3A_629 = vector.shape_cast %get3A_628 : vector<16xf32> to vector<16xf32>
        %mul3A_630 = arith.mulf %gather3A_626, %get3A_629 : vector<16xf32>
        %add3A_631 = arith.addf %add3A_572, %mul3A_630 : vector<16xf32>
        %get3A_632 = arith.constant 0 : i32
        %get3A_633 = arith.index_cast %get3A_632 : i32 to index
        %get3A_634 = arith.index_cast %mul3A_620 : i32 to index
        %get3A_635 = tpu.vector_load %arg12[%get3A_633, %get3A_634] {strides = array<i32>} : memref<6x4096xf32, #tpu.memory_space<vmem>>, vector<1x16xf32>,
        %get3A_636 = vector.shape_cast %get3A_635 : vector<1x16xf32> to vector<16xf32>
        %mul3A_637 = arith.mulf %gather3A_626, %get3A_636 : vector<16xf32>
        %add3A_638 = arith.addf %add3A_579, %mul3A_637 : vector<16xf32>
        %get3A_639 = arith.constant 1 : i32
        %get3A_640 = arith.index_cast %get3A_639 : i32 to index
        %get3A_641 = arith.index_cast %mul3A_620 : i32 to index
        %get3A_642 = tpu.vector_load %arg12[%get3A_640, %get3A_641] {strides = array<i32>} : memref<6x4096xf32, #tpu.memory_space<vmem>>, vector<1x16xf32>,
        %get3A_643 = vector.shape_cast %get3A_642 : vector<1x16xf32> to vector<16xf32>
        %mul3A_644 = arith.mulf %gather3A_626, %get3A_643 : vector<16xf32>
        %add3A_645 = arith.addf %add3A_586, %mul3A_644 : vector<16xf32>
        %get3A_646 = arith.constant 2 : i32
        %get3A_647 = arith.index_cast %get3A_646 : i32 to index
        %get3A_648 = arith.index_cast %mul3A_620 : i32 to index
        %get3A_649 = tpu.vector_load %arg12[%get3A_647, %get3A_648] {strides = array<i32>} : memref<6x4096xf32, #tpu.memory_space<vmem>>, vector<1x16xf32>,
        %get3A_650 = vector.shape_cast %get3A_649 : vector<1x16xf32> to vector<16xf32>
        %mul3A_651 = arith.mulf %gather3A_626, %get3A_650 : vector<16xf32>
        %add3A_652 = arith.addf %add3A_593, %mul3A_651 : vector<16xf32>
        %get3A_653 = arith.constant 3 : i32
        %get3A_654 = arith.index_cast %get3A_653 : i32 to index
        %get3A_655 = arith.index_cast %mul3A_620 : i32 to index
        %get3A_656 = tpu.vector_load %arg12[%get3A_654, %get3A_655] {strides = array<i32>} : memref<6x4096xf32, #tpu.memory_space<vmem>>, vector<1x16xf32>,
        %get3A_657 = vector.shape_cast %get3A_656 : vector<1x16xf32> to vector<16xf32>
        %mul3A_658 = arith.mulf %gather3A_626, %get3A_657 : vector<16xf32>
        %add3A_659 = arith.addf %add3A_600, %mul3A_658 : vector<16xf32>
        %get3A_660 = arith.constant 4 : i32
        %get3A_661 = arith.index_cast %get3A_660 : i32 to index
        %get3A_662 = arith.index_cast %mul3A_620 : i32 to index
        %get3A_663 = tpu.vector_load %arg12[%get3A_661, %get3A_662] {strides = array<i32>} : memref<6x4096xf32, #tpu.memory_space<vmem>>, vector<1x16xf32>,
        %get3A_664 = vector.shape_cast %get3A_663 : vector<1x16xf32> to vector<16xf32>
        %mul3A_665 = arith.mulf %gather3A_626, %get3A_664 : vector<16xf32>
        %add3A_666 = arith.addf %add3A_607, %mul3A_665 : vector<16xf32>
        %get3A_667 = arith.constant 5 : i32
        %get3A_668 = arith.index_cast %get3A_667 : i32 to index
        %get3A_669 = arith.index_cast %mul3A_620 : i32 to index
        %get3A_670 = tpu.vector_load %arg12[%get3A_668, %get3A_669] {strides = array<i32>} : memref<6x4096xf32, #tpu.memory_space<vmem>>, vector<1x16xf32>,
        %get3A_671 = vector.shape_cast %get3A_670 : vector<1x16xf32> to vector<16xf32>
        %mul3A_672 = arith.mulf %gather3A_626, %get3A_671 : vector<16xf32>
        %add3A_673 = arith.addf %add3A_614, %mul3A_672 : vector<16xf32>
        %mul3A_674 = arith.constant 4 : i32
        %mul3A_675 = arith.muli %scan3A_489, %mul3A_674 : i32
        %add3A_676 = arith.constant 3 : i32
        %add3A_677 = arith.addi %mul3A_675, %add3A_676 : i32
        %mul3A_678 = arith.constant 16 : i32
        %mul3A_679 = arith.muli %add3A_677, %mul3A_678 : i32
        %get3A_680 = arith.index_cast %mul3A_679 : i32 to index
        %get3A_681 = tpu.vector_load %arg8[%get3A_680] {strides = array<i32>} : memref<4096xi32, #tpu.memory_space<vmem>>, vector<16xi32>,
        %get3A_682 = vector.shape_cast %get3A_681 : vector<16xi32> to vector<16xi32>
        %broadcast_in_dim3A_683 = vector.shape_cast %get3A_682 : vector<16xi32> to vector<16x1xi32>
        %gather3A_684 = vector.shape_cast %broadcast_in_dim3A_683 : vector<16x1xi32> to vector<16xi32>
        %gather3A_685 = tpu.dynamic_gather %get3A_4[%gather3A_684] in [0] : vector<16xf32>, vector<16xi32> -> vector<16xf32>
        %get3A_686 = arith.index_cast %mul3A_679 : i32 to index
        %get3A_687 = tpu.vector_load %arg10[%get3A_686] {strides = array<i32>} : memref<4096xf32, #tpu.memory_space<vmem>>, vector<16xf32>,
        %get3A_688 = vector.shape_cast %get3A_687 : vector<16xf32> to vector<16xf32>
        %mul3A_689 = arith.mulf %gather3A_685, %get3A_688 : vector<16xf32>
        %add3A_690 = arith.addf %add3A_631, %mul3A_689 : vector<16xf32>
        %get3A_691 = arith.constant 0 : i32
        %get3A_692 = arith.index_cast %get3A_691 : i32 to index
        %get3A_693 = arith.index_cast %mul3A_679 : i32 to index
        %get3A_694 = tpu.vector_load %arg12[%get3A_692, %get3A_693] {strides = array<i32>} : memref<6x4096xf32, #tpu.memory_space<vmem>>, vector<1x16xf32>,
        %get3A_695 = vector.shape_cast %get3A_694 : vector<1x16xf32> to vector<16xf32>
        %mul3A_696 = arith.mulf %gather3A_685, %get3A_695 : vector<16xf32>
        %add3A_697 = arith.addf %add3A_638, %mul3A_696 : vector<16xf32>
        %get3A_698 = arith.constant 1 : i32
        %get3A_699 = arith.index_cast %get3A_698 : i32 to index
        %get3A_700 = arith.index_cast %mul3A_679 : i32 to index
        %get3A_701 = tpu.vector_load %arg12[%get3A_699, %get3A_700] {strides = array<i32>} : memref<6x4096xf32, #tpu.memory_space<vmem>>, vector<1x16xf32>,
        %get3A_702 = vector.shape_cast %get3A_701 : vector<1x16xf32> to vector<16xf32>
        %mul3A_703 = arith.mulf %gather3A_685, %get3A_702 : vector<16xf32>
        %add3A_704 = arith.addf %add3A_645, %mul3A_703 : vector<16xf32>
        %get3A_705 = arith.constant 2 : i32
        %get3A_706 = arith.index_cast %get3A_705 : i32 to index
        %get3A_707 = arith.index_cast %mul3A_679 : i32 to index
        %get3A_708 = tpu.vector_load %arg12[%get3A_706, %get3A_707] {strides = array<i32>} : memref<6x4096xf32, #tpu.memory_space<vmem>>, vector<1x16xf32>,
        %get3A_709 = vector.shape_cast %get3A_708 : vector<1x16xf32> to vector<16xf32>
        %mul3A_710 = arith.mulf %gather3A_685, %get3A_709 : vector<16xf32>
        %add3A_711 = arith.addf %add3A_652, %mul3A_710 : vector<16xf32>
        %get3A_712 = arith.constant 3 : i32
        %get3A_713 = arith.index_cast %get3A_712 : i32 to index
        %get3A_714 = arith.index_cast %mul3A_679 : i32 to index
        %get3A_715 = tpu.vector_load %arg12[%get3A_713, %get3A_714] {strides = array<i32>} : memref<6x4096xf32, #tpu.memory_space<vmem>>, vector<1x16xf32>,
        %get3A_716 = vector.shape_cast %get3A_715 : vector<1x16xf32> to vector<16xf32>
        %mul3A_717 = arith.mulf %gather3A_685, %get3A_716 : vector<16xf32>
        %add3A_718 = arith.addf %add3A_659, %mul3A_717 : vector<16xf32>
        %get3A_719 = arith.constant 4 : i32
        %get3A_720 = arith.index_cast %get3A_719 : i32 to index
        %get3A_721 = arith.index_cast %mul3A_679 : i32 to index
        %get3A_722 = tpu.vector_load %arg12[%get3A_720, %get3A_721] {strides = array<i32>} : memref<6x4096xf32, #tpu.memory_space<vmem>>, vector<1x16xf32>,
        %get3A_723 = vector.shape_cast %get3A_722 : vector<1x16xf32> to vector<16xf32>
        %mul3A_724 = arith.mulf %gather3A_685, %get3A_723 : vector<16xf32>
        %add3A_725 = arith.addf %add3A_666, %mul3A_724 : vector<16xf32>
        %get3A_726 = arith.constant 5 : i32
        %get3A_727 = arith.index_cast %get3A_726 : i32 to index
        %get3A_728 = arith.index_cast %mul3A_679 : i32 to index
        %get3A_729 = tpu.vector_load %arg12[%get3A_727, %get3A_728] {strides = array<i32>} : memref<6x4096xf32, #tpu.memory_space<vmem>>, vector<1x16xf32>,
        %get3A_730 = vector.shape_cast %get3A_729 : vector<1x16xf32> to vector<16xf32>
        %mul3A_731 = arith.mulf %gather3A_685, %get3A_730 : vector<16xf32>
        %add3A_732 = arith.addf %add3A_673, %mul3A_731 : vector<16xf32>
        scf.yield %add3A_690, %add3A_697, %add3A_704, %add3A_711, %add3A_718, %add3A_725, %add3A_732 : vector<16xf32>, vector<16xf32>, vector<16xf32>, vector<16xf32>, vector<16xf32>, vector<16xf32>, vector<16xf32>
      }
      %scan3A_453 = arith.constant 64 : i32
      %mul3A_454 = arith.constant 2 : i32
      %mul3A_455 = arith.muli %mul3A_454, %scan3A_398 : i32
      %add3A_456 = arith.constant 2 : i32
      %add3A_457 = arith.addi %mul3A_455, %add3A_456 : i32
      %lt3A = arith.constant 1 : i32
      %lt3A_458 = arith.cmpi slt, %scan3A_398, %lt3A : i32
      %convert_element_type3A = arith.extui %lt3A_458 : i1 to i32
      %cond3A = arith.constant 0 : i32
      %cond3A_459 = arith.cmpi ne, %convert_element_type3A, %cond3A : i32
      scf.if %cond3A_459 {
        %mul3A_489 = arith.constant 4096 : i32
        %mul3A_490 = arith.muli %add3A_457, %mul3A_489 : i32
        %dma_start3A_491 = tpu.memref_slice %arg4[%add3A_312, %mul3A_490] : memref<128x16384xi32, #tpu.memory_space<hbm>> -> memref<1x4096xi32, #tpu.memory_space<hbm>>
        %dma_start3A_492 = tpu.memref_squeeze %dma_start3A_491 : memref<1x4096xi32, #tpu.memory_space<hbm>> -> memref<4096xi32, #tpu.memory_space<hbm>>
        %dma_start3A_493 = tpu.memref_slice %arg4[%add3A_312, %mul3A_490] : memref<128x16384xi32, #tpu.memory_space<hbm>> -> memref<1x4096xi32, #tpu.memory_space<hbm>>
        %dma_start3A_494 = tpu.memref_squeeze %dma_start3A_493 : memref<1x4096xi32, #tpu.memory_space<hbm>> -> memref<4096xi32, #tpu.memory_space<hbm>>
        tpu.enqueue_dma source(%dma_start3A_494 : memref<4096xi32, #tpu.memory_space<hbm>>) target(%arg8 : memref<4096xi32, #tpu.memory_space<vmem>>) target_semaphore(%arg15 : memref<!tpu.dma_semaphore, #tpu.memory_space<semaphore_mem>>)
        %dma_start3A_495 = tpu.memref_slice %arg3[%add3A_312, %mul3A_490] : memref<128x16384xf32, #tpu.memory_space<hbm>> -> memref<1x4096xf32, #tpu.memory_space<hbm>>
        %dma_start3A_496 = tpu.memref_squeeze %dma_start3A_495 : memref<1x4096xf32, #tpu.memory_space<hbm>> -> memref<4096xf32, #tpu.memory_space<hbm>>
        %dma_start3A_497 = tpu.memref_slice %arg3[%add3A_312, %mul3A_490] : memref<128x16384xf32, #tpu.memory_space<hbm>> -> memref<1x4096xf32, #tpu.memory_space<hbm>>
        %dma_start3A_498 = tpu.memref_squeeze %dma_start3A_497 : memref<1x4096xf32, #tpu.memory_space<hbm>> -> memref<4096xf32, #tpu.memory_space<hbm>>
        tpu.enqueue_dma source(%dma_start3A_498 : memref<4096xf32, #tpu.memory_space<hbm>>) target(%arg10 : memref<4096xf32, #tpu.memory_space<vmem>>) target_semaphore(%arg15 : memref<!tpu.dma_semaphore, #tpu.memory_space<semaphore_mem>>)
        %dma_start3A_499 = arith.constant 10 : i32
        %dma_start3A_500 = tpu.memref_slice %arg2[%dma_start3A_499, %add3A_312, %mul3A_490] : memref<16x128x16384xf32, #tpu.memory_space<hbm>> -> memref<6x1x4096xf32, #tpu.memory_space<hbm>>
        %dma_start3A_501 = tpu.memref_squeeze %dma_start3A_500 : memref<6x1x4096xf32, #tpu.memory_space<hbm>> -> memref<6x4096xf32, #tpu.memory_space<hbm>>
        %dma_start3A_502 = arith.constant 10 : i32
        %dma_start3A_503 = tpu.memref_slice %arg2[%dma_start3A_502, %add3A_312, %mul3A_490] : memref<16x128x16384xf32, #tpu.memory_space<hbm>> -> memref<6x1x4096xf32, #tpu.memory_space<hbm>>
        %dma_start3A_504 = tpu.memref_squeeze %dma_start3A_503 : memref<6x1x4096xf32, #tpu.memory_space<hbm>> -> memref<6x4096xf32, #tpu.memory_space<hbm>>
        tpu.enqueue_dma source(%dma_start3A_504 : memref<6x4096xf32, #tpu.memory_space<hbm>>) target(%arg12 : memref<6x4096xf32, #tpu.memory_space<vmem>>) target_semaphore(%arg15 : memref<!tpu.dma_semaphore, #tpu.memory_space<semaphore_mem>>)
      } else {
      }
      %dma_wait3A_460 = arith.constant 0 : i32
      %dma_wait3A_461 = arith.constant 0 : i32
      %dma_wait3A_462 = tpu.memref_slice %arg4[%dma_wait3A_460, %dma_wait3A_461] : memref<128x16384xi32, #tpu.memory_space<hbm>> -> memref<1x4096xi32, #tpu.memory_space<hbm>>
      %dma_wait3A_463 = tpu.memref_squeeze %dma_wait3A_462 : memref<1x4096xi32, #tpu.memory_space<hbm>> -> memref<4096xi32, #tpu.memory_space<hbm>>
      %dma_wait3A_464 = arith.constant 0 : i32
      %dma_wait3A_465 = tpu.memref_slice %arg4[%dma_wait3A_460, %dma_wait3A_464] : memref<128x16384xi32, #tpu.memory_space<hbm>> -> memref<1x4096xi32, #tpu.memory_space<hbm>>
      %dma_wait3A_466 = tpu.memref_squeeze %dma_wait3A_465 : memref<1x4096xi32, #tpu.memory_space<hbm>> -> memref<4096xi32, #tpu.memory_space<hbm>>
      tpu.wait_dma2 semaphore(%arg16 : memref<!tpu.dma_semaphore, #tpu.memory_space<semaphore_mem>>) src(%dma_wait3A_466 : memref<4096xi32, #tpu.memory_space<hbm>>) dst(%arg9 : memref<4096xi32, #tpu.memory_space<vmem>>)
      %dma_wait3A_467 = arith.constant 0 : i32
      %dma_wait3A_468 = arith.constant 0 : i32
      %dma_wait3A_469 = tpu.memref_slice %arg3[%dma_wait3A_467, %dma_wait3A_468] : memref<128x16384xf32, #tpu.memory_space<hbm>> -> memref<1x4096xf32, #tpu.memory_space<hbm>>
      %dma_wait3A_470 = tpu.memref_squeeze %dma_wait3A_469 : memref<1x4096xf32, #tpu.memory_space<hbm>> -> memref<4096xf32, #tpu.memory_space<hbm>>
      %dma_wait3A_471 = arith.constant 0 : i32
      %dma_wait3A_472 = tpu.memref_slice %arg3[%dma_wait3A_467, %dma_wait3A_471] : memref<128x16384xf32, #tpu.memory_space<hbm>> -> memref<1x4096xf32, #tpu.memory_space<hbm>>
      %dma_wait3A_473 = tpu.memref_squeeze %dma_wait3A_472 : memref<1x4096xf32, #tpu.memory_space<hbm>> -> memref<4096xf32, #tpu.memory_space<hbm>>
      tpu.wait_dma2 semaphore(%arg16 : memref<!tpu.dma_semaphore, #tpu.memory_space<semaphore_mem>>) src(%dma_wait3A_473 : memref<4096xf32, #tpu.memory_space<hbm>>) dst(%arg11 : memref<4096xf32, #tpu.memory_space<vmem>>)
      %dma_wait3A_474 = arith.constant 0 : i32
      %dma_wait3A_475 = arith.constant 10 : i32
      %dma_wait3A_476 = arith.constant 0 : i32
      %dma_wait3A_477 = tpu.memref_slice %arg2[%dma_wait3A_475, %dma_wait3A_474, %dma_wait3A_476] : memref<16x128x16384xf32, #tpu.memory_space<hbm>> -> memref<6x1x4096xf32, #tpu.memory_space<hbm>>
      %dma_wait3A_478 = tpu.memref_squeeze %dma_wait3A_477 : memref<6x1x4096xf32, #tpu.memory_space<hbm>> -> memref<6x4096xf32, #tpu.memory_space<hbm>>
      %dma_wait3A_479 = arith.constant 10 : i32
      %dma_wait3A_480 = arith.constant 0 : i32
      %dma_wait3A_481 = tpu.memref_slice %arg2[%dma_wait3A_479, %dma_wait3A_474, %dma_wait3A_480] : memref<16x128x16384xf32, #tpu.memory_space<hbm>> -> memref<6x1x4096xf32, #tpu.memory_space<hbm>>
      %dma_wait3A_482 = tpu.memref_squeeze %dma_wait3A_481 : memref<6x1x4096xf32, #tpu.memory_space<hbm>> -> memref<6x4096xf32, #tpu.memory_space<hbm>>
      tpu.wait_dma2 semaphore(%arg16 : memref<!tpu.dma_semaphore, #tpu.memory_space<semaphore_mem>>) src(%dma_wait3A_482 : memref<6x4096xf32, #tpu.memory_space<hbm>>) dst(%arg13 : memref<6x4096xf32, #tpu.memory_space<vmem>>)
      %scan3A_483 = arith.constant 0 : i32
      %scan3A_484 = arith.constant 64 : i32
      %scan3A_485 = arith.addi %scan3A_483, %scan3A_484 : i32
      %scan3A_486 = arith.constant 1 : i32
      %scan3A_487:7 = scf.for %scan3A_489 = %scan3A_483 to %scan3A_485 step %scan3A_486 iter_args(%scan3A_490 = %scan3A_452#0, %scan3A_491 = %scan3A_452#1, %scan3A_492 = %scan3A_452#2, %scan3A_493 = %scan3A_452#3, %scan3A_494 = %scan3A_452#4, %scan3A_495 = %scan3A_452#5, %scan3A_496 = %scan3A_452#6) -> (vector<16xf32>, vector<16xf32>, vector<16xf32>, vector<16xf32>, vector<16xf32>, vector<16xf32>, vector<16xf32>)  : i32 {
        %mul3A_497 = arith.constant 4 : i32
        %mul3A_498 = arith.muli %scan3A_489, %mul3A_497 : i32
        %add3A_499 = arith.constant 0 : i32
        %add3A_500 = arith.addi %mul3A_498, %add3A_499 : i32
        %mul3A_501 = arith.constant 16 : i32
        %mul3A_502 = arith.muli %add3A_500, %mul3A_501 : i32
        %get3A_503 = arith.index_cast %mul3A_502 : i32 to index
        %get3A_504 = tpu.vector_load %arg9[%get3A_503] {strides = array<i32>} : memref<4096xi32, #tpu.memory_space<vmem>>, vector<16xi32>,
        %get3A_505 = vector.shape_cast %get3A_504 : vector<16xi32> to vector<16xi32>
        %broadcast_in_dim3A_506 = vector.shape_cast %get3A_505 : vector<16xi32> to vector<16x1xi32>
        %gather3A_507 = vector.shape_cast %broadcast_in_dim3A_506 : vector<16x1xi32> to vector<16xi32>
        %gather3A_508 = tpu.dynamic_gather %get3A_4[%gather3A_507] in [0] : vector<16xf32>, vector<16xi32> -> vector<16xf32>
        %get3A_509 = arith.index_cast %mul3A_502 : i32 to index
        %get3A_510 = tpu.vector_load %arg11[%get3A_509] {strides = array<i32>} : memref<4096xf32, #tpu.memory_space<vmem>>, vector<16xf32>,
        %get3A_511 = vector.shape_cast %get3A_510 : vector<16xf32> to vector<16xf32>
        %mul3A_512 = arith.mulf %gather3A_508, %get3A_511 : vector<16xf32>
        %add3A_513 = arith.addf %scan3A_490, %mul3A_512 : vector<16xf32>
        %get3A_514 = arith.constant 0 : i32
        %get3A_515 = arith.index_cast %get3A_514 : i32 to index
        %get3A_516 = arith.index_cast %mul3A_502 : i32 to index
        %get3A_517 = tpu.vector_load %arg13[%get3A_515, %get3A_516] {strides = array<i32>} : memref<6x4096xf32, #tpu.memory_space<vmem>>, vector<1x16xf32>,
        %get3A_518 = vector.shape_cast %get3A_517 : vector<1x16xf32> to vector<16xf32>
        %mul3A_519 = arith.mulf %gather3A_508, %get3A_518 : vector<16xf32>
        %add3A_520 = arith.addf %scan3A_491, %mul3A_519 : vector<16xf32>
        %get3A_521 = arith.constant 1 : i32
        %get3A_522 = arith.index_cast %get3A_521 : i32 to index
        %get3A_523 = arith.index_cast %mul3A_502 : i32 to index
        %get3A_524 = tpu.vector_load %arg13[%get3A_522, %get3A_523] {strides = array<i32>} : memref<6x4096xf32, #tpu.memory_space<vmem>>, vector<1x16xf32>,
        %get3A_525 = vector.shape_cast %get3A_524 : vector<1x16xf32> to vector<16xf32>
        %mul3A_526 = arith.mulf %gather3A_508, %get3A_525 : vector<16xf32>
        %add3A_527 = arith.addf %scan3A_492, %mul3A_526 : vector<16xf32>
        %get3A_528 = arith.constant 2 : i32
        %get3A_529 = arith.index_cast %get3A_528 : i32 to index
        %get3A_530 = arith.index_cast %mul3A_502 : i32 to index
        %get3A_531 = tpu.vector_load %arg13[%get3A_529, %get3A_530] {strides = array<i32>} : memref<6x4096xf32, #tpu.memory_space<vmem>>, vector<1x16xf32>,
        %get3A_532 = vector.shape_cast %get3A_531 : vector<1x16xf32> to vector<16xf32>
        %mul3A_533 = arith.mulf %gather3A_508, %get3A_532 : vector<16xf32>
        %add3A_534 = arith.addf %scan3A_493, %mul3A_533 : vector<16xf32>
        %get3A_535 = arith.constant 3 : i32
        %get3A_536 = arith.index_cast %get3A_535 : i32 to index
        %get3A_537 = arith.index_cast %mul3A_502 : i32 to index
        %get3A_538 = tpu.vector_load %arg13[%get3A_536, %get3A_537] {strides = array<i32>} : memref<6x4096xf32, #tpu.memory_space<vmem>>, vector<1x16xf32>,
        %get3A_539 = vector.shape_cast %get3A_538 : vector<1x16xf32> to vector<16xf32>
        %mul3A_540 = arith.mulf %gather3A_508, %get3A_539 : vector<16xf32>
        %add3A_541 = arith.addf %scan3A_494, %mul3A_540 : vector<16xf32>
        %get3A_542 = arith.constant 4 : i32
        %get3A_543 = arith.index_cast %get3A_542 : i32 to index
        %get3A_544 = arith.index_cast %mul3A_502 : i32 to index
        %get3A_545 = tpu.vector_load %arg13[%get3A_543, %get3A_544] {strides = array<i32>} : memref<6x4096xf32, #tpu.memory_space<vmem>>, vector<1x16xf32>,
        %get3A_546 = vector.shape_cast %get3A_545 : vector<1x16xf32> to vector<16xf32>
        %mul3A_547 = arith.mulf %gather3A_508, %get3A_546 : vector<16xf32>
        %add3A_548 = arith.addf %scan3A_495, %mul3A_547 : vector<16xf32>
        %get3A_549 = arith.constant 5 : i32
        %get3A_550 = arith.index_cast %get3A_549 : i32 to index
        %get3A_551 = arith.index_cast %mul3A_502 : i32 to index
        %get3A_552 = tpu.vector_load %arg13[%get3A_550, %get3A_551] {strides = array<i32>} : memref<6x4096xf32, #tpu.memory_space<vmem>>, vector<1x16xf32>,
        %get3A_553 = vector.shape_cast %get3A_552 : vector<1x16xf32> to vector<16xf32>
        %mul3A_554 = arith.mulf %gather3A_508, %get3A_553 : vector<16xf32>
        %add3A_555 = arith.addf %scan3A_496, %mul3A_554 : vector<16xf32>
        %mul3A_556 = arith.constant 4 : i32
        %mul3A_557 = arith.muli %scan3A_489, %mul3A_556 : i32
        %add3A_558 = arith.constant 1 : i32
        %add3A_559 = arith.addi %mul3A_557, %add3A_558 : i32
        %mul3A_560 = arith.constant 16 : i32
        %mul3A_561 = arith.muli %add3A_559, %mul3A_560 : i32
        %get3A_562 = arith.index_cast %mul3A_561 : i32 to index
        %get3A_563 = tpu.vector_load %arg9[%get3A_562] {strides = array<i32>} : memref<4096xi32, #tpu.memory_space<vmem>>, vector<16xi32>,
        %get3A_564 = vector.shape_cast %get3A_563 : vector<16xi32> to vector<16xi32>
        %broadcast_in_dim3A_565 = vector.shape_cast %get3A_564 : vector<16xi32> to vector<16x1xi32>
        %gather3A_566 = vector.shape_cast %broadcast_in_dim3A_565 : vector<16x1xi32> to vector<16xi32>
        %gather3A_567 = tpu.dynamic_gather %get3A_4[%gather3A_566] in [0] : vector<16xf32>, vector<16xi32> -> vector<16xf32>
        %get3A_568 = arith.index_cast %mul3A_561 : i32 to index
        %get3A_569 = tpu.vector_load %arg11[%get3A_568] {strides = array<i32>} : memref<4096xf32, #tpu.memory_space<vmem>>, vector<16xf32>,
        %get3A_570 = vector.shape_cast %get3A_569 : vector<16xf32> to vector<16xf32>
        %mul3A_571 = arith.mulf %gather3A_567, %get3A_570 : vector<16xf32>
        %add3A_572 = arith.addf %add3A_513, %mul3A_571 : vector<16xf32>
        %get3A_573 = arith.constant 0 : i32
        %get3A_574 = arith.index_cast %get3A_573 : i32 to index
        %get3A_575 = arith.index_cast %mul3A_561 : i32 to index
        %get3A_576 = tpu.vector_load %arg13[%get3A_574, %get3A_575] {strides = array<i32>} : memref<6x4096xf32, #tpu.memory_space<vmem>>, vector<1x16xf32>,
        %get3A_577 = vector.shape_cast %get3A_576 : vector<1x16xf32> to vector<16xf32>
        %mul3A_578 = arith.mulf %gather3A_567, %get3A_577 : vector<16xf32>
        %add3A_579 = arith.addf %add3A_520, %mul3A_578 : vector<16xf32>
        %get3A_580 = arith.constant 1 : i32
        %get3A_581 = arith.index_cast %get3A_580 : i32 to index
        %get3A_582 = arith.index_cast %mul3A_561 : i32 to index
        %get3A_583 = tpu.vector_load %arg13[%get3A_581, %get3A_582] {strides = array<i32>} : memref<6x4096xf32, #tpu.memory_space<vmem>>, vector<1x16xf32>,
        %get3A_584 = vector.shape_cast %get3A_583 : vector<1x16xf32> to vector<16xf32>
        %mul3A_585 = arith.mulf %gather3A_567, %get3A_584 : vector<16xf32>
        %add3A_586 = arith.addf %add3A_527, %mul3A_585 : vector<16xf32>
        %get3A_587 = arith.constant 2 : i32
        %get3A_588 = arith.index_cast %get3A_587 : i32 to index
        %get3A_589 = arith.index_cast %mul3A_561 : i32 to index
        %get3A_590 = tpu.vector_load %arg13[%get3A_588, %get3A_589] {strides = array<i32>} : memref<6x4096xf32, #tpu.memory_space<vmem>>, vector<1x16xf32>,
        %get3A_591 = vector.shape_cast %get3A_590 : vector<1x16xf32> to vector<16xf32>
        %mul3A_592 = arith.mulf %gather3A_567, %get3A_591 : vector<16xf32>
        %add3A_593 = arith.addf %add3A_534, %mul3A_592 : vector<16xf32>
        %get3A_594 = arith.constant 3 : i32
        %get3A_595 = arith.index_cast %get3A_594 : i32 to index
        %get3A_596 = arith.index_cast %mul3A_561 : i32 to index
        %get3A_597 = tpu.vector_load %arg13[%get3A_595, %get3A_596] {strides = array<i32>} : memref<6x4096xf32, #tpu.memory_space<vmem>>, vector<1x16xf32>,
        %get3A_598 = vector.shape_cast %get3A_597 : vector<1x16xf32> to vector<16xf32>
        %mul3A_599 = arith.mulf %gather3A_567, %get3A_598 : vector<16xf32>
        %add3A_600 = arith.addf %add3A_541, %mul3A_599 : vector<16xf32>
        %get3A_601 = arith.constant 4 : i32
        %get3A_602 = arith.index_cast %get3A_601 : i32 to index
        %get3A_603 = arith.index_cast %mul3A_561 : i32 to index
        %get3A_604 = tpu.vector_load %arg13[%get3A_602, %get3A_603] {strides = array<i32>} : memref<6x4096xf32, #tpu.memory_space<vmem>>, vector<1x16xf32>,
        %get3A_605 = vector.shape_cast %get3A_604 : vector<1x16xf32> to vector<16xf32>
        %mul3A_606 = arith.mulf %gather3A_567, %get3A_605 : vector<16xf32>
        %add3A_607 = arith.addf %add3A_548, %mul3A_606 : vector<16xf32>
        %get3A_608 = arith.constant 5 : i32
        %get3A_609 = arith.index_cast %get3A_608 : i32 to index
        %get3A_610 = arith.index_cast %mul3A_561 : i32 to index
        %get3A_611 = tpu.vector_load %arg13[%get3A_609, %get3A_610] {strides = array<i32>} : memref<6x4096xf32, #tpu.memory_space<vmem>>, vector<1x16xf32>,
        %get3A_612 = vector.shape_cast %get3A_611 : vector<1x16xf32> to vector<16xf32>
        %mul3A_613 = arith.mulf %gather3A_567, %get3A_612 : vector<16xf32>
        %add3A_614 = arith.addf %add3A_555, %mul3A_613 : vector<16xf32>
        %mul3A_615 = arith.constant 4 : i32
        %mul3A_616 = arith.muli %scan3A_489, %mul3A_615 : i32
        %add3A_617 = arith.constant 2 : i32
        %add3A_618 = arith.addi %mul3A_616, %add3A_617 : i32
        %mul3A_619 = arith.constant 16 : i32
        %mul3A_620 = arith.muli %add3A_618, %mul3A_619 : i32
        %get3A_621 = arith.index_cast %mul3A_620 : i32 to index
        %get3A_622 = tpu.vector_load %arg9[%get3A_621] {strides = array<i32>} : memref<4096xi32, #tpu.memory_space<vmem>>, vector<16xi32>,
        %get3A_623 = vector.shape_cast %get3A_622 : vector<16xi32> to vector<16xi32>
        %broadcast_in_dim3A_624 = vector.shape_cast %get3A_623 : vector<16xi32> to vector<16x1xi32>
        %gather3A_625 = vector.shape_cast %broadcast_in_dim3A_624 : vector<16x1xi32> to vector<16xi32>
        %gather3A_626 = tpu.dynamic_gather %get3A_4[%gather3A_625] in [0] : vector<16xf32>, vector<16xi32> -> vector<16xf32>
        %get3A_627 = arith.index_cast %mul3A_620 : i32 to index
        %get3A_628 = tpu.vector_load %arg11[%get3A_627] {strides = array<i32>} : memref<4096xf32, #tpu.memory_space<vmem>>, vector<16xf32>,
        %get3A_629 = vector.shape_cast %get3A_628 : vector<16xf32> to vector<16xf32>
        %mul3A_630 = arith.mulf %gather3A_626, %get3A_629 : vector<16xf32>
        %add3A_631 = arith.addf %add3A_572, %mul3A_630 : vector<16xf32>
        %get3A_632 = arith.constant 0 : i32
        %get3A_633 = arith.index_cast %get3A_632 : i32 to index
        %get3A_634 = arith.index_cast %mul3A_620 : i32 to index
        %get3A_635 = tpu.vector_load %arg13[%get3A_633, %get3A_634] {strides = array<i32>} : memref<6x4096xf32, #tpu.memory_space<vmem>>, vector<1x16xf32>,
        %get3A_636 = vector.shape_cast %get3A_635 : vector<1x16xf32> to vector<16xf32>
        %mul3A_637 = arith.mulf %gather3A_626, %get3A_636 : vector<16xf32>
        %add3A_638 = arith.addf %add3A_579, %mul3A_637 : vector<16xf32>
        %get3A_639 = arith.constant 1 : i32
        %get3A_640 = arith.index_cast %get3A_639 : i32 to index
        %get3A_641 = arith.index_cast %mul3A_620 : i32 to index
        %get3A_642 = tpu.vector_load %arg13[%get3A_640, %get3A_641] {strides = array<i32>} : memref<6x4096xf32, #tpu.memory_space<vmem>>, vector<1x16xf32>,
        %get3A_643 = vector.shape_cast %get3A_642 : vector<1x16xf32> to vector<16xf32>
        %mul3A_644 = arith.mulf %gather3A_626, %get3A_643 : vector<16xf32>
        %add3A_645 = arith.addf %add3A_586, %mul3A_644 : vector<16xf32>
        %get3A_646 = arith.constant 2 : i32
        %get3A_647 = arith.index_cast %get3A_646 : i32 to index
        %get3A_648 = arith.index_cast %mul3A_620 : i32 to index
        %get3A_649 = tpu.vector_load %arg13[%get3A_647, %get3A_648] {strides = array<i32>} : memref<6x4096xf32, #tpu.memory_space<vmem>>, vector<1x16xf32>,
        %get3A_650 = vector.shape_cast %get3A_649 : vector<1x16xf32> to vector<16xf32>
        %mul3A_651 = arith.mulf %gather3A_626, %get3A_650 : vector<16xf32>
        %add3A_652 = arith.addf %add3A_593, %mul3A_651 : vector<16xf32>
        %get3A_653 = arith.constant 3 : i32
        %get3A_654 = arith.index_cast %get3A_653 : i32 to index
        %get3A_655 = arith.index_cast %mul3A_620 : i32 to index
        %get3A_656 = tpu.vector_load %arg13[%get3A_654, %get3A_655] {strides = array<i32>} : memref<6x4096xf32, #tpu.memory_space<vmem>>, vector<1x16xf32>,
        %get3A_657 = vector.shape_cast %get3A_656 : vector<1x16xf32> to vector<16xf32>
        %mul3A_658 = arith.mulf %gather3A_626, %get3A_657 : vector<16xf32>
        %add3A_659 = arith.addf %add3A_600, %mul3A_658 : vector<16xf32>
        %get3A_660 = arith.constant 4 : i32
        %get3A_661 = arith.index_cast %get3A_660 : i32 to index
        %get3A_662 = arith.index_cast %mul3A_620 : i32 to index
        %get3A_663 = tpu.vector_load %arg13[%get3A_661, %get3A_662] {strides = array<i32>} : memref<6x4096xf32, #tpu.memory_space<vmem>>, vector<1x16xf32>,
        %get3A_664 = vector.shape_cast %get3A_663 : vector<1x16xf32> to vector<16xf32>
        %mul3A_665 = arith.mulf %gather3A_626, %get3A_664 : vector<16xf32>
        %add3A_666 = arith.addf %add3A_607, %mul3A_665 : vector<16xf32>
        %get3A_667 = arith.constant 5 : i32
        %get3A_668 = arith.index_cast %get3A_667 : i32 to index
        %get3A_669 = arith.index_cast %mul3A_620 : i32 to index
        %get3A_670 = tpu.vector_load %arg13[%get3A_668, %get3A_669] {strides = array<i32>} : memref<6x4096xf32, #tpu.memory_space<vmem>>, vector<1x16xf32>,
        %get3A_671 = vector.shape_cast %get3A_670 : vector<1x16xf32> to vector<16xf32>
        %mul3A_672 = arith.mulf %gather3A_626, %get3A_671 : vector<16xf32>
        %add3A_673 = arith.addf %add3A_614, %mul3A_672 : vector<16xf32>
        %mul3A_674 = arith.constant 4 : i32
        %mul3A_675 = arith.muli %scan3A_489, %mul3A_674 : i32
        %add3A_676 = arith.constant 3 : i32
        %add3A_677 = arith.addi %mul3A_675, %add3A_676 : i32
        %mul3A_678 = arith.constant 16 : i32
        %mul3A_679 = arith.muli %add3A_677, %mul3A_678 : i32
        %get3A_680 = arith.index_cast %mul3A_679 : i32 to index
        %get3A_681 = tpu.vector_load %arg9[%get3A_680] {strides = array<i32>} : memref<4096xi32, #tpu.memory_space<vmem>>, vector<16xi32>,
        %get3A_682 = vector.shape_cast %get3A_681 : vector<16xi32> to vector<16xi32>
        %broadcast_in_dim3A_683 = vector.shape_cast %get3A_682 : vector<16xi32> to vector<16x1xi32>
        %gather3A_684 = vector.shape_cast %broadcast_in_dim3A_683 : vector<16x1xi32> to vector<16xi32>
        %gather3A_685 = tpu.dynamic_gather %get3A_4[%gather3A_684] in [0] : vector<16xf32>, vector<16xi32> -> vector<16xf32>
        %get3A_686 = arith.index_cast %mul3A_679 : i32 to index
        %get3A_687 = tpu.vector_load %arg11[%get3A_686] {strides = array<i32>} : memref<4096xf32, #tpu.memory_space<vmem>>, vector<16xf32>,
        %get3A_688 = vector.shape_cast %get3A_687 : vector<16xf32> to vector<16xf32>
        %mul3A_689 = arith.mulf %gather3A_685, %get3A_688 : vector<16xf32>
        %add3A_690 = arith.addf %add3A_631, %mul3A_689 : vector<16xf32>
        %get3A_691 = arith.constant 0 : i32
        %get3A_692 = arith.index_cast %get3A_691 : i32 to index
        %get3A_693 = arith.index_cast %mul3A_679 : i32 to index
        %get3A_694 = tpu.vector_load %arg13[%get3A_692, %get3A_693] {strides = array<i32>} : memref<6x4096xf32, #tpu.memory_space<vmem>>, vector<1x16xf32>,
        %get3A_695 = vector.shape_cast %get3A_694 : vector<1x16xf32> to vector<16xf32>
        %mul3A_696 = arith.mulf %gather3A_685, %get3A_695 : vector<16xf32>
        %add3A_697 = arith.addf %add3A_638, %mul3A_696 : vector<16xf32>
        %get3A_698 = arith.constant 1 : i32
        %get3A_699 = arith.index_cast %get3A_698 : i32 to index
        %get3A_700 = arith.index_cast %mul3A_679 : i32 to index
        %get3A_701 = tpu.vector_load %arg13[%get3A_699, %get3A_700] {strides = array<i32>} : memref<6x4096xf32, #tpu.memory_space<vmem>>, vector<1x16xf32>,
        %get3A_702 = vector.shape_cast %get3A_701 : vector<1x16xf32> to vector<16xf32>
        %mul3A_703 = arith.mulf %gather3A_685, %get3A_702 : vector<16xf32>
        %add3A_704 = arith.addf %add3A_645, %mul3A_703 : vector<16xf32>
        %get3A_705 = arith.constant 2 : i32
        %get3A_706 = arith.index_cast %get3A_705 : i32 to index
        %get3A_707 = arith.index_cast %mul3A_679 : i32 to index
        %get3A_708 = tpu.vector_load %arg13[%get3A_706, %get3A_707] {strides = array<i32>} : memref<6x4096xf32, #tpu.memory_space<vmem>>, vector<1x16xf32>,
        %get3A_709 = vector.shape_cast %get3A_708 : vector<1x16xf32> to vector<16xf32>
        %mul3A_710 = arith.mulf %gather3A_685, %get3A_709 : vector<16xf32>
        %add3A_711 = arith.addf %add3A_652, %mul3A_710 : vector<16xf32>
        %get3A_712 = arith.constant 3 : i32
        %get3A_713 = arith.index_cast %get3A_712 : i32 to index
        %get3A_714 = arith.index_cast %mul3A_679 : i32 to index
        %get3A_715 = tpu.vector_load %arg13[%get3A_713, %get3A_714] {strides = array<i32>} : memref<6x4096xf32, #tpu.memory_space<vmem>>, vector<1x16xf32>,
        %get3A_716 = vector.shape_cast %get3A_715 : vector<1x16xf32> to vector<16xf32>
        %mul3A_717 = arith.mulf %gather3A_685, %get3A_716 : vector<16xf32>
        %add3A_718 = arith.addf %add3A_659, %mul3A_717 : vector<16xf32>
        %get3A_719 = arith.constant 4 : i32
        %get3A_720 = arith.index_cast %get3A_719 : i32 to index
        %get3A_721 = arith.index_cast %mul3A_679 : i32 to index
        %get3A_722 = tpu.vector_load %arg13[%get3A_720, %get3A_721] {strides = array<i32>} : memref<6x4096xf32, #tpu.memory_space<vmem>>, vector<1x16xf32>,
        %get3A_723 = vector.shape_cast %get3A_722 : vector<1x16xf32> to vector<16xf32>
        %mul3A_724 = arith.mulf %gather3A_685, %get3A_723 : vector<16xf32>
        %add3A_725 = arith.addf %add3A_666, %mul3A_724 : vector<16xf32>
        %get3A_726 = arith.constant 5 : i32
        %get3A_727 = arith.index_cast %get3A_726 : i32 to index
        %get3A_728 = arith.index_cast %mul3A_679 : i32 to index
        %get3A_729 = tpu.vector_load %arg13[%get3A_727, %get3A_728] {strides = array<i32>} : memref<6x4096xf32, #tpu.memory_space<vmem>>, vector<1x16xf32>,
        %get3A_730 = vector.shape_cast %get3A_729 : vector<1x16xf32> to vector<16xf32>
        %mul3A_731 = arith.mulf %gather3A_685, %get3A_730 : vector<16xf32>
        %add3A_732 = arith.addf %add3A_673, %mul3A_731 : vector<16xf32>
        scf.yield %add3A_690, %add3A_697, %add3A_704, %add3A_711, %add3A_718, %add3A_725, %add3A_732 : vector<16xf32>, vector<16xf32>, vector<16xf32>, vector<16xf32>, vector<16xf32>, vector<16xf32>, vector<16xf32>
      }
      %scan3A_488 = arith.constant 64 : i32
      scf.yield %scan3A_487#0, %scan3A_487#1, %scan3A_487#2, %scan3A_487#3, %scan3A_487#4, %scan3A_487#5, %scan3A_487#6 : vector<16xf32>, vector<16xf32>, vector<16xf32>, vector<16xf32>, vector<16xf32>, vector<16xf32>, vector<16xf32>
    }
    %scan3A_318 = arith.constant 2 : i32
    %broadcast_in_dim3A_319 = vector.shape_cast %xor3A_28 : vector<16xi32> to vector<16x1xi32>
    %gather3A_320 = vector.shape_cast %broadcast_in_dim3A_319 : vector<16x1xi32> to vector<16xi32>
    %gather3A_321 = tpu.dynamic_gather %scan3A_317#0[%gather3A_320] in [0] : vector<16xf32>, vector<16xi32> -> vector<16xf32>
    %add3A_322 = arith.addf %scan3A_317#0, %gather3A_321 : vector<16xf32>
    %broadcast_in_dim3A_323 = vector.shape_cast %xor3A_31 : vector<16xi32> to vector<16x1xi32>
    %gather3A_324 = vector.shape_cast %broadcast_in_dim3A_323 : vector<16x1xi32> to vector<16xi32>
    %gather3A_325 = tpu.dynamic_gather %add3A_322[%gather3A_324] in [0] : vector<16xf32>, vector<16xi32> -> vector<16xf32>
    %add3A_326 = arith.addf %add3A_322, %gather3A_325 : vector<16xf32>
    %broadcast_in_dim3A_327 = vector.shape_cast %xor3A_34 : vector<16xi32> to vector<16x1xi32>
    %gather3A_328 = vector.shape_cast %broadcast_in_dim3A_327 : vector<16x1xi32> to vector<16xi32>
    %gather3A_329 = tpu.dynamic_gather %add3A_326[%gather3A_328] in [0] : vector<16xf32>, vector<16xi32> -> vector<16xf32>
    %add3A_330 = arith.addf %add3A_326, %gather3A_329 : vector<16xf32>
    %broadcast_in_dim3A_331 = vector.shape_cast %xor3A_37 : vector<16xi32> to vector<16x1xi32>
    %gather3A_332 = vector.shape_cast %broadcast_in_dim3A_331 : vector<16x1xi32> to vector<16xi32>
    %gather3A_333 = tpu.dynamic_gather %add3A_330[%gather3A_332] in [0] : vector<16xf32>, vector<16xi32> -> vector<16xf32>
    %add3A_334 = arith.addf %add3A_330, %gather3A_333 : vector<16xf32>
    %select_n3A_335 = arith.select %eq3A_8, %scan3A_317#1, %scan3A_317#2 : vector<16xi1>, vector<16xf32>
    %select_n3A_336 = arith.select %eq3A_8, %scan3A_317#2, %scan3A_317#1 : vector<16xi1>, vector<16xf32>
    %broadcast_in_dim3A_337 = vector.shape_cast %xor3A_28 : vector<16xi32> to vector<16x1xi32>
    %gather3A_338 = vector.shape_cast %broadcast_in_dim3A_337 : vector<16x1xi32> to vector<16xi32>
    %gather3A_339 = tpu.dynamic_gather %select_n3A_336[%gather3A_338] in [0] : vector<16xf32>, vector<16xi32> -> vector<16xf32>
    %add3A_340 = arith.addf %select_n3A_335, %gather3A_339 : vector<16xf32>
    %select_n3A_341 = arith.select %eq3A_8, %scan3A_317#3, %scan3A_317#4 : vector<16xi1>, vector<16xf32>
    %select_n3A_342 = arith.select %eq3A_8, %scan3A_317#4, %scan3A_317#3 : vector<16xi1>, vector<16xf32>
    %broadcast_in_dim3A_343 = vector.shape_cast %xor3A_28 : vector<16xi32> to vector<16x1xi32>
    %gather3A_344 = vector.shape_cast %broadcast_in_dim3A_343 : vector<16x1xi32> to vector<16xi32>
    %gather3A_345 = tpu.dynamic_gather %select_n3A_342[%gather3A_344] in [0] : vector<16xf32>, vector<16xi32> -> vector<16xf32>
    %add3A_346 = arith.addf %select_n3A_341, %gather3A_345 : vector<16xf32>
    %select_n3A_347 = arith.select %eq3A_8, %scan3A_317#5, %scan3A_317#6 : vector<16xi1>, vector<16xf32>
    %select_n3A_348 = arith.select %eq3A_8, %scan3A_317#6, %scan3A_317#5 : vector<16xi1>, vector<16xf32>
    %broadcast_in_dim3A_349 = vector.shape_cast %xor3A_28 : vector<16xi32> to vector<16x1xi32>
    %gather3A_350 = vector.shape_cast %broadcast_in_dim3A_349 : vector<16x1xi32> to vector<16xi32>
    %gather3A_351 = tpu.dynamic_gather %select_n3A_348[%gather3A_350] in [0] : vector<16xf32>, vector<16xi32> -> vector<16xf32>
    %add3A_352 = arith.addf %select_n3A_347, %gather3A_351 : vector<16xf32>
    %select_n3A_353 = arith.select %eq3A_8, %broadcast_in_dim3A_38, %broadcast_in_dim3A_38 : vector<16xi1>, vector<16xf32>
    %select_n3A_354 = arith.select %eq3A_8, %broadcast_in_dim3A_38, %broadcast_in_dim3A_38 : vector<16xi1>, vector<16xf32>
    %broadcast_in_dim3A_355 = vector.shape_cast %xor3A_28 : vector<16xi32> to vector<16x1xi32>
    %gather3A_356 = vector.shape_cast %broadcast_in_dim3A_355 : vector<16x1xi32> to vector<16xi32>
    %gather3A_357 = tpu.dynamic_gather %select_n3A_354[%gather3A_356] in [0] : vector<16xf32>, vector<16xi32> -> vector<16xf32>
    %add3A_358 = arith.addf %select_n3A_353, %gather3A_357 : vector<16xf32>
    %select_n3A_359 = arith.select %eq3A_14, %add3A_340, %add3A_346 : vector<16xi1>, vector<16xf32>
    %select_n3A_360 = arith.select %eq3A_14, %add3A_346, %add3A_340 : vector<16xi1>, vector<16xf32>
    %broadcast_in_dim3A_361 = vector.shape_cast %xor3A_31 : vector<16xi32> to vector<16x1xi32>
    %gather3A_362 = vector.shape_cast %broadcast_in_dim3A_361 : vector<16x1xi32> to vector<16xi32>
    %gather3A_363 = tpu.dynamic_gather %select_n3A_360[%gather3A_362] in [0] : vector<16xf32>, vector<16xi32> -> vector<16xf32>
    %add3A_364 = arith.addf %select_n3A_359, %gather3A_363 : vector<16xf32>
    %select_n3A_365 = arith.select %eq3A_14, %add3A_352, %add3A_358 : vector<16xi1>, vector<16xf32>
    %select_n3A_366 = arith.select %eq3A_14, %add3A_358, %add3A_352 : vector<16xi1>, vector<16xf32>
    %broadcast_in_dim3A_367 = vector.shape_cast %xor3A_31 : vector<16xi32> to vector<16x1xi32>
    %gather3A_368 = vector.shape_cast %broadcast_in_dim3A_367 : vector<16x1xi32> to vector<16xi32>
    %gather3A_369 = tpu.dynamic_gather %select_n3A_366[%gather3A_368] in [0] : vector<16xf32>, vector<16xi32> -> vector<16xf32>
    %add3A_370 = arith.addf %select_n3A_365, %gather3A_369 : vector<16xf32>
    %select_n3A_371 = arith.select %eq3A_20, %add3A_364, %add3A_370 : vector<16xi1>, vector<16xf32>
    %select_n3A_372 = arith.select %eq3A_20, %add3A_370, %add3A_364 : vector<16xi1>, vector<16xf32>
    %broadcast_in_dim3A_373 = vector.shape_cast %xor3A_34 : vector<16xi32> to vector<16x1xi32>
    %gather3A_374 = vector.shape_cast %broadcast_in_dim3A_373 : vector<16x1xi32> to vector<16xi32>
    %gather3A_375 = tpu.dynamic_gather %select_n3A_372[%gather3A_374] in [0] : vector<16xf32>, vector<16xi32> -> vector<16xf32>
    %add3A_376 = arith.addf %select_n3A_371, %gather3A_375 : vector<16xf32>
    %sub3A_377 = arith.subf %add3A_334, %add3A_376 : vector<16xf32>
    %abs3A_378 = math.absf %sub3A_377 : vector<16xf32>
    %abs3A_379 = math.absf %add3A_376 : vector<16xf32>
    %mul3A_380 = arith.constant 9.99999974E-6 : f32
    %mul3A_381 = vector.broadcast %mul3A_380 : f32 to vector<16xf32>
    %mul3A_382 = arith.mulf %mul3A_381, %abs3A_379 : vector<16xf32>
    %add3A_383 = arith.constant 9.99999993E-9 : f32
    %add3A_384 = vector.broadcast %add3A_383 : f32 to vector<16xf32>
    %add3A_385 = arith.addf %add3A_384, %mul3A_382 : vector<16xf32>
    %le3A_386 = arith.cmpf ole, %abs3A_378, %add3A_385 : vector<16xf32>
    %jit3A_387 = arith.constant 1 : i32
    %jit3A_388 = arith.constant 0 : i32
    %broadcast_in_dim3A_389 = vector.broadcast %jit3A_387 : i32 to vector<16xi32>
    %broadcast_in_dim3A_390 = vector.broadcast %jit3A_388 : i32 to vector<16xi32>
    %select_n3A_391 = arith.select %le3A_386, %broadcast_in_dim3A_389, %broadcast_in_dim3A_390 : vector<16xi1>, vector<16xi32>
    %swap3A_392 = arith.constant 3 : i32
    %swap3A_393 = arith.index_cast %swap3A_392 : i32 to index
    %swap3A_394 = arith.constant 0 : index
    %swap3A_395 = tpu.vector_load %arg14[%swap3A_393, %swap3A_394] {strides = array<i32>} : memref<4x16xi32, #tpu.memory_space<vmem>>, vector<1x16xi32>,
    %swap3A_396 = vector.shape_cast %swap3A_395 : vector<1x16xi32> to vector<16xi32>
    %swap3A_397 = vector.shape_cast %select_n3A_391 : vector<16xi32> to vector<1x16xi32>
    tpu.vector_store %arg14[%swap3A_393, %swap3A_394], %swap3A_397 {strides = array<i32>} : memref<4x16xi32, #tpu.memory_space<vmem>>, vector<1x16xi32>,
    "tpu.region"() ({
      %run_scoped3A = tpu.sem_alloc : memref<!tpu.dma_semaphore, #tpu.memory_space<semaphore_mem>>
      %dma_start3A_398 = arith.constant 0 : i32
      %dma_start3A_399 = tpu.memref_slice %arg6[%mul3A_2, %dma_start3A_398] : memref<128x16xi32, #tpu.memory_space<hbm>> -> memref<4x16xi32, #tpu.memory_space<hbm>>
      %dma_start3A_400 = arith.constant 0 : i32
      %dma_start3A_401 = tpu.memref_slice %arg6[%mul3A_2, %dma_start3A_400] : memref<128x16xi32, #tpu.memory_space<hbm>> -> memref<4x16xi32, #tpu.memory_space<hbm>>
      tpu.enqueue_dma source(%arg14 : memref<4x16xi32, #tpu.memory_space<vmem>>) target(%dma_start3A_401 : memref<4x16xi32, #tpu.memory_space<hbm>>) target_semaphore(%run_scoped3A : memref<!tpu.dma_semaphore, #tpu.memory_space<semaphore_mem>>)
      %dma_wait3A = arith.constant 0 : i32
      %dma_wait3A_402 = tpu.memref_slice %arg6[%mul3A_2, %dma_wait3A] : memref<128x16xi32, #tpu.memory_space<hbm>> -> memref<4x16xi32, #tpu.memory_space<hbm>>
      %dma_wait3A_403 = arith.constant 0 : i32
      %dma_wait3A_404 = tpu.memref_slice %arg6[%mul3A_2, %dma_wait3A_403] : memref<128x16xi32, #tpu.memory_space<hbm>> -> memref<4x16xi32, #tpu.memory_space<hbm>>
      tpu.wait_dma2 semaphore(%run_scoped3A : memref<!tpu.dma_semaphore, #tpu.memory_space<semaphore_mem>>) src(%arg14 : memref<4x16xi32, #tpu.memory_space<vmem>>) dst(%dma_wait3A_404 : memref<4x16xi32, #tpu.memory_space<hbm>>)
      tpu.yield
    }) : () -> ()
    return
  }
}

module attributes {stable_mosaic.version = 14 : i64} {
  func.func @_tc_body(%arg0: i32, %arg1: memref<10x128x2048xf32, #tpu.memory_space<vmem>>, %arg2: memref<128x2048xf32, #tpu.memory_space<vmem>>, %arg3: memref<128x2048xi32, #tpu.memory_space<vmem>>, %arg4: memref<4xf32, #tpu.memory_space<smem>>, %arg5: memref<128xf32, #tpu.memory_space<vmem>>, %arg6: memref<10x128xi32, #tpu.memory_space<vmem>>, %arg7: memref<128x2048xf32, #tpu.memory_space<vmem>>, %arg8: memref<10x128xf32, #tpu.memory_space<vmem>>) attributes {dimension_semantics = [#tpu.dimension_semantics<arbitrary>], iteration_bounds = array<i64: 8>, scalar_prefetch = 0 : i64, scratch_operands = 2 : i64, tpu.core_type = #tpu.core_type<tc>, window_params = [{transform_indices = @transform_0, window_bounds = array<i64: 10, 128, 2048>}, {transform_indices = @transform_1, window_bounds = array<i64: 128, 2048>}, {transform_indices = @transform_2, window_bounds = array<i64: 128, 2048>}, {transform_indices = @transform_3, window_bounds = array<i64: 4>}, {pipeline_mode = #tpu.pipeline_mode<synchronous>, transform_indices = @transform_4, window_bounds = array<i64: 128>}, {pipeline_mode = #tpu.pipeline_mode<synchronous>, transform_indices = @transform_5, window_bounds = array<i64: 10, 128>}]} {
    %get3A = arith.constant 0 : index
    %get3A_0 = arith.constant 0 : index
    %get3A_1 = vector.load %arg3[%get3A, %get3A_0] : memref<128x2048xi32, #tpu.memory_space<vmem>>, vector<128x2048xi32>
    %eq3A = arith.constant 0 : i32
    %eq3A_2 = vector.broadcast %eq3A : i32 to vector<128x2048xi32>
    %eq3A_3 = arith.cmpi eq, %get3A_1, %eq3A_2 : vector<128x2048xi32>
    %get3A_4 = arith.constant 0 : index
    %get3A_5 = memref.load %arg4[%get3A_4] : memref<4xf32, #tpu.memory_space<smem>>
    %eq3A_6 = arith.constant 1 : i32
    %eq3A_7 = vector.broadcast %eq3A_6 : i32 to vector<128x2048xi32>
    %eq3A_8 = arith.cmpi eq, %get3A_1, %eq3A_7 : vector<128x2048xi32>
    %get3A_9 = arith.constant 1 : index
    %get3A_10 = memref.load %arg4[%get3A_9] : memref<4xf32, #tpu.memory_space<smem>>
    %eq3A_11 = arith.constant 2 : i32
    %eq3A_12 = vector.broadcast %eq3A_11 : i32 to vector<128x2048xi32>
    %eq3A_13 = arith.cmpi eq, %get3A_1, %eq3A_12 : vector<128x2048xi32>
    %get3A_14 = arith.constant 2 : index
    %get3A_15 = memref.load %arg4[%get3A_14] : memref<4xf32, #tpu.memory_space<smem>>
    %get3A_16 = arith.constant 3 : index
    %get3A_17 = memref.load %arg4[%get3A_16] : memref<4xf32, #tpu.memory_space<smem>>
    %broadcast_in_dim3A = vector.broadcast %get3A_15 : f32 to vector<128x2048xf32>
    %broadcast_in_dim3A_18 = vector.broadcast %get3A_17 : f32 to vector<128x2048xf32>
    %select_n3A = arith.select %eq3A_13, %broadcast_in_dim3A, %broadcast_in_dim3A_18 : vector<128x2048xi1>, vector<128x2048xf32>
    %broadcast_in_dim3A_19 = vector.broadcast %get3A_10 : f32 to vector<128x2048xf32>
    %select_n3A_20 = arith.select %eq3A_8, %broadcast_in_dim3A_19, %select_n3A : vector<128x2048xi1>, vector<128x2048xf32>
    %broadcast_in_dim3A_21 = vector.broadcast %get3A_5 : f32 to vector<128x2048xf32>
    %select_n3A_22 = arith.select %eq3A_3, %broadcast_in_dim3A_21, %select_n3A_20 : vector<128x2048xi1>, vector<128x2048xf32>
    %swap3A = arith.constant 0 : index
    %swap3A_23 = arith.constant 0 : index
    %swap3A_24 = vector.load %arg7[%swap3A, %swap3A_23] : memref<128x2048xf32, #tpu.memory_space<vmem>>, vector<128x2048xf32>
    tpu.vector_store %arg7[%swap3A, %swap3A_23], %select_n3A_22 {strides = array<i32>} : memref<128x2048xf32, #tpu.memory_space<vmem>>, vector<128x2048xf32>,
    %get3A_25 = arith.constant 0 : index
    %get3A_26 = arith.constant 0 : index
    %get3A_27 = vector.load %arg2[%get3A_25, %get3A_26] : memref<128x2048xf32, #tpu.memory_space<vmem>>, vector<128x2048xf32>
    %mul3A = arith.mulf %select_n3A_22, %get3A_27 : vector<128x2048xf32>
    %reduce_sum3A = arith.constant dense<0.000000e+00> : vector<128xf32>
    %reduce_sum3A_28 = vector.multi_reduction <add>, %mul3A, %reduce_sum3A [1] : vector<128x2048xf32> to vector<128xf32>
    %eq3A_29 = arith.constant 0 : i32
    %eq3A_30 = arith.cmpi eq, %arg0, %eq3A_29 : i32
    %get3A_31 = arith.constant 0 : index
    %get3A_32 = vector.load %arg5[%get3A_31] : memref<128xf32, #tpu.memory_space<vmem>>, vector<128xf32>
    %add3A = arith.addf %get3A_32, %reduce_sum3A_28 : vector<128xf32>
    %select_n3A_33 = arith.select %eq3A_30, %reduce_sum3A_28, %add3A : vector<128xf32>
    %swap3A_34 = arith.constant 0 : index
    %swap3A_35 = vector.load %arg5[%swap3A_34] : memref<128xf32, #tpu.memory_space<vmem>>, vector<128xf32>
    tpu.vector_store %arg5[%swap3A_34], %select_n3A_33 {strides = array<i32>} : memref<128xf32, #tpu.memory_space<vmem>>, vector<128xf32>,
    %get3A_36 = arith.constant 0 : index
    %get3A_37 = arith.constant 0 : index
    %get3A_38 = vector.load %arg7[%get3A_36, %get3A_37] : memref<128x2048xf32, #tpu.memory_space<vmem>>, vector<128x2048xf32>
    %get3A_39 = arith.constant 0 : index
    %get3A_40 = arith.constant 0 : index
    %get3A_41 = arith.constant 0 : index
    %get3A_42 = vector.load %arg1[%get3A_39, %get3A_40, %get3A_41] : memref<10x128x2048xf32, #tpu.memory_space<vmem>>, vector<1x128x2048xf32>
    %get3A_43 = vector.shape_cast %get3A_42 : vector<1x128x2048xf32> to vector<128x2048xf32>
    %mul3A_44 = arith.mulf %get3A_38, %get3A_43 : vector<128x2048xf32>
    %reduce_sum3A_45 = arith.constant dense<0.000000e+00> : vector<128xf32>
    %reduce_sum3A_46 = vector.multi_reduction <add>, %mul3A_44, %reduce_sum3A_45 [1] : vector<128x2048xf32> to vector<128xf32>
    %eq3A_47 = arith.constant 0 : i32
    %eq3A_48 = arith.cmpi eq, %arg0, %eq3A_47 : i32
    %get3A_49 = arith.constant 0 : index
    %get3A_50 = arith.constant 0 : index
    %get3A_51 = vector.load %arg8[%get3A_49, %get3A_50] : memref<10x128xf32, #tpu.memory_space<vmem>>, vector<1x128xf32>
    %get3A_52 = vector.shape_cast %get3A_51 : vector<1x128xf32> to vector<128xf32>
    %add3A_53 = arith.addf %get3A_52, %reduce_sum3A_46 : vector<128xf32>
    %select_n3A_54 = arith.select %eq3A_48, %reduce_sum3A_46, %add3A_53 : vector<128xf32>
    %swap3A_55 = arith.constant 0 : index
    %swap3A_56 = arith.constant 0 : index
    %swap3A_57 = vector.load %arg8[%swap3A_55, %swap3A_56] : memref<10x128xf32, #tpu.memory_space<vmem>>, vector<1x128xf32>
    %swap3A_58 = vector.shape_cast %swap3A_57 : vector<1x128xf32> to vector<128xf32>
    %swap3A_59 = vector.shape_cast %select_n3A_54 : vector<128xf32> to vector<1x128xf32>
    tpu.vector_store %arg8[%swap3A_55, %swap3A_56], %swap3A_59 {strides = array<i32>} : memref<10x128xf32, #tpu.memory_space<vmem>>, vector<1x128xf32>,
    %get3A_60 = arith.constant 0 : index
    %get3A_61 = arith.constant 0 : index
    %get3A_62 = vector.load %arg7[%get3A_60, %get3A_61] : memref<128x2048xf32, #tpu.memory_space<vmem>>, vector<128x2048xf32>
    %get3A_63 = arith.constant 1 : index
    %get3A_64 = arith.constant 0 : index
    %get3A_65 = arith.constant 0 : index
    %get3A_66 = vector.load %arg1[%get3A_63, %get3A_64, %get3A_65] : memref<10x128x2048xf32, #tpu.memory_space<vmem>>, vector<1x128x2048xf32>
    %get3A_67 = vector.shape_cast %get3A_66 : vector<1x128x2048xf32> to vector<128x2048xf32>
    %mul3A_68 = arith.mulf %get3A_62, %get3A_67 : vector<128x2048xf32>
    %reduce_sum3A_69 = arith.constant dense<0.000000e+00> : vector<128xf32>
    %reduce_sum3A_70 = vector.multi_reduction <add>, %mul3A_68, %reduce_sum3A_69 [1] : vector<128x2048xf32> to vector<128xf32>
    %eq3A_71 = arith.constant 0 : i32
    %eq3A_72 = arith.cmpi eq, %arg0, %eq3A_71 : i32
    %get3A_73 = arith.constant 1 : index
    %get3A_74 = arith.constant 0 : index
    %get3A_75 = vector.load %arg8[%get3A_73, %get3A_74] : memref<10x128xf32, #tpu.memory_space<vmem>>, vector<1x128xf32>
    %get3A_76 = vector.shape_cast %get3A_75 : vector<1x128xf32> to vector<128xf32>
    %add3A_77 = arith.addf %get3A_76, %reduce_sum3A_70 : vector<128xf32>
    %select_n3A_78 = arith.select %eq3A_72, %reduce_sum3A_70, %add3A_77 : vector<128xf32>
    %swap3A_79 = arith.constant 1 : index
    %swap3A_80 = arith.constant 0 : index
    %swap3A_81 = vector.load %arg8[%swap3A_79, %swap3A_80] : memref<10x128xf32, #tpu.memory_space<vmem>>, vector<1x128xf32>
    %swap3A_82 = vector.shape_cast %swap3A_81 : vector<1x128xf32> to vector<128xf32>
    %swap3A_83 = vector.shape_cast %select_n3A_78 : vector<128xf32> to vector<1x128xf32>
    tpu.vector_store %arg8[%swap3A_79, %swap3A_80], %swap3A_83 {strides = array<i32>} : memref<10x128xf32, #tpu.memory_space<vmem>>, vector<1x128xf32>,
    %get3A_84 = arith.constant 0 : index
    %get3A_85 = arith.constant 0 : index
    %get3A_86 = vector.load %arg7[%get3A_84, %get3A_85] : memref<128x2048xf32, #tpu.memory_space<vmem>>, vector<128x2048xf32>
    %get3A_87 = arith.constant 2 : index
    %get3A_88 = arith.constant 0 : index
    %get3A_89 = arith.constant 0 : index
    %get3A_90 = vector.load %arg1[%get3A_87, %get3A_88, %get3A_89] : memref<10x128x2048xf32, #tpu.memory_space<vmem>>, vector<1x128x2048xf32>
    %get3A_91 = vector.shape_cast %get3A_90 : vector<1x128x2048xf32> to vector<128x2048xf32>
    %mul3A_92 = arith.mulf %get3A_86, %get3A_91 : vector<128x2048xf32>
    %reduce_sum3A_93 = arith.constant dense<0.000000e+00> : vector<128xf32>
    %reduce_sum3A_94 = vector.multi_reduction <add>, %mul3A_92, %reduce_sum3A_93 [1] : vector<128x2048xf32> to vector<128xf32>
    %eq3A_95 = arith.constant 0 : i32
    %eq3A_96 = arith.cmpi eq, %arg0, %eq3A_95 : i32
    %get3A_97 = arith.constant 2 : index
    %get3A_98 = arith.constant 0 : index
    %get3A_99 = vector.load %arg8[%get3A_97, %get3A_98] : memref<10x128xf32, #tpu.memory_space<vmem>>, vector<1x128xf32>
    %get3A_100 = vector.shape_cast %get3A_99 : vector<1x128xf32> to vector<128xf32>
    %add3A_101 = arith.addf %get3A_100, %reduce_sum3A_94 : vector<128xf32>
    %select_n3A_102 = arith.select %eq3A_96, %reduce_sum3A_94, %add3A_101 : vector<128xf32>
    %swap3A_103 = arith.constant 2 : index
    %swap3A_104 = arith.constant 0 : index
    %swap3A_105 = vector.load %arg8[%swap3A_103, %swap3A_104] : memref<10x128xf32, #tpu.memory_space<vmem>>, vector<1x128xf32>
    %swap3A_106 = vector.shape_cast %swap3A_105 : vector<1x128xf32> to vector<128xf32>
    %swap3A_107 = vector.shape_cast %select_n3A_102 : vector<128xf32> to vector<1x128xf32>
    tpu.vector_store %arg8[%swap3A_103, %swap3A_104], %swap3A_107 {strides = array<i32>} : memref<10x128xf32, #tpu.memory_space<vmem>>, vector<1x128xf32>,
    %get3A_108 = arith.constant 0 : index
    %get3A_109 = arith.constant 0 : index
    %get3A_110 = vector.load %arg7[%get3A_108, %get3A_109] : memref<128x2048xf32, #tpu.memory_space<vmem>>, vector<128x2048xf32>
    %get3A_111 = arith.constant 3 : index
    %get3A_112 = arith.constant 0 : index
    %get3A_113 = arith.constant 0 : index
    %get3A_114 = vector.load %arg1[%get3A_111, %get3A_112, %get3A_113] : memref<10x128x2048xf32, #tpu.memory_space<vmem>>, vector<1x128x2048xf32>
    %get3A_115 = vector.shape_cast %get3A_114 : vector<1x128x2048xf32> to vector<128x2048xf32>
    %mul3A_116 = arith.mulf %get3A_110, %get3A_115 : vector<128x2048xf32>
    %reduce_sum3A_117 = arith.constant dense<0.000000e+00> : vector<128xf32>
    %reduce_sum3A_118 = vector.multi_reduction <add>, %mul3A_116, %reduce_sum3A_117 [1] : vector<128x2048xf32> to vector<128xf32>
    %eq3A_119 = arith.constant 0 : i32
    %eq3A_120 = arith.cmpi eq, %arg0, %eq3A_119 : i32
    %get3A_121 = arith.constant 3 : index
    %get3A_122 = arith.constant 0 : index
    %get3A_123 = vector.load %arg8[%get3A_121, %get3A_122] : memref<10x128xf32, #tpu.memory_space<vmem>>, vector<1x128xf32>
    %get3A_124 = vector.shape_cast %get3A_123 : vector<1x128xf32> to vector<128xf32>
    %add3A_125 = arith.addf %get3A_124, %reduce_sum3A_118 : vector<128xf32>
    %select_n3A_126 = arith.select %eq3A_120, %reduce_sum3A_118, %add3A_125 : vector<128xf32>
    %swap3A_127 = arith.constant 3 : index
    %swap3A_128 = arith.constant 0 : index
    %swap3A_129 = vector.load %arg8[%swap3A_127, %swap3A_128] : memref<10x128xf32, #tpu.memory_space<vmem>>, vector<1x128xf32>
    %swap3A_130 = vector.shape_cast %swap3A_129 : vector<1x128xf32> to vector<128xf32>
    %swap3A_131 = vector.shape_cast %select_n3A_126 : vector<128xf32> to vector<1x128xf32>
    tpu.vector_store %arg8[%swap3A_127, %swap3A_128], %swap3A_131 {strides = array<i32>} : memref<10x128xf32, #tpu.memory_space<vmem>>, vector<1x128xf32>,
    %get3A_132 = arith.constant 0 : index
    %get3A_133 = arith.constant 0 : index
    %get3A_134 = vector.load %arg7[%get3A_132, %get3A_133] : memref<128x2048xf32, #tpu.memory_space<vmem>>, vector<128x2048xf32>
    %get3A_135 = arith.constant 4 : index
    %get3A_136 = arith.constant 0 : index
    %get3A_137 = arith.constant 0 : index
    %get3A_138 = vector.load %arg1[%get3A_135, %get3A_136, %get3A_137] : memref<10x128x2048xf32, #tpu.memory_space<vmem>>, vector<1x128x2048xf32>
    %get3A_139 = vector.shape_cast %get3A_138 : vector<1x128x2048xf32> to vector<128x2048xf32>
    %mul3A_140 = arith.mulf %get3A_134, %get3A_139 : vector<128x2048xf32>
    %reduce_sum3A_141 = arith.constant dense<0.000000e+00> : vector<128xf32>
    %reduce_sum3A_142 = vector.multi_reduction <add>, %mul3A_140, %reduce_sum3A_141 [1] : vector<128x2048xf32> to vector<128xf32>
    %eq3A_143 = arith.constant 0 : i32
    %eq3A_144 = arith.cmpi eq, %arg0, %eq3A_143 : i32
    %get3A_145 = arith.constant 4 : index
    %get3A_146 = arith.constant 0 : index
    %get3A_147 = vector.load %arg8[%get3A_145, %get3A_146] : memref<10x128xf32, #tpu.memory_space<vmem>>, vector<1x128xf32>
    %get3A_148 = vector.shape_cast %get3A_147 : vector<1x128xf32> to vector<128xf32>
    %add3A_149 = arith.addf %get3A_148, %reduce_sum3A_142 : vector<128xf32>
    %select_n3A_150 = arith.select %eq3A_144, %reduce_sum3A_142, %add3A_149 : vector<128xf32>
    %swap3A_151 = arith.constant 4 : index
    %swap3A_152 = arith.constant 0 : index
    %swap3A_153 = vector.load %arg8[%swap3A_151, %swap3A_152] : memref<10x128xf32, #tpu.memory_space<vmem>>, vector<1x128xf32>
    %swap3A_154 = vector.shape_cast %swap3A_153 : vector<1x128xf32> to vector<128xf32>
    %swap3A_155 = vector.shape_cast %select_n3A_150 : vector<128xf32> to vector<1x128xf32>
    tpu.vector_store %arg8[%swap3A_151, %swap3A_152], %swap3A_155 {strides = array<i32>} : memref<10x128xf32, #tpu.memory_space<vmem>>, vector<1x128xf32>,
    %get3A_156 = arith.constant 0 : index
    %get3A_157 = arith.constant 0 : index
    %get3A_158 = vector.load %arg7[%get3A_156, %get3A_157] : memref<128x2048xf32, #tpu.memory_space<vmem>>, vector<128x2048xf32>
    %get3A_159 = arith.constant 5 : index
    %get3A_160 = arith.constant 0 : index
    %get3A_161 = arith.constant 0 : index
    %get3A_162 = vector.load %arg1[%get3A_159, %get3A_160, %get3A_161] : memref<10x128x2048xf32, #tpu.memory_space<vmem>>, vector<1x128x2048xf32>
    %get3A_163 = vector.shape_cast %get3A_162 : vector<1x128x2048xf32> to vector<128x2048xf32>
    %mul3A_164 = arith.mulf %get3A_158, %get3A_163 : vector<128x2048xf32>
    %reduce_sum3A_165 = arith.constant dense<0.000000e+00> : vector<128xf32>
    %reduce_sum3A_166 = vector.multi_reduction <add>, %mul3A_164, %reduce_sum3A_165 [1] : vector<128x2048xf32> to vector<128xf32>
    %eq3A_167 = arith.constant 0 : i32
    %eq3A_168 = arith.cmpi eq, %arg0, %eq3A_167 : i32
    %get3A_169 = arith.constant 5 : index
    %get3A_170 = arith.constant 0 : index
    %get3A_171 = vector.load %arg8[%get3A_169, %get3A_170] : memref<10x128xf32, #tpu.memory_space<vmem>>, vector<1x128xf32>
    %get3A_172 = vector.shape_cast %get3A_171 : vector<1x128xf32> to vector<128xf32>
    %add3A_173 = arith.addf %get3A_172, %reduce_sum3A_166 : vector<128xf32>
    %select_n3A_174 = arith.select %eq3A_168, %reduce_sum3A_166, %add3A_173 : vector<128xf32>
    %swap3A_175 = arith.constant 5 : index
    %swap3A_176 = arith.constant 0 : index
    %swap3A_177 = vector.load %arg8[%swap3A_175, %swap3A_176] : memref<10x128xf32, #tpu.memory_space<vmem>>, vector<1x128xf32>
    %swap3A_178 = vector.shape_cast %swap3A_177 : vector<1x128xf32> to vector<128xf32>
    %swap3A_179 = vector.shape_cast %select_n3A_174 : vector<128xf32> to vector<1x128xf32>
    tpu.vector_store %arg8[%swap3A_175, %swap3A_176], %swap3A_179 {strides = array<i32>} : memref<10x128xf32, #tpu.memory_space<vmem>>, vector<1x128xf32>,
    %get3A_180 = arith.constant 0 : index
    %get3A_181 = arith.constant 0 : index
    %get3A_182 = vector.load %arg7[%get3A_180, %get3A_181] : memref<128x2048xf32, #tpu.memory_space<vmem>>, vector<128x2048xf32>
    %get3A_183 = arith.constant 6 : index
    %get3A_184 = arith.constant 0 : index
    %get3A_185 = arith.constant 0 : index
    %get3A_186 = vector.load %arg1[%get3A_183, %get3A_184, %get3A_185] : memref<10x128x2048xf32, #tpu.memory_space<vmem>>, vector<1x128x2048xf32>
    %get3A_187 = vector.shape_cast %get3A_186 : vector<1x128x2048xf32> to vector<128x2048xf32>
    %mul3A_188 = arith.mulf %get3A_182, %get3A_187 : vector<128x2048xf32>
    %reduce_sum3A_189 = arith.constant dense<0.000000e+00> : vector<128xf32>
    %reduce_sum3A_190 = vector.multi_reduction <add>, %mul3A_188, %reduce_sum3A_189 [1] : vector<128x2048xf32> to vector<128xf32>
    %eq3A_191 = arith.constant 0 : i32
    %eq3A_192 = arith.cmpi eq, %arg0, %eq3A_191 : i32
    %get3A_193 = arith.constant 6 : index
    %get3A_194 = arith.constant 0 : index
    %get3A_195 = vector.load %arg8[%get3A_193, %get3A_194] : memref<10x128xf32, #tpu.memory_space<vmem>>, vector<1x128xf32>
    %get3A_196 = vector.shape_cast %get3A_195 : vector<1x128xf32> to vector<128xf32>
    %add3A_197 = arith.addf %get3A_196, %reduce_sum3A_190 : vector<128xf32>
    %select_n3A_198 = arith.select %eq3A_192, %reduce_sum3A_190, %add3A_197 : vector<128xf32>
    %swap3A_199 = arith.constant 6 : index
    %swap3A_200 = arith.constant 0 : index
    %swap3A_201 = vector.load %arg8[%swap3A_199, %swap3A_200] : memref<10x128xf32, #tpu.memory_space<vmem>>, vector<1x128xf32>
    %swap3A_202 = vector.shape_cast %swap3A_201 : vector<1x128xf32> to vector<128xf32>
    %swap3A_203 = vector.shape_cast %select_n3A_198 : vector<128xf32> to vector<1x128xf32>
    tpu.vector_store %arg8[%swap3A_199, %swap3A_200], %swap3A_203 {strides = array<i32>} : memref<10x128xf32, #tpu.memory_space<vmem>>, vector<1x128xf32>,
    %get3A_204 = arith.constant 0 : index
    %get3A_205 = arith.constant 0 : index
    %get3A_206 = vector.load %arg7[%get3A_204, %get3A_205] : memref<128x2048xf32, #tpu.memory_space<vmem>>, vector<128x2048xf32>
    %get3A_207 = arith.constant 7 : index
    %get3A_208 = arith.constant 0 : index
    %get3A_209 = arith.constant 0 : index
    %get3A_210 = vector.load %arg1[%get3A_207, %get3A_208, %get3A_209] : memref<10x128x2048xf32, #tpu.memory_space<vmem>>, vector<1x128x2048xf32>
    %get3A_211 = vector.shape_cast %get3A_210 : vector<1x128x2048xf32> to vector<128x2048xf32>
    %mul3A_212 = arith.mulf %get3A_206, %get3A_211 : vector<128x2048xf32>
    %reduce_sum3A_213 = arith.constant dense<0.000000e+00> : vector<128xf32>
    %reduce_sum3A_214 = vector.multi_reduction <add>, %mul3A_212, %reduce_sum3A_213 [1] : vector<128x2048xf32> to vector<128xf32>
    %eq3A_215 = arith.constant 0 : i32
    %eq3A_216 = arith.cmpi eq, %arg0, %eq3A_215 : i32
    %get3A_217 = arith.constant 7 : index
    %get3A_218 = arith.constant 0 : index
    %get3A_219 = vector.load %arg8[%get3A_217, %get3A_218] : memref<10x128xf32, #tpu.memory_space<vmem>>, vector<1x128xf32>
    %get3A_220 = vector.shape_cast %get3A_219 : vector<1x128xf32> to vector<128xf32>
    %add3A_221 = arith.addf %get3A_220, %reduce_sum3A_214 : vector<128xf32>
    %select_n3A_222 = arith.select %eq3A_216, %reduce_sum3A_214, %add3A_221 : vector<128xf32>
    %swap3A_223 = arith.constant 7 : index
    %swap3A_224 = arith.constant 0 : index
    %swap3A_225 = vector.load %arg8[%swap3A_223, %swap3A_224] : memref<10x128xf32, #tpu.memory_space<vmem>>, vector<1x128xf32>
    %swap3A_226 = vector.shape_cast %swap3A_225 : vector<1x128xf32> to vector<128xf32>
    %swap3A_227 = vector.shape_cast %select_n3A_222 : vector<128xf32> to vector<1x128xf32>
    tpu.vector_store %arg8[%swap3A_223, %swap3A_224], %swap3A_227 {strides = array<i32>} : memref<10x128xf32, #tpu.memory_space<vmem>>, vector<1x128xf32>,
    %get3A_228 = arith.constant 0 : index
    %get3A_229 = arith.constant 0 : index
    %get3A_230 = vector.load %arg7[%get3A_228, %get3A_229] : memref<128x2048xf32, #tpu.memory_space<vmem>>, vector<128x2048xf32>
    %get3A_231 = arith.constant 8 : index
    %get3A_232 = arith.constant 0 : index
    %get3A_233 = arith.constant 0 : index
    %get3A_234 = vector.load %arg1[%get3A_231, %get3A_232, %get3A_233] : memref<10x128x2048xf32, #tpu.memory_space<vmem>>, vector<1x128x2048xf32>
    %get3A_235 = vector.shape_cast %get3A_234 : vector<1x128x2048xf32> to vector<128x2048xf32>
    %mul3A_236 = arith.mulf %get3A_230, %get3A_235 : vector<128x2048xf32>
    %reduce_sum3A_237 = arith.constant dense<0.000000e+00> : vector<128xf32>
    %reduce_sum3A_238 = vector.multi_reduction <add>, %mul3A_236, %reduce_sum3A_237 [1] : vector<128x2048xf32> to vector<128xf32>
    %eq3A_239 = arith.constant 0 : i32
    %eq3A_240 = arith.cmpi eq, %arg0, %eq3A_239 : i32
    %get3A_241 = arith.constant 8 : index
    %get3A_242 = arith.constant 0 : index
    %get3A_243 = vector.load %arg8[%get3A_241, %get3A_242] : memref<10x128xf32, #tpu.memory_space<vmem>>, vector<1x128xf32>
    %get3A_244 = vector.shape_cast %get3A_243 : vector<1x128xf32> to vector<128xf32>
    %add3A_245 = arith.addf %get3A_244, %reduce_sum3A_238 : vector<128xf32>
    %select_n3A_246 = arith.select %eq3A_240, %reduce_sum3A_238, %add3A_245 : vector<128xf32>
    %swap3A_247 = arith.constant 8 : index
    %swap3A_248 = arith.constant 0 : index
    %swap3A_249 = vector.load %arg8[%swap3A_247, %swap3A_248] : memref<10x128xf32, #tpu.memory_space<vmem>>, vector<1x128xf32>
    %swap3A_250 = vector.shape_cast %swap3A_249 : vector<1x128xf32> to vector<128xf32>
    %swap3A_251 = vector.shape_cast %select_n3A_246 : vector<128xf32> to vector<1x128xf32>
    tpu.vector_store %arg8[%swap3A_247, %swap3A_248], %swap3A_251 {strides = array<i32>} : memref<10x128xf32, #tpu.memory_space<vmem>>, vector<1x128xf32>,
    %get3A_252 = arith.constant 0 : index
    %get3A_253 = arith.constant 0 : index
    %get3A_254 = vector.load %arg7[%get3A_252, %get3A_253] : memref<128x2048xf32, #tpu.memory_space<vmem>>, vector<128x2048xf32>
    %get3A_255 = arith.constant 9 : index
    %get3A_256 = arith.constant 0 : index
    %get3A_257 = arith.constant 0 : index
    %get3A_258 = vector.load %arg1[%get3A_255, %get3A_256, %get3A_257] : memref<10x128x2048xf32, #tpu.memory_space<vmem>>, vector<1x128x2048xf32>
    %get3A_259 = vector.shape_cast %get3A_258 : vector<1x128x2048xf32> to vector<128x2048xf32>
    %mul3A_260 = arith.mulf %get3A_254, %get3A_259 : vector<128x2048xf32>
    %reduce_sum3A_261 = arith.constant dense<0.000000e+00> : vector<128xf32>
    %reduce_sum3A_262 = vector.multi_reduction <add>, %mul3A_260, %reduce_sum3A_261 [1] : vector<128x2048xf32> to vector<128xf32>
    %eq3A_263 = arith.constant 0 : i32
    %eq3A_264 = arith.cmpi eq, %arg0, %eq3A_263 : i32
    %get3A_265 = arith.constant 9 : index
    %get3A_266 = arith.constant 0 : index
    %get3A_267 = vector.load %arg8[%get3A_265, %get3A_266] : memref<10x128xf32, #tpu.memory_space<vmem>>, vector<1x128xf32>
    %get3A_268 = vector.shape_cast %get3A_267 : vector<1x128xf32> to vector<128xf32>
    %add3A_269 = arith.addf %get3A_268, %reduce_sum3A_262 : vector<128xf32>
    %select_n3A_270 = arith.select %eq3A_264, %reduce_sum3A_262, %add3A_269 : vector<128xf32>
    %swap3A_271 = arith.constant 9 : index
    %swap3A_272 = arith.constant 0 : index
    %swap3A_273 = vector.load %arg8[%swap3A_271, %swap3A_272] : memref<10x128xf32, #tpu.memory_space<vmem>>, vector<1x128xf32>
    %swap3A_274 = vector.shape_cast %swap3A_273 : vector<1x128xf32> to vector<128xf32>
    %swap3A_275 = vector.shape_cast %select_n3A_270 : vector<128xf32> to vector<1x128xf32>
    tpu.vector_store %arg8[%swap3A_271, %swap3A_272], %swap3A_275 {strides = array<i32>} : memref<10x128xf32, #tpu.memory_space<vmem>>, vector<1x128xf32>,
    %eq3A_276 = arith.constant 7 : i32
    %eq3A_277 = arith.cmpi eq, %arg0, %eq3A_276 : i32
    %convert_element_type3A = arith.extui %eq3A_277 : i1 to i32
    %cond3A = arith.constant 0 : i32
    %cond3A_278 = arith.cmpi ne, %convert_element_type3A, %cond3A : i32
    scf.if %cond3A_278 {
      %get3A_279 = arith.constant 0 : index
      %get3A_280 = arith.constant 0 : index
      %get3A_281 = vector.load %arg8[%get3A_279, %get3A_280] : memref<10x128xf32, #tpu.memory_space<vmem>>, vector<10x128xf32>
      %get3A_282 = arith.constant 0 : index
      %get3A_283 = vector.load %arg5[%get3A_282] : memref<128xf32, #tpu.memory_space<vmem>>, vector<128xf32>
      %broadcast_in_dim3A_284 = vector.shape_cast %get3A_283 : vector<128xf32> to vector<1x128xf32>
      %sub3A = vector.broadcast %broadcast_in_dim3A_284 : vector<1x128xf32> to vector<10x128xf32>
      %sub3A_285 = arith.subf %sub3A, %get3A_281 : vector<10x128xf32>
      %abs3A = math.absf %sub3A_285 : vector<10x128xf32>
      %abs3A_286 = math.absf %get3A_281 : vector<10x128xf32>
      %mul3A_287 = arith.constant 9.99999974E-6 : f32
      %mul3A_288 = vector.broadcast %mul3A_287 : f32 to vector<10x128xf32>
      %mul3A_289 = arith.mulf %mul3A_288, %abs3A_286 : vector<10x128xf32>
      %add3A_290 = arith.constant 9.99999993E-9 : f32
      %add3A_291 = vector.broadcast %add3A_290 : f32 to vector<10x128xf32>
      %add3A_292 = arith.addf %add3A_291, %mul3A_289 : vector<10x128xf32>
      %le3A = arith.cmpf ole, %abs3A, %add3A_292 : vector<10x128xf32>
      %jit3A = arith.constant 1 : i32
      %jit3A_293 = arith.constant 0 : i32
      %broadcast_in_dim3A_294 = vector.broadcast %jit3A : i32 to vector<10x128xi32>
      %broadcast_in_dim3A_295 = vector.broadcast %jit3A_293 : i32 to vector<10x128xi32>
      %select_n3A_296 = arith.select %le3A, %broadcast_in_dim3A_294, %broadcast_in_dim3A_295 : vector<10x128xi1>, vector<10x128xi32>
      %swap3A_297 = arith.constant 0 : index
      %swap3A_298 = arith.constant 0 : index
      %swap3A_299 = vector.load %arg6[%swap3A_297, %swap3A_298] : memref<10x128xi32, #tpu.memory_space<vmem>>, vector<10x128xi32>
      tpu.vector_store %arg6[%swap3A_297, %swap3A_298], %select_n3A_296 {strides = array<i32>} : memref<10x128xi32, #tpu.memory_space<vmem>>, vector<10x128xi32>,
    } else {
    }
    return
  }
  func.func @transform_0(%arg0: i32) -> (i32, i32, i32) {
    %c0_i32 = arith.constant 0 : i32
    %c0_i32_0 = arith.constant 0 : i32
    %c0_i32_1 = arith.constant 0 : i32
    return %c0_i32, %c0_i32_0, %arg0 : i32, i32, i32
  }
  func.func @transform_1(%arg0: i32) -> (i32, i32) {
    %c0_i32 = arith.constant 0 : i32
    %c0_i32_0 = arith.constant 0 : i32
    return %c0_i32, %arg0 : i32, i32
  }
  func.func @transform_2(%arg0: i32) -> (i32, i32) {
    %c0_i32 = arith.constant 0 : i32
    %c0_i32_0 = arith.constant 0 : i32
    return %c0_i32, %arg0 : i32, i32
  }
  func.func @transform_3(%arg0: i32) -> i32 {
    %c0_i32 = arith.constant 0 : i32
    %c0_i32_0 = arith.constant 0 : i32
    return %c0_i32 : i32
  }
  func.func @transform_4(%arg0: i32) -> i32 {
    %c0_i32 = arith.constant 0 : i32
    %c0_i32_0 = arith.constant 0 : i32
    return %c0_i32 : i32
  }
  func.func @transform_5(%arg0: i32) -> (i32, i32) {
    %c0_i32 = arith.constant 0 : i32
    %c0_i32_0 = arith.constant 0 : i32
    %c0_i32_1 = arith.constant 0 : i32
    return %c0_i32, %c0_i32_0 : i32, i32
  }
}

</mosaic_0001>

<sc_bundles>
// kernel: kernel.4.cloned.1.call-start
scs
__scs_entry_jumppad:
0x0: {  	(pc) =	sbr.rel $0x88, $3  }
0x1: {  	(tag) =	ssettag $0x0;
	lr =	simm.s32 $0x1  }
0x2: {  	[smem:$0x3F9D] =	sst lr;
	_ =	strace $0xD0000000  }
0x3: {  	_ = 	snop  }
0x4: {  	_ = 	snop  }
0x5: {  	_ = 	snop  }
0x6: {  	_ = 	snop  }
0x7: {  	_ = 	snop  }
__scs_overlays_trampoline_lowered:
0x8: {  	[smem:$0x3FAC] =	sst s0  }
0x9: {  	[smem:$0x3FAD] =	sst s1  }
0xa: {  	[smem:$0x3FAE] =	sst s2  }
0xb: {  	[smem:$0x3FAF] =	sst s3  }
0xc: {  	[smem:$0x3FB0] =	sst s4  }
0xd: {  	[smem:$0x3FB1] =	sst s5  }
0xe: {  	[smem:$0x3FB2] =	sst s6  }
0xf: {  	[smem:$0x3FB3] =	sst s7  }
0x10: {  	[smem:$0x3FB4] =	sst s8  }
0x11: {  	[smem:$0x3FB5] =	sst s9;
	s0 =	simm.s32 @!p0 $0x0  }
0x12: {  	s1 =	sld [smem:$0x3F9B];
	s0 =	simm.s32 @p0 $0x1  }
0x13: {  	[smem:$0x3FB6] =	sst s0;
	s0 =	simm.s32 @!p1 $0x0  }
0x14: {  	s2 =	sld [smem:$0x3F9A];
	s0 =	simm.s32 @p1 $0x1  }
0x15: {  	[smem:$0x3FB7] =	sst s0;
	s0 =	simm.s32 @!p2 $0x0  }
0x16: {  	s3 =	sld [smem:$0x3FDB];
	s0 =	simm.s32 @p2 $0x1  }
0x17: {  	s4 =	simm.s32 $0x1BF5;
	[smem:$0x3FB9] =	sst s0  }
0x18: {  	s0 =	sld [smem:$0x3F9C];
	_ =	swait.ge [sflag:s4], $0x0  }
0x19: {  	s7 =	sld [smem:$0x3F9D]  }
0x1a: {  	s8 =	sadd.s32 $0xFFFFE003, lr  }
0x1b: {  	s9 =	sadd.s32 $0xFFFFFEF7, lr;
	s5 =	simm.s32 $0xFFFFFFFF;
	p2 =	slt.u32 s8, $0xFFFFF086  }
0x1c: {  	p1 =	slt.u32 s9, $0xF7A;
	s5 =	simm.s32 @!p2 $0x0  }
0x1d: {  	s5 =	simm.s32 @p1 $0x1;
	p0 =	seq.s32 s7, s2  }
0x1e: {  	s7 =	smul.u32 @!p0 $0xF7A, s2;
	p2 =	seq.s32 @!p0 s5, $0x0  }
0x1f: {  	s9 =	smul.u32 $0xF7A, s1;
	s8 =	simm.s32 @!p0 $0x1BF5;
	p2 =	por !p2, p0  }
0x20: {  	[sflag:s8] =	ssyncset.s32 @!p0 $0xFFFFF086;
	s6 =	sadd.s32 @!p0 s3, s7;
	s7 =	simm.s32 @!p0 $0x108  }
0x21: {  	s3 =	sadd.s32 s3, s9;
	s6 =	sadd.s32 @!p0 $0x88, s6;
	s7 =	simm.s32 @p2 $0x1082  }
0x22: {  	[simem:s7], [sflag:s8] =	dma.local @!p0 [hbm:s6], $0xF7A  }
0x23: {  	s9 =	sor.u32 $0xD0000000, s2;
	s6 =	simm.s32 $0x108;
	_ =	swait.ge @!p0 [sflag:s8], $0x0  }
0x24: {  	s3 =	sadd.s32 $0x88, s3;
	s6 =	simm.s32 @!p1 $0x1082;
	[sflag:s4] =	ssyncset.s32 $0xFFFFF086  }
0x25: {  	[simem:s6], [sflag:s4] =	dma.local [hbm:s3], $0xF7A  }
0x26: {  	[smem:$0x3F9D] =	sst s1;
	(tag) =	ssettag s2;
	_ =	strace s9  }
0x27: {  	s1 =	sld [smem:$0x3FAD]  }
0x28: {  	s2 =	sld [smem:$0x3FAE]  }
0x29: {  	s4 =	sld [smem:$0x3FB0]  }
0x2a: {  	p0 =	seq.s32 s5, $0x0;
	s5 =	sld [smem:$0x3FB1]  }
0x2b: {  	s6 =	sld [smem:$0x3FB2]  }
0x2c: {  	s7 =	sld [smem:$0x3FB3]  }
0x2d: {  	s3 =	simm.s32 $0x108;
	s8 =	sld [smem:$0x3FB4]  }
0x2e: {  	s3 =	simm.s32 @!p0 $0x1082;
	s9 =	sld [smem:$0x3FB5]  }
0x2f: {  	lr =	sadd.s32 s0, s3;
	s0 =	sld [smem:$0x3FAC]  }
0x30: {  	s3 =	sld [smem:$0x3FAF]  }
0x31: {  	[smem:$0x3FB8] =	sst s10  }
0x32: {  	s10 =	sld [smem:$0x3FB6];
	_ =	sdelay $0x3  }
0x33: {  	p0 =	seq.s32 s10, $0x1;
	s10 =	sld [smem:$0x3FB8];
	_ =	sdelay $0x3  }
0x34: {  	[smem:$0x3FB8] =	sst s10  }
0x35: {  	s10 =	sld [smem:$0x3FB7];
	_ =	sdelay $0x3  }
0x36: {  	p1 =	seq.s32 s10, $0x1;
	s10 =	sld [smem:$0x3FB8];
	_ =	sdelay $0x3  }
0x37: {  	[smem:$0x3FB8] =	sst s10  }
0x38: {  	s10 =	sld [smem:$0x3FB9]  }
0x39: {  	_ = 	snop;
	(pc) =	sbr.ind lr, $3  }
0x3a: {  	_ = 	snop  }
0x3b: {  	_ = 	snop  }
0x3c: {  	p2 =	seq.s32 s10, $0x1;
	s10 =	sld [smem:$0x3FB8]  }
0x3d: {  	_ =	shalt  }
0x3e: {  	_ =	shalt  }
0x3f: {  	_ =	shalt  }
0x40: {  	_ =	shalt  }
0x41: {  	_ =	shalt  }
0x42: {  	_ =	shalt  }
0x43: {  	_ =	shalt  }
0x44: {  	_ =	shalt  }
0x45: {  	_ =	shalt  }
0x46: {  	_ =	shalt  }
0x47: {  	_ =	shalt  }
0x48: {  	_ =	shalt  }
0x49: {  	_ =	shalt  }
0x4a: {  	_ =	shalt  }
0x4b: {  	_ =	shalt  }
0x4c: {  	_ =	shalt  }
0x4d: {  	_ =	shalt  }
0x4e: {  	_ =	shalt  }
0x4f: {  	_ =	shalt  }
0x50: {  	_ =	shalt  }
0x51: {  	_ =	shalt  }
0x52: {  	_ =	shalt  }
0x53: {  	_ =	shalt  }
0x54: {  	_ =	shalt  }
0x55: {  	_ =	shalt  }
0x56: {  	_ =	shalt  }
0x57: {  	_ =	shalt  }
0x58: {  	_ =	shalt  }
0x59: {  	_ =	shalt  }
0x5a: {  	_ =	shalt  }
0x5b: {  	_ =	shalt  }
0x5c: {  	_ =	shalt  }
0x5d: {  	_ =	shalt  }
0x5e: {  	_ =	shalt  }
0x5f: {  	_ =	shalt  }
0x60: {  	_ =	shalt  }
0x61: {  	_ =	shalt  }
0x62: {  	_ =	shalt  }
0x63: {  	_ =	shalt  }
0x64: {  	_ =	shalt  }
0x65: {  	_ =	shalt  }
0x66: {  	_ =	shalt  }
0x67: {  	_ =	shalt  }
0x68: {  	_ =	shalt  }
0x69: {  	_ =	shalt  }
0x6a: {  	_ =	shalt  }
0x6b: {  	_ =	shalt  }
0x6c: {  	_ =	shalt  }
0x6d: {  	_ =	shalt  }
0x6e: {  	_ =	shalt  }
0x6f: {  	_ =	shalt  }
0x70: {  	_ =	shalt  }
0x71: {  	_ =	shalt  }
0x72: {  	_ =	shalt  }
0x73: {  	_ =	shalt  }
0x74: {  	_ =	shalt  }
0x75: {  	_ =	shalt  }
0x76: {  	_ =	shalt  }
0x77: {  	_ =	shalt  }
0x78: {  	_ =	shalt  }
0x79: {  	_ =	shalt  }
0x7a: {  	_ =	shalt  }
0x7b: {  	_ =	shalt  }
0x7c: {  	_ =	shalt  }
0x7d: {  	_ =	shalt  }
0x7e: {  	_ =	shalt  }
0x7f: {  	_ =	shalt  }
0x80: {  	_ =	shalt  }
0x81: {  	_ =	shalt  }
0x82: {  	_ =	shalt  }
0x83: {  	_ =	shalt  }
0x84: {  	_ =	shalt  }
0x85: {  	_ =	shalt  }
0x86: {  	_ =	shalt  }
0x87: {  	_ =	shalt  }
.Lfunc_end0:
.L_simem_size_0:
called_computation_lowered:
.L_overlay_start_0:
0x88: {  	s2 =	sld [smem:$0x3FD9]  }
0x89: {  	s3 =	sld [smem:$0x3FFE];
	_ =	sdelay $0x1  }
0x8a: {  	s1 =	srdreg.scid  }
0x8b: {  	s0 =	sand.u32 $0x1, s1  }
0x8c: {  	s17 =	sshll.u32 s0, $0xA;
	s2 =	sadd.s32 s3, s2  }
0x8d: {  	s2 =	sadd.s32 s2, s17  }
0x8e: {  	[smem:$0x3FC4] =	sst s2  }
0x8f: {  	_ = 	snop  }
0x90: {  	s2 =	sld [smem:$0x3FC9]  }
0x91: {  	s18 =	sld [smem:$0x3FC8]  }
0x92: {  	s4 =	sld [smem:$0x3FC7]  }
0x93: {  	s5 =	sld [smem:$0x3FD0];
	(tm) =	ssettm $0x1  }
0x94: {  	s6 =	sld [smem:$0x3FFB];
	_ =	sdelay $0x3  }
0x95: {  	_ =	strace s6  }
0x96: {  	s6 =	sld [smem:$0x3FFC];
	_ =	sdelay $0x3  }
0x97: {  	_ =	strace s6  }
0x98: {  	s6 =	sld [smem:$0x3FFD];
	_ =	sdelay $0x3  }
0x99: {  	_ =	strace s6  }
0x9a: {  	_ =	strace $0x8FFFFFFF  }
0x9b: {  	s19 =	sld [smem:$0x3FDB];
	_ =	sdelay $0x1  }
0x9c: {  	s7 =	simm.s32 $_scs_section_size  }
0x9d: {  	s8 =	simm.s32 $_size__tile_overlayer_lowered;
	s9 =	simm.s32 $_tile_overlayer_lowered  }
0x9e: {  	s22 =	simm.s32 $0x1BFF;
	s21 =	sshll.u32 s9, $0x1;
	s6 =	sadd.s32 s7, s19  }
0x9f: {  	s10 =	simm.s32 $0x0;
	s20 =	sshll.u32 s8, $0x1;
	s8 =	sadd.s32 s21, s6  }
0xa0: {  	[timem:s10], [sflag:s22] =	dma.local [hbm:s8], s20  }
0xa1: {  	_ =	swait.ge [sflag:s22], s20  }
0xa2: {  	s7 =	ssub.s32 $0x0, s20;
	[sflag:s22] =	ssyncset.done $0x0  }
0xa3: {  	[sflag:s22] =	ssyncadd.s32 s7;
	_ =	sdelay $0x1  }
0xa4: {  	s23 =	simm.s32 $0x1B8B  }
0xa5: {  	_ =	swait.ge [sflag:s23], $0x1  }
0xa6: {  	[sflag:s23] =	ssyncset.done $0x0  }
0xa7: {  	s25 =	simm.s32 $0x1B8E;
	s24 =	sld [smem:$0x3FFE];
	[sflag:s23] =	ssyncadd.s32 $0xFFFFFFFF  }
0xa8: {  	s26 =	simm.s32 $execute0_lowered;
	[smem:$0x3FD2] =	sst s25  }
0xa9: {  	s8 =	sshll.u32 s26, $0x1;
	_ =	strace $0x80000046;
	[dreg:$0x1] =	wrdreg $0xFFFFFFFF  }
0xaa: {  	s28 =	simm.s32 $_size_execute0_lowered;
	s6 =	sadd.s32 s6, s8;
	[dreg:$0x0] =	wrdreg $0x0  }
0xab: {  	s8 =	sshll.u32 s28, $0x1;
	[dreg:$0x2] =	wrdreg s6  }
0xac: {  	[dreg:$0x3] =	wrdreg s8  }
0xad: {  	[dreg:$0x4] =	wrdreg $0xC0  }
0xae: {  	_ =	task [dreg:s10], $0x5FFFF  }
0xaf: {  	[dreg:$0x1] =	wrdreg $0xFFFFFFFF  }
0xb0: {  	[dreg:$0x0] =	wrdreg $0x60  }
0xb1: {  	[dreg:$0x2] =	wrdreg s2  }
0xb2: {  	[dreg:$0x3] =	wrdreg s18  }
0xb3: {  	[dreg:$0x4] =	wrdreg s4  }
0xb4: {  	[dreg:$0x5] =	wrdreg s5  }
0xb5: {  	[dreg:$0x6] =	wrdreg s24  }
0xb6: {  	[dreg:$0x7] =	wrdreg $0x9  }
0xb7: {  	_ =	task.clear_ibuf [dreg:s10], $0x8FFFF;
	_ =	strace $0x90000046  }
0xb8: {  	s29 =	simm.s32 $0x9;
	_ =	strace $0x80000048  }
0xb9: {  	_ =	swait.ge [sflag:s29], $0x1  }
0xba: {  	[sflag:s29] =	ssyncadd.s32 $0xFFFFFFFF  }
0xbb: {  	_ =	strace $0x90000048  }
0xbc: {  	_ =	sfence  }
0xbd: {  	s30 =	sld [smem:$0x0];
	_ =	sdelay $0x2  }
0xbe: {  	s31 =	sshll.u32 s1, $0xD;
	s1 =	sshrl.u32 s1, $0x2  }
0xbf: {  	s3 =	sand.u32 $0x4000, s31;
	s1 =	sadd.s32 s1, s30  }
0xc0: {  	s0 =	sor.u32 s3, s0;
	s1 =	sshll.u32 s1, $0x11  }
0xc1: {  	s0 =	sor.u32 s1, s0  }
0xc2: {  	s0 =	sadd.s32 $0x8F2B, s0  }
0xc3: {  	[sflag:s0] =	ssyncadd.remote.s32 $0x1  }
0xc4: {  	_ =	sfence.sel $0xFFFF  }
0xc5: {  	[dreg:$0x0] =	wrdreg $0xFFFFFFFF;
	(pc) =	sbr.abs _section_cstart, $3  }
0xc6: {  	[dreg:$0x1] =	wrdreg $0xFFFFFFFF  }
0xc7: {  	_ =	task.clear_ibuf [dreg:s10], $0x2FFFF;
	_ =	strace $0x9FFFFFFF  }
0xc8: {  	(tm) =	ssettm $0x7FFFFFFF  }
0xc9: {  	_ =	shalt  }
tec
execute0_lowered:
.L_overlay_start_1:
0x0: {  	(tag) =	ssettag $0x1  }
0x1: {  	s0 =	rddreg [dreg:$0x0]  }
0x2: {  	s1 =	rddreg [dreg:$0x1]  }
0x3: {  	s2 =	rddreg [dreg:$0x2]  }
0x4: {  	s3 =	rddreg [dreg:$0x4];
	s12 =	simm.s32 $0x0;
	s4 =	srdreg.scid  }
0x5: {  	v0 =	vimm.s32 $0xEFCDAB89;
	s7 =	stileid.u32;
	s28 =	simm.s32 $0x1080;
	s29 =	simm.s32 $0x3080  }
0x6: {  	v1 =	vimm.s32 $0x67452301;
	v2 =	vimm.s32 $0xDCFE98BA;
	s30 =	simm.s32 $0x1;
	s31 =	simm.s32 $0x2;
	[smem:$0x7FF] =	sst s12  }
0x7: {  	v3 =	vimm.s32 $0x54761032;
	v4 =	vimm.s32 $0xBA98FEDC;
	s4 =	sand.u32 $0x1, s4;
	s6 =	sshll.u32 s7, $0xA;
	s9 =	sshll.u32 s7, $0x11  }
0x8: {  	v5 =	vimm.s32 $0x32107654;
	vm0 =	vcmask $0xB08;
	s10 =	sshll.u32 s7, $0x3;
	s16 =	sshll.u32 s7, $0xE;
	s5 =	sshll.u32 s4, $0x9  }
0x9: {  	vm1 =	vcmask $0x300;
	vm2 =	vcmask $0x700;
	vm3 =	vcmask $0x3B38;
	_ =	strace $0x80000047;
	s8 =	ssub.s32 $0x2, s4;
	s4 =	sshll.u32 s4, $0x2  }
0xa: {  	v0 =	vunpack.c.l.s4.s8 v0;
	v1 =	vunpack.c.l.s4.s8 v1;
	v2 =	vunpack.c.l.s4.s8 v2;
	s21 =	sor.u32 $0x1400000, s9;
	s6 =	sor.u32 s5, s6;
	s17 =	sshrl.u32 s8, $0x1  }
0xb: {  	v3 =	vunpack.c.l.s4.s8 v3;
	vm0 =	vmor vm1, vm0;
	vm1 =	vcmask $0x1310;
	s11 =	sor.u32 s5, s9;
	s18 =	sor.u32 s4, s10;
	s22 =	sor.u32 s5, s21  }
0xc: {  	v4 =	vunpack.c.l.s4.s8 v4;
	vm0 =	vmor vm0, vm1;
	vm1 =	vcmask $0x1B18;
	s5 =	sor.u32 $0x180, s5;
	s4 =	simm.s32 $0x3;
	s6 =	sshrl.u32 s6, $0x3  }
0xd: {  	v0 =	vunpack.c.0.s8.s32 v0;
	v1 =	vunpack.c.0.s8.s32 v1;
	v2 =	vunpack.c.0.s8.s32 v2;
	[dreg:$0x6] =	wrdreg s11;
	s11 =	sshrl.u32 s11, $0x3;
	s10 =	sor.u32 $0x1, s18  }
0xe: {  	v3 =	vunpack.c.0.s8.s32 v3;
	vm0 =	vmor vm0, vm1;
	vm1 =	vcmask $0x2320;
	s13 =	smov.u32 s18;
	s15 =	smov.u32 s22;
	s24 =	sshrl.u32 s22, $0x3  }
0xf: {  	v5 =	vunpack.c.l.s4.s8 v5;
	vm0 =	vmor vm0, vm1;
	vm1 =	vcmask $0x2B28;
	s3 =	sadd.s32 s6, s3;
	s6 =	ssub.s32 s8, s17;
	s19 =	sadd.s32 s2, s11  }
0x10: {  	v0 =	vcombine.low v1, v0;
	v1 =	vcombine.low v3, v2;
	v2 =	vunpack.c.0.s8.s32 v4;
	s20 =	sadd.s32 s1, s11;
	s14 =	smov.u32 s10;
	s10 =	sshll.u32 s10, $0x4  }
0x11: {  	v4 =	vimm.s32 $0xFEDCBA98;
	s8 =	sor.u32 $0x2, s18;
	vm0 =	vmor vm0, vm1;
	vm1 =	vcmask $0x3330;
	s18 =	sor.u32 s9, s5;
	[dreg:$0x7] =	wrdreg s19  }
0x12: {  	v3 =	vunpack.c.0.s8.s32 v5;
	[dreg:$0x8] =	wrdreg s20;
	v4 =	vunpack.c.l.s4.s8 v4;
	s10 =	sand.u32 $0x50, s10;
	s17 =	smov.u32 s8;
	vm0 =	vmor vm0, vm1  }
0x13: {  	s23 =	sshll.u32 s8, $0x4;
	s8 =	sadd.s32 s0, s24;
	s19 =	sor.u32 s21, s5;
	vm1 =	vcmask $0x1710;
	v0 =	vand.u32 $0xF, v0;
	v1 =	vand.u32 $0xF, v1  }
0x14: {  	s3 =	sadd.s32 $0xC00, s3;
	s26 =	smax.u32 s6, $0x1;
	s24 =	simm.s32 $0x80;
	v3 =	vcombine.low v3, v2;
	v2 =	vimm.s32 $0x76543210;
	vm1 =	vmor vm2, vm1  }
0x15: {  	s5 =	simm.s32 $0x0;
	s10 =	sor.u32 s10, s16;
	[dreg:$0xc] =	wrdreg s3;
	vm2 =	vcmask $0x2720;
	vm0 =	vmor vm0, vm3;
	v2 =	vunpack.c.l.s4.s8 v2  }
0x16: {  	s7 =	sand.u32 $0x60, s23;
	[dreg:$0xd] =	wrdreg s26;
	s23 =	simm.s32 $0x400;
	v4 =	vunpack.c.0.s8.s32 v4;
	vm1 =	vmor vm1, vm2;
	vm2 =	vcmask $0x3730  }
0x17: {  	vm3 =	vcmask $0xF00;
	[dreg:$0x9] =	wrdreg s8;
	s10 =	sor.u32 $0x1000, s10;
	s25 =	sor.u32 s7, s16;
	vm1 =	vmor vm1, vm2;
	v2 =	vunpack.c.0.s8.s32 v2  }
0x18: {  	s26 =	simm.s32 $0x200000;
	[dreg:$0xa] =	wrdreg s10;
	s7 =	sor.u32 $0x1000, s25;
	vm2 =	vcmask $0x2F20;
	v3 =	vand.u32 $0xF, v3;
	v4 =	vand.u32 $0xF, v4  }
0x19: {  	s16 =	sadd.s32 $0x280000, s0;
	s25 =	simm.s32 $0x2080;
	[dreg:$0xb] =	wrdreg s7;
	vm2 =	vmor vm3, vm2;
	v2 =	vcombine.low v4, v2;
	v4 =	vimm.s32 $0x0  }
.LBB2_1:
0x1a: {  	[dreg:$0xe] =	wrdreg s5  }
0x1b: {  	s3 =	rddreg [dreg:$0x3]  }
0x1c: {  	[tilespmem:s12], [sflag:$0x3] =	stream.linear.gather [hbm4b:s3+s12], $0x80, $0x38;
	[tilespmem:$0x14280] =	vst v63  }
0x1d: {  	_ =	swait.ge [sflag:s4], $0x80  }
0x1e: {  	[sflag:s4] =	ssyncset.done $0x0  }
0x1f: {  	s21 =	rddreg [dreg:$0x7];
	[sflag:s4] =	ssyncadd.s32 $0xFFFFFF80  }
0x20: {  	v5 =	vld [tilespmem:$0x0];
	[tilespmem:s24], [sflag:$0x1] =	stream.strided.gather [hbm4b:s21+s24], $0x1000, s23, s24, $0x38  }
0x21: {  	s5 =	simm.s32 $0x0;
	s3 =	simm.s32 $0x4080;
	s22 =	rddreg [dreg:$0x8]  }
0x22: {  	[tilespmem:s25], [sflag:$0x1] =	stream.strided.gather [hbm4b:s22+s24], $0x1000, s23, s24, $0x38;
	[tilespmem:$0x14280] =	vst v63  }
.LBB2_2:
0x23: {  	p0 =	sne.s32 s5, $0xF80  }
.Ltmp0:
0x24: {  	_ = 	snop;
	(pc) =	sbr.rel @p0 .LBB2_2-.Ltmp0, $4  }
0x25: {  	_ = 	snop  }
0x26: {  	s6 =	sadd.s32 s5, s8  }
0x27: {  	[tilespmem:s3], [sflag:$0x1] =	stream.strided.gather [hbm4b:s6+s24], $0x300, s26, s24, $0x38;
	[tilespmem:$0x14280] =	vst v63  }
0x28: {  	s5 =	sadd.s32 $0x80, s5;
	s3 =	sadd.s32 $0x400, s3  }
0x29: {  	v6 =	vimm.f32 $0.0e+00  }
0x2a: {  	v7 =	vimm.f32 $0.0e+00;
	v8 =	vimm.f32 $0.0e+00;
	v9 =	vimm.f32 $0.0e+00  }
0x2b: {  	s3 =	simm.s32 $0x0;
	p1 =	por $0x1, $0x1;
	v10 =	vimm.f32 $0.0e+00;
	v11 =	vimm.f32 $0.0e+00;
	v12 =	vimm.f32 $0.0e+00  }
.LBB2_4:
0x2c: {  	s5 =	sshll.u32 s3, $0x10  }
0x2d: {  	s4 =	rddreg [dreg:$0x6];
	s5 =	sor.u32 $0x8000, s5  }
0x2e: {  	s6 =	sor.u32 s5, s4  }
0x2f: {  	s5 =	sor.u32 s5, s15;
	s6 =	sshrl.u32 s6, $0x3  }
0x30: {  	p0 =	por p1, p1;
	s5 =	sshrl.u32 s5, $0x3;
	s9 =	sadd.s32 s2, s6  }
0x31: {  	[tilespmem:s28], [sflag:$0x2] =	stream.strided.gather [hbm4b:s9+s24], $0x1000, s23, s24, $0x38;
	[tilespmem:$0x14280] =	vst v63  }
0x32: {  	s10 =	simm.s32 $0xC480;
	s6 =	sadd.s32 s1, s6;
	s5 =	sadd.s32 s0, s5  }
0x33: {  	[tilespmem:s29], [sflag:$0x2] =	stream.strided.gather [hbm4b:s6+s24], $0x1000, s23, s24, $0x38;
	[tilespmem:$0x14280] =	vst v63  }
0x34: {  	s9 =	simm.s32 $0x80;
	s20 =	sadd.s32 $0x0, s5;
	s6 =	simm.s32 $0xC080  }
.LBB2_5:
0x35: {  	[tilespmem:s6], [sflag:$0x2] =	stream.strided.gather [hbm4b:s20+s24], $0x300, s26, s24, $0x38;
	[tilespmem:$0x14280] =	vst v63  }
0x36: {  	s20 =	smov.u32 s9;
	s6 =	smov.u32 s10;
	p1 =	sne.s32 s9, $0xF80  }
.Ltmp1:
0x37: {  	s9 =	sadd.s32 $0x80, s9;
	(pc) =	sbr.rel @p1 .LBB2_5-.Ltmp1, $2  }
0x38: {  	_ =	sdelay $0x2  }
0x39: {  	s10 =	sadd.s32 $0x400, s10;
	s20 =	sadd.s32 s20, s5  }
0x3a: {  	[tilespmem:s6], [sflag:$0x2] =	stream.strided.gather [hbm4b:s20+s24], $0x300, s26, s24, $0x38;
	[tilespmem:$0x14280] =	vst v63  }
0x3b: {  	_ =	swait.ge [sflag:s30], $0x1000  }
0x3c: {  	[sflag:s30] =	ssyncset.done $0x0  }
0x3d: {  	[sflag:s30] =	ssyncadd.s32 $0xFFFFF000  }
0x3e: {  	_ =	swait.ge [sflag:s30], $0x1000  }
0x3f: {  	[sflag:s30] =	ssyncset.done $0x0  }
0x40: {  	[sflag:s30] =	ssyncadd.s32 $0xFFFFF000  }
0x41: {  	_ =	swait.ge [sflag:s30], $0x6000  }
0x42: {  	s6 =	simm.s32 $0x0;
	[sflag:s30] =	ssyncset.done $0x0  }
0x43: {  	s5 =	simm.s32 $0x2080;
	s10 =	sand.u32 $0x7C00, s6;
	[sflag:s30] =	ssyncadd.s32 $0xFFFFA000  }
0x44: {  	s9 =	simm.s32 $0x80;
	s11 =	sand.u32 $0x40, s6;
	s10 =	sadd.s32 $0x4080, s10;
	v13 =	vld [tilespmem:s5+$0x0]  }
0x45: {  	s21 =	sor.u32 s11, s10;
	v14 =	vld [tilespmem:s9+$0x0]  }
0x46: {  	v17 =	vld [tilespmem:s21+$0x0]  }
0x47: {  	v18 =	vld [tilespmem:s21+$0x80]  }
0x48: {  	s22 =	sand.u32 $0xF80, s6;
	s4 =	sor.u32 $0x30, s11;
	v19 =	vld [tilespmem:s21+$0x100]  }
0x49: {  	s12 =	sor.u32 s22, s4;
	v20 =	vld [tilespmem:s21+$0x180]  }
0x4a: {  	s4 =	sor.u32 s4, s10;
	v25 =	vld [tilespmem:s12+$0x2080]  }
0x4b: {  	v24 =	vld [tilespmem:s4+$0x0]  }
0x4c: {  	v22 =	vld [tilespmem:s4+$0x80]  }
0x4d: {  	s7 =	sor.u32 $0x20, s11;
	v16 =	vld [tilespmem:s4+$0x100]  }
0x4e: {  	p1 =	por $0x0, $0x0;
	s8 =	sor.u32 s22, s7;
	v15 =	vld [tilespmem:s4+$0x180];
	s4 =	simm.s32 $0x1  }
0x4f: {  	v27 =	vld [tilespmem:s8+$0x80];
	s4 =	simm.s32 @!p1 $0x0  }
0x50: {  	s11 =	sor.u32 $0x10, s11;
	v23 =	vld [tilespmem:s8+$0x2080];
	s4 =	sshll.u32 s4, $0x6  }
0x51: {  	v21 =	vld [tilespmem:s12+$0x80];
	s12 =	sor.u32 s22, s11;
	s20 =	sadd.s32 $0x0, s4  }
0x52: {  	v29 =	vld [tilespmem:s12+$0x80];
	s21 =	sor.u32 $0x200, s20  }
0x53: {  	s22 =	sor.u32 $0x280, s20;
	v34 =	vperm.xlane v5, v14;
	v35 =	vld [tilespmem:s21+$0x4080]  }
0x54: {  	v36 =	vld [tilespmem:s22+$0x4080];
	v14 =	vperm.xlane v5, v27  }
0x55: {  	v32 =	vld [tilespmem:s12+$0x2080];
	s22 =	sor.u32 s11, s10;
	v30 =	vmul.f32 v13, v34;
	v28 =	vmul.f32 v17, v34  }
0x56: {  	v33 =	vld [tilespmem:s22+$0x0];
	v26 =	vmul.f32 v18, v34;
	v13 =	vperm.xlane v5, v21  }
0x57: {  	s21 =	sor.u32 s7, s10;
	v31 =	vld [tilespmem:s22+$0x80];
	v18 =	vmul.f32 v19, v34;
	v19 =	vmul.f32 v20, v34  }
0x58: {  	v17 =	vperm.xlane v5, v29;
	v29 =	vld [tilespmem:s21+$0x0];
	v25 =	vmul.f32 v25, v13  }
0x59: {  	s10 =	simm.s32 $0x200;
	v27 =	vld [tilespmem:s21+$0x80];
	v20 =	vmul.f32 v35, v34;
	v21 =	vmul.f32 v36, v34  }
.LBB2_7:
0x5a: {  	p2 =	sne.s32 s10, $0x7E00;
	v34 =	vld [tilespmem:s21+$0x100];
	v24 =	vmul.f32 v24, v13;
	v22 =	vmul.f32 v22, v13  }
0x5b: {  	v12 =	vadd.f32 v30, v12;
	v30 =	vmul.f32 v32, v17;
	v32 =	vmul.f32 v33, v17;
	v33 =	vld [tilespmem:s21+$0x180]  }
0x5c: {  	v11 =	vadd.f32 v28, v11;
	v10 =	vadd.f32 v26, v10;
	s4 =	sadd.s32 $0x10, s20;
	v26 =	vmul.f32 v31, v17;
	v28 =	vld [tilespmem:s22+$0x100]  }
0x5d: {  	v23 =	vmul.f32 v23, v14;
	s7 =	sor.u32 $0x200, s4;
	v12 =	vadd.f32 v30, v12;
	v30 =	vld [tilespmem:s22+$0x180];
	v29 =	vmul.f32 v29, v14  }
0x5e: {  	s4 =	sor.u32 $0x280, s4;
	v11 =	vadd.f32 v32, v11;
	v10 =	vadd.f32 v26, v10;
	v26 =	vld [tilespmem:s7+$0x4080];
	v27 =	vmul.f32 v27, v14;
	s7 =	sadd.s32 $0x20, s20  }
0x5f: {  	v16 =	vmul.f32 v16, v13;
	v15 =	vmul.f32 v15, v13;
	v12 =	vadd.f32 v23, v12;
	v31 =	vld [tilespmem:s4+$0x4080];
	s4 =	sor.u32 $0x200, s7  }
0x60: {  	v11 =	vadd.f32 v29, v11;
	v23 =	vmul.f32 v34, v14;
	v10 =	vadd.f32 v27, v10;
	v27 =	vld [tilespmem:s4+$0x4080];
	s4 =	sor.u32 $0x280, s7;
	s7 =	sadd.s32 $0x30, s20  }
0x61: {  	v29 =	vmul.f32 v33, v14;
	v12 =	vadd.f32 v25, v12;
	v28 =	vmul.f32 v28, v17;
	v32 =	vld [tilespmem:s4+$0x4080];
	s4 =	sor.u32 $0x200, s7  }
0x62: {  	v11 =	vadd.f32 v24, v11;
	v25 =	vmul.f32 v30, v17;
	v10 =	vadd.f32 v22, v10;
	v22 =	vld [tilespmem:s4+$0x4080];
	s4 =	sor.u32 $0x280, s7  }
0x63: {  	v9 =	vadd.f32 v18, v9;
	v8 =	vadd.f32 v19, v8;
	s6 =	sadd.s32 $0x40, s6;
	s5 =	sadd.s32 $0x40, s5;
	s7 =	sand.u32 $0x7C00, s10;
	v18 =	vmul.f32 v26, v17;
	v19 =	vld [tilespmem:s4+$0x4080]  }
0x64: {  	v7 =	vadd.f32 v20, v7;
	s9 =	sadd.s32 $0x40, s9;
	v6 =	vadd.f32 v21, v6;
	s4 =	sand.u32 $0x40, s6;
	s21 =	sadd.s32 $0x4080, s7;
	v26 =	vld [tilespmem:s5+$0x0];
	v17 =	vmul.f32 v31, v17  }
0x65: {  	v9 =	vadd.f32 v28, v9;
	s7 =	sor.u32 s4, s21;
	v8 =	vadd.f32 v25, v8;
	v20 =	vld [tilespmem:s9+$0x0];
	v21 =	vmul.f32 v27, v14  }
0x66: {  	v7 =	vadd.f32 v18, v7;
	v25 =	vld [tilespmem:s7+$0x0];
	v6 =	vadd.f32 v17, v6;
	v14 =	vmul.f32 v32, v14  }
0x67: {  	v9 =	vadd.f32 v23, v9;
	v8 =	vadd.f32 v29, v8;
	v17 =	vld [tilespmem:s7+$0x80];
	v18 =	vmul.f32 v22, v13  }
0x68: {  	s8 =	sand.u32 $0xF80, s6;
	s11 =	sor.u32 $0x30, s4;
	v7 =	vadd.f32 v21, v7;
	v27 =	vld [tilespmem:s7+$0x100];
	v6 =	vadd.f32 v14, v6;
	v13 =	vmul.f32 v19, v13  }
0x69: {  	v9 =	vadd.f32 v16, v9;
	v8 =	vadd.f32 v15, v8;
	v14 =	vld [tilespmem:s7+$0x180];
	s7 =	sor.u32 s8, s11  }
0x6a: {  	s11 =	sor.u32 s11, s21;
	v7 =	vadd.f32 v18, v7;
	v34 =	vld [tilespmem:s7+$0x2080];
	v6 =	vadd.f32 v13, v6  }
0x6b: {  	v24 =	vld [tilespmem:s11+$0x0]  }
0x6c: {  	v22 =	vld [tilespmem:s11+$0x80]  }
0x6d: {  	s12 =	sor.u32 $0x20, s4;
	v16 =	vld [tilespmem:s11+$0x100]  }
0x6e: {  	p1 =	por !p1, !p1;
	s22 =	sor.u32 s8, s12;
	v15 =	vld [tilespmem:s11+$0x180];
	s11 =	simm.s32 $0x1  }
0x6f: {  	s11 =	simm.s32 @!p1 $0x0;
	v23 =	vld [tilespmem:s22+$0x2080]  }
0x70: {  	s4 =	sor.u32 $0x10, s4;
	s11 =	sshll.u32 s11, $0x6;
	v13 =	vld [tilespmem:s7+$0x80]  }
0x71: {  	s7 =	sor.u32 s8, s4;
	s20 =	sadd.s32 s11, s10;
	v21 =	vld [tilespmem:s22+$0x80]  }
0x72: {  	v35 =	vperm.xlane v5, v20;
	s8 =	sor.u32 $0x200, s20;
	v29 =	vld [tilespmem:s7+$0x80]  }
0x73: {  	v20 =	vld [tilespmem:s8+$0x4080];
	s8 =	sor.u32 $0x280, s20  }
0x74: {  	v30 =	vmul.f32 v26, v35;
	v36 =	vld [tilespmem:s8+$0x4080]  }
.Ltmp2:
0x75: {  	v28 =	vmul.f32 v25, v35;
	v26 =	vmul.f32 v17, v35;
	s22 =	sor.u32 s4, s21;
	v32 =	vld [tilespmem:s7+$0x2080];
	(pc) =	sbr.rel @p2 .LBB2_7-.Ltmp2, $4  }
0x76: {  	v18 =	vmul.f32 v27, v35;
	v19 =	vmul.f32 v14, v35;
	v33 =	vld [tilespmem:s22+$0x0]  }
0x77: {  	s21 =	sor.u32 s12, s21;
	v13 =	vperm.xlane v5, v13;
	v14 =	vperm.xlane v5, v21;
	v31 =	vld [tilespmem:s22+$0x80]  }
0x78: {  	v17 =	vperm.xlane v5, v29;
	v20 =	vmul.f32 v20, v35;
	v29 =	vld [tilespmem:s21+$0x0]  }
0x79: {  	s10 =	sadd.s32 $0x200, s10;
	v25 =	vmul.f32 v34, v13;
	v21 =	vmul.f32 v36, v35;
	v27 =	vld [tilespmem:s21+$0x80]  }
0x7a: {  	v34 =	vld [tilespmem:s21+$0x100];
	v12 =	vadd.f32 v30, v12;
	v46 =	vmul.f32 v32, v17  }
0x7b: {  	v35 =	vld [tilespmem:s21+$0x180];
	v24 =	vmul.f32 v24, v13;
	v11 =	vadd.f32 v28, v11;
	v23 =	vmul.f32 v23, v14  }
0x7c: {  	s4 =	sadd.s32 $0x10, s20;
	v47 =	vld [tilespmem:s22+$0x100];
	v10 =	vadd.f32 v26, v10;
	v22 =	vmul.f32 v22, v13;
	v16 =	vmul.f32 v16, v13  }
0x7d: {  	s3 =	sshll.u32 s3, $0x1;
	s6 =	sadd.s32 $0x20, s20;
	v48 =	vld [tilespmem:s22+$0x180];
	v15 =	vmul.f32 v15, v13;
	v9 =	vadd.f32 v18, v9;
	s5 =	sor.u32 $0x200, s4;
	v33 =	vmul.f32 v33, v17  }
0x7e: {  	s9 =	sadd.s32 $0x30, s20;
	v8 =	vadd.f32 v19, v8;
	v7 =	vadd.f32 v20, v7;
	s3 =	sadd.s32 $0x2, s3;
	s4 =	sor.u32 $0x280, s4;
	v49 =	vmul.f32 v31, v17;
	v50 =	vld [tilespmem:s5+$0x4080]  }
0x7f: {  	s8 =	sor.u32 $0x200, s6;
	s21 =	sor.u32 $0x280, s6;
	s7 =	sshrl.u32 s3, $0x2;
	v12 =	vadd.f32 v46, v12;
	v51 =	vld [tilespmem:s4+$0x4080];
	v11 =	vadd.f32 v33, v11;
	v29 =	vmul.f32 v29, v14  }
0x80: {  	s11 =	sor.u32 $0x200, s9;
	s12 =	sor.u32 $0x280, s9;
	v6 =	vadd.f32 v21, v6;
	v53 =	vld [tilespmem:s8+$0x4080];
	s7 =	sor.u32 s13, s7;
	v10 =	vadd.f32 v49, v10;
	v52 =	vmul.f32 v27, v14  }
0x81: {  	s3 =	sshll.u32 s3, $0xF;
	v54 =	vld [tilespmem:s21+$0x4080];
	s22 =	sshll.u32 s7, $0x7;
	s7 =	sshll.u32 s7, $0xE;
	v12 =	vadd.f32 v23, v12;
	v11 =	vadd.f32 v29, v11;
	v56 =	vmul.f32 v34, v14  }
0x82: {  	v55 =	vld [tilespmem:s11+$0x4080];
	s3 =	sand.u32 $0x10000, s3;
	s6 =	sand.u32 $0x380, s22;
	s4 =	sand.u32 $0x7FFE0000, s7;
	v32 =	vmul.f32 v47, v17;
	v57 =	vmul.f32 v35, v14;
	v26 =	vadd.f32 v52, v10  }
0x83: {  	v58 =	vld [tilespmem:s12+$0x4080];
	v28 =	vmul.f32 v48, v17;
	s10 =	sor.u32 s3, s6;
	v12 =	vadd.f32 v25, v12;
	s3 =	sor.u32 s3, s4;
	v10 =	vadd.f32 v24, v11  }
0x84: {  	s8 =	sor.u32 s4, s10;
	v59 =	vmul.f32 v50, v17;
	v60 =	vmul.f32 v51, v17;
	v9 =	vadd.f32 v32, v9;
	s3 =	sor.u32 s6, s3  }
0x85: {  	v8 =	vadd.f32 v28, v8;
	v61 =	vmul.f32 v53, v14;
	s20 =	sshrl.u32 s8, $0x3;
	v11 =	vadd.f32 v22, v26;
	s3 =	sadd.s32 $0x1400000, s3  }
0x86: {  	v14 =	vmul.f32 v54, v14;
	s21 =	sadd.s32 s2, s20;
	v7 =	vadd.f32 v59, v7;
	v6 =	vadd.f32 v60, v6;
	s3 =	sshrl.u32 s3, $0x3  }
0x87: {  	v63 =	vmul.f32 v55, v13;
	v9 =	vadd.f32 v56, v9;
	v62 =	vadd.f32 v57, v8;
	[tilespmem:s24], [sflag:$0x1] =	stream.strided.gather [hbm4b:s21+s24], $0x1000, s23, s24, $0x38;
	[tilespmem:$0x14280] =	vst v63  }
0x88: {  	s9 =	simm.s32 $0x4480;
	s5 =	simm.s32 $0x4080;
	v13 =	vmul.f32 v58, v13;
	s3 =	sadd.s32 s0, s3;
	v7 =	vadd.f32 v61, v7;
	v14 =	vadd.f32 v14, v6  }
0x89: {  	s6 =	simm.s32 $0x80;
	s22 =	sadd.s32 s1, s20;
	v8 =	vadd.f32 v16, v9;
	v9 =	vadd.f32 v15, v62;
	s10 =	sadd.s32 $0x0, s3  }
0x8a: {  	[tilespmem:s25], [sflag:$0x1] =	stream.strided.gather [hbm4b:s22+s24], $0x1000, s23, s24, $0x38;
	v6 =	vadd.f32 v63, v7;
	v7 =	vadd.f32 v13, v14;
	[tilespmem:$0x14280] =	vst v63  }
.LBB2_9:
0x8b: {  	[tilespmem:s5], [sflag:$0x1] =	stream.strided.gather [hbm4b:s10+s24], $0x300, s26, s24, $0x38;
	[tilespmem:$0x14280] =	vst v63  }
0x8c: {  	s4 =	smov.u32 s6;
	s5 =	smov.u32 s9;
	p1 =	sne.s32 s6, $0xF80  }
.Ltmp3:
0x8d: {  	s6 =	sadd.s32 $0x80, s6;
	(pc) =	sbr.rel @p1 .LBB2_9-.Ltmp3, $2  }
0x8e: {  	_ =	sdelay $0x2  }
0x8f: {  	s9 =	sadd.s32 $0x400, s9;
	s10 =	sadd.s32 s4, s3  }
0x90: {  	[tilespmem:s5], [sflag:$0x1] =	stream.strided.gather [hbm4b:s10+s24], $0x300, s26, s24, $0x38;
	[tilespmem:$0x14280] =	vst v63  }
0x91: {  	_ =	swait.ge [sflag:s31], $0x1000  }
0x92: {  	[sflag:s31] =	ssyncset.done $0x0  }
0x93: {  	[sflag:s31] =	ssyncadd.s32 $0xFFFFF000  }
0x94: {  	_ =	swait.ge [sflag:s31], $0x1000  }
0x95: {  	[sflag:s31] =	ssyncset.done $0x0  }
0x96: {  	[sflag:s31] =	ssyncadd.s32 $0xFFFFF000  }
0x97: {  	_ =	swait.ge [sflag:s31], $0x6000  }
0x98: {  	s3 =	simm.s32 $0x0;
	[sflag:s31] =	ssyncset.done $0x0  }
0x99: {  	s5 =	simm.s32 $0x3080;
	s4 =	sand.u32 $0x7C00, s3;
	[sflag:s31] =	ssyncadd.s32 $0xFFFFA000  }
0x9a: {  	s6 =	simm.s32 $0x1080;
	s7 =	sand.u32 $0x40, s3;
	s4 =	sadd.s32 $0xC080, s4;
	v13 =	vld [tilespmem:s5+$0x0]  }
0x9b: {  	s8 =	sor.u32 s7, s4;
	v14 =	vld [tilespmem:s6+$0x0]  }
0x9c: {  	v17 =	vld [tilespmem:s8+$0x0]  }
0x9d: {  	v18 =	vld [tilespmem:s8+$0x80]  }
0x9e: {  	s9 =	sand.u32 $0xF80, s3;
	s21 =	sor.u32 $0x30, s7;
	v19 =	vld [tilespmem:s8+$0x100]  }
0x9f: {  	s22 =	sor.u32 s9, s21;
	v20 =	vld [tilespmem:s8+$0x180]  }
0xa0: {  	s10 =	sor.u32 s21, s4;
	v25 =	vld [tilespmem:s22+$0x3080]  }
0xa1: {  	v23 =	vld [tilespmem:s10+$0x0]  }
0xa2: {  	v24 =	vld [tilespmem:s10+$0x80]  }
0xa3: {  	s11 =	sor.u32 $0x20, s7;
	v15 =	vld [tilespmem:s10+$0x100]  }
0xa4: {  	p1 =	por $0x0, $0x0;
	s12 =	sor.u32 s9, s11;
	v16 =	vld [tilespmem:s10+$0x180];
	s10 =	simm.s32 $0x1  }
0xa5: {  	v29 =	vld [tilespmem:s12+$0x1080];
	s10 =	simm.s32 @!p1 $0x0  }
0xa6: {  	s7 =	sor.u32 $0x10, s7;
	v22 =	vld [tilespmem:s12+$0x3080];
	s10 =	sshll.u32 s10, $0x6  }
0xa7: {  	s20 =	sor.u32 s9, s7;
	v21 =	vld [tilespmem:s22+$0x1080];
	s10 =	sadd.s32 $0x0, s10  }
0xa8: {  	v30 =	vld [tilespmem:s20+$0x1080];
	s21 =	sor.u32 $0x200, s10  }
0xa9: {  	s22 =	sor.u32 $0x280, s10;
	v34 =	vperm.xlane v5, v14;
	v35 =	vld [tilespmem:s21+$0xC080]  }
0xaa: {  	v36 =	vld [tilespmem:s22+$0xC080];
	v14 =	vperm.xlane v5, v29  }
0xab: {  	v31 =	vld [tilespmem:s20+$0x3080];
	s21 =	sor.u32 s7, s4;
	v28 =	vmul.f32 v13, v34;
	v26 =	vmul.f32 v17, v34  }
0xac: {  	v33 =	vld [tilespmem:s21+$0x0];
	v27 =	vmul.f32 v18, v34;
	v13 =	vperm.xlane v5, v21  }
0xad: {  	s20 =	sor.u32 s11, s4;
	v32 =	vld [tilespmem:s21+$0x80];
	v18 =	vmul.f32 v19, v34;
	v19 =	vmul.f32 v20, v34  }
0xae: {  	v17 =	vperm.xlane v5, v30;
	v30 =	vld [tilespmem:s20+$0x0];
	v25 =	vmul.f32 v25, v13  }
0xaf: {  	s9 =	simm.s32 $0x200;
	v29 =	vld [tilespmem:s20+$0x80];
	v20 =	vmul.f32 v35, v34;
	v21 =	vmul.f32 v36, v34  }
.LBB2_11:
0xb0: {  	p2 =	sne.s32 s9, $0x7E00;
	v34 =	vld [tilespmem:s20+$0x100];
	v23 =	vmul.f32 v23, v13;
	v24 =	vmul.f32 v24, v13  }
0xb1: {  	v12 =	vadd.f32 v28, v12;
	v28 =	vmul.f32 v31, v17;
	v31 =	vmul.f32 v33, v17;
	v33 =	vld [tilespmem:s20+$0x180]  }
0xb2: {  	v10 =	vadd.f32 v26, v10;
	v11 =	vadd.f32 v27, v11;
	s4 =	sadd.s32 $0x10, s10;
	v26 =	vmul.f32 v32, v17;
	v27 =	vld [tilespmem:s21+$0x100]  }
0xb3: {  	v22 =	vmul.f32 v22, v14;
	s7 =	sor.u32 $0x200, s4;
	v12 =	vadd.f32 v28, v12;
	v28 =	vld [tilespmem:s21+$0x180];
	v30 =	vmul.f32 v30, v14  }
0xb4: {  	s4 =	sor.u32 $0x280, s4;
	v10 =	vadd.f32 v31, v10;
	v11 =	vadd.f32 v26, v11;
	v26 =	vld [tilespmem:s7+$0xC080];
	v29 =	vmul.f32 v29, v14;
	s7 =	sadd.s32 $0x20, s10  }
0xb5: {  	v15 =	vmul.f32 v15, v13;
	v16 =	vmul.f32 v16, v13;
	v12 =	vadd.f32 v22, v12;
	v31 =	vld [tilespmem:s4+$0xC080];
	s4 =	sor.u32 $0x200, s7  }
0xb6: {  	v10 =	vadd.f32 v30, v10;
	v22 =	vmul.f32 v34, v14;
	v11 =	vadd.f32 v29, v11;
	v29 =	vld [tilespmem:s4+$0xC080];
	s4 =	sor.u32 $0x280, s7;
	s7 =	sadd.s32 $0x30, s10  }
0xb7: {  	v30 =	vmul.f32 v33, v14;
	v12 =	vadd.f32 v25, v12;
	v27 =	vmul.f32 v27, v17;
	v32 =	vld [tilespmem:s4+$0xC080];
	s4 =	sor.u32 $0x200, s7  }
0xb8: {  	v10 =	vadd.f32 v23, v10;
	v25 =	vmul.f32 v28, v17;
	v11 =	vadd.f32 v24, v11;
	v23 =	vld [tilespmem:s4+$0xC080];
	s4 =	sor.u32 $0x280, s7  }
0xb9: {  	v8 =	vadd.f32 v18, v8;
	v9 =	vadd.f32 v19, v9;
	s3 =	sadd.s32 $0x40, s3;
	s5 =	sadd.s32 $0x40, s5;
	s7 =	sand.u32 $0x7C00, s9;
	v18 =	vmul.f32 v26, v17;
	v19 =	vld [tilespmem:s4+$0xC080]  }
0xba: {  	v6 =	vadd.f32 v20, v6;
	s6 =	sadd.s32 $0x40, s6;
	v7 =	vadd.f32 v21, v7;
	s4 =	sand.u32 $0x40, s3;
	s20 =	sadd.s32 $0xC080, s7;
	v26 =	vld [tilespmem:s5+$0x0];
	v17 =	vmul.f32 v31, v17  }
0xbb: {  	v8 =	vadd.f32 v27, v8;
	s7 =	sor.u32 s4, s20;
	v9 =	vadd.f32 v25, v9;
	v20 =	vld [tilespmem:s6+$0x0];
	v21 =	vmul.f32 v29, v14  }
0xbc: {  	v6 =	vadd.f32 v18, v6;
	v25 =	vld [tilespmem:s7+$0x0];
	v7 =	vadd.f32 v17, v7;
	v14 =	vmul.f32 v32, v14  }
0xbd: {  	v8 =	vadd.f32 v22, v8;
	v9 =	vadd.f32 v30, v9;
	v17 =	vld [tilespmem:s7+$0x80];
	v18 =	vmul.f32 v23, v13  }
0xbe: {  	s8 =	sand.u32 $0xF80, s3;
	s10 =	sor.u32 $0x30, s4;
	v6 =	vadd.f32 v21, v6;
	v29 =	vld [tilespmem:s7+$0x100];
	v7 =	vadd.f32 v14, v7;
	v13 =	vmul.f32 v19, v13  }
0xbf: {  	v8 =	vadd.f32 v15, v8;
	v9 =	vadd.f32 v16, v9;
	v14 =	vld [tilespmem:s7+$0x180];
	s7 =	sor.u32 s8, s10  }
0xc0: {  	s10 =	sor.u32 s10, s20;
	v6 =	vadd.f32 v18, v6;
	v34 =	vld [tilespmem:s7+$0x3080];
	v7 =	vadd.f32 v13, v7  }
0xc1: {  	v23 =	vld [tilespmem:s10+$0x0]  }
0xc2: {  	v24 =	vld [tilespmem:s10+$0x80]  }
0xc3: {  	s11 =	sor.u32 $0x20, s4;
	v15 =	vld [tilespmem:s10+$0x100]  }
0xc4: {  	p1 =	por !p1, !p1;
	s12 =	sor.u32 s8, s11;
	v16 =	vld [tilespmem:s10+$0x180];
	s10 =	simm.s32 $0x1  }
0xc5: {  	s10 =	simm.s32 @!p1 $0x0;
	v22 =	vld [tilespmem:s12+$0x3080]  }
0xc6: {  	s4 =	sor.u32 $0x10, s4;
	s10 =	sshll.u32 s10, $0x6;
	v13 =	vld [tilespmem:s7+$0x1080]  }
0xc7: {  	s7 =	sor.u32 s8, s4;
	s10 =	sadd.s32 s10, s9;
	v21 =	vld [tilespmem:s12+$0x1080]  }
0xc8: {  	v35 =	vperm.xlane v5, v20;
	s8 =	sor.u32 $0x200, s10;
	v30 =	vld [tilespmem:s7+$0x1080]  }
0xc9: {  	v20 =	vld [tilespmem:s8+$0xC080];
	s8 =	sor.u32 $0x280, s10  }
0xca: {  	v28 =	vmul.f32 v26, v35;
	v36 =	vld [tilespmem:s8+$0xC080]  }
.Ltmp4:
0xcb: {  	s21 =	sor.u32 s4, s20;
	v26 =	vmul.f32 v25, v35;
	v27 =	vmul.f32 v17, v35;
	v31 =	vld [tilespmem:s7+$0x3080];
	(pc) =	sbr.rel @p2 .LBB2_11-.Ltmp4, $4  }
0xcc: {  	v18 =	vmul.f32 v29, v35;
	v19 =	vmul.f32 v14, v35;
	v33 =	vld [tilespmem:s21+$0x0]  }
0xcd: {  	s20 =	sor.u32 s11, s20;
	v13 =	vperm.xlane v5, v13;
	v14 =	vperm.xlane v5, v21;
	v32 =	vld [tilespmem:s21+$0x80]  }
0xce: {  	v17 =	vperm.xlane v5, v30;
	v20 =	vmul.f32 v20, v35;
	v30 =	vld [tilespmem:s20+$0x0]  }
0xcf: {  	s9 =	sadd.s32 $0x200, s9;
	v25 =	vmul.f32 v34, v13;
	v21 =	vmul.f32 v36, v35;
	v29 =	vld [tilespmem:s20+$0x80]  }
0xd0: {  	v34 =	vld [tilespmem:s20+$0x100];
	v23 =	vmul.f32 v23, v13;
	v24 =	vmul.f32 v24, v13  }
0xd1: {  	v12 =	vadd.f32 v28, v12;
	v43 =	vmul.f32 v31, v17;
	v45 =	vld [tilespmem:s20+$0x180];
	v10 =	vadd.f32 v26, v10  }
0xd2: {  	v11 =	vadd.f32 v27, v11;
	v47 =	vld [tilespmem:s21+$0x100];
	s3 =	sadd.s32 $0x10, s10;
	v22 =	vmul.f32 v22, v14;
	v15 =	vmul.f32 v15, v13  }
0xd3: {  	v48 =	vld [tilespmem:s21+$0x180];
	v16 =	vmul.f32 v16, v13;
	v8 =	vadd.f32 v18, v8;
	v44 =	vmul.f32 v33, v17;
	s4 =	sor.u32 $0x200, s3  }
0xd4: {  	s9 =	sadd.s32 $0x20, s10;
	v9 =	vadd.f32 v19, v9;
	v6 =	vadd.f32 v20, v6;
	s3 =	sor.u32 $0x280, s3;
	v46 =	vmul.f32 v32, v17;
	v49 =	vld [tilespmem:s4+$0xC080]  }
0xd5: {  	s11 =	sor.u32 $0x200, s9;
	v12 =	vadd.f32 v43, v12;
	v50 =	vld [tilespmem:s3+$0xC080];
	v30 =	vmul.f32 v30, v14;
	v10 =	vadd.f32 v44, v10  }
0xd6: {  	s20 =	sadd.s32 $0x30, s10;
	s12 =	sor.u32 $0x280, s9;
	v7 =	vadd.f32 v21, v7;
	v53 =	vld [tilespmem:s11+$0xC080];
	v11 =	vadd.f32 v46, v11;
	v29 =	vmul.f32 v29, v14  }
0xd7: {  	s21 =	sor.u32 $0x200, s20;
	v55 =	vld [tilespmem:s12+$0xC080];
	v12 =	vadd.f32 v22, v12;
	v10 =	vadd.f32 v30, v10;
	v52 =	vmul.f32 v34, v14  }
0xd8: {  	s22 =	sor.u32 $0x280, s20;
	v57 =	vld [tilespmem:s21+$0xC080];
	v27 =	vmul.f32 v47, v17;
	v54 =	vmul.f32 v45, v14;
	v51 =	vadd.f32 v29, v11  }
0xd9: {  	v59 =	vld [tilespmem:s22+$0xC080];
	v56 =	vmul.f32 v48, v17;
	v12 =	vadd.f32 v25, v12;
	v11 =	vadd.f32 v23, v10  }
0xda: {  	v58 =	vmul.f32 v49, v17;
	v60 =	vmul.f32 v50, v17;
	v8 =	vadd.f32 v27, v8  }
0xdb: {  	v9 =	vadd.f32 v56, v9;
	v61 =	vmul.f32 v53, v14;
	v10 =	vadd.f32 v24, v51  }
.Ltmp5:
0xdc: {  	v14 =	vmul.f32 v55, v14;
	v6 =	vadd.f32 v58, v6;
	v7 =	vadd.f32 v60, v7;
	(pc) =	sbr.rel @p0 .LBB2_4-.Ltmp5, $4  }
0xdd: {  	v63 =	vmul.f32 v57, v13;
	v8 =	vadd.f32 v52, v8;
	v62 =	vadd.f32 v54, v9  }
0xde: {  	v13 =	vmul.f32 v59, v13;
	v6 =	vadd.f32 v61, v6;
	v14 =	vadd.f32 v14, v7  }
0xdf: {  	v9 =	vadd.f32 v15, v8;
	v8 =	vadd.f32 v16, v62  }
0xe0: {  	p1 =	por $0x0, $0x0;
	s3 =	simm.s32 $0x1;
	v7 =	vadd.f32 v63, v6;
	v6 =	vadd.f32 v13, v14  }
0xe1: {  	v13 =	vperm.xlane v12, v0;
	_ =	sdelay $0x1  }
0xe2: {  	v14 =	vsel vm0, v8, v9;
	v15 =	vsel vm0, v6, v7;
	v12 =	vadd.f32 v13, v12  }
0xe3: {  	v13 =	vsel vm0, v10, v11;
	v10 =	vsel vm0, v11, v10;
	v11 =	vperm.xlane v14, v0  }
0xe4: {  	v8 =	vsel vm0, v9, v8;
	v14 =	vperm.xlane v15, v0;
	v13 =	vperm.xlane v13, v0  }
0xe5: {  	v6 =	vsel vm0, v7, v6;
	v7 =	vadd.f32 v11, v8  }
0xe6: {  	v6 =	vadd.f32 v14, v6;
	v10 =	vadd.f32 v13, v10;
	_ =	sdelay $0x1  }
0xe7: {  	v8 =	vperm.xlane v12, v1;
	v11 =	vsel vm1, $0x0, v6;
	v9 =	vsel vm1, v7, v10  }
0xe8: {  	v11 =	vperm.xlane v11, v1;
	v9 =	vperm.xlane v9, v1  }
0xe9: {  	v8 =	vadd.f32 v8, v12;
	v6 =	vnsel vm1, $0x0, v6;
	v7 =	vsel vm1, v10, v7  }
0xea: {  	v6 =	vadd.f32 v11, v6;
	v7 =	vadd.f32 v9, v7  }
0xeb: {  	v9 =	vperm.xlane v8, v3  }
0xec: {  	v10 =	vsel vm2, v6, v7  }
0xed: {  	v8 =	vadd.f32 v9, v8;
	v9 =	vperm.xlane v10, v3  }
0xee: {  	v6 =	vsel vm2, v7, v6  }
0xef: {  	v7 =	vperm.xlane v8, v2;
	v6 =	vadd.f32 v6, v9;
	_ =	sdelay $0x1  }
0xf0: {  	v7 =	vadd.f32 v7, v8;
	v8 =	vand.u32 $0x7FFFFFFF, v6  }
0xf1: {  	v8 =	vmul.f32 $9.999999740e-06, v8  }
0xf2: {  	v6 =	vsub.f32 v7, v6  }
0xf3: {  	v7 =	vadd.f32 $9.999999930e-09, v8  }
0xf4: {  	v6 =	vand.u32 $0x7FFFFFFF, v6  }
0xf5: {  	v12 =	vimm.f32 $0.0e+00;
	v11 =	vimm.f32 $0.0e+00;
	vm3 =	vle.f32 v6, v7  }
0xf6: {  	v9 =	vimm.f32 $0.0e+00;
	v8 =	vimm.f32 $0.0e+00;
	v10 =	vsel vm3, $0x1, v4  }
0xf7: {  	s3 =	simm.s32 $0x0;
	p1 =	por $0x1, $0x1;
	v6 =	vimm.f32 $0.0e+00;
	v7 =	vimm.f32 $0.0e+00;
	[tilespmem:$0x14080] =	vst v10;
	v10 =	vimm.f32 $0.0e+00  }
.LBB2_14:
0xf8: {  	s4 =	sshll.u32 s3, $0xD;
	s5 =	rddreg [dreg:$0xa]  }
0xf9: {  	s4 =	sor.u32 s5, s4  }
0xfa: {  	s6 =	simm.s32 $0xC080;
	s5 =	sadd.s32 s2, s4  }
0xfb: {  	[tilespmem:s28], [sflag:$0x2] =	stream.strided.gather [hbm4b:s5+s24], $0x1000, s23, s24, $0x38;
	[tilespmem:$0x14280] =	vst v63  }
0xfc: {  	p0 =	por p1, p1;
	s9 =	simm.s32 $0x80;
	s5 =	sadd.s32 s4, s16  }
0xfd: {  	s10 =	simm.s32 $0xC480;
	s22 =	sadd.s32 s1, s4;
	s20 =	sadd.s32 $0x0, s5  }
0xfe: {  	[tilespmem:s29], [sflag:$0x2] =	stream.strided.gather [hbm4b:s22+s24], $0x1000, s23, s24, $0x38;
	[tilespmem:$0x14280] =	vst v63  }
.LBB2_15:
0xff: {  	[tilespmem:s6], [sflag:$0x2] =	stream.strided.gather [hbm4b:s20+s24], $0x300, s26, s24, $0x38;
	[tilespmem:$0x14280] =	vst v63  }
0x100: {  	s4 =	smov.u32 s9;
	s6 =	smov.u32 s10;
	p1 =	sne.s32 s9, $0xF80  }
.Ltmp6:
0x101: {  	s9 =	sadd.s32 $0x80, s9;
	(pc) =	sbr.rel @p1 .LBB2_15-.Ltmp6, $2  }
0x102: {  	_ =	sdelay $0x2  }
0x103: {  	s10 =	sadd.s32 $0x400, s10;
	s20 =	sadd.s32 s4, s5  }
0x104: {  	[tilespmem:s6], [sflag:$0x2] =	stream.strided.gather [hbm4b:s20+s24], $0x300, s26, s24, $0x38;
	[tilespmem:$0x14280] =	vst v63  }
0x105: {  	_ =	swait.ge [sflag:s30], $0x1000  }
0x106: {  	[sflag:s30] =	ssyncset.done $0x0  }
0x107: {  	[sflag:s30] =	ssyncadd.s32 $0xFFFFF000  }
0x108: {  	_ =	swait.ge [sflag:s30], $0x1000  }
0x109: {  	[sflag:s30] =	ssyncset.done $0x0  }
0x10a: {  	[sflag:s30] =	ssyncadd.s32 $0xFFFFF000  }
0x10b: {  	_ =	swait.ge [sflag:s30], $0x6000  }
0x10c: {  	s6 =	simm.s32 $0x0;
	[sflag:s30] =	ssyncset.done $0x0  }
0x10d: {  	s5 =	simm.s32 $0x2080;
	s4 =	sand.u32 $0x7C00, s6;
	[sflag:s30] =	ssyncadd.s32 $0xFFFFA000  }
0x10e: {  	s9 =	simm.s32 $0x80;
	s7 =	sand.u32 $0x40, s6;
	s4 =	sadd.s32 $0x4080, s4;
	v13 =	vld [tilespmem:s5+$0x0]  }
0x10f: {  	s8 =	sor.u32 s7, s4;
	v14 =	vld [tilespmem:s9+$0x0]  }
0x110: {  	v17 =	vld [tilespmem:s8+$0x0]  }
0x111: {  	v18 =	vld [tilespmem:s8+$0x80]  }
0x112: {  	s10 =	sand.u32 $0xF80, s6;
	s11 =	sor.u32 $0x30, s7;
	v19 =	vld [tilespmem:s8+$0x100]  }
0x113: {  	s22 =	sor.u32 s10, s11;
	v20 =	vld [tilespmem:s8+$0x180]  }
0x114: {  	s11 =	sor.u32 s11, s4;
	v25 =	vld [tilespmem:s22+$0x2080]  }
0x115: {  	v24 =	vld [tilespmem:s11+$0x0]  }
0x116: {  	v22 =	vld [tilespmem:s11+$0x80]  }
0x117: {  	s12 =	sor.u32 $0x20, s7;
	v16 =	vld [tilespmem:s11+$0x100]  }
0x118: {  	p1 =	por $0x0, $0x0;
	s21 =	sor.u32 s10, s12;
	v15 =	vld [tilespmem:s11+$0x180];
	s11 =	simm.s32 $0x1  }
0x119: {  	v27 =	vld [tilespmem:s21+$0x80];
	s11 =	simm.s32 @!p1 $0x0  }
0x11a: {  	s7 =	sor.u32 $0x10, s7;
	v23 =	vld [tilespmem:s21+$0x2080];
	s11 =	sshll.u32 s11, $0x6  }
0x11b: {  	v21 =	vld [tilespmem:s22+$0x80];
	s20 =	sadd.s32 $0x0, s11;
	s11 =	sor.u32 s10, s7  }
0x11c: {  	s21 =	sor.u32 $0x200, s20;
	v29 =	vld [tilespmem:s11+$0x80]  }
0x11d: {  	s22 =	sor.u32 $0x280, s20;
	v34 =	vperm.xlane v5, v14;
	v35 =	vld [tilespmem:s21+$0x4080]  }
0x11e: {  	v36 =	vld [tilespmem:s22+$0x4080];
	v14 =	vperm.xlane v5, v27  }
0x11f: {  	v32 =	vld [tilespmem:s11+$0x2080];
	s22 =	sor.u32 s7, s4;
	v30 =	vmul.f32 v13, v34;
	v28 =	vmul.f32 v17, v34  }
0x120: {  	v33 =	vld [tilespmem:s22+$0x0];
	v26 =	vmul.f32 v18, v34;
	v13 =	vperm.xlane v5, v21  }
0x121: {  	s21 =	sor.u32 s12, s4;
	v31 =	vld [tilespmem:s22+$0x80];
	v18 =	vmul.f32 v19, v34;
	v19 =	vmul.f32 v20, v34  }
0x122: {  	v17 =	vperm.xlane v5, v29;
	v29 =	vld [tilespmem:s21+$0x0];
	v25 =	vmul.f32 v25, v13  }
0x123: {  	s10 =	simm.s32 $0x200;
	v27 =	vld [tilespmem:s21+$0x80];
	v20 =	vmul.f32 v35, v34;
	v21 =	vmul.f32 v36, v34  }
.LBB2_17:
0x124: {  	p2 =	sne.s32 s10, $0x7E00;
	v34 =	vld [tilespmem:s21+$0x100];
	v24 =	vmul.f32 v24, v13;
	v22 =	vmul.f32 v22, v13  }
0x125: {  	v12 =	vadd.f32 v30, v12;
	v30 =	vmul.f32 v32, v17;
	v32 =	vmul.f32 v33, v17;
	v33 =	vld [tilespmem:s21+$0x180]  }
0x126: {  	v11 =	vadd.f32 v28, v11;
	v10 =	vadd.f32 v26, v10;
	s4 =	sadd.s32 $0x10, s20;
	v26 =	vmul.f32 v31, v17;
	v28 =	vld [tilespmem:s22+$0x100]  }
0x127: {  	v23 =	vmul.f32 v23, v14;
	s7 =	sor.u32 $0x200, s4;
	v12 =	vadd.f32 v30, v12;
	v30 =	vld [tilespmem:s22+$0x180];
	v29 =	vmul.f32 v29, v14  }
0x128: {  	s4 =	sor.u32 $0x280, s4;
	v11 =	vadd.f32 v32, v11;
	v10 =	vadd.f32 v26, v10;
	v26 =	vld [tilespmem:s7+$0x4080];
	v27 =	vmul.f32 v27, v14;
	s7 =	sadd.s32 $0x20, s20  }
0x129: {  	v16 =	vmul.f32 v16, v13;
	v15 =	vmul.f32 v15, v13;
	v12 =	vadd.f32 v23, v12;
	v31 =	vld [tilespmem:s4+$0x4080];
	s4 =	sor.u32 $0x200, s7  }
0x12a: {  	v11 =	vadd.f32 v29, v11;
	v23 =	vmul.f32 v34, v14;
	v10 =	vadd.f32 v27, v10;
	v27 =	vld [tilespmem:s4+$0x4080];
	s4 =	sor.u32 $0x280, s7;
	s7 =	sadd.s32 $0x30, s20  }
0x12b: {  	v29 =	vmul.f32 v33, v14;
	v12 =	vadd.f32 v25, v12;
	v28 =	vmul.f32 v28, v17;
	v32 =	vld [tilespmem:s4+$0x4080];
	s4 =	sor.u32 $0x200, s7  }
0x12c: {  	v11 =	vadd.f32 v24, v11;
	v25 =	vmul.f32 v30, v17;
	v10 =	vadd.f32 v22, v10;
	v22 =	vld [tilespmem:s4+$0x4080];
	s4 =	sor.u32 $0x280, s7  }
0x12d: {  	v9 =	vadd.f32 v18, v9;
	v8 =	vadd.f32 v19, v8;
	s6 =	sadd.s32 $0x40, s6;
	s5 =	sadd.s32 $0x40, s5;
	s7 =	sand.u32 $0x7C00, s10;
	v18 =	vmul.f32 v26, v17;
	v19 =	vld [tilespmem:s4+$0x4080]  }
0x12e: {  	v7 =	vadd.f32 v20, v7;
	s9 =	sadd.s32 $0x40, s9;
	v6 =	vadd.f32 v21, v6;
	s4 =	sand.u32 $0x40, s6;
	s21 =	sadd.s32 $0x4080, s7;
	v26 =	vld [tilespmem:s5+$0x0];
	v17 =	vmul.f32 v31, v17  }
0x12f: {  	v9 =	vadd.f32 v28, v9;
	s7 =	sor.u32 s4, s21;
	v8 =	vadd.f32 v25, v8;
	v20 =	vld [tilespmem:s9+$0x0];
	v21 =	vmul.f32 v27, v14  }
0x130: {  	v7 =	vadd.f32 v18, v7;
	v25 =	vld [tilespmem:s7+$0x0];
	v6 =	vadd.f32 v17, v6;
	v14 =	vmul.f32 v32, v14  }
0x131: {  	v9 =	vadd.f32 v23, v9;
	v8 =	vadd.f32 v29, v8;
	v17 =	vld [tilespmem:s7+$0x80];
	v18 =	vmul.f32 v22, v13  }
0x132: {  	s8 =	sand.u32 $0xF80, s6;
	s11 =	sor.u32 $0x30, s4;
	v7 =	vadd.f32 v21, v7;
	v27 =	vld [tilespmem:s7+$0x100];
	v6 =	vadd.f32 v14, v6;
	v13 =	vmul.f32 v19, v13  }
0x133: {  	v9 =	vadd.f32 v16, v9;
	v8 =	vadd.f32 v15, v8;
	v14 =	vld [tilespmem:s7+$0x180];
	s7 =	sor.u32 s8, s11  }
0x134: {  	s11 =	sor.u32 s11, s21;
	v7 =	vadd.f32 v18, v7;
	v34 =	vld [tilespmem:s7+$0x2080];
	v6 =	vadd.f32 v13, v6  }
0x135: {  	v24 =	vld [tilespmem:s11+$0x0]  }
0x136: {  	v22 =	vld [tilespmem:s11+$0x80]  }
0x137: {  	s12 =	sor.u32 $0x20, s4;
	v16 =	vld [tilespmem:s11+$0x100]  }
0x138: {  	p1 =	por !p1, !p1;
	s22 =	sor.u32 s8, s12;
	v15 =	vld [tilespmem:s11+$0x180];
	s11 =	simm.s32 $0x1  }
0x139: {  	s11 =	simm.s32 @!p1 $0x0;
	v23 =	vld [tilespmem:s22+$0x2080]  }
0x13a: {  	s4 =	sor.u32 $0x10, s4;
	s11 =	sshll.u32 s11, $0x6;
	v13 =	vld [tilespmem:s7+$0x80]  }
0x13b: {  	s7 =	sor.u32 s8, s4;
	s20 =	sadd.s32 s11, s10;
	v21 =	vld [tilespmem:s22+$0x80]  }
0x13c: {  	v35 =	vperm.xlane v5, v20;
	s8 =	sor.u32 $0x200, s20;
	v29 =	vld [tilespmem:s7+$0x80]  }
0x13d: {  	v20 =	vld [tilespmem:s8+$0x4080];
	s8 =	sor.u32 $0x280, s20  }
0x13e: {  	v30 =	vmul.f32 v26, v35;
	v36 =	vld [tilespmem:s8+$0x4080]  }
.Ltmp7:
0x13f: {  	v28 =	vmul.f32 v25, v35;
	v26 =	vmul.f32 v17, v35;
	s22 =	sor.u32 s4, s21;
	v32 =	vld [tilespmem:s7+$0x2080];
	(pc) =	sbr.rel @p2 .LBB2_17-.Ltmp7, $4  }
0x140: {  	v18 =	vmul.f32 v27, v35;
	v19 =	vmul.f32 v14, v35;
	v33 =	vld [tilespmem:s22+$0x0]  }
0x141: {  	s21 =	sor.u32 s12, s21;
	v13 =	vperm.xlane v5, v13;
	v14 =	vperm.xlane v5, v21;
	v31 =	vld [tilespmem:s22+$0x80]  }
0x142: {  	v17 =	vperm.xlane v5, v29;
	v20 =	vmul.f32 v20, v35;
	v29 =	vld [tilespmem:s21+$0x0]  }
0x143: {  	s10 =	sadd.s32 $0x200, s10;
	v25 =	vmul.f32 v34, v13;
	v21 =	vmul.f32 v36, v35;
	v27 =	vld [tilespmem:s21+$0x80]  }
0x144: {  	v34 =	vld [tilespmem:s21+$0x100];
	v12 =	vadd.f32 v30, v12;
	v46 =	vmul.f32 v32, v17  }
0x145: {  	v35 =	vld [tilespmem:s21+$0x180];
	v24 =	vmul.f32 v24, v13;
	v11 =	vadd.f32 v28, v11;
	v23 =	vmul.f32 v23, v14  }
0x146: {  	s4 =	sadd.s32 $0x10, s20;
	v47 =	vld [tilespmem:s22+$0x100];
	v10 =	vadd.f32 v26, v10;
	v22 =	vmul.f32 v22, v13;
	v16 =	vmul.f32 v16, v13  }
0x147: {  	s3 =	sshll.u32 s3, $0x1;
	s6 =	sadd.s32 $0x20, s20;
	v48 =	vld [tilespmem:s22+$0x180];
	v15 =	vmul.f32 v15, v13;
	v9 =	vadd.f32 v18, v9;
	s5 =	sor.u32 $0x200, s4;
	v33 =	vmul.f32 v33, v17  }
0x148: {  	s9 =	sadd.s32 $0x30, s20;
	v8 =	vadd.f32 v19, v8;
	v7 =	vadd.f32 v20, v7;
	s3 =	sadd.s32 $0x2, s3;
	s4 =	sor.u32 $0x280, s4;
	v49 =	vmul.f32 v31, v17;
	v50 =	vld [tilespmem:s5+$0x4080]  }
0x149: {  	s8 =	sor.u32 $0x200, s6;
	s21 =	sor.u32 $0x280, s6;
	s7 =	sshrl.u32 s3, $0x2;
	v12 =	vadd.f32 v46, v12;
	v51 =	vld [tilespmem:s4+$0x4080];
	v11 =	vadd.f32 v33, v11;
	v29 =	vmul.f32 v29, v14  }
0x14a: {  	s11 =	sor.u32 $0x200, s9;
	s12 =	sor.u32 $0x280, s9;
	v6 =	vadd.f32 v21, v6;
	v53 =	vld [tilespmem:s8+$0x4080];
	s7 =	sadd.s32 s14, s7;
	v10 =	vadd.f32 v49, v10;
	v52 =	vmul.f32 v27, v14  }
0x14b: {  	s3 =	sshll.u32 s3, $0xF;
	v54 =	vld [tilespmem:s21+$0x4080];
	s22 =	sshll.u32 s7, $0x7;
	s7 =	sshll.u32 s7, $0xE;
	v12 =	vadd.f32 v23, v12;
	v11 =	vadd.f32 v29, v11;
	v56 =	vmul.f32 v34, v14  }
0x14c: {  	v55 =	vld [tilespmem:s11+$0x4080];
	s3 =	sand.u32 $0x10000, s3;
	s6 =	sand.u32 $0x380, s22;
	s4 =	sand.u32 $0x7FFE0000, s7;
	v32 =	vmul.f32 v47, v17;
	v57 =	vmul.f32 v35, v14;
	v26 =	vadd.f32 v52, v10  }
0x14d: {  	v58 =	vld [tilespmem:s12+$0x4080];
	v28 =	vmul.f32 v48, v17;
	s10 =	sor.u32 s3, s6;
	v12 =	vadd.f32 v25, v12;
	s3 =	sor.u32 s3, s4;
	v10 =	vadd.f32 v24, v11  }
0x14e: {  	s8 =	sor.u32 s4, s10;
	v59 =	vmul.f32 v50, v17;
	v60 =	vmul.f32 v51, v17;
	v9 =	vadd.f32 v32, v9;
	s3 =	sor.u32 s6, s3  }
0x14f: {  	v8 =	vadd.f32 v28, v8;
	v61 =	vmul.f32 v53, v14;
	s20 =	sshrl.u32 s8, $0x3;
	v11 =	vadd.f32 v22, v26;
	s3 =	sadd.s32 $0x1400000, s3  }
0x150: {  	v14 =	vmul.f32 v54, v14;
	s21 =	sadd.s32 s2, s20;
	v7 =	vadd.f32 v59, v7;
	v6 =	vadd.f32 v60, v6;
	s3 =	sshrl.u32 s3, $0x3  }
0x151: {  	v63 =	vmul.f32 v55, v13;
	v9 =	vadd.f32 v56, v9;
	v62 =	vadd.f32 v57, v8;
	[tilespmem:s24], [sflag:$0x1] =	stream.strided.gather [hbm4b:s21+s24], $0x1000, s23, s24, $0x38;
	[tilespmem:$0x14280] =	vst v63  }
0x152: {  	s9 =	simm.s32 $0x4480;
	s5 =	simm.s32 $0x4080;
	v13 =	vmul.f32 v58, v13;
	s3 =	sadd.s32 s0, s3;
	v7 =	vadd.f32 v61, v7;
	v14 =	vadd.f32 v14, v6  }
0x153: {  	s6 =	simm.s32 $0x80;
	s22 =	sadd.s32 s1, s20;
	v8 =	vadd.f32 v16, v9;
	v9 =	vadd.f32 v15, v62;
	s10 =	sadd.s32 $0x0, s3  }
0x154: {  	[tilespmem:s25], [sflag:$0x1] =	stream.strided.gather [hbm4b:s22+s24], $0x1000, s23, s24, $0x38;
	v6 =	vadd.f32 v63, v7;
	v7 =	vadd.f32 v13, v14;
	[tilespmem:$0x14280] =	vst v63  }
.LBB2_19:
0x155: {  	[tilespmem:s5], [sflag:$0x1] =	stream.strided.gather [hbm4b:s10+s24], $0x300, s26, s24, $0x38;
	[tilespmem:$0x14280] =	vst v63  }
0x156: {  	s4 =	smov.u32 s6;
	s5 =	smov.u32 s9;
	p1 =	sne.s32 s6, $0xF80  }
.Ltmp8:
0x157: {  	s6 =	sadd.s32 $0x80, s6;
	(pc) =	sbr.rel @p1 .LBB2_19-.Ltmp8, $2  }
0x158: {  	_ =	sdelay $0x2  }
0x159: {  	s9 =	sadd.s32 $0x400, s9;
	s10 =	sadd.s32 s4, s3  }
0x15a: {  	[tilespmem:s5], [sflag:$0x1] =	stream.strided.gather [hbm4b:s10+s24], $0x300, s26, s24, $0x38;
	[tilespmem:$0x14280] =	vst v63  }
0x15b: {  	_ =	swait.ge [sflag:s31], $0x1000  }
0x15c: {  	[sflag:s31] =	ssyncset.done $0x0  }
0x15d: {  	[sflag:s31] =	ssyncadd.s32 $0xFFFFF000  }
0x15e: {  	_ =	swait.ge [sflag:s31], $0x1000  }
0x15f: {  	[sflag:s31] =	ssyncset.done $0x0  }
0x160: {  	[sflag:s31] =	ssyncadd.s32 $0xFFFFF000  }
0x161: {  	_ =	swait.ge [sflag:s31], $0x6000  }
0x162: {  	s3 =	simm.s32 $0x0;
	[sflag:s31] =	ssyncset.done $0x0  }
0x163: {  	s5 =	simm.s32 $0x3080;
	s4 =	sand.u32 $0x7C00, s3;
	[sflag:s31] =	ssyncadd.s32 $0xFFFFA000  }
0x164: {  	s6 =	simm.s32 $0x1080;
	s7 =	sand.u32 $0x40, s3;
	s4 =	sadd.s32 $0xC080, s4;
	v13 =	vld [tilespmem:s5+$0x0]  }
0x165: {  	s8 =	sor.u32 s7, s4;
	v14 =	vld [tilespmem:s6+$0x0]  }
0x166: {  	v17 =	vld [tilespmem:s8+$0x0]  }
0x167: {  	v18 =	vld [tilespmem:s8+$0x80]  }
0x168: {  	s9 =	sand.u32 $0xF80, s3;
	s21 =	sor.u32 $0x30, s7;
	v19 =	vld [tilespmem:s8+$0x100]  }
0x169: {  	s22 =	sor.u32 s9, s21;
	v20 =	vld [tilespmem:s8+$0x180]  }
0x16a: {  	s10 =	sor.u32 s21, s4;
	v25 =	vld [tilespmem:s22+$0x3080]  }
0x16b: {  	v23 =	vld [tilespmem:s10+$0x0]  }
0x16c: {  	v24 =	vld [tilespmem:s10+$0x80]  }
0x16d: {  	s11 =	sor.u32 $0x20, s7;
	v15 =	vld [tilespmem:s10+$0x100]  }
0x16e: {  	p1 =	por $0x0, $0x0;
	s12 =	sor.u32 s9, s11;
	v16 =	vld [tilespmem:s10+$0x180];
	s10 =	simm.s32 $0x1  }
0x16f: {  	v29 =	vld [tilespmem:s12+$0x1080];
	s10 =	simm.s32 @!p1 $0x0  }
0x170: {  	s7 =	sor.u32 $0x10, s7;
	v22 =	vld [tilespmem:s12+$0x3080];
	s10 =	sshll.u32 s10, $0x6  }
0x171: {  	s20 =	sor.u32 s9, s7;
	v21 =	vld [tilespmem:s22+$0x1080];
	s10 =	sadd.s32 $0x0, s10  }
0x172: {  	v30 =	vld [tilespmem:s20+$0x1080];
	s21 =	sor.u32 $0x200, s10  }
0x173: {  	s22 =	sor.u32 $0x280, s10;
	v34 =	vperm.xlane v5, v14;
	v35 =	vld [tilespmem:s21+$0xC080]  }
0x174: {  	v36 =	vld [tilespmem:s22+$0xC080];
	v14 =	vperm.xlane v5, v29  }
0x175: {  	v31 =	vld [tilespmem:s20+$0x3080];
	s21 =	sor.u32 s7, s4;
	v28 =	vmul.f32 v13, v34;
	v26 =	vmul.f32 v17, v34  }
0x176: {  	v33 =	vld [tilespmem:s21+$0x0];
	v27 =	vmul.f32 v18, v34;
	v13 =	vperm.xlane v5, v21  }
0x177: {  	s20 =	sor.u32 s11, s4;
	v32 =	vld [tilespmem:s21+$0x80];
	v18 =	vmul.f32 v19, v34;
	v19 =	vmul.f32 v20, v34  }
0x178: {  	v17 =	vperm.xlane v5, v30;
	v30 =	vld [tilespmem:s20+$0x0];
	v25 =	vmul.f32 v25, v13  }
0x179: {  	s9 =	simm.s32 $0x200;
	v29 =	vld [tilespmem:s20+$0x80];
	v20 =	vmul.f32 v35, v34;
	v21 =	vmul.f32 v36, v34  }
.LBB2_21:
0x17a: {  	p2 =	sne.s32 s9, $0x7E00;
	v34 =	vld [tilespmem:s20+$0x100];
	v23 =	vmul.f32 v23, v13;
	v24 =	vmul.f32 v24, v13  }
0x17b: {  	v12 =	vadd.f32 v28, v12;
	v28 =	vmul.f32 v31, v17;
	v31 =	vmul.f32 v33, v17;
	v33 =	vld [tilespmem:s20+$0x180]  }
0x17c: {  	v10 =	vadd.f32 v26, v10;
	v11 =	vadd.f32 v27, v11;
	s4 =	sadd.s32 $0x10, s10;
	v26 =	vmul.f32 v32, v17;
	v27 =	vld [tilespmem:s21+$0x100]  }
0x17d: {  	v22 =	vmul.f32 v22, v14;
	s7 =	sor.u32 $0x200, s4;
	v12 =	vadd.f32 v28, v12;
	v28 =	vld [tilespmem:s21+$0x180];
	v30 =	vmul.f32 v30, v14  }
0x17e: {  	s4 =	sor.u32 $0x280, s4;
	v10 =	vadd.f32 v31, v10;
	v11 =	vadd.f32 v26, v11;
	v26 =	vld [tilespmem:s7+$0xC080];
	v29 =	vmul.f32 v29, v14;
	s7 =	sadd.s32 $0x20, s10  }
0x17f: {  	v15 =	vmul.f32 v15, v13;
	v16 =	vmul.f32 v16, v13;
	v12 =	vadd.f32 v22, v12;
	v31 =	vld [tilespmem:s4+$0xC080];
	s4 =	sor.u32 $0x200, s7  }
0x180: {  	v10 =	vadd.f32 v30, v10;
	v22 =	vmul.f32 v34, v14;
	v11 =	vadd.f32 v29, v11;
	v29 =	vld [tilespmem:s4+$0xC080];
	s4 =	sor.u32 $0x280, s7;
	s7 =	sadd.s32 $0x30, s10  }
0x181: {  	v30 =	vmul.f32 v33, v14;
	v12 =	vadd.f32 v25, v12;
	v27 =	vmul.f32 v27, v17;
	v32 =	vld [tilespmem:s4+$0xC080];
	s4 =	sor.u32 $0x200, s7  }
0x182: {  	v10 =	vadd.f32 v23, v10;
	v25 =	vmul.f32 v28, v17;
	v11 =	vadd.f32 v24, v11;
	v23 =	vld [tilespmem:s4+$0xC080];
	s4 =	sor.u32 $0x280, s7  }
0x183: {  	v8 =	vadd.f32 v18, v8;
	v9 =	vadd.f32 v19, v9;
	s3 =	sadd.s32 $0x40, s3;
	s5 =	sadd.s32 $0x40, s5;
	s7 =	sand.u32 $0x7C00, s9;
	v18 =	vmul.f32 v26, v17;
	v19 =	vld [tilespmem:s4+$0xC080]  }
0x184: {  	v6 =	vadd.f32 v20, v6;
	s6 =	sadd.s32 $0x40, s6;
	v7 =	vadd.f32 v21, v7;
	s4 =	sand.u32 $0x40, s3;
	s20 =	sadd.s32 $0xC080, s7;
	v26 =	vld [tilespmem:s5+$0x0];
	v17 =	vmul.f32 v31, v17  }
0x185: {  	v8 =	vadd.f32 v27, v8;
	s7 =	sor.u32 s4, s20;
	v9 =	vadd.f32 v25, v9;
	v20 =	vld [tilespmem:s6+$0x0];
	v21 =	vmul.f32 v29, v14  }
0x186: {  	v6 =	vadd.f32 v18, v6;
	v25 =	vld [tilespmem:s7+$0x0];
	v7 =	vadd.f32 v17, v7;
	v14 =	vmul.f32 v32, v14  }
0x187: {  	v8 =	vadd.f32 v22, v8;
	v9 =	vadd.f32 v30, v9;
	v17 =	vld [tilespmem:s7+$0x80];
	v18 =	vmul.f32 v23, v13  }
0x188: {  	s8 =	sand.u32 $0xF80, s3;
	s10 =	sor.u32 $0x30, s4;
	v6 =	vadd.f32 v21, v6;
	v29 =	vld [tilespmem:s7+$0x100];
	v7 =	vadd.f32 v14, v7;
	v13 =	vmul.f32 v19, v13  }
0x189: {  	v8 =	vadd.f32 v15, v8;
	v9 =	vadd.f32 v16, v9;
	v14 =	vld [tilespmem:s7+$0x180];
	s7 =	sor.u32 s8, s10  }
0x18a: {  	s10 =	sor.u32 s10, s20;
	v6 =	vadd.f32 v18, v6;
	v34 =	vld [tilespmem:s7+$0x3080];
	v7 =	vadd.f32 v13, v7  }
0x18b: {  	v23 =	vld [tilespmem:s10+$0x0]  }
0x18c: {  	v24 =	vld [tilespmem:s10+$0x80]  }
0x18d: {  	s11 =	sor.u32 $0x20, s4;
	v15 =	vld [tilespmem:s10+$0x100]  }
0x18e: {  	p1 =	por !p1, !p1;
	s12 =	sor.u32 s8, s11;
	v16 =	vld [tilespmem:s10+$0x180];
	s10 =	simm.s32 $0x1  }
0x18f: {  	s10 =	simm.s32 @!p1 $0x0;
	v22 =	vld [tilespmem:s12+$0x3080]  }
0x190: {  	s4 =	sor.u32 $0x10, s4;
	s10 =	sshll.u32 s10, $0x6;
	v13 =	vld [tilespmem:s7+$0x1080]  }
0x191: {  	s7 =	sor.u32 s8, s4;
	s10 =	sadd.s32 s10, s9;
	v21 =	vld [tilespmem:s12+$0x1080]  }
0x192: {  	v35 =	vperm.xlane v5, v20;
	s8 =	sor.u32 $0x200, s10;
	v30 =	vld [tilespmem:s7+$0x1080]  }
0x193: {  	v20 =	vld [tilespmem:s8+$0xC080];
	s8 =	sor.u32 $0x280, s10  }
0x194: {  	v28 =	vmul.f32 v26, v35;
	v36 =	vld [tilespmem:s8+$0xC080]  }
.Ltmp9:
0x195: {  	s21 =	sor.u32 s4, s20;
	v26 =	vmul.f32 v25, v35;
	v27 =	vmul.f32 v17, v35;
	v31 =	vld [tilespmem:s7+$0x3080];
	(pc) =	sbr.rel @p2 .LBB2_21-.Ltmp9, $4  }
0x196: {  	v18 =	vmul.f32 v29, v35;
	v19 =	vmul.f32 v14, v35;
	v33 =	vld [tilespmem:s21+$0x0]  }
0x197: {  	s20 =	sor.u32 s11, s20;
	v13 =	vperm.xlane v5, v13;
	v14 =	vperm.xlane v5, v21;
	v32 =	vld [tilespmem:s21+$0x80]  }
0x198: {  	v17 =	vperm.xlane v5, v30;
	v20 =	vmul.f32 v20, v35;
	v30 =	vld [tilespmem:s20+$0x0]  }
0x199: {  	s9 =	sadd.s32 $0x200, s9;
	v25 =	vmul.f32 v34, v13;
	v21 =	vmul.f32 v36, v35;
	v29 =	vld [tilespmem:s20+$0x80]  }
0x19a: {  	v34 =	vld [tilespmem:s20+$0x100];
	v23 =	vmul.f32 v23, v13;
	v24 =	vmul.f32 v24, v13  }
0x19b: {  	v12 =	vadd.f32 v28, v12;
	v43 =	vmul.f32 v31, v17;
	v45 =	vld [tilespmem:s20+$0x180];
	v10 =	vadd.f32 v26, v10  }
0x19c: {  	v11 =	vadd.f32 v27, v11;
	v47 =	vld [tilespmem:s21+$0x100];
	s3 =	sadd.s32 $0x10, s10;
	v22 =	vmul.f32 v22, v14;
	v15 =	vmul.f32 v15, v13  }
0x19d: {  	v48 =	vld [tilespmem:s21+$0x180];
	v16 =	vmul.f32 v16, v13;
	v8 =	vadd.f32 v18, v8;
	v44 =	vmul.f32 v33, v17;
	s4 =	sor.u32 $0x200, s3  }
0x19e: {  	s9 =	sadd.s32 $0x20, s10;
	v9 =	vadd.f32 v19, v9;
	v6 =	vadd.f32 v20, v6;
	s3 =	sor.u32 $0x280, s3;
	v46 =	vmul.f32 v32, v17;
	v49 =	vld [tilespmem:s4+$0xC080]  }
0x19f: {  	s11 =	sor.u32 $0x200, s9;
	v12 =	vadd.f32 v43, v12;
	v50 =	vld [tilespmem:s3+$0xC080];
	v30 =	vmul.f32 v30, v14;
	v10 =	vadd.f32 v44, v10  }
0x1a0: {  	s20 =	sadd.s32 $0x30, s10;
	s12 =	sor.u32 $0x280, s9;
	v7 =	vadd.f32 v21, v7;
	v53 =	vld [tilespmem:s11+$0xC080];
	v11 =	vadd.f32 v46, v11;
	v29 =	vmul.f32 v29, v14  }
0x1a1: {  	s21 =	sor.u32 $0x200, s20;
	v55 =	vld [tilespmem:s12+$0xC080];
	v12 =	vadd.f32 v22, v12;
	v10 =	vadd.f32 v30, v10;
	v52 =	vmul.f32 v34, v14  }
0x1a2: {  	s22 =	sor.u32 $0x280, s20;
	v57 =	vld [tilespmem:s21+$0xC080];
	v27 =	vmul.f32 v47, v17;
	v54 =	vmul.f32 v45, v14;
	v51 =	vadd.f32 v29, v11  }
0x1a3: {  	v59 =	vld [tilespmem:s22+$0xC080];
	v56 =	vmul.f32 v48, v17;
	v12 =	vadd.f32 v25, v12;
	v11 =	vadd.f32 v23, v10  }
0x1a4: {  	v58 =	vmul.f32 v49, v17;
	v60 =	vmul.f32 v50, v17;
	v8 =	vadd.f32 v27, v8  }
0x1a5: {  	v9 =	vadd.f32 v56, v9;
	v61 =	vmul.f32 v53, v14;
	v10 =	vadd.f32 v24, v51  }
.Ltmp10:
0x1a6: {  	v14 =	vmul.f32 v55, v14;
	v6 =	vadd.f32 v58, v6;
	v7 =	vadd.f32 v60, v7;
	(pc) =	sbr.rel @p0 .LBB2_14-.Ltmp10, $4  }
0x1a7: {  	v63 =	vmul.f32 v57, v13;
	v8 =	vadd.f32 v52, v8;
	v62 =	vadd.f32 v54, v9  }
0x1a8: {  	v13 =	vmul.f32 v59, v13;
	v6 =	vadd.f32 v61, v6;
	v14 =	vadd.f32 v14, v7  }
0x1a9: {  	v9 =	vadd.f32 v15, v8;
	v8 =	vadd.f32 v16, v62  }
0x1aa: {  	p1 =	por $0x0, $0x0;
	s3 =	simm.s32 $0x1;
	v7 =	vadd.f32 v63, v6;
	v6 =	vadd.f32 v13, v14  }
0x1ab: {  	v13 =	vperm.xlane v12, v0;
	_ =	sdelay $0x1  }
0x1ac: {  	v14 =	vsel vm0, v8, v9;
	v15 =	vsel vm0, v6, v7;
	v12 =	vadd.f32 v13, v12  }
0x1ad: {  	v13 =	vsel vm0, v10, v11;
	v10 =	vsel vm0, v11, v10;
	v11 =	vperm.xlane v14, v0  }
0x1ae: {  	v8 =	vsel vm0, v9, v8;
	v14 =	vperm.xlane v15, v0;
	v13 =	vperm.xlane v13, v0  }
0x1af: {  	v6 =	vsel vm0, v7, v6;
	v7 =	vadd.f32 v11, v8  }
0x1b0: {  	v6 =	vadd.f32 v14, v6;
	v10 =	vadd.f32 v13, v10;
	_ =	sdelay $0x1  }
0x1b1: {  	v8 =	vperm.xlane v12, v1;
	v11 =	vsel vm1, $0x0, v6;
	v9 =	vsel vm1, v7, v10  }
0x1b2: {  	v11 =	vperm.xlane v11, v1;
	v9 =	vperm.xlane v9, v1  }
0x1b3: {  	v8 =	vadd.f32 v8, v12;
	v6 =	vnsel vm1, $0x0, v6;
	v7 =	vsel vm1, v10, v7  }
0x1b4: {  	v6 =	vadd.f32 v11, v6;
	v7 =	vadd.f32 v9, v7  }
0x1b5: {  	v9 =	vperm.xlane v8, v3  }
0x1b6: {  	v10 =	vsel vm2, v6, v7  }
0x1b7: {  	v8 =	vadd.f32 v9, v8;
	v9 =	vperm.xlane v10, v3  }
0x1b8: {  	v6 =	vsel vm2, v7, v6  }
0x1b9: {  	v7 =	vperm.xlane v8, v2;
	v6 =	vadd.f32 v6, v9;
	_ =	sdelay $0x1  }
0x1ba: {  	v7 =	vadd.f32 v7, v8;
	v8 =	vand.u32 $0x7FFFFFFF, v6  }
0x1bb: {  	v8 =	vmul.f32 $9.999999740e-06, v8  }
0x1bc: {  	v6 =	vsub.f32 v7, v6  }
0x1bd: {  	v7 =	vadd.f32 $9.999999930e-09, v8  }
0x1be: {  	v6 =	vand.u32 $0x7FFFFFFF, v6  }
0x1bf: {  	v12 =	vimm.f32 $0.0e+00;
	v11 =	vimm.f32 $0.0e+00;
	vm3 =	vle.f32 v6, v7  }
0x1c0: {  	v9 =	vimm.f32 $0.0e+00;
	v8 =	vimm.f32 $0.0e+00;
	v10 =	vsel vm3, $0x1, v4  }
0x1c1: {  	s3 =	simm.s32 $0x0;
	p1 =	por $0x1, $0x1;
	v6 =	vimm.f32 $0.0e+00;
	v7 =	vimm.f32 $0.0e+00;
	[tilespmem:$0x14100] =	vst v10;
	v10 =	vimm.f32 $0.0e+00  }
.LBB2_24:
0x1c2: {  	s4 =	sshll.u32 s3, $0xD;
	s5 =	rddreg [dreg:$0xb]  }
0x1c3: {  	s4 =	sor.u32 s5, s4  }
0x1c4: {  	s6 =	simm.s32 $0xC080;
	s5 =	sadd.s32 s2, s4  }
0x1c5: {  	[tilespmem:s28], [sflag:$0x2] =	stream.strided.gather [hbm4b:s5+s24], $0x1000, s23, s24, $0x38;
	[tilespmem:$0x14280] =	vst v63  }
0x1c6: {  	p0 =	por p1, p1;
	s9 =	simm.s32 $0x80;
	s5 =	sadd.s32 s4, s16  }
0x1c7: {  	s10 =	simm.s32 $0xC480;
	s22 =	sadd.s32 s1, s4;
	s20 =	sadd.s32 $0x0, s5  }
0x1c8: {  	[tilespmem:s29], [sflag:$0x2] =	stream.strided.gather [hbm4b:s22+s24], $0x1000, s23, s24, $0x38;
	[tilespmem:$0x14280] =	vst v63  }
.LBB2_25:
0x1c9: {  	[tilespmem:s6], [sflag:$0x2] =	stream.strided.gather [hbm4b:s20+s24], $0x300, s26, s24, $0x38;
	[tilespmem:$0x14280] =	vst v63  }
0x1ca: {  	s4 =	smov.u32 s9;
	s6 =	smov.u32 s10;
	p1 =	sne.s32 s9, $0xF80  }
.Ltmp11:
0x1cb: {  	s9 =	sadd.s32 $0x80, s9;
	(pc) =	sbr.rel @p1 .LBB2_25-.Ltmp11, $2  }
0x1cc: {  	_ =	sdelay $0x2  }
0x1cd: {  	s10 =	sadd.s32 $0x400, s10;
	s20 =	sadd.s32 s4, s5  }
0x1ce: {  	[tilespmem:s6], [sflag:$0x2] =	stream.strided.gather [hbm4b:s20+s24], $0x300, s26, s24, $0x38;
	[tilespmem:$0x14280] =	vst v63  }
0x1cf: {  	_ =	swait.ge [sflag:s30], $0x1000  }
0x1d0: {  	[sflag:s30] =	ssyncset.done $0x0  }
0x1d1: {  	[sflag:s30] =	ssyncadd.s32 $0xFFFFF000  }
0x1d2: {  	_ =	swait.ge [sflag:s30], $0x1000  }
0x1d3: {  	[sflag:s30] =	ssyncset.done $0x0  }
0x1d4: {  	[sflag:s30] =	ssyncadd.s32 $0xFFFFF000  }
0x1d5: {  	_ =	swait.ge [sflag:s30], $0x6000  }
0x1d6: {  	s6 =	simm.s32 $0x0;
	[sflag:s30] =	ssyncset.done $0x0  }
0x1d7: {  	s5 =	simm.s32 $0x2080;
	s4 =	sand.u32 $0x7C00, s6;
	[sflag:s30] =	ssyncadd.s32 $0xFFFFA000  }
0x1d8: {  	s9 =	simm.s32 $0x80;
	s7 =	sand.u32 $0x40, s6;
	s4 =	sadd.s32 $0x4080, s4;
	v13 =	vld [tilespmem:s5+$0x0]  }
0x1d9: {  	s8 =	sor.u32 s7, s4;
	v14 =	vld [tilespmem:s9+$0x0]  }
0x1da: {  	v17 =	vld [tilespmem:s8+$0x0]  }
0x1db: {  	v18 =	vld [tilespmem:s8+$0x80]  }
0x1dc: {  	s10 =	sand.u32 $0xF80, s6;
	s11 =	sor.u32 $0x30, s7;
	v19 =	vld [tilespmem:s8+$0x100]  }
0x1dd: {  	s22 =	sor.u32 s10, s11;
	v20 =	vld [tilespmem:s8+$0x180]  }
0x1de: {  	s11 =	sor.u32 s11, s4;
	v25 =	vld [tilespmem:s22+$0x2080]  }
0x1df: {  	v24 =	vld [tilespmem:s11+$0x0]  }
0x1e0: {  	v22 =	vld [tilespmem:s11+$0x80]  }
0x1e1: {  	s12 =	sor.u32 $0x20, s7;
	v16 =	vld [tilespmem:s11+$0x100]  }
0x1e2: {  	p1 =	por $0x0, $0x0;
	s21 =	sor.u32 s10, s12;
	v15 =	vld [tilespmem:s11+$0x180];
	s11 =	simm.s32 $0x1  }
0x1e3: {  	v27 =	vld [tilespmem:s21+$0x80];
	s11 =	simm.s32 @!p1 $0x0  }
0x1e4: {  	s7 =	sor.u32 $0x10, s7;
	v23 =	vld [tilespmem:s21+$0x2080];
	s11 =	sshll.u32 s11, $0x6  }
0x1e5: {  	v21 =	vld [tilespmem:s22+$0x80];
	s20 =	sadd.s32 $0x0, s11;
	s11 =	sor.u32 s10, s7  }
0x1e6: {  	s21 =	sor.u32 $0x200, s20;
	v29 =	vld [tilespmem:s11+$0x80]  }
0x1e7: {  	s22 =	sor.u32 $0x280, s20;
	v34 =	vperm.xlane v5, v14;
	v35 =	vld [tilespmem:s21+$0x4080]  }
0x1e8: {  	v36 =	vld [tilespmem:s22+$0x4080];
	v14 =	vperm.xlane v5, v27  }
0x1e9: {  	v32 =	vld [tilespmem:s11+$0x2080];
	s22 =	sor.u32 s7, s4;
	v30 =	vmul.f32 v13, v34;
	v28 =	vmul.f32 v17, v34  }
0x1ea: {  	v33 =	vld [tilespmem:s22+$0x0];
	v26 =	vmul.f32 v18, v34;
	v13 =	vperm.xlane v5, v21  }
0x1eb: {  	s21 =	sor.u32 s12, s4;
	v31 =	vld [tilespmem:s22+$0x80];
	v18 =	vmul.f32 v19, v34;
	v19 =	vmul.f32 v20, v34  }
0x1ec: {  	v17 =	vperm.xlane v5, v29;
	v29 =	vld [tilespmem:s21+$0x0];
	v25 =	vmul.f32 v25, v13  }
0x1ed: {  	s10 =	simm.s32 $0x200;
	v27 =	vld [tilespmem:s21+$0x80];
	v20 =	vmul.f32 v35, v34;
	v21 =	vmul.f32 v36, v34  }
.LBB2_27:
0x1ee: {  	p2 =	sne.s32 s10, $0x7E00;
	v34 =	vld [tilespmem:s21+$0x100];
	v24 =	vmul.f32 v24, v13;
	v22 =	vmul.f32 v22, v13  }
0x1ef: {  	v12 =	vadd.f32 v30, v12;
	v30 =	vmul.f32 v32, v17;
	v32 =	vmul.f32 v33, v17;
	v33 =	vld [tilespmem:s21+$0x180]  }
0x1f0: {  	v11 =	vadd.f32 v28, v11;
	v10 =	vadd.f32 v26, v10;
	s4 =	sadd.s32 $0x10, s20;
	v26 =	vmul.f32 v31, v17;
	v28 =	vld [tilespmem:s22+$0x100]  }
0x1f1: {  	v23 =	vmul.f32 v23, v14;
	s7 =	sor.u32 $0x200, s4;
	v12 =	vadd.f32 v30, v12;
	v30 =	vld [tilespmem:s22+$0x180];
	v29 =	vmul.f32 v29, v14  }
0x1f2: {  	s4 =	sor.u32 $0x280, s4;
	v11 =	vadd.f32 v32, v11;
	v10 =	vadd.f32 v26, v10;
	v26 =	vld [tilespmem:s7+$0x4080];
	v27 =	vmul.f32 v27, v14;
	s7 =	sadd.s32 $0x20, s20  }
0x1f3: {  	v16 =	vmul.f32 v16, v13;
	v15 =	vmul.f32 v15, v13;
	v12 =	vadd.f32 v23, v12;
	v31 =	vld [tilespmem:s4+$0x4080];
	s4 =	sor.u32 $0x200, s7  }
0x1f4: {  	v11 =	vadd.f32 v29, v11;
	v23 =	vmul.f32 v34, v14;
	v10 =	vadd.f32 v27, v10;
	v27 =	vld [tilespmem:s4+$0x4080];
	s4 =	sor.u32 $0x280, s7;
	s7 =	sadd.s32 $0x30, s20  }
0x1f5: {  	v29 =	vmul.f32 v33, v14;
	v12 =	vadd.f32 v25, v12;
	v28 =	vmul.f32 v28, v17;
	v32 =	vld [tilespmem:s4+$0x4080];
	s4 =	sor.u32 $0x200, s7  }
0x1f6: {  	v11 =	vadd.f32 v24, v11;
	v25 =	vmul.f32 v30, v17;
	v10 =	vadd.f32 v22, v10;
	v22 =	vld [tilespmem:s4+$0x4080];
	s4 =	sor.u32 $0x280, s7  }
0x1f7: {  	v9 =	vadd.f32 v18, v9;
	v8 =	vadd.f32 v19, v8;
	s6 =	sadd.s32 $0x40, s6;
	s5 =	sadd.s32 $0x40, s5;
	s7 =	sand.u32 $0x7C00, s10;
	v18 =	vmul.f32 v26, v17;
	v19 =	vld [tilespmem:s4+$0x4080]  }
0x1f8: {  	v7 =	vadd.f32 v20, v7;
	s9 =	sadd.s32 $0x40, s9;
	v6 =	vadd.f32 v21, v6;
	s4 =	sand.u32 $0x40, s6;
	s21 =	sadd.s32 $0x4080, s7;
	v26 =	vld [tilespmem:s5+$0x0];
	v17 =	vmul.f32 v31, v17  }
0x1f9: {  	v9 =	vadd.f32 v28, v9;
	s7 =	sor.u32 s4, s21;
	v8 =	vadd.f32 v25, v8;
	v20 =	vld [tilespmem:s9+$0x0];
	v21 =	vmul.f32 v27, v14  }
0x1fa: {  	v7 =	vadd.f32 v18, v7;
	v25 =	vld [tilespmem:s7+$0x0];
	v6 =	vadd.f32 v17, v6;
	v14 =	vmul.f32 v32, v14  }
0x1fb: {  	v9 =	vadd.f32 v23, v9;
	v8 =	vadd.f32 v29, v8;
	v17 =	vld [tilespmem:s7+$0x80];
	v18 =	vmul.f32 v22, v13  }
0x1fc: {  	s8 =	sand.u32 $0xF80, s6;
	s11 =	sor.u32 $0x30, s4;
	v7 =	vadd.f32 v21, v7;
	v27 =	vld [tilespmem:s7+$0x100];
	v6 =	vadd.f32 v14, v6;
	v13 =	vmul.f32 v19, v13  }
0x1fd: {  	v9 =	vadd.f32 v16, v9;
	v8 =	vadd.f32 v15, v8;
	v14 =	vld [tilespmem:s7+$0x180];
	s7 =	sor.u32 s8, s11  }
0x1fe: {  	s11 =	sor.u32 s11, s21;
	v7 =	vadd.f32 v18, v7;
	v34 =	vld [tilespmem:s7+$0x2080];
	v6 =	vadd.f32 v13, v6  }
0x1ff: {  	v24 =	vld [tilespmem:s11+$0x0]  }
0x200: {  	v22 =	vld [tilespmem:s11+$0x80]  }
0x201: {  	s12 =	sor.u32 $0x20, s4;
	v16 =	vld [tilespmem:s11+$0x100]  }
0x202: {  	p1 =	por !p1, !p1;
	s22 =	sor.u32 s8, s12;
	v15 =	vld [tilespmem:s11+$0x180];
	s11 =	simm.s32 $0x1  }
0x203: {  	s11 =	simm.s32 @!p1 $0x0;
	v23 =	vld [tilespmem:s22+$0x2080]  }
0x204: {  	s4 =	sor.u32 $0x10, s4;
	s11 =	sshll.u32 s11, $0x6;
	v13 =	vld [tilespmem:s7+$0x80]  }
0x205: {  	s7 =	sor.u32 s8, s4;
	s20 =	sadd.s32 s11, s10;
	v21 =	vld [tilespmem:s22+$0x80]  }
0x206: {  	v35 =	vperm.xlane v5, v20;
	s8 =	sor.u32 $0x200, s20;
	v29 =	vld [tilespmem:s7+$0x80]  }
0x207: {  	v20 =	vld [tilespmem:s8+$0x4080];
	s8 =	sor.u32 $0x280, s20  }
0x208: {  	v30 =	vmul.f32 v26, v35;
	v36 =	vld [tilespmem:s8+$0x4080]  }
.Ltmp12:
0x209: {  	v28 =	vmul.f32 v25, v35;
	v26 =	vmul.f32 v17, v35;
	s22 =	sor.u32 s4, s21;
	v32 =	vld [tilespmem:s7+$0x2080];
	(pc) =	sbr.rel @p2 .LBB2_27-.Ltmp12, $4  }
0x20a: {  	v18 =	vmul.f32 v27, v35;
	v19 =	vmul.f32 v14, v35;
	v33 =	vld [tilespmem:s22+$0x0]  }
0x20b: {  	s21 =	sor.u32 s12, s21;
	v13 =	vperm.xlane v5, v13;
	v14 =	vperm.xlane v5, v21;
	v31 =	vld [tilespmem:s22+$0x80]  }
0x20c: {  	v17 =	vperm.xlane v5, v29;
	v20 =	vmul.f32 v20, v35;
	v29 =	vld [tilespmem:s21+$0x0]  }
0x20d: {  	s10 =	sadd.s32 $0x200, s10;
	v25 =	vmul.f32 v34, v13;
	v21 =	vmul.f32 v36, v35;
	v27 =	vld [tilespmem:s21+$0x80]  }
0x20e: {  	v34 =	vld [tilespmem:s21+$0x100];
	v12 =	vadd.f32 v30, v12;
	v46 =	vmul.f32 v32, v17  }
0x20f: {  	v35 =	vld [tilespmem:s21+$0x180];
	v24 =	vmul.f32 v24, v13;
	v11 =	vadd.f32 v28, v11;
	v23 =	vmul.f32 v23, v14  }
0x210: {  	s4 =	sadd.s32 $0x10, s20;
	v47 =	vld [tilespmem:s22+$0x100];
	v10 =	vadd.f32 v26, v10;
	v22 =	vmul.f32 v22, v13;
	v16 =	vmul.f32 v16, v13  }
0x211: {  	s3 =	sshll.u32 s3, $0x1;
	s6 =	sadd.s32 $0x20, s20;
	v48 =	vld [tilespmem:s22+$0x180];
	v15 =	vmul.f32 v15, v13;
	v9 =	vadd.f32 v18, v9;
	s5 =	sor.u32 $0x200, s4;
	v33 =	vmul.f32 v33, v17  }
0x212: {  	s9 =	sadd.s32 $0x30, s20;
	v8 =	vadd.f32 v19, v8;
	v7 =	vadd.f32 v20, v7;
	s3 =	sadd.s32 $0x2, s3;
	s4 =	sor.u32 $0x280, s4;
	v49 =	vmul.f32 v31, v17;
	v50 =	vld [tilespmem:s5+$0x4080]  }
0x213: {  	s8 =	sor.u32 $0x200, s6;
	s21 =	sor.u32 $0x280, s6;
	s7 =	sshrl.u32 s3, $0x2;
	v12 =	vadd.f32 v46, v12;
	v51 =	vld [tilespmem:s4+$0x4080];
	v11 =	vadd.f32 v33, v11;
	v29 =	vmul.f32 v29, v14  }
0x214: {  	s11 =	sor.u32 $0x200, s9;
	s12 =	sor.u32 $0x280, s9;
	v6 =	vadd.f32 v21, v6;
	v53 =	vld [tilespmem:s8+$0x4080];
	s7 =	sor.u32 s17, s7;
	v10 =	vadd.f32 v49, v10;
	v52 =	vmul.f32 v27, v14  }
0x215: {  	s3 =	sshll.u32 s3, $0xF;
	v54 =	vld [tilespmem:s21+$0x4080];
	s22 =	sshll.u32 s7, $0x7;
	s7 =	sshll.u32 s7, $0xE;
	v12 =	vadd.f32 v23, v12;
	v11 =	vadd.f32 v29, v11;
	v56 =	vmul.f32 v34, v14  }
0x216: {  	v55 =	vld [tilespmem:s11+$0x4080];
	s3 =	sand.u32 $0x10000, s3;
	s6 =	sand.u32 $0x380, s22;
	s4 =	sand.u32 $0x7FFE0000, s7;
	v32 =	vmul.f32 v47, v17;
	v57 =	vmul.f32 v35, v14;
	v26 =	vadd.f32 v52, v10  }
0x217: {  	v58 =	vld [tilespmem:s12+$0x4080];
	v28 =	vmul.f32 v48, v17;
	s10 =	sor.u32 s3, s6;
	v12 =	vadd.f32 v25, v12;
	s3 =	sor.u32 s3, s4;
	v10 =	vadd.f32 v24, v11  }
0x218: {  	s8 =	sor.u32 s4, s10;
	v59 =	vmul.f32 v50, v17;
	v60 =	vmul.f32 v51, v17;
	v9 =	vadd.f32 v32, v9;
	s3 =	sor.u32 s6, s3  }
0x219: {  	v8 =	vadd.f32 v28, v8;
	v61 =	vmul.f32 v53, v14;
	s20 =	sshrl.u32 s8, $0x3;
	v11 =	vadd.f32 v22, v26;
	s3 =	sadd.s32 $0x1400000, s3  }
0x21a: {  	v14 =	vmul.f32 v54, v14;
	s21 =	sadd.s32 s2, s20;
	v7 =	vadd.f32 v59, v7;
	v6 =	vadd.f32 v60, v6;
	s3 =	sshrl.u32 s3, $0x3  }
0x21b: {  	v63 =	vmul.f32 v55, v13;
	v9 =	vadd.f32 v56, v9;
	v62 =	vadd.f32 v57, v8;
	[tilespmem:s24], [sflag:$0x1] =	stream.strided.gather [hbm4b:s21+s24], $0x1000, s23, s24, $0x38;
	[tilespmem:$0x14280] =	vst v63  }
0x21c: {  	s9 =	simm.s32 $0x4480;
	s5 =	simm.s32 $0x4080;
	v13 =	vmul.f32 v58, v13;
	s3 =	sadd.s32 s0, s3;
	v7 =	vadd.f32 v61, v7;
	v14 =	vadd.f32 v14, v6  }
0x21d: {  	s6 =	simm.s32 $0x80;
	s22 =	sadd.s32 s1, s20;
	v8 =	vadd.f32 v16, v9;
	v9 =	vadd.f32 v15, v62;
	s10 =	sadd.s32 $0x0, s3  }
0x21e: {  	[tilespmem:s25], [sflag:$0x1] =	stream.strided.gather [hbm4b:s22+s24], $0x1000, s23, s24, $0x38;
	v6 =	vadd.f32 v63, v7;
	v7 =	vadd.f32 v13, v14;
	[tilespmem:$0x14280] =	vst v63  }
.LBB2_29:
0x21f: {  	[tilespmem:s5], [sflag:$0x1] =	stream.strided.gather [hbm4b:s10+s24], $0x300, s26, s24, $0x38;
	[tilespmem:$0x14280] =	vst v63  }
0x220: {  	s4 =	smov.u32 s6;
	s5 =	smov.u32 s9;
	p1 =	sne.s32 s6, $0xF80  }
.Ltmp13:
0x221: {  	s6 =	sadd.s32 $0x80, s6;
	(pc) =	sbr.rel @p1 .LBB2_29-.Ltmp13, $2  }
0x222: {  	_ =	sdelay $0x2  }
0x223: {  	s9 =	sadd.s32 $0x400, s9;
	s10 =	sadd.s32 s4, s3  }
0x224: {  	[tilespmem:s5], [sflag:$0x1] =	stream.strided.gather [hbm4b:s10+s24], $0x300, s26, s24, $0x38;
	[tilespmem:$0x14280] =	vst v63  }
0x225: {  	_ =	swait.ge [sflag:s31], $0x1000  }
0x226: {  	[sflag:s31] =	ssyncset.done $0x0  }
0x227: {  	[sflag:s31] =	ssyncadd.s32 $0xFFFFF000  }
0x228: {  	_ =	swait.ge [sflag:s31], $0x1000  }
0x229: {  	[sflag:s31] =	ssyncset.done $0x0  }
0x22a: {  	[sflag:s31] =	ssyncadd.s32 $0xFFFFF000  }
0x22b: {  	_ =	swait.ge [sflag:s31], $0x6000  }
0x22c: {  	s3 =	simm.s32 $0x0;
	[sflag:s31] =	ssyncset.done $0x0  }
0x22d: {  	s5 =	simm.s32 $0x3080;
	s4 =	sand.u32 $0x7C00, s3;
	[sflag:s31] =	ssyncadd.s32 $0xFFFFA000  }
0x22e: {  	s6 =	simm.s32 $0x1080;
	s7 =	sand.u32 $0x40, s3;
	s4 =	sadd.s32 $0xC080, s4;
	v13 =	vld [tilespmem:s5+$0x0]  }
0x22f: {  	s8 =	sor.u32 s7, s4;
	v14 =	vld [tilespmem:s6+$0x0]  }
0x230: {  	v17 =	vld [tilespmem:s8+$0x0]  }
0x231: {  	v18 =	vld [tilespmem:s8+$0x80]  }
0x232: {  	s9 =	sand.u32 $0xF80, s3;
	s21 =	sor.u32 $0x30, s7;
	v19 =	vld [tilespmem:s8+$0x100]  }
0x233: {  	s22 =	sor.u32 s9, s21;
	v20 =	vld [tilespmem:s8+$0x180]  }
0x234: {  	s10 =	sor.u32 s21, s4;
	v25 =	vld [tilespmem:s22+$0x3080]  }
0x235: {  	v23 =	vld [tilespmem:s10+$0x0]  }
0x236: {  	v24 =	vld [tilespmem:s10+$0x80]  }
0x237: {  	s11 =	sor.u32 $0x20, s7;
	v15 =	vld [tilespmem:s10+$0x100]  }
0x238: {  	p1 =	por $0x0, $0x0;
	s12 =	sor.u32 s9, s11;
	v16 =	vld [tilespmem:s10+$0x180];
	s10 =	simm.s32 $0x1  }
0x239: {  	v29 =	vld [tilespmem:s12+$0x1080];
	s10 =	simm.s32 @!p1 $0x0  }
0x23a: {  	s7 =	sor.u32 $0x10, s7;
	v22 =	vld [tilespmem:s12+$0x3080];
	s10 =	sshll.u32 s10, $0x6  }
0x23b: {  	s20 =	sor.u32 s9, s7;
	v21 =	vld [tilespmem:s22+$0x1080];
	s10 =	sadd.s32 $0x0, s10  }
0x23c: {  	v30 =	vld [tilespmem:s20+$0x1080];
	s21 =	sor.u32 $0x200, s10  }
0x23d: {  	s22 =	sor.u32 $0x280, s10;
	v34 =	vperm.xlane v5, v14;
	v35 =	vld [tilespmem:s21+$0xC080]  }
0x23e: {  	v36 =	vld [tilespmem:s22+$0xC080];
	v14 =	vperm.xlane v5, v29  }
0x23f: {  	v31 =	vld [tilespmem:s20+$0x3080];
	s21 =	sor.u32 s7, s4;
	v28 =	vmul.f32 v13, v34;
	v26 =	vmul.f32 v17, v34  }
0x240: {  	v33 =	vld [tilespmem:s21+$0x0];
	v27 =	vmul.f32 v18, v34;
	v13 =	vperm.xlane v5, v21  }
0x241: {  	s20 =	sor.u32 s11, s4;
	v32 =	vld [tilespmem:s21+$0x80];
	v18 =	vmul.f32 v19, v34;
	v19 =	vmul.f32 v20, v34  }
0x242: {  	v17 =	vperm.xlane v5, v30;
	v30 =	vld [tilespmem:s20+$0x0];
	v25 =	vmul.f32 v25, v13  }
0x243: {  	s9 =	simm.s32 $0x200;
	v29 =	vld [tilespmem:s20+$0x80];
	v20 =	vmul.f32 v35, v34;
	v21 =	vmul.f32 v36, v34  }
.LBB2_31:
0x244: {  	p2 =	sne.s32 s9, $0x7E00;
	v34 =	vld [tilespmem:s20+$0x100];
	v23 =	vmul.f32 v23, v13;
	v24 =	vmul.f32 v24, v13  }
0x245: {  	v12 =	vadd.f32 v28, v12;
	v28 =	vmul.f32 v31, v17;
	v31 =	vmul.f32 v33, v17;
	v33 =	vld [tilespmem:s20+$0x180]  }
0x246: {  	v10 =	vadd.f32 v26, v10;
	v11 =	vadd.f32 v27, v11;
	s4 =	sadd.s32 $0x10, s10;
	v26 =	vmul.f32 v32, v17;
	v27 =	vld [tilespmem:s21+$0x100]  }
0x247: {  	v22 =	vmul.f32 v22, v14;
	s7 =	sor.u32 $0x200, s4;
	v12 =	vadd.f32 v28, v12;
	v28 =	vld [tilespmem:s21+$0x180];
	v30 =	vmul.f32 v30, v14  }
0x248: {  	s4 =	sor.u32 $0x280, s4;
	v10 =	vadd.f32 v31, v10;
	v11 =	vadd.f32 v26, v11;
	v26 =	vld [tilespmem:s7+$0xC080];
	v29 =	vmul.f32 v29, v14;
	s7 =	sadd.s32 $0x20, s10  }
0x249: {  	v15 =	vmul.f32 v15, v13;
	v16 =	vmul.f32 v16, v13;
	v12 =	vadd.f32 v22, v12;
	v31 =	vld [tilespmem:s4+$0xC080];
	s4 =	sor.u32 $0x200, s7  }
0x24a: {  	v10 =	vadd.f32 v30, v10;
	v22 =	vmul.f32 v34, v14;
	v11 =	vadd.f32 v29, v11;
	v29 =	vld [tilespmem:s4+$0xC080];
	s4 =	sor.u32 $0x280, s7;
	s7 =	sadd.s32 $0x30, s10  }
0x24b: {  	v30 =	vmul.f32 v33, v14;
	v12 =	vadd.f32 v25, v12;
	v27 =	vmul.f32 v27, v17;
	v32 =	vld [tilespmem:s4+$0xC080];
	s4 =	sor.u32 $0x200, s7  }
0x24c: {  	v10 =	vadd.f32 v23, v10;
	v25 =	vmul.f32 v28, v17;
	v11 =	vadd.f32 v24, v11;
	v23 =	vld [tilespmem:s4+$0xC080];
	s4 =	sor.u32 $0x280, s7  }
0x24d: {  	v8 =	vadd.f32 v18, v8;
	v9 =	vadd.f32 v19, v9;
	s3 =	sadd.s32 $0x40, s3;
	s5 =	sadd.s32 $0x40, s5;
	s7 =	sand.u32 $0x7C00, s9;
	v18 =	vmul.f32 v26, v17;
	v19 =	vld [tilespmem:s4+$0xC080]  }
0x24e: {  	v6 =	vadd.f32 v20, v6;
	s6 =	sadd.s32 $0x40, s6;
	v7 =	vadd.f32 v21, v7;
	s4 =	sand.u32 $0x40, s3;
	s20 =	sadd.s32 $0xC080, s7;
	v26 =	vld [tilespmem:s5+$0x0];
	v17 =	vmul.f32 v31, v17  }
0x24f: {  	v8 =	vadd.f32 v27, v8;
	s7 =	sor.u32 s4, s20;
	v9 =	vadd.f32 v25, v9;
	v20 =	vld [tilespmem:s6+$0x0];
	v21 =	vmul.f32 v29, v14  }
0x250: {  	v6 =	vadd.f32 v18, v6;
	v25 =	vld [tilespmem:s7+$0x0];
	v7 =	vadd.f32 v17, v7;
	v14 =	vmul.f32 v32, v14  }
0x251: {  	v8 =	vadd.f32 v22, v8;
	v9 =	vadd.f32 v30, v9;
	v17 =	vld [tilespmem:s7+$0x80];
	v18 =	vmul.f32 v23, v13  }
0x252: {  	s8 =	sand.u32 $0xF80, s3;
	s10 =	sor.u32 $0x30, s4;
	v6 =	vadd.f32 v21, v6;
	v29 =	vld [tilespmem:s7+$0x100];
	v7 =	vadd.f32 v14, v7;
	v13 =	vmul.f32 v19, v13  }
0x253: {  	v8 =	vadd.f32 v15, v8;
	v9 =	vadd.f32 v16, v9;
	v14 =	vld [tilespmem:s7+$0x180];
	s7 =	sor.u32 s8, s10  }
0x254: {  	s10 =	sor.u32 s10, s20;
	v6 =	vadd.f32 v18, v6;
	v34 =	vld [tilespmem:s7+$0x3080];
	v7 =	vadd.f32 v13, v7  }
0x255: {  	v23 =	vld [tilespmem:s10+$0x0]  }
0x256: {  	v24 =	vld [tilespmem:s10+$0x80]  }
0x257: {  	s11 =	sor.u32 $0x20, s4;
	v15 =	vld [tilespmem:s10+$0x100]  }
0x258: {  	p1 =	por !p1, !p1;
	s12 =	sor.u32 s8, s11;
	v16 =	vld [tilespmem:s10+$0x180];
	s10 =	simm.s32 $0x1  }
0x259: {  	s10 =	simm.s32 @!p1 $0x0;
	v22 =	vld [tilespmem:s12+$0x3080]  }
0x25a: {  	s4 =	sor.u32 $0x10, s4;
	s10 =	sshll.u32 s10, $0x6;
	v13 =	vld [tilespmem:s7+$0x1080]  }
0x25b: {  	s7 =	sor.u32 s8, s4;
	s10 =	sadd.s32 s10, s9;
	v21 =	vld [tilespmem:s12+$0x1080]  }
0x25c: {  	v35 =	vperm.xlane v5, v20;
	s8 =	sor.u32 $0x200, s10;
	v30 =	vld [tilespmem:s7+$0x1080]  }
0x25d: {  	v20 =	vld [tilespmem:s8+$0xC080];
	s8 =	sor.u32 $0x280, s10  }
0x25e: {  	v28 =	vmul.f32 v26, v35;
	v36 =	vld [tilespmem:s8+$0xC080]  }
.Ltmp14:
0x25f: {  	s21 =	sor.u32 s4, s20;
	v26 =	vmul.f32 v25, v35;
	v27 =	vmul.f32 v17, v35;
	v31 =	vld [tilespmem:s7+$0x3080];
	(pc) =	sbr.rel @p2 .LBB2_31-.Ltmp14, $4  }
0x260: {  	v18 =	vmul.f32 v29, v35;
	v19 =	vmul.f32 v14, v35;
	v33 =	vld [tilespmem:s21+$0x0]  }
0x261: {  	s20 =	sor.u32 s11, s20;
	v13 =	vperm.xlane v5, v13;
	v14 =	vperm.xlane v5, v21;
	v32 =	vld [tilespmem:s21+$0x80]  }
0x262: {  	v17 =	vperm.xlane v5, v30;
	v20 =	vmul.f32 v20, v35;
	v30 =	vld [tilespmem:s20+$0x0]  }
0x263: {  	s9 =	sadd.s32 $0x200, s9;
	v25 =	vmul.f32 v34, v13;
	v21 =	vmul.f32 v36, v35;
	v29 =	vld [tilespmem:s20+$0x80]  }
0x264: {  	v34 =	vld [tilespmem:s20+$0x100];
	v23 =	vmul.f32 v23, v13;
	v24 =	vmul.f32 v24, v13  }
0x265: {  	v12 =	vadd.f32 v28, v12;
	v43 =	vmul.f32 v31, v17;
	v45 =	vld [tilespmem:s20+$0x180];
	v10 =	vadd.f32 v26, v10  }
0x266: {  	v11 =	vadd.f32 v27, v11;
	v47 =	vld [tilespmem:s21+$0x100];
	s3 =	sadd.s32 $0x10, s10;
	v22 =	vmul.f32 v22, v14;
	v15 =	vmul.f32 v15, v13  }
0x267: {  	v48 =	vld [tilespmem:s21+$0x180];
	v16 =	vmul.f32 v16, v13;
	v8 =	vadd.f32 v18, v8;
	v44 =	vmul.f32 v33, v17;
	s4 =	sor.u32 $0x200, s3  }
0x268: {  	s9 =	sadd.s32 $0x20, s10;
	v9 =	vadd.f32 v19, v9;
	v6 =	vadd.f32 v20, v6;
	s3 =	sor.u32 $0x280, s3;
	v46 =	vmul.f32 v32, v17;
	v49 =	vld [tilespmem:s4+$0xC080]  }
0x269: {  	s11 =	sor.u32 $0x200, s9;
	v12 =	vadd.f32 v43, v12;
	v50 =	vld [tilespmem:s3+$0xC080];
	v30 =	vmul.f32 v30, v14;
	v10 =	vadd.f32 v44, v10  }
0x26a: {  	s20 =	sadd.s32 $0x30, s10;
	s12 =	sor.u32 $0x280, s9;
	v7 =	vadd.f32 v21, v7;
	v53 =	vld [tilespmem:s11+$0xC080];
	v11 =	vadd.f32 v46, v11;
	v29 =	vmul.f32 v29, v14  }
0x26b: {  	s21 =	sor.u32 $0x200, s20;
	v55 =	vld [tilespmem:s12+$0xC080];
	v12 =	vadd.f32 v22, v12;
	v10 =	vadd.f32 v30, v10;
	v52 =	vmul.f32 v34, v14  }
0x26c: {  	s22 =	sor.u32 $0x280, s20;
	v57 =	vld [tilespmem:s21+$0xC080];
	v27 =	vmul.f32 v47, v17;
	v54 =	vmul.f32 v45, v14;
	v51 =	vadd.f32 v29, v11  }
0x26d: {  	v59 =	vld [tilespmem:s22+$0xC080];
	v56 =	vmul.f32 v48, v17;
	v12 =	vadd.f32 v25, v12;
	v11 =	vadd.f32 v23, v10  }
0x26e: {  	v58 =	vmul.f32 v49, v17;
	v60 =	vmul.f32 v50, v17;
	v8 =	vadd.f32 v27, v8  }
0x26f: {  	v9 =	vadd.f32 v56, v9;
	v61 =	vmul.f32 v53, v14;
	v10 =	vadd.f32 v24, v51  }
.Ltmp15:
0x270: {  	v14 =	vmul.f32 v55, v14;
	v6 =	vadd.f32 v58, v6;
	v7 =	vadd.f32 v60, v7;
	(pc) =	sbr.rel @p0 .LBB2_24-.Ltmp15, $4  }
0x271: {  	v63 =	vmul.f32 v57, v13;
	v8 =	vadd.f32 v52, v8;
	v62 =	vadd.f32 v54, v9  }
0x272: {  	v13 =	vmul.f32 v59, v13;
	v6 =	vadd.f32 v61, v6;
	v14 =	vadd.f32 v14, v7  }
0x273: {  	v9 =	vadd.f32 v15, v8;
	v8 =	vadd.f32 v16, v62  }
0x274: {  	p1 =	por $0x0, $0x0;
	s3 =	simm.s32 $0x1;
	v7 =	vadd.f32 v63, v6;
	v6 =	vadd.f32 v13, v14  }
0x275: {  	v13 =	vperm.xlane v12, v0;
	_ =	sdelay $0x1  }
0x276: {  	v14 =	vsel vm0, v8, v9;
	v15 =	vsel vm0, v6, v7;
	v12 =	vadd.f32 v13, v12  }
0x277: {  	v13 =	vsel vm0, v10, v11;
	v10 =	vsel vm0, v11, v10;
	v11 =	vperm.xlane v14, v0  }
0x278: {  	v8 =	vsel vm0, v9, v8;
	v14 =	vperm.xlane v15, v0;
	v13 =	vperm.xlane v13, v0  }
0x279: {  	v6 =	vsel vm0, v7, v6;
	v7 =	vadd.f32 v11, v8  }
0x27a: {  	v6 =	vadd.f32 v14, v6;
	v10 =	vadd.f32 v13, v10;
	_ =	sdelay $0x1  }
0x27b: {  	v8 =	vperm.xlane v12, v1;
	v11 =	vsel vm1, $0x0, v6;
	v9 =	vsel vm1, v7, v10  }
0x27c: {  	v11 =	vperm.xlane v11, v1;
	v9 =	vperm.xlane v9, v1  }
0x27d: {  	v8 =	vadd.f32 v8, v12;
	v6 =	vnsel vm1, $0x0, v6;
	v7 =	vsel vm1, v10, v7  }
0x27e: {  	v6 =	vadd.f32 v11, v6;
	v7 =	vadd.f32 v9, v7  }
0x27f: {  	v9 =	vperm.xlane v8, v3  }
0x280: {  	v10 =	vsel vm2, v6, v7  }
0x281: {  	v8 =	vadd.f32 v9, v8;
	v9 =	vperm.xlane v10, v3  }
0x282: {  	v6 =	vsel vm2, v7, v6  }
0x283: {  	v7 =	vperm.xlane v8, v2;
	v6 =	vadd.f32 v6, v9;
	_ =	sdelay $0x1  }
0x284: {  	v7 =	vadd.f32 v7, v8;
	v8 =	vand.u32 $0x7FFFFFFF, v6  }
0x285: {  	v8 =	vmul.f32 $9.999999740e-06, v8  }
0x286: {  	v6 =	vsub.f32 v7, v6  }
0x287: {  	v7 =	vadd.f32 $9.999999930e-09, v8  }
0x288: {  	v6 =	vand.u32 $0x7FFFFFFF, v6  }
0x289: {  	v12 =	vimm.f32 $0.0e+00;
	v11 =	vimm.f32 $0.0e+00;
	vm3 =	vle.f32 v6, v7  }
0x28a: {  	v9 =	vimm.f32 $0.0e+00;
	v8 =	vimm.f32 $0.0e+00;
	v10 =	vsel vm3, $0x1, v4  }
0x28b: {  	s3 =	simm.s32 $0x0;
	p2 =	por $0x1, $0x1;
	p1 =	por $0x0, $0x0;
	v6 =	vimm.f32 $0.0e+00;
	v7 =	vimm.f32 $0.0e+00;
	[tilespmem:$0x14180] =	vst v10;
	v10 =	vimm.f32 $0.0e+00  }
.LBB2_34:
0x28c: {  	s4 =	sor.u32 $0x8000, s3  }
0x28d: {  	s5 =	sor.u32 s18, s4  }
0x28e: {  	s5 =	sshrl.u32 s5, $0x3  }
0x28f: {  	s4 =	sor.u32 s19, s4;
	s6 =	sadd.s32 s2, s5  }
0x290: {  	[tilespmem:s28], [sflag:$0x2] =	stream.strided.gather [hbm4b:s6+s24], $0x1000, s23, s24, $0x38;
	[tilespmem:$0x14280] =	vst v63  }
0x291: {  	s4 =	sshrl.u32 s4, $0x3;
	s5 =	sadd.s32 s1, s5  }
0x292: {  	[tilespmem:s29], [sflag:$0x2] =	stream.strided.gather [hbm4b:s5+s24], $0x1000, s23, s24, $0x38;
	[tilespmem:$0x14280] =	vst v63  }
0x293: {  	p0 =	por p2, p2;
	s9 =	simm.s32 $0x80;
	s5 =	sadd.s32 s0, s4  }
0x294: {  	s10 =	simm.s32 $0xC480;
	s6 =	simm.s32 $0xC080;
	s20 =	sadd.s32 $0x0, s5  }
.LBB2_35:
0x295: {  	[tilespmem:s6], [sflag:$0x2] =	stream.strided.gather [hbm4b:s20+s24], $0x300, s26, s24, $0x38;
	[tilespmem:$0x14280] =	vst v63  }
0x296: {  	s4 =	smov.u32 s9;
	s6 =	smov.u32 s10;
	p2 =	sne.s32 s9, $0xF80  }
.Ltmp16:
0x297: {  	s9 =	sadd.s32 $0x80, s9;
	(pc) =	sbr.rel @p2 .LBB2_35-.Ltmp16, $2  }
0x298: {  	_ =	sdelay $0x2  }
0x299: {  	s10 =	sadd.s32 $0x400, s10;
	s20 =	sadd.s32 s4, s5  }
0x29a: {  	[tilespmem:s6], [sflag:$0x2] =	stream.strided.gather [hbm4b:s20+s24], $0x300, s26, s24, $0x38;
	[tilespmem:$0x14280] =	vst v63  }
0x29b: {  	_ =	swait.ge [sflag:s30], $0x1000  }
0x29c: {  	[sflag:s30] =	ssyncset.done $0x0  }
0x29d: {  	[sflag:s30] =	ssyncadd.s32 $0xFFFFF000  }
0x29e: {  	_ =	swait.ge [sflag:s30], $0x1000  }
0x29f: {  	[sflag:s30] =	ssyncset.done $0x0  }
0x2a0: {  	[sflag:s30] =	ssyncadd.s32 $0xFFFFF000  }
0x2a1: {  	_ =	swait.ge [sflag:s30], $0x6000  }
0x2a2: {  	s6 =	simm.s32 $0x0;
	[sflag:s30] =	ssyncset.done $0x0  }
0x2a3: {  	s5 =	simm.s32 $0x2080;
	s4 =	sand.u32 $0x7C00, s6;
	[sflag:s30] =	ssyncadd.s32 $0xFFFFA000  }
0x2a4: {  	s9 =	simm.s32 $0x80;
	s7 =	sand.u32 $0x40, s6;
	s4 =	sadd.s32 $0x4080, s4;
	v13 =	vld [tilespmem:s5+$0x0]  }
0x2a5: {  	s8 =	sor.u32 s7, s4;
	v14 =	vld [tilespmem:s9+$0x0]  }
0x2a6: {  	v17 =	vld [tilespmem:s8+$0x0]  }
0x2a7: {  	v18 =	vld [tilespmem:s8+$0x80]  }
0x2a8: {  	s10 =	sand.u32 $0xF80, s6;
	s11 =	sor.u32 $0x30, s7;
	v19 =	vld [tilespmem:s8+$0x100]  }
0x2a9: {  	s22 =	sor.u32 s10, s11;
	v20 =	vld [tilespmem:s8+$0x180]  }
0x2aa: {  	s11 =	sor.u32 s11, s4;
	v25 =	vld [tilespmem:s22+$0x2080]  }
0x2ab: {  	v23 =	vld [tilespmem:s11+$0x0]  }
0x2ac: {  	v24 =	vld [tilespmem:s11+$0x80]  }
0x2ad: {  	s12 =	sor.u32 $0x20, s7;
	v15 =	vld [tilespmem:s11+$0x100]  }
0x2ae: {  	p2 =	por $0x0, $0x0;
	s21 =	sor.u32 s10, s12;
	v16 =	vld [tilespmem:s11+$0x180];
	s11 =	simm.s32 $0x1  }
0x2af: {  	v29 =	vld [tilespmem:s21+$0x80];
	s11 =	simm.s32 @!p2 $0x0  }
0x2b0: {  	s7 =	sor.u32 $0x10, s7;
	v22 =	vld [tilespmem:s21+$0x2080];
	s11 =	sshll.u32 s11, $0x6  }
0x2b1: {  	v21 =	vld [tilespmem:s22+$0x80];
	s20 =	sadd.s32 $0x0, s11;
	s11 =	sor.u32 s10, s7  }
0x2b2: {  	s21 =	sor.u32 $0x200, s20;
	v30 =	vld [tilespmem:s11+$0x80]  }
0x2b3: {  	s22 =	sor.u32 $0x280, s20;
	v34 =	vperm.xlane v5, v14;
	v35 =	vld [tilespmem:s21+$0x4080]  }
0x2b4: {  	v36 =	vld [tilespmem:s22+$0x4080];
	v14 =	vperm.xlane v5, v29  }
0x2b5: {  	v31 =	vld [tilespmem:s11+$0x2080];
	s22 =	sor.u32 s7, s4;
	v28 =	vmul.f32 v13, v34;
	v26 =	vmul.f32 v17, v34  }
0x2b6: {  	v33 =	vld [tilespmem:s22+$0x0];
	v27 =	vmul.f32 v18, v34;
	v13 =	vperm.xlane v5, v21  }
0x2b7: {  	s21 =	sor.u32 s12, s4;
	v32 =	vld [tilespmem:s22+$0x80];
	v18 =	vmul.f32 v19, v34;
	v19 =	vmul.f32 v20, v34  }
0x2b8: {  	v17 =	vperm.xlane v5, v30;
	v30 =	vld [tilespmem:s21+$0x0];
	v25 =	vmul.f32 v25, v13  }
0x2b9: {  	s10 =	simm.s32 $0x200;
	v29 =	vld [tilespmem:s21+$0x80];
	v20 =	vmul.f32 v35, v34;
	v21 =	vmul.f32 v36, v34  }
.LBB2_37:
0x2ba: {  	p3 =	sne.s32 s10, $0x7E00;
	v34 =	vld [tilespmem:s21+$0x100];
	v23 =	vmul.f32 v23, v13;
	v24 =	vmul.f32 v24, v13  }
0x2bb: {  	v12 =	vadd.f32 v28, v12;
	v28 =	vmul.f32 v31, v17;
	v31 =	vmul.f32 v33, v17;
	v33 =	vld [tilespmem:s21+$0x180]  }
0x2bc: {  	v11 =	vadd.f32 v26, v11;
	v10 =	vadd.f32 v27, v10;
	s4 =	sadd.s32 $0x10, s20;
	v26 =	vmul.f32 v32, v17;
	v27 =	vld [tilespmem:s22+$0x100]  }
0x2bd: {  	v22 =	vmul.f32 v22, v14;
	s7 =	sor.u32 $0x200, s4;
	v12 =	vadd.f32 v28, v12;
	v28 =	vld [tilespmem:s22+$0x180];
	v30 =	vmul.f32 v30, v14  }
0x2be: {  	s4 =	sor.u32 $0x280, s4;
	v11 =	vadd.f32 v31, v11;
	v10 =	vadd.f32 v26, v10;
	v26 =	vld [tilespmem:s7+$0x4080];
	v29 =	vmul.f32 v29, v14;
	s7 =	sadd.s32 $0x20, s20  }
0x2bf: {  	v15 =	vmul.f32 v15, v13;
	v16 =	vmul.f32 v16, v13;
	v12 =	vadd.f32 v22, v12;
	v31 =	vld [tilespmem:s4+$0x4080];
	s4 =	sor.u32 $0x200, s7  }
0x2c0: {  	v11 =	vadd.f32 v30, v11;
	v22 =	vmul.f32 v34, v14;
	v10 =	vadd.f32 v29, v10;
	v29 =	vld [tilespmem:s4+$0x4080];
	s4 =	sor.u32 $0x280, s7;
	s7 =	sadd.s32 $0x30, s20  }
0x2c1: {  	v30 =	vmul.f32 v33, v14;
	v12 =	vadd.f32 v25, v12;
	v27 =	vmul.f32 v27, v17;
	v32 =	vld [tilespmem:s4+$0x4080];
	s4 =	sor.u32 $0x200, s7  }
0x2c2: {  	v11 =	vadd.f32 v23, v11;
	v25 =	vmul.f32 v28, v17;
	v10 =	vadd.f32 v24, v10;
	v23 =	vld [tilespmem:s4+$0x4080];
	s4 =	sor.u32 $0x280, s7  }
0x2c3: {  	v9 =	vadd.f32 v18, v9;
	v8 =	vadd.f32 v19, v8;
	s6 =	sadd.s32 $0x40, s6;
	s5 =	sadd.s32 $0x40, s5;
	s7 =	sand.u32 $0x7C00, s10;
	v18 =	vmul.f32 v26, v17;
	v19 =	vld [tilespmem:s4+$0x4080]  }
0x2c4: {  	v7 =	vadd.f32 v20, v7;
	s9 =	sadd.s32 $0x40, s9;
	v6 =	vadd.f32 v21, v6;
	s4 =	sand.u32 $0x40, s6;
	s21 =	sadd.s32 $0x4080, s7;
	v26 =	vld [tilespmem:s5+$0x0];
	v17 =	vmul.f32 v31, v17  }
0x2c5: {  	v9 =	vadd.f32 v27, v9;
	s7 =	sor.u32 s4, s21;
	v8 =	vadd.f32 v25, v8;
	v20 =	vld [tilespmem:s9+$0x0];
	v21 =	vmul.f32 v29, v14  }
0x2c6: {  	v7 =	vadd.f32 v18, v7;
	v25 =	vld [tilespmem:s7+$0x0];
	v6 =	vadd.f32 v17, v6;
	v14 =	vmul.f32 v32, v14  }
0x2c7: {  	v9 =	vadd.f32 v22, v9;
	v8 =	vadd.f32 v30, v8;
	v17 =	vld [tilespmem:s7+$0x80];
	v18 =	vmul.f32 v23, v13  }
0x2c8: {  	s8 =	sand.u32 $0xF80, s6;
	s11 =	sor.u32 $0x30, s4;
	v7 =	vadd.f32 v21, v7;
	v29 =	vld [tilespmem:s7+$0x100];
	v6 =	vadd.f32 v14, v6;
	v13 =	vmul.f32 v19, v13  }
0x2c9: {  	v9 =	vadd.f32 v15, v9;
	v8 =	vadd.f32 v16, v8;
	v14 =	vld [tilespmem:s7+$0x180];
	s7 =	sor.u32 s8, s11  }
0x2ca: {  	s11 =	sor.u32 s11, s21;
	v7 =	vadd.f32 v18, v7;
	v34 =	vld [tilespmem:s7+$0x2080];
	v6 =	vadd.f32 v13, v6  }
0x2cb: {  	v23 =	vld [tilespmem:s11+$0x0]  }
0x2cc: {  	v24 =	vld [tilespmem:s11+$0x80]  }
0x2cd: {  	s12 =	sor.u32 $0x20, s4;
	v15 =	vld [tilespmem:s11+$0x100]  }
0x2ce: {  	p2 =	por !p2, !p2;
	s22 =	sor.u32 s8, s12;
	v16 =	vld [tilespmem:s11+$0x180];
	s11 =	simm.s32 $0x1  }
0x2cf: {  	s11 =	simm.s32 @!p2 $0x0;
	v22 =	vld [tilespmem:s22+$0x2080]  }
0x2d0: {  	s4 =	sor.u32 $0x10, s4;
	s11 =	sshll.u32 s11, $0x6;
	v13 =	vld [tilespmem:s7+$0x80]  }
0x2d1: {  	s7 =	sor.u32 s8, s4;
	s20 =	sadd.s32 s11, s10;
	v21 =	vld [tilespmem:s22+$0x80]  }
0x2d2: {  	v35 =	vperm.xlane v5, v20;
	s8 =	sor.u32 $0x200, s20;
	v30 =	vld [tilespmem:s7+$0x80]  }
0x2d3: {  	v20 =	vld [tilespmem:s8+$0x4080];
	s8 =	sor.u32 $0x280, s20  }
0x2d4: {  	v28 =	vmul.f32 v26, v35;
	v36 =	vld [tilespmem:s8+$0x4080]  }
.Ltmp17:
0x2d5: {  	v26 =	vmul.f32 v25, v35;
	v27 =	vmul.f32 v17, v35;
	s22 =	sor.u32 s4, s21;
	v31 =	vld [tilespmem:s7+$0x2080];
	(pc) =	sbr.rel @p3 .LBB2_37-.Ltmp17, $4  }
0x2d6: {  	v18 =	vmul.f32 v29, v35;
	v19 =	vmul.f32 v14, v35;
	v33 =	vld [tilespmem:s22+$0x0]  }
0x2d7: {  	s21 =	sor.u32 s12, s21;
	v13 =	vperm.xlane v5, v13;
	v14 =	vperm.xlane v5, v21;
	v32 =	vld [tilespmem:s22+$0x80]  }
0x2d8: {  	v17 =	vperm.xlane v5, v30;
	v20 =	vmul.f32 v20, v35;
	v30 =	vld [tilespmem:s21+$0x0]  }
0x2d9: {  	s10 =	sadd.s32 $0x200, s10;
	v25 =	vmul.f32 v34, v13;
	v21 =	vmul.f32 v36, v35;
	v29 =	vld [tilespmem:s21+$0x80]  }
0x2da: {  	v34 =	vld [tilespmem:s21+$0x100];
	v23 =	vmul.f32 v23, v13;
	v24 =	vmul.f32 v24, v13  }
0x2db: {  	v12 =	vadd.f32 v28, v12;
	v43 =	vmul.f32 v31, v17;
	v45 =	vld [tilespmem:s21+$0x180];
	v11 =	vadd.f32 v26, v11  }
0x2dc: {  	v10 =	vadd.f32 v27, v10;
	v47 =	vld [tilespmem:s22+$0x100];
	s4 =	sadd.s32 $0x10, s20;
	v22 =	vmul.f32 v22, v14;
	v15 =	vmul.f32 v15, v13  }
0x2dd: {  	v48 =	vld [tilespmem:s22+$0x180];
	v16 =	vmul.f32 v16, v13;
	v9 =	vadd.f32 v18, v9;
	v44 =	vmul.f32 v33, v17;
	s5 =	sor.u32 $0x200, s4  }
0x2de: {  	s10 =	sadd.s32 $0x20, s20;
	v8 =	vadd.f32 v19, v8;
	v7 =	vadd.f32 v20, v7;
	s4 =	sor.u32 $0x280, s4;
	v46 =	vmul.f32 v32, v17;
	v49 =	vld [tilespmem:s5+$0x4080]  }
0x2df: {  	s11 =	sor.u32 $0x200, s10;
	v12 =	vadd.f32 v43, v12;
	v50 =	vld [tilespmem:s4+$0x4080];
	v30 =	vmul.f32 v30, v14;
	v11 =	vadd.f32 v44, v11  }
0x2e0: {  	s20 =	sadd.s32 $0x30, s20;
	s12 =	sor.u32 $0x280, s10;
	v6 =	vadd.f32 v21, v6;
	v53 =	vld [tilespmem:s11+$0x4080];
	v10 =	vadd.f32 v46, v10;
	v29 =	vmul.f32 v29, v14  }
0x2e1: {  	s21 =	sor.u32 $0x200, s20;
	v55 =	vld [tilespmem:s12+$0x4080];
	v12 =	vadd.f32 v22, v12;
	v11 =	vadd.f32 v30, v11;
	v52 =	vmul.f32 v34, v14  }
0x2e2: {  	s22 =	sor.u32 $0x280, s20;
	v57 =	vld [tilespmem:s21+$0x4080];
	v27 =	vmul.f32 v47, v17;
	v54 =	vmul.f32 v45, v14;
	v51 =	vadd.f32 v29, v10  }
0x2e3: {  	v59 =	vld [tilespmem:s22+$0x4080];
	v56 =	vmul.f32 v48, v17;
	v12 =	vadd.f32 v25, v12;
	v10 =	vadd.f32 v23, v11  }
0x2e4: {  	v58 =	vmul.f32 v49, v17;
	v60 =	vmul.f32 v50, v17;
	v9 =	vadd.f32 v27, v9  }
0x2e5: {  	v8 =	vadd.f32 v56, v8;
	v61 =	vmul.f32 v53, v14;
	v11 =	vadd.f32 v24, v51  }
.Ltmp18:
0x2e6: {  	v14 =	vmul.f32 v55, v14;
	v7 =	vadd.f32 v58, v7;
	v6 =	vadd.f32 v60, v6;
	(pc) =	sbr.rel @p1 .LBB2_42-.Ltmp18, $4  }
0x2e7: {  	v63 =	vmul.f32 v57, v13;
	v9 =	vadd.f32 v52, v9;
	v62 =	vadd.f32 v54, v8  }
0x2e8: {  	v13 =	vmul.f32 v59, v13;
	v7 =	vadd.f32 v61, v7;
	v14 =	vadd.f32 v14, v6  }
0x2e9: {  	v8 =	vadd.f32 v15, v9;
	v9 =	vadd.f32 v16, v62  }
0x2ea: {  	v6 =	vadd.f32 v63, v7;
	v7 =	vadd.f32 v13, v14  }
0x2eb: {  	s3 =	sadd.s32 $0x10000, s3  }
0x2ec: {  	s4 =	sadd.s32 s18, s3;
	s3 =	sadd.s32 s19, s3  }
0x2ed: {  	s6 =	simm.s32 $0x80;
	s4 =	sshrl.u32 s4, $0x3;
	s3 =	sshrl.u32 s3, $0x3  }
0x2ee: {  	s9 =	simm.s32 $0x4480;
	s5 =	sadd.s32 s2, s4;
	s3 =	sadd.s32 s0, s3  }
0x2ef: {  	[tilespmem:s24], [sflag:$0x1] =	stream.strided.gather [hbm4b:s5+s24], $0x1000, s23, s24, $0x38;
	[tilespmem:$0x14280] =	vst v63  }
0x2f0: {  	s4 =	sadd.s32 s1, s4;
	s5 =	simm.s32 $0x4080;
	s10 =	sadd.s32 $0x0, s3  }
0x2f1: {  	[tilespmem:s25], [sflag:$0x1] =	stream.strided.gather [hbm4b:s4+s24], $0x1000, s23, s24, $0x38;
	[tilespmem:$0x14280] =	vst v63  }
.LBB2_40:
0x2f2: {  	[tilespmem:s5], [sflag:$0x1] =	stream.strided.gather [hbm4b:s10+s24], $0x300, s26, s24, $0x38;
	[tilespmem:$0x14280] =	vst v63  }
0x2f3: {  	s4 =	smov.u32 s6;
	s5 =	smov.u32 s9;
	p1 =	sne.s32 s6, $0xF80  }
.Ltmp19:
0x2f4: {  	s6 =	sadd.s32 $0x80, s6;
	(pc) =	sbr.rel @p1 .LBB2_40-.Ltmp19, $2  }
0x2f5: {  	_ =	sdelay $0x2  }
0x2f6: {  	s9 =	sadd.s32 $0x400, s9;
	s10 =	sadd.s32 s4, s3  }
0x2f7: {  	[tilespmem:s5], [sflag:$0x1] =	stream.strided.gather [hbm4b:s10+s24], $0x300, s26, s24, $0x38;
	[tilespmem:$0x14280] =	vst v63  }
.LBB2_42:
0x2f8: {  	_ =	swait.ge [sflag:s31], $0x1000  }
0x2f9: {  	[sflag:s31] =	ssyncset.done $0x0  }
0x2fa: {  	[sflag:s31] =	ssyncadd.s32 $0xFFFFF000  }
0x2fb: {  	_ =	swait.ge [sflag:s31], $0x1000  }
0x2fc: {  	[sflag:s31] =	ssyncset.done $0x0  }
0x2fd: {  	[sflag:s31] =	ssyncadd.s32 $0xFFFFF000  }
0x2fe: {  	_ =	swait.ge [sflag:s31], $0x6000  }
0x2ff: {  	s3 =	simm.s32 $0x0;
	[sflag:s31] =	ssyncset.done $0x0  }
0x300: {  	s5 =	simm.s32 $0x3080;
	s4 =	sand.u32 $0x7C00, s3;
	[sflag:s31] =	ssyncadd.s32 $0xFFFFA000  }
0x301: {  	s6 =	simm.s32 $0x1080;
	s7 =	sand.u32 $0x40, s3;
	s4 =	sadd.s32 $0xC080, s4;
	v13 =	vld [tilespmem:s5+$0x0]  }
0x302: {  	s8 =	sor.u32 s7, s4;
	v14 =	vld [tilespmem:s6+$0x0]  }
0x303: {  	v17 =	vld [tilespmem:s8+$0x0]  }
0x304: {  	v18 =	vld [tilespmem:s8+$0x80]  }
0x305: {  	s9 =	sand.u32 $0xF80, s3;
	s10 =	sor.u32 $0x30, s7;
	v19 =	vld [tilespmem:s8+$0x100]  }
0x306: {  	s22 =	sor.u32 s9, s10;
	v20 =	vld [tilespmem:s8+$0x180]  }
0x307: {  	s10 =	sor.u32 s10, s4;
	v25 =	vld [tilespmem:s22+$0x3080]  }
0x308: {  	v23 =	vld [tilespmem:s10+$0x0]  }
0x309: {  	v24 =	vld [tilespmem:s10+$0x80]  }
0x30a: {  	s11 =	sor.u32 $0x20, s7;
	v15 =	vld [tilespmem:s10+$0x100]  }
0x30b: {  	p1 =	por $0x0, $0x0;
	s12 =	sor.u32 s9, s11;
	v16 =	vld [tilespmem:s10+$0x180];
	s10 =	simm.s32 $0x1  }
0x30c: {  	v29 =	vld [tilespmem:s12+$0x1080];
	s10 =	simm.s32 @!p1 $0x0  }
0x30d: {  	s7 =	sor.u32 $0x10, s7;
	v22 =	vld [tilespmem:s12+$0x3080];
	s10 =	sshll.u32 s10, $0x6  }
0x30e: {  	s20 =	sor.u32 s9, s7;
	v21 =	vld [tilespmem:s22+$0x1080];
	s10 =	sadd.s32 $0x0, s10  }
0x30f: {  	v30 =	vld [tilespmem:s20+$0x1080];
	s21 =	sor.u32 $0x200, s10  }
0x310: {  	s22 =	sor.u32 $0x280, s10;
	v34 =	vperm.xlane v5, v14;
	v35 =	vld [tilespmem:s21+$0xC080]  }
0x311: {  	v36 =	vld [tilespmem:s22+$0xC080];
	v14 =	vperm.xlane v5, v29  }
0x312: {  	v31 =	vld [tilespmem:s20+$0x3080];
	s21 =	sor.u32 s7, s4;
	v28 =	vmul.f32 v13, v34;
	v26 =	vmul.f32 v17, v34  }
0x313: {  	v33 =	vld [tilespmem:s21+$0x0];
	v27 =	vmul.f32 v18, v34;
	v13 =	vperm.xlane v5, v21  }
0x314: {  	s20 =	sor.u32 s11, s4;
	v32 =	vld [tilespmem:s21+$0x80];
	v18 =	vmul.f32 v19, v34;
	v19 =	vmul.f32 v20, v34  }
0x315: {  	v17 =	vperm.xlane v5, v30;
	v30 =	vld [tilespmem:s20+$0x0];
	v25 =	vmul.f32 v25, v13  }
0x316: {  	s9 =	simm.s32 $0x200;
	v29 =	vld [tilespmem:s20+$0x80];
	v20 =	vmul.f32 v35, v34;
	v21 =	vmul.f32 v36, v34  }
.LBB2_43:
0x317: {  	p2 =	sne.s32 s9, $0x7E00;
	v34 =	vld [tilespmem:s20+$0x100];
	v23 =	vmul.f32 v23, v13;
	v24 =	vmul.f32 v24, v13  }
0x318: {  	v12 =	vadd.f32 v28, v12;
	v28 =	vmul.f32 v31, v17;
	v31 =	vmul.f32 v33, v17;
	v33 =	vld [tilespmem:s20+$0x180]  }
0x319: {  	v10 =	vadd.f32 v26, v10;
	v11 =	vadd.f32 v27, v11;
	s4 =	sadd.s32 $0x10, s10;
	v26 =	vmul.f32 v32, v17;
	v27 =	vld [tilespmem:s21+$0x100]  }
0x31a: {  	v22 =	vmul.f32 v22, v14;
	s7 =	sor.u32 $0x200, s4;
	v12 =	vadd.f32 v28, v12;
	v28 =	vld [tilespmem:s21+$0x180];
	v30 =	vmul.f32 v30, v14  }
0x31b: {  	s4 =	sor.u32 $0x280, s4;
	v10 =	vadd.f32 v31, v10;
	v11 =	vadd.f32 v26, v11;
	v26 =	vld [tilespmem:s7+$0xC080];
	v29 =	vmul.f32 v29, v14;
	s7 =	sadd.s32 $0x20, s10  }
0x31c: {  	v15 =	vmul.f32 v15, v13;
	v16 =	vmul.f32 v16, v13;
	v12 =	vadd.f32 v22, v12;
	v31 =	vld [tilespmem:s4+$0xC080];
	s4 =	sor.u32 $0x200, s7  }
0x31d: {  	v10 =	vadd.f32 v30, v10;
	v22 =	vmul.f32 v34, v14;
	v11 =	vadd.f32 v29, v11;
	v29 =	vld [tilespmem:s4+$0xC080];
	s4 =	sor.u32 $0x280, s7;
	s7 =	sadd.s32 $0x30, s10  }
0x31e: {  	v30 =	vmul.f32 v33, v14;
	v12 =	vadd.f32 v25, v12;
	v27 =	vmul.f32 v27, v17;
	v32 =	vld [tilespmem:s4+$0xC080];
	s4 =	sor.u32 $0x200, s7  }
0x31f: {  	v10 =	vadd.f32 v23, v10;
	v25 =	vmul.f32 v28, v17;
	v11 =	vadd.f32 v24, v11;
	v23 =	vld [tilespmem:s4+$0xC080];
	s4 =	sor.u32 $0x280, s7  }
0x320: {  	v8 =	vadd.f32 v18, v8;
	v9 =	vadd.f32 v19, v9;
	s3 =	sadd.s32 $0x40, s3;
	s5 =	sadd.s32 $0x40, s5;
	s7 =	sand.u32 $0x7C00, s9;
	v18 =	vmul.f32 v26, v17;
	v19 =	vld [tilespmem:s4+$0xC080]  }
0x321: {  	v6 =	vadd.f32 v20, v6;
	s6 =	sadd.s32 $0x40, s6;
	v7 =	vadd.f32 v21, v7;
	s4 =	sand.u32 $0x40, s3;
	s20 =	sadd.s32 $0xC080, s7;
	v26 =	vld [tilespmem:s5+$0x0];
	v17 =	vmul.f32 v31, v17  }
0x322: {  	v8 =	vadd.f32 v27, v8;
	s7 =	sor.u32 s4, s20;
	v9 =	vadd.f32 v25, v9;
	v20 =	vld [tilespmem:s6+$0x0];
	v21 =	vmul.f32 v29, v14  }
0x323: {  	v6 =	vadd.f32 v18, v6;
	v25 =	vld [tilespmem:s7+$0x0];
	v7 =	vadd.f32 v17, v7;
	v14 =	vmul.f32 v32, v14  }
0x324: {  	v8 =	vadd.f32 v22, v8;
	v9 =	vadd.f32 v30, v9;
	v17 =	vld [tilespmem:s7+$0x80];
	v18 =	vmul.f32 v23, v13  }
0x325: {  	s8 =	sand.u32 $0xF80, s3;
	s10 =	sor.u32 $0x30, s4;
	v6 =	vadd.f32 v21, v6;
	v29 =	vld [tilespmem:s7+$0x100];
	v7 =	vadd.f32 v14, v7;
	v13 =	vmul.f32 v19, v13  }
0x326: {  	v8 =	vadd.f32 v15, v8;
	v9 =	vadd.f32 v16, v9;
	v14 =	vld [tilespmem:s7+$0x180];
	s7 =	sor.u32 s8, s10  }
0x327: {  	s10 =	sor.u32 s10, s20;
	v6 =	vadd.f32 v18, v6;
	v34 =	vld [tilespmem:s7+$0x3080];
	v7 =	vadd.f32 v13, v7  }
0x328: {  	v23 =	vld [tilespmem:s10+$0x0]  }
0x329: {  	v24 =	vld [tilespmem:s10+$0x80]  }
0x32a: {  	s11 =	sor.u32 $0x20, s4;
	v15 =	vld [tilespmem:s10+$0x100]  }
0x32b: {  	p1 =	por !p1, !p1;
	s12 =	sor.u32 s8, s11;
	v16 =	vld [tilespmem:s10+$0x180];
	s10 =	simm.s32 $0x1  }
0x32c: {  	s10 =	simm.s32 @!p1 $0x0;
	v22 =	vld [tilespmem:s12+$0x3080]  }
0x32d: {  	s4 =	sor.u32 $0x10, s4;
	s10 =	sshll.u32 s10, $0x6;
	v13 =	vld [tilespmem:s7+$0x1080]  }
0x32e: {  	s7 =	sor.u32 s8, s4;
	s10 =	sadd.s32 s10, s9;
	v21 =	vld [tilespmem:s12+$0x1080]  }
0x32f: {  	v35 =	vperm.xlane v5, v20;
	s8 =	sor.u32 $0x200, s10;
	v30 =	vld [tilespmem:s7+$0x1080]  }
0x330: {  	v20 =	vld [tilespmem:s8+$0xC080];
	s8 =	sor.u32 $0x280, s10  }
0x331: {  	v28 =	vmul.f32 v26, v35;
	v36 =	vld [tilespmem:s8+$0xC080]  }
.Ltmp20:
0x332: {  	s21 =	sor.u32 s4, s20;
	v26 =	vmul.f32 v25, v35;
	v27 =	vmul.f32 v17, v35;
	v31 =	vld [tilespmem:s7+$0x3080];
	(pc) =	sbr.rel @p2 .LBB2_43-.Ltmp20, $4  }
0x333: {  	v18 =	vmul.f32 v29, v35;
	v19 =	vmul.f32 v14, v35;
	v33 =	vld [tilespmem:s21+$0x0]  }
0x334: {  	s20 =	sor.u32 s11, s20;
	v13 =	vperm.xlane v5, v13;
	v14 =	vperm.xlane v5, v21;
	v32 =	vld [tilespmem:s21+$0x80]  }
0x335: {  	v17 =	vperm.xlane v5, v30;
	v20 =	vmul.f32 v20, v35;
	v30 =	vld [tilespmem:s20+$0x0]  }
0x336: {  	s9 =	sadd.s32 $0x200, s9;
	v25 =	vmul.f32 v34, v13;
	v21 =	vmul.f32 v36, v35;
	v29 =	vld [tilespmem:s20+$0x80]  }
0x337: {  	v34 =	vld [tilespmem:s20+$0x100];
	v23 =	vmul.f32 v23, v13;
	v24 =	vmul.f32 v24, v13  }
0x338: {  	v12 =	vadd.f32 v28, v12;
	v43 =	vmul.f32 v31, v17;
	v45 =	vld [tilespmem:s20+$0x180];
	v10 =	vadd.f32 v26, v10  }
0x339: {  	v11 =	vadd.f32 v27, v11;
	v47 =	vld [tilespmem:s21+$0x100];
	s3 =	sadd.s32 $0x10, s10;
	v22 =	vmul.f32 v22, v14;
	v15 =	vmul.f32 v15, v13  }
0x33a: {  	v48 =	vld [tilespmem:s21+$0x180];
	v16 =	vmul.f32 v16, v13;
	v8 =	vadd.f32 v18, v8;
	v44 =	vmul.f32 v33, v17;
	s4 =	sor.u32 $0x200, s3  }
0x33b: {  	s9 =	sadd.s32 $0x20, s10;
	v9 =	vadd.f32 v19, v9;
	v6 =	vadd.f32 v20, v6;
	s3 =	sor.u32 $0x280, s3;
	v46 =	vmul.f32 v32, v17;
	v49 =	vld [tilespmem:s4+$0xC080]  }
0x33c: {  	s11 =	sor.u32 $0x200, s9;
	v12 =	vadd.f32 v43, v12;
	v50 =	vld [tilespmem:s3+$0xC080];
	v30 =	vmul.f32 v30, v14;
	v10 =	vadd.f32 v44, v10  }
0x33d: {  	s20 =	sadd.s32 $0x30, s10;
	s12 =	sor.u32 $0x280, s9;
	v7 =	vadd.f32 v21, v7;
	v53 =	vld [tilespmem:s11+$0xC080];
	v11 =	vadd.f32 v46, v11;
	v29 =	vmul.f32 v29, v14  }
0x33e: {  	s21 =	sor.u32 $0x200, s20;
	v55 =	vld [tilespmem:s12+$0xC080];
	v12 =	vadd.f32 v22, v12;
	v10 =	vadd.f32 v30, v10;
	v52 =	vmul.f32 v34, v14  }
0x33f: {  	s22 =	sor.u32 $0x280, s20;
	v57 =	vld [tilespmem:s21+$0xC080];
	v27 =	vmul.f32 v47, v17;
	v54 =	vmul.f32 v45, v14;
	v51 =	vadd.f32 v29, v11  }
0x340: {  	v59 =	vld [tilespmem:s22+$0xC080];
	v56 =	vmul.f32 v48, v17;
	v12 =	vadd.f32 v25, v12;
	v11 =	vadd.f32 v23, v10  }
0x341: {  	v58 =	vmul.f32 v49, v17;
	v60 =	vmul.f32 v50, v17;
	v8 =	vadd.f32 v27, v8  }
0x342: {  	v9 =	vadd.f32 v56, v9;
	v61 =	vmul.f32 v53, v14;
	v10 =	vadd.f32 v24, v51  }
.Ltmp21:
0x343: {  	v14 =	vmul.f32 v55, v14;
	v6 =	vadd.f32 v58, v6;
	v7 =	vadd.f32 v60, v7;
	(pc) =	sbr.rel @p0 .LBB2_34-.Ltmp21, $4  }
0x344: {  	v63 =	vmul.f32 v57, v13;
	v8 =	vadd.f32 v52, v8;
	v62 =	vadd.f32 v54, v9  }
0x345: {  	v13 =	vmul.f32 v59, v13;
	v6 =	vadd.f32 v61, v6;
	v14 =	vadd.f32 v14, v7  }
0x346: {  	v9 =	vadd.f32 v15, v8;
	v8 =	vadd.f32 v16, v62  }
0x347: {  	p2 =	por $0x0, $0x0;
	p1 =	por $0x1, $0x1;
	s3 =	simm.s32 $0x10000;
	v7 =	vadd.f32 v63, v6;
	v6 =	vadd.f32 v13, v14  }
0x348: {  	v5 =	vperm.xlane v12, v0;
	v55 =	vsel vm0, v10, v11;
	v13 =	vsel vm0, v8, v9  }
0x349: {  	v59 =	vsel vm0, v9, v8;
	v14 =	vsel vm0, v6, v7;
	v57 =	vperm.xlane v13, v0  }
0x34a: {  	v5 =	vadd.f32 v5, v12;
	v12 =	vperm.xlane v55, v0;
	v58 =	vperm.xlane v14, v0  }
0x34b: {  	v56 =	vsel vm0, v11, v10;
	v6 =	vsel vm0, v7, v6;
	v7 =	vadd.f32 v57, v59  }
0x34c: {  	v10 =	vadd.f32 v12, v56;
	v6 =	vadd.f32 v58, v6;
	_ =	sdelay $0x1  }
0x34d: {  	v60 =	vperm.xlane v5, v1;
	v61 =	vsel vm1, v7, v10;
	v62 =	vsel vm1, $0x0, v6  }
0x34e: {  	v9 =	vperm.xlane v61, v1;
	v11 =	vperm.xlane v62, v1  }
0x34f: {  	v5 =	vadd.f32 v60, v5;
	v7 =	vsel vm1, v10, v7;
	v6 =	vnsel vm1, $0x0, v6  }
0x350: {  	v7 =	vadd.f32 v9, v7;
	v6 =	vadd.f32 v11, v6  }
0x351: {  	v8 =	vperm.xlane v5, v3  }
0x352: {  	v9 =	vsel vm2, v6, v7  }
0x353: {  	v5 =	vadd.f32 v8, v5;
	v63 =	vperm.xlane v9, v3  }
0x354: {  	v6 =	vsel vm2, v7, v6  }
0x355: {  	v7 =	vperm.xlane v5, v2;
	v6 =	vadd.f32 v6, v63;
	_ =	sdelay $0x1  }
0x356: {  	v5 =	vadd.f32 v7, v5;
	v7 =	vand.u32 $0x7FFFFFFF, v6  }
0x357: {  	v7 =	vmul.f32 $9.999999740e-06, v7  }
0x358: {  	v5 =	vsub.f32 v5, v6  }
0x359: {  	v6 =	vadd.f32 $9.999999930e-09, v7  }
0x35a: {  	v5 =	vand.u32 $0x7FFFFFFF, v5  }
0x35b: {  	vm3 =	vle.f32 v5, v6  }
0x35c: {  	v5 =	vsel vm3, $0x1, v4  }
0x35d: {  	s12 =	simm.s32 $0x0;
	s3 =	rddreg [dreg:$0xc];
	s4 =	simm.s32 $0x14080;
	[tilespmem:$0x14200] =	vst v5  }
0x35e: {  	[hbm4b:s3+s12] =	stream.linear.scatter [tilespmem:s4], [sflag:$0x3], $0x200, $0x38;
	[tilespmem:$0x14280] =	vst v63  }
0x35f: {  	s4 =	simm.s32 $0x3  }
0x360: {  	_ =	swait.ge [sflag:s4], $0x200  }
0x361: {  	s5 =	rddreg [dreg:$0xe]  }
0x362: {  	s22 =	rddreg [dreg:$0xd];
	s5 =	sadd.s32 $0x1, s5  }
0x363: {  	p0 =	sne.s32 s5, s22  }
.Ltmp22:
0x364: {  	_ = 	snop;
	(pc) =	sbr.rel @p0 .LBB2_1-.Ltmp22, $3  }
0x365: {  	_ =	sdelay $0x1  }
0x366: {  	[sflag:s4] =	ssyncset.done $0x0  }
0x367: {  	s8 =	rddreg [dreg:$0x9];
	[sflag:s4] =	ssyncadd.s32 $0xFFFFFE00  }
0x368: {  	_ =	sfence.sel $0x180000  }
0x369: {  	[bflag:$0x0] =	sbarrier.arrive $0xFFFF  }
0x36a: {  	_ =	strace $0x90000047  }
0x36b: {  	s0 =	stileid.u32;
	[bflag:$0x2] =	sbarrier.arrive $0xFFFF  }
0x36c: {  	p0 =	sne.s32 s0, $0x0;
	s0 =	rddreg [dreg:$0x5]  }
0x36d: {  	s0 =	sadd.s32 @!p0 $0x100000, s0  }
0x36e: {  	[sflag:s0] =	ssyncadd.tile.s32 @!p0 $0x1;
	_ =	shalt  }
.Lfunc_end2:
_tile_overlayer_lowered:
.L_overlay_start_2:
0x36f: {  	(tag) =	ssettag $0x2  }
0x370: {  	s0 =	rddreg [dreg:$0x0];
	s2 =	stileid.u32  }
0x371: {  	s1 =	rddreg [dreg:$0x1];
	p0 =	sne.s32 s2, $0x0  }
0x372: {  	s3 =	rddreg [dreg:$0x2];
	[bflag:$0x3] =	sbarrier.arrive $0xFFFF;
	s2 =	simm.s32 @!p0 $0x1C03  }
0x373: {  	[timem:s3], [sflag:s2] =	dma.local @!p0 [hbm:s0], s1  }
0x374: {  	s0 =	simm.s32 @!p0 $0x3  }
0x375: {  	_ =	swait.ge @!p0 [sflag:s0], s1  }
0x376: {  	s1 =	ssub.s32 @!p0 $0x0, s1;
	[sflag:s0] =	ssyncset.done @!p0 $0x0  }
0x377: {  	[sflag:s0] =	ssyncadd.s32 @!p0 s1  }
0x378: {  	[bflag:$0x3] =	sbarrier.arrive $0xFFFF  }
0x379: {  	_ =	shalt  }

</sc_bundles>
